<compile_context>
chip_gen: v7x
topology: tpu7x:2x2x1
jax: 0.10.2.dev20260603
libtpu: 0.0.44.dev20260713+nightly
codegen_flags: <defaults>
</compile_context>

<pallas_src>
import functools

import jax
import jax.numpy as jnp
from jax import lax
from jax.experimental import pallas as pl
from jax.experimental.pallas import tpu as pltpu
from jax.experimental.pallas import tpu_sc as plsc

N = 10000
E = 320000
D = 128
DO = 64
NP = 10240
RPS = 640
CH = 128
NW = 32
NCHUNK = 80
PER_W = NCHUNK * CH
EP = NW * PER_W
NBUF = 2
ISLOT = 8

_mesh = plsc.VectorSubcoreMesh(core_axis_name="c", subcore_axis_name="s")


def _fill_rows(buf, nrows, ncols, value):
    vec = jnp.full((16,), value, jnp.float32)

    @pl.loop(0, nrows)
    def _(r):
        @pl.loop(0, ncols // 16)
        def _(j):
            buf[r, pl.ds(j * 16, 16)] = vec


def _zero_acc_share(zsrc, acc, s):
    base = s * RPS

    @pl.loop(0, RPS // CH)
    def _(k):
        pltpu.sync_copy(zsrc, acc.at[pl.ds(base + k * CH, CH)])


def _dump_acc_share(acc, out_hbm, c, s):
    pltpu.sync_copy(acc.at[pl.ds(s * RPS, RPS)],
                    out_hbm.at[c, pl.ds(s * RPS, RPS)])


@functools.partial(
    pl.kernel,
    out_type=jax.ShapeDtypeStruct((2, NP, D), jnp.float32),
    mesh=_mesh,
    scratch_types=[
        pltpu.VMEM((NCHUNK, CH), jnp.int32),
        pltpu.VMEM((CH, D), jnp.float32),
        pltpu.VMEM_SHARED((NP, D), jnp.float32),
    ],
)
def _sc_deg(dst_hbm, out_hbm, dsts, buf, acc):
    c = lax.axis_index("c")
    s = lax.axis_index("s")
    wid = c * 16 + s

    pltpu.sync_copy(dst_hbm.at[wid], dsts)
    _fill_rows(buf, CH, D, 0.0)
    _zero_acc_share(buf, acc, s)
    _fill_rows(buf, CH, D, 1.0)
    plsc.subcore_barrier()

    @pl.loop(0, NCHUNK)
    def _(i):
        pltpu.sync_copy(buf, acc.at[dsts.at[i]], add=True)

    plsc.subcore_barrier()
    _dump_acc_share(acc, out_hbm, c, s)


@functools.partial(
    pl.kernel,
    out_type=jax.ShapeDtypeStruct((2, NP, D), jnp.float32),
    mesh=_mesh,
    scratch_types=[
        pltpu.VMEM((ISLOT, 2, CH), jnp.int32),
        pltpu.VMEM((NBUF * CH, D), jnp.float32),
        pltpu.VMEM_SHARED((NP, D), jnp.float32),
        [pltpu.SemaphoreType.DMA] * ISLOT,
        [pltpu.SemaphoreType.DMA] * NBUF,
    ],
)
def _sc_edges(y_hbm, sd_hbm, out_hbm, iv, rows, acc, isems, gsems):
    c = lax.axis_index("c")
    s = lax.axis_index("s")

    _fill_rows(rows, CH, D, 0.0)
    _zero_acc_share(rows.at[pl.ds(0, CH)], acc, s)
    plsc.subcore_barrier()

    def idx_copy(start, chunk, slot):
        return pltpu.make_async_copy(sd_hbm.at[start + chunk],
                                     iv.at[slot], isems[slot])

    def gather_copy(chunk_slot, buf):
        return pltpu.make_async_copy(y_hbm.at[iv.at[chunk_slot, 0]],
                                     rows.at[pl.ds(buf * CH, CH)], gsems[buf])

    def span_pipelined(start, nchunks):
        for b in range(ISLOT):
            idx_copy(start, b, b).start()
        for b in range(NBUF):
            idx_copy(start, b, b).wait()
            gather_copy(b, b).start()

        @pl.loop(0, nchunks, step=ISLOT)
        def _(i):
            for b in range(ISLOT):
                k = i + b
                rb = b % NBUF
                gather_copy(b, rb).wait()
                pltpu.sync_copy(rows.at[pl.ds(rb * CH, CH)],
                                acc.at[iv.at[b, 1]], add=True)

                @pl.when(k + ISLOT < nchunks)
                def _():
                    idx_copy(start, k + ISLOT, b).start()

                @pl.when(k + NBUF < nchunks)
                def _():
                    sl = (b + NBUF) % ISLOT
                    idx_copy(start, k + NBUF, sl).wait()
                    gather_copy(sl, rb).start()

    wid = c * 16 + s
    span_pipelined(wid * NCHUNK, NCHUNK)

    plsc.subcore_barrier()
    _dump_acc_share(acc, out_hbm, c, s)


def _row_mask(shape):
    return lax.broadcasted_iota(jnp.int32, shape, 0) < N


def _tc_matmul_body(x_ref, w_ref, o_ref):
    o_ref[...] = jnp.dot(x_ref[...], w_ref[...],
                         preferred_element_type=jnp.float32)


def _tc_matmul(x, w):
    return pl.pallas_call(
        _tc_matmul_body,
        out_shape=jax.ShapeDtypeStruct((x.shape[0], w.shape[1]), jnp.float32),
    )(x, w)


def _tc_prep_body(degp_ref, xw_ref, d_ref, y_ref):
    degp = degp_ref[...]
    deg = degp[0, :, 0:1] + degp[1, :, 0:1] + 1.0
    d = lax.rsqrt(deg)
    d_ref[...] = d
    y = d * xw_ref[...]
    y_ref[...] = jnp.where(_row_mask(y.shape), y, 0.0)


def _tc_prep(deg_parts, xw):
    return pl.pallas_call(
        _tc_prep_body,
        out_shape=(jax.ShapeDtypeStruct((NP, 1), jnp.float32),
                   jax.ShapeDtypeStruct((NP, D), jnp.float32)),
    )(deg_parts, xw)


def _tc_mid_body(sp_ref, y_ref, d_ref, b_ref, w_ref, o_ref):
    sp = sp_ref[...]
    d = d_ref[...]
    h = sp[0] + sp[1] + y_ref[...]
    h = jnp.maximum(d * h + b_ref[...][None, :], 0.0)
    xw = jnp.dot(h, w_ref[...], preferred_element_type=jnp.float32)
    y2 = d * xw
    o_ref[...] = jnp.where(_row_mask(y2.shape), y2, 0.0)


def _tc_mid(s_parts, y, d, b, w):
    return pl.pallas_call(
        _tc_mid_body,
        out_shape=jax.ShapeDtypeStruct((NP, D), jnp.float32),
    )(s_parts, y, d, b, w)


def _tc_final_body(sp_ref, y_ref, d_ref, b_ref, w_ref, bfc_ref, o_ref):
    sp = sp_ref[...]
    h = sp[0] + sp[1] + y_ref[...]
    h = jnp.maximum(d_ref[...] * h + b_ref[...][None, :], 0.0)
    o_ref[...] = (jnp.dot(h, w_ref[...], preferred_element_type=jnp.float32)
                  + bfc_ref[...][None, :])


def _tc_final(s_parts, y, d, b, wfc, bfc):
    return pl.pallas_call(
        _tc_final_body,
        out_shape=jax.ShapeDtypeStruct((NP, DO), jnp.float32),
    )(s_parts, y, d, b, wfc, bfc)


def kernel(x, edge_index, W1, b1, W2, b2, Wfc, bfc):
    x_pad = jnp.pad(x, ((0, NP - N), (0, 0)))
    npad = EP - E
    ar = jnp.arange(npad, dtype=jnp.int32)
    pad_src = N + 1 + (ar + 101) % (NP - N - 1)
    pad_dst = N + 1 + ar % (NP - N - 1)
    src_pad = jnp.concatenate([edge_index[0], pad_src]).reshape(EP // CH, CH)
    dst_pad = jnp.concatenate([edge_index[1], pad_dst]).reshape(EP // CH, CH)
    sd = jnp.stack([src_pad, dst_pad], axis=1)

    deg_parts = _sc_deg(dst_pad.reshape(NW, NCHUNK, CH))
    xw1 = _tc_matmul(x_pad, W1)
    d, y1 = _tc_prep(deg_parts, xw1)
    s1 = _sc_edges(y1, sd)
    y2 = _tc_mid(s1, y1, d, b1, W2)
    s2 = _sc_edges(y2, sd)
    out = _tc_final(s2, y2, d, b2, Wfc, bfc)
    return out[:N]

# --- scband reference (transcript-rebuilt; emitter-appended) ---
"""Pipeline reference for scband-gnn-foraging-simple-71536975282839 (READ-ONLY COPY).

The authoritative reference and input builder live on the scoring server;
editing this copy changes nothing except your own understanding.
"""

import jax, jax.numpy as jnp
import numpy as np

N = 10000
E = 320000
D_IN = 128
D_H = 128
D_OUT = 64


def setup_inputs(seed: int = 0) -> dict:
    key = jax.random.key(seed)
    ks = jax.random.split(key, 8)
    x = jax.random.normal(ks[0], (N, D_IN), dtype=jnp.float32)
    edge_index = jax.random.randint(ks[1], (2, E), 0, N, dtype=jnp.int32)
    W1 = jax.random.normal(ks[2], (D_IN, D_H), dtype=jnp.float32) * (1.0 / np.sqrt(D_IN))
    b1 = jnp.zeros((D_H,), dtype=jnp.float32)
    W2 = jax.random.normal(ks[3], (D_H, D_H), dtype=jnp.float32) * (1.0 / np.sqrt(D_H))
    b2 = jnp.zeros((D_H,), dtype=jnp.float32)
    Wfc = jax.random.normal(ks[4], (D_H, D_OUT), dtype=jnp.float32) * (1.0 / np.sqrt(D_H))
    bfc = jax.random.normal(ks[5], (D_OUT,), dtype=jnp.float32) * 0.01
    return {"x": x, "edge_index": edge_index, "W1": W1, "b1": b1, "W2": W2, "b2": b2, "Wfc": Wfc, "bfc": bfc}


def _gcn_conv(x, edge_index, W, b):
    # PyG GCNConv: add self-loops, symmetric normalization D^-1/2 (A+I) D^-1/2 (X W) + b
    src = edge_index[0]
    dst = edge_index[1]
    loop = jnp.arange(N, dtype=edge_index.dtype)
    src = jnp.concatenate([src, loop], axis=0)
    dst = jnp.concatenate([dst, loop], axis=0)
    xw = x @ W
    ones = jnp.ones(src.shape[0], dtype=xw.dtype)
    deg = jax.ops.segment_sum(ones, dst, num_segments=N)
    deg_inv_sqrt = jnp.where(deg > 0, jax.lax.rsqrt(jnp.maximum(deg, 1e-12)), 0.0)
    norm = deg_inv_sqrt[src] * deg_inv_sqrt[dst]
    msg = xw[src] * norm[:, None]
    out = jax.ops.segment_sum(msg, dst, num_segments=N)
    return out + b


def reference(x, edge_index, W1, b1, W2, b2, Wfc, bfc):
    h = _gcn_conv(x, edge_index, W1, b1)
    h = jax.nn.relu(h)
    h = _gcn_conv(h, edge_index, W2, b2)
    h = jax.nn.relu(h)
    return h @ Wfc + bfc

if __name__ == "__main__":
    import jax
    _d = setup_inputs()
    print(jax.jit(kernel)(*tuple(_d.values())))

</pallas_src>

<mosaic_0001>
#map = affine_map<(d0, d1) -> (0, 0, 0)>
module attributes {stable_mosaic.version = 14 : i64} {
  func.func @_sc_deg(%arg0: i32, %arg1: i32, %arg2: memref<32x80x128xi32, #tpu.memory_space<hbm>>, %arg3: memref<2x10240x128xf32, #tpu.memory_space<hbm>>, %arg4: memref<80x128xi32, #tpu.memory_space<vmem>>, %arg5: memref<128x128xf32, #tpu.memory_space<vmem>>, %arg6: memref<10240x128xf32, #tpu.memory_space<vmem_shared>>) attributes {dimension_semantics = [#tpu.dimension_semantics<core_parallel>, #tpu.dimension_semantics<subcore_parallel>], iteration_bounds = array<i64: 2, 16>, scalar_prefetch = 0 : i64, scratch_operands = 3 : i64, tpu.core_type = #tpu.core_type<sc_vector_subcore>, window_params = [{transform_indices = #map}, {transform_indices = #map}]} {
    %mul3A = arith.constant 16 : i32
    %mul3A_0 = arith.muli %arg0, %mul3A : i32
    %add3A = arith.addi %mul3A_0, %arg1 : i32
    "tpu.region"() ({
      %run_scoped3A = tpu.sem_alloc : memref<!tpu.dma_semaphore, #tpu.memory_space<semaphore_mem>>
      %dma_start3A = arith.constant 0 : i32
      %dma_start3A_30 = arith.constant 0 : i32
      %dma_start3A_31 = tpu.memref_slice %arg2[%add3A, %dma_start3A, %dma_start3A_30] : memref<32x80x128xi32, #tpu.memory_space<hbm>> -> memref<1x80x128xi32, #tpu.memory_space<hbm>>
      %dma_start3A_32 = tpu.memref_squeeze %dma_start3A_31 : memref<1x80x128xi32, #tpu.memory_space<hbm>> -> memref<80x128xi32, #tpu.memory_space<hbm>>
      %dma_start3A_33 = arith.constant 0 : i32
      %dma_start3A_34 = arith.constant 0 : i32
      %dma_start3A_35 = tpu.memref_slice %arg2[%add3A, %dma_start3A_33, %dma_start3A_34] : memref<32x80x128xi32, #tpu.memory_space<hbm>> -> memref<1x80x128xi32, #tpu.memory_space<hbm>>
      %dma_start3A_36 = tpu.memref_squeeze %dma_start3A_35 : memref<1x80x128xi32, #tpu.memory_space<hbm>> -> memref<80x128xi32, #tpu.memory_space<hbm>>
      tpu.enqueue_dma source(%dma_start3A_36 : memref<80x128xi32, #tpu.memory_space<hbm>>) target(%arg4 : memref<80x128xi32, #tpu.memory_space<vmem>>) target_semaphore(%run_scoped3A : memref<!tpu.dma_semaphore, #tpu.memory_space<semaphore_mem>>)
      %dma_wait3A = arith.constant 0 : i32
      %dma_wait3A_37 = arith.constant 0 : i32
      %dma_wait3A_38 = tpu.memref_slice %arg2[%add3A, %dma_wait3A, %dma_wait3A_37] : memref<32x80x128xi32, #tpu.memory_space<hbm>> -> memref<1x80x128xi32, #tpu.memory_space<hbm>>
      %dma_wait3A_39 = tpu.memref_squeeze %dma_wait3A_38 : memref<1x80x128xi32, #tpu.memory_space<hbm>> -> memref<80x128xi32, #tpu.memory_space<hbm>>
      %dma_wait3A_40 = arith.constant 0 : i32
      %dma_wait3A_41 = arith.constant 0 : i32
      %dma_wait3A_42 = tpu.memref_slice %arg2[%add3A, %dma_wait3A_40, %dma_wait3A_41] : memref<32x80x128xi32, #tpu.memory_space<hbm>> -> memref<1x80x128xi32, #tpu.memory_space<hbm>>
      %dma_wait3A_43 = tpu.memref_squeeze %dma_wait3A_42 : memref<1x80x128xi32, #tpu.memory_space<hbm>> -> memref<80x128xi32, #tpu.memory_space<hbm>>
      tpu.wait_dma2 semaphore(%run_scoped3A : memref<!tpu.dma_semaphore, #tpu.memory_space<semaphore_mem>>) src(%dma_wait3A_43 : memref<80x128xi32, #tpu.memory_space<hbm>>) dst(%arg4 : memref<80x128xi32, #tpu.memory_space<vmem>>)
      tpu.yield
    }) : () -> ()
    %broadcast_in_dim3A = arith.constant 0.000000e+00 : f32
    %broadcast_in_dim3A_1 = vector.broadcast %broadcast_in_dim3A : f32 to vector<16xf32>
    %scan3A = arith.constant 0 : i32
    %scan3A_2 = arith.constant 128 : i32
    %scan3A_3 = arith.addi %scan3A, %scan3A_2 : i32
    %scan3A_4 = arith.constant 1 : i32
    scf.for %scan3A_30 = %scan3A to %scan3A_3 step %scan3A_4  : i32 {
      %mul3A_31 = arith.constant 1 : i32
      %mul3A_32 = arith.muli %scan3A_30, %mul3A_31 : i32
      %add3A_33 = arith.constant 0 : i32
      %add3A_34 = arith.addi %add3A_33, %mul3A_32 : i32
      %scan3A_35 = arith.constant 0 : i32
      %scan3A_36 = arith.constant 8 : i32
      %scan3A_37 = arith.addi %scan3A_35, %scan3A_36 : i32
      %scan3A_38 = arith.constant 1 : i32
      scf.for %scan3A_40 = %scan3A_35 to %scan3A_37 step %scan3A_38  : i32 {
        %mul3A_41 = arith.constant 1 : i32
        %mul3A_42 = arith.muli %scan3A_40, %mul3A_41 : i32
        %add3A_43 = arith.constant 0 : i32
        %add3A_44 = arith.addi %add3A_43, %mul3A_42 : i32
        %mul3A_45 = arith.constant 16 : i32
        %mul3A_46 = arith.muli %add3A_44, %mul3A_45 : i32
        %swap3A = arith.index_cast %add3A_34 : i32 to index
        %swap3A_47 = arith.index_cast %mul3A_46 : i32 to index
        %swap3A_48 = tpu.vector_load %arg5[%swap3A, %swap3A_47] {strides = array<i32>} : memref<128x128xf32, #tpu.memory_space<vmem>>, vector<1x16xf32>,
        %swap3A_49 = vector.shape_cast %swap3A_48 : vector<1x16xf32> to vector<16xf32>
        %swap3A_50 = vector.shape_cast %broadcast_in_dim3A_1 : vector<16xf32> to vector<1x16xf32>
        tpu.vector_store %arg5[%swap3A, %swap3A_47], %swap3A_50 {strides = array<i32>} : memref<128x128xf32, #tpu.memory_space<vmem>>, vector<1x16xf32>,
      }
      %scan3A_39 = arith.constant 8 : i32
    }
    %scan3A_5 = arith.constant 128 : i32
    %mul3A_6 = arith.constant 640 : i32
    %mul3A_7 = arith.muli %arg1, %mul3A_6 : i32
    %scan3A_8 = arith.constant 0 : i32
    %scan3A_9 = arith.constant 5 : i32
    %scan3A_10 = arith.addi %scan3A_8, %scan3A_9 : i32
    %scan3A_11 = arith.constant 1 : i32
    scf.for %scan3A_30 = %scan3A_8 to %scan3A_10 step %scan3A_11  : i32 {
      %mul3A_31 = arith.constant 1 : i32
      %mul3A_32 = arith.muli %scan3A_30, %mul3A_31 : i32
      %add3A_33 = arith.constant 0 : i32
      %add3A_34 = arith.addi %add3A_33, %mul3A_32 : i32
      %mul3A_35 = arith.constant 128 : i32
      %mul3A_36 = arith.muli %add3A_34, %mul3A_35 : i32
      %add3A_37 = arith.addi %mul3A_7, %mul3A_36 : i32
      "tpu.region"() ({
        %run_scoped3A = tpu.sem_alloc : memref<!tpu.dma_semaphore, #tpu.memory_space<semaphore_mem>>
        %dma_start3A = arith.constant 0 : i32
        %dma_start3A_38 = tpu.memref_slice %arg6[%add3A_37, %dma_start3A] : memref<10240x128xf32, #tpu.memory_space<vmem_shared>> -> memref<128x128xf32, #tpu.memory_space<vmem_shared>>
        %dma_start3A_39 = arith.constant 0 : i32
        %dma_start3A_40 = tpu.memref_slice %arg6[%add3A_37, %dma_start3A_39] : memref<10240x128xf32, #tpu.memory_space<vmem_shared>> -> memref<128x128xf32, #tpu.memory_space<vmem_shared>>
        tpu.enqueue_dma source(%arg5 : memref<128x128xf32, #tpu.memory_space<vmem>>) target(%dma_start3A_40 : memref<128x128xf32, #tpu.memory_space<vmem_shared>>) target_semaphore(%run_scoped3A : memref<!tpu.dma_semaphore, #tpu.memory_space<semaphore_mem>>)
        %dma_wait3A = arith.constant 0 : i32
        %dma_wait3A_41 = tpu.memref_slice %arg6[%add3A_37, %dma_wait3A] : memref<10240x128xf32, #tpu.memory_space<vmem_shared>> -> memref<128x128xf32, #tpu.memory_space<vmem_shared>>
        %dma_wait3A_42 = arith.constant 0 : i32
        %dma_wait3A_43 = tpu.memref_slice %arg6[%add3A_37, %dma_wait3A_42] : memref<10240x128xf32, #tpu.memory_space<vmem_shared>> -> memref<128x128xf32, #tpu.memory_space<vmem_shared>>
        tpu.wait_dma2 semaphore(%run_scoped3A : memref<!tpu.dma_semaphore, #tpu.memory_space<semaphore_mem>>) src(%arg5 : memref<128x128xf32, #tpu.memory_space<vmem>>) dst(%dma_wait3A_43 : memref<128x128xf32, #tpu.memory_space<vmem_shared>>)
        tpu.yield
      }) : () -> ()
    }
    %scan3A_12 = arith.constant 5 : i32
    %broadcast_in_dim3A_13 = arith.constant 1.000000e+00 : f32
    %broadcast_in_dim3A_14 = vector.broadcast %broadcast_in_dim3A_13 : f32 to vector<16xf32>
    %scan3A_15 = arith.constant 0 : i32
    %scan3A_16 = arith.constant 128 : i32
    %scan3A_17 = arith.addi %scan3A_15, %scan3A_16 : i32
    %scan3A_18 = arith.constant 1 : i32
    scf.for %scan3A_30 = %scan3A_15 to %scan3A_17 step %scan3A_18  : i32 {
      %mul3A_31 = arith.constant 1 : i32
      %mul3A_32 = arith.muli %scan3A_30, %mul3A_31 : i32
      %add3A_33 = arith.constant 0 : i32
      %add3A_34 = arith.addi %add3A_33, %mul3A_32 : i32
      %scan3A_35 = arith.constant 0 : i32
      %scan3A_36 = arith.constant 8 : i32
      %scan3A_37 = arith.addi %scan3A_35, %scan3A_36 : i32
      %scan3A_38 = arith.constant 1 : i32
      scf.for %scan3A_40 = %scan3A_35 to %scan3A_37 step %scan3A_38  : i32 {
        %mul3A_41 = arith.constant 1 : i32
        %mul3A_42 = arith.muli %scan3A_40, %mul3A_41 : i32
        %add3A_43 = arith.constant 0 : i32
        %add3A_44 = arith.addi %add3A_43, %mul3A_42 : i32
        %mul3A_45 = arith.constant 16 : i32
        %mul3A_46 = arith.muli %add3A_44, %mul3A_45 : i32
        %swap3A = arith.index_cast %add3A_34 : i32 to index
        %swap3A_47 = arith.index_cast %mul3A_46 : i32 to index
        %swap3A_48 = tpu.vector_load %arg5[%swap3A, %swap3A_47] {strides = array<i32>} : memref<128x128xf32, #tpu.memory_space<vmem>>, vector<1x16xf32>,
        %swap3A_49 = vector.shape_cast %swap3A_48 : vector<1x16xf32> to vector<16xf32>
        %swap3A_50 = vector.shape_cast %broadcast_in_dim3A_14 : vector<16xf32> to vector<1x16xf32>
        tpu.vector_store %arg5[%swap3A, %swap3A_47], %swap3A_50 {strides = array<i32>} : memref<128x128xf32, #tpu.memory_space<vmem>>, vector<1x16xf32>,
      }
      %scan3A_39 = arith.constant 8 : i32
    }
    %scan3A_19 = arith.constant 128 : i32
    %barrier3A = arith.constant 0 : index
    tpu.barrier barrier_id(%barrier3A)
    %scan3A_20 = arith.constant 0 : i32
    %scan3A_21 = arith.constant 80 : i32
    %scan3A_22 = arith.addi %scan3A_20, %scan3A_21 : i32
    %scan3A_23 = arith.constant 1 : i32
    scf.for %scan3A_30 = %scan3A_20 to %scan3A_22 step %scan3A_23  : i32 {
      %mul3A_31 = arith.constant 1 : i32
      %mul3A_32 = arith.muli %scan3A_30, %mul3A_31 : i32
      %add3A_33 = arith.constant 0 : i32
      %add3A_34 = arith.addi %add3A_33, %mul3A_32 : i32
      "tpu.region"() ({
        %run_scoped3A = tpu.sem_alloc : memref<!tpu.dma_semaphore, #tpu.memory_space<semaphore_mem>>
        %dma_start3A = arith.constant 0 : i32
        %dma_start3A_35 = tpu.memref_slice %arg4[%add3A_34, %dma_start3A] : memref<80x128xi32, #tpu.memory_space<vmem>> -> memref<1x128xi32, #tpu.memory_space<vmem>>
        %dma_start3A_36 = tpu.memref_squeeze %dma_start3A_35 : memref<1x128xi32, #tpu.memory_space<vmem>> -> memref<128xi32, #tpu.memory_space<vmem>>
        %dma_start3A_37 = arith.constant 0 : i32
        %dma_start3A_38 = arith.constant 0 : i32
        %dma_start3A_39 = tpu.memref_slice %arg6[%dma_start3A_37, %dma_start3A_38] : memref<10240x128xf32, #tpu.memory_space<vmem_shared>> -> memref<10240x128xf32, #tpu.memory_space<vmem_shared>>
        tpu.enqueue_indirect_dma source(%arg5 : memref<128x128xf32, #tpu.memory_space<vmem>>) target(%dma_start3A_39 : memref<10240x128xf32, #tpu.memory_space<vmem_shared>>) offsets(%dma_start3A_36 : memref<128xi32, #tpu.memory_space<vmem>>) semaphore(%run_scoped3A : memref<!tpu.dma_semaphore, #tpu.memory_space<semaphore_mem>>) {add = true}
        %dma_wait3A = arith.constant 0 : i32
        %dma_wait3A_40 = tpu.memref_slice %arg4[%add3A_34, %dma_wait3A] : memref<80x128xi32, #tpu.memory_space<vmem>> -> memref<1x128xi32, #tpu.memory_space<vmem>>
        %dma_wait3A_41 = tpu.memref_squeeze %dma_wait3A_40 : memref<1x128xi32, #tpu.memory_space<vmem>> -> memref<128xi32, #tpu.memory_space<vmem>>
        %dma_wait3A_42 = arith.constant 0 : i32
        %dma_wait3A_43 = arith.constant 0 : i32
        %dma_wait3A_44 = tpu.memref_slice %arg6[%dma_wait3A_42, %dma_wait3A_43] : memref<10240x128xf32, #tpu.memory_space<vmem_shared>> -> memref<10240x128xf32, #tpu.memory_space<vmem_shared>>
        tpu.wait_indirect_dma semaphore(%run_scoped3A : memref<!tpu.dma_semaphore, #tpu.memory_space<semaphore_mem>>) src(%arg5 : memref<128x128xf32, #tpu.memory_space<vmem>>) dst(%dma_wait3A_44 : memref<10240x128xf32, #tpu.memory_space<vmem_shared>>)
        tpu.yield
      }) : () -> ()
    }
    %scan3A_24 = arith.constant 80 : i32
    %barrier3A_25 = arith.constant 0 : index
    tpu.barrier barrier_id(%barrier3A_25)
    %mul3A_26 = arith.constant 640 : i32
    %mul3A_27 = arith.muli %arg1, %mul3A_26 : i32
    %mul3A_28 = arith.constant 640 : i32
    %mul3A_29 = arith.muli %arg1, %mul3A_28 : i32
    "tpu.region"() ({
      %run_scoped3A = tpu.sem_alloc : memref<!tpu.dma_semaphore, #tpu.memory_space<semaphore_mem>>
      %dma_start3A = arith.constant 0 : i32
      %dma_start3A_30 = tpu.memref_slice %arg3[%arg0, %mul3A_29, %dma_start3A] : memref<2x10240x128xf32, #tpu.memory_space<hbm>> -> memref<1x640x128xf32, #tpu.memory_space<hbm>>
      %dma_start3A_31 = tpu.memref_squeeze %dma_start3A_30 : memref<1x640x128xf32, #tpu.memory_space<hbm>> -> memref<640x128xf32, #tpu.memory_space<hbm>>
      %dma_start3A_32 = arith.constant 0 : i32
      %dma_start3A_33 = tpu.memref_slice %arg6[%mul3A_27, %dma_start3A_32] : memref<10240x128xf32, #tpu.memory_space<vmem_shared>> -> memref<640x128xf32, #tpu.memory_space<vmem_shared>>
      tpu.enqueue_dma source(%dma_start3A_33 : memref<640x128xf32, #tpu.memory_space<vmem_shared>>) target(%dma_start3A_31 : memref<640x128xf32, #tpu.memory_space<hbm>>) target_semaphore(%run_scoped3A : memref<!tpu.dma_semaphore, #tpu.memory_space<semaphore_mem>>)
      %dma_wait3A = arith.constant 0 : i32
      %dma_wait3A_34 = tpu.memref_slice %arg3[%arg0, %mul3A_29, %dma_wait3A] : memref<2x10240x128xf32, #tpu.memory_space<hbm>> -> memref<1x640x128xf32, #tpu.memory_space<hbm>>
      %dma_wait3A_35 = tpu.memref_squeeze %dma_wait3A_34 : memref<1x640x128xf32, #tpu.memory_space<hbm>> -> memref<640x128xf32, #tpu.memory_space<hbm>>
      %dma_wait3A_36 = arith.constant 0 : i32
      %dma_wait3A_37 = tpu.memref_slice %arg6[%mul3A_27, %dma_wait3A_36] : memref<10240x128xf32, #tpu.memory_space<vmem_shared>> -> memref<640x128xf32, #tpu.memory_space<vmem_shared>>
      tpu.wait_dma2 semaphore(%run_scoped3A : memref<!tpu.dma_semaphore, #tpu.memory_space<semaphore_mem>>) src(%dma_wait3A_37 : memref<640x128xf32, #tpu.memory_space<vmem_shared>>) dst(%dma_wait3A_35 : memref<640x128xf32, #tpu.memory_space<hbm>>)
      tpu.yield
    }) : () -> ()
    return
  }
}

#map = affine_map<(d0, d1) -> (0, 0)>
#map1 = affine_map<(d0, d1) -> (0, 0, 0)>
module attributes {stable_mosaic.version = 14 : i64} {
  func.func @_sc_edges(%arg0: i32, %arg1: i32, %arg2: memref<10240x128xf32, #tpu.memory_space<hbm>>, %arg3: memref<2560x2x128xi32, #tpu.memory_space<hbm>>, %arg4: memref<2x10240x128xf32, #tpu.memory_space<hbm>>, %arg5: memref<8x2x128xi32, #tpu.memory_space<vmem>>, %arg6: memref<256x128xf32, #tpu.memory_space<vmem>>, %arg7: memref<10240x128xf32, #tpu.memory_space<vmem_shared>>, %arg8: memref<!tpu.dma_semaphore, #tpu.memory_space<semaphore_mem>>, %arg9: memref<!tpu.dma_semaphore, #tpu.memory_space<semaphore_mem>>, %arg10: memref<!tpu.dma_semaphore, #tpu.memory_space<semaphore_mem>>, %arg11: memref<!tpu.dma_semaphore, #tpu.memory_space<semaphore_mem>>, %arg12: memref<!tpu.dma_semaphore, #tpu.memory_space<semaphore_mem>>, %arg13: memref<!tpu.dma_semaphore, #tpu.memory_space<semaphore_mem>>, %arg14: memref<!tpu.dma_semaphore, #tpu.memory_space<semaphore_mem>>, %arg15: memref<!tpu.dma_semaphore, #tpu.memory_space<semaphore_mem>>, %arg16: memref<!tpu.dma_semaphore, #tpu.memory_space<semaphore_mem>>, %arg17: memref<!tpu.dma_semaphore, #tpu.memory_space<semaphore_mem>>) attributes {dimension_semantics = [#tpu.dimension_semantics<core_parallel>, #tpu.dimension_semantics<subcore_parallel>], iteration_bounds = array<i64: 2, 16>, scalar_prefetch = 0 : i64, scratch_operands = 13 : i64, tpu.core_type = #tpu.core_type<sc_vector_subcore>, window_params = [{transform_indices = #map}, {transform_indices = #map1}, {transform_indices = #map1}]} {
    %broadcast_in_dim3A = arith.constant 0.000000e+00 : f32
    %broadcast_in_dim3A_0 = vector.broadcast %broadcast_in_dim3A : f32 to vector<16xf32>
    %scan3A = arith.constant 0 : i32
    %scan3A_1 = arith.constant 128 : i32
    %scan3A_2 = arith.addi %scan3A, %scan3A_1 : i32
    %scan3A_3 = arith.constant 1 : i32
    scf.for %scan3A_235 = %scan3A to %scan3A_2 step %scan3A_3  : i32 {
      %mul3A_236 = arith.constant 1 : i32
      %mul3A_237 = arith.muli %scan3A_235, %mul3A_236 : i32
      %add3A_238 = arith.constant 0 : i32
      %add3A_239 = arith.addi %add3A_238, %mul3A_237 : i32
      %scan3A_240 = arith.constant 0 : i32
      %scan3A_241 = arith.constant 8 : i32
      %scan3A_242 = arith.addi %scan3A_240, %scan3A_241 : i32
      %scan3A_243 = arith.constant 1 : i32
      scf.for %scan3A_245 = %scan3A_240 to %scan3A_242 step %scan3A_243  : i32 {
        %mul3A_246 = arith.constant 1 : i32
        %mul3A_247 = arith.muli %scan3A_245, %mul3A_246 : i32
        %add3A_248 = arith.constant 0 : i32
        %add3A_249 = arith.addi %add3A_248, %mul3A_247 : i32
        %mul3A_250 = arith.constant 16 : i32
        %mul3A_251 = arith.muli %add3A_249, %mul3A_250 : i32
        %swap3A = arith.index_cast %add3A_239 : i32 to index
        %swap3A_252 = arith.index_cast %mul3A_251 : i32 to index
        %swap3A_253 = tpu.vector_load %arg6[%swap3A, %swap3A_252] {strides = array<i32>} : memref<256x128xf32, #tpu.memory_space<vmem>>, vector<1x16xf32>,
        %swap3A_254 = vector.shape_cast %swap3A_253 : vector<1x16xf32> to vector<16xf32>
        %swap3A_255 = vector.shape_cast %broadcast_in_dim3A_0 : vector<16xf32> to vector<1x16xf32>
        tpu.vector_store %arg6[%swap3A, %swap3A_252], %swap3A_255 {strides = array<i32>} : memref<256x128xf32, #tpu.memory_space<vmem>>, vector<1x16xf32>,
      }
      %scan3A_244 = arith.constant 8 : i32
    }
    %scan3A_4 = arith.constant 128 : i32
    %mul3A = arith.constant 640 : i32
    %mul3A_5 = arith.muli %arg1, %mul3A : i32
    %scan3A_6 = arith.constant 0 : i32
    %scan3A_7 = arith.constant 5 : i32
    %scan3A_8 = arith.addi %scan3A_6, %scan3A_7 : i32
    %scan3A_9 = arith.constant 1 : i32
    scf.for %scan3A_235 = %scan3A_6 to %scan3A_8 step %scan3A_9  : i32 {
      %mul3A_236 = arith.constant 1 : i32
      %mul3A_237 = arith.muli %scan3A_235, %mul3A_236 : i32
      %add3A_238 = arith.constant 0 : i32
      %add3A_239 = arith.addi %add3A_238, %mul3A_237 : i32
      %mul3A_240 = arith.constant 128 : i32
      %mul3A_241 = arith.muli %add3A_239, %mul3A_240 : i32
      %add3A_242 = arith.addi %mul3A_5, %mul3A_241 : i32
      "tpu.region"() ({
        %run_scoped3A = tpu.sem_alloc : memref<!tpu.dma_semaphore, #tpu.memory_space<semaphore_mem>>
        %dma_start3A_243 = arith.constant 0 : i32
        %dma_start3A_244 = arith.constant 0 : i32
        %dma_start3A_245 = tpu.memref_slice %arg6[%dma_start3A_243, %dma_start3A_244] : memref<256x128xf32, #tpu.memory_space<vmem>> -> memref<128x128xf32, #tpu.memory_space<vmem>>
        %dma_start3A_246 = arith.constant 0 : i32
        %dma_start3A_247 = tpu.memref_slice %arg7[%add3A_242, %dma_start3A_246] : memref<10240x128xf32, #tpu.memory_space<vmem_shared>> -> memref<128x128xf32, #tpu.memory_space<vmem_shared>>
        %dma_start3A_248 = arith.constant 0 : i32
        %dma_start3A_249 = tpu.memref_slice %arg7[%add3A_242, %dma_start3A_248] : memref<10240x128xf32, #tpu.memory_space<vmem_shared>> -> memref<128x128xf32, #tpu.memory_space<vmem_shared>>
        %dma_start3A_250 = arith.constant 0 : i32
        %dma_start3A_251 = arith.constant 0 : i32
        %dma_start3A_252 = tpu.memref_slice %arg6[%dma_start3A_250, %dma_start3A_251] : memref<256x128xf32, #tpu.memory_space<vmem>> -> memref<128x128xf32, #tpu.memory_space<vmem>>
        tpu.enqueue_dma source(%dma_start3A_252 : memref<128x128xf32, #tpu.memory_space<vmem>>) target(%dma_start3A_249 : memref<128x128xf32, #tpu.memory_space<vmem_shared>>) target_semaphore(%run_scoped3A : memref<!tpu.dma_semaphore, #tpu.memory_space<semaphore_mem>>)
        %dma_wait3A_253 = arith.constant 0 : i32
        %dma_wait3A_254 = arith.constant 0 : i32
        %dma_wait3A_255 = tpu.memref_slice %arg6[%dma_wait3A_253, %dma_wait3A_254] : memref<256x128xf32, #tpu.memory_space<vmem>> -> memref<128x128xf32, #tpu.memory_space<vmem>>
        %dma_wait3A_256 = arith.constant 0 : i32
        %dma_wait3A_257 = tpu.memref_slice %arg7[%add3A_242, %dma_wait3A_256] : memref<10240x128xf32, #tpu.memory_space<vmem_shared>> -> memref<128x128xf32, #tpu.memory_space<vmem_shared>>
        %dma_wait3A_258 = arith.constant 0 : i32
        %dma_wait3A_259 = tpu.memref_slice %arg7[%add3A_242, %dma_wait3A_258] : memref<10240x128xf32, #tpu.memory_space<vmem_shared>> -> memref<128x128xf32, #tpu.memory_space<vmem_shared>>
        %dma_wait3A_260 = arith.constant 0 : i32
        %dma_wait3A_261 = arith.constant 0 : i32
        %dma_wait3A_262 = tpu.memref_slice %arg6[%dma_wait3A_260, %dma_wait3A_261] : memref<256x128xf32, #tpu.memory_space<vmem>> -> memref<128x128xf32, #tpu.memory_space<vmem>>
        tpu.wait_dma2 semaphore(%run_scoped3A : memref<!tpu.dma_semaphore, #tpu.memory_space<semaphore_mem>>) src(%dma_wait3A_262 : memref<128x128xf32, #tpu.memory_space<vmem>>) dst(%dma_wait3A_259 : memref<128x128xf32, #tpu.memory_space<vmem_shared>>)
        tpu.yield
      }) : () -> ()
    }
    %scan3A_10 = arith.constant 5 : i32
    %barrier3A = arith.constant 0 : index
    tpu.barrier barrier_id(%barrier3A)
    %mul3A_11 = arith.constant 16 : i32
    %mul3A_12 = arith.muli %arg0, %mul3A_11 : i32
    %add3A = arith.addi %mul3A_12, %arg1 : i32
    %mul3A_13 = arith.constant 80 : i32
    %mul3A_14 = arith.muli %add3A, %mul3A_13 : i32
    %add3A_15 = arith.constant 0 : i32
    %add3A_16 = arith.addi %mul3A_14, %add3A_15 : i32
    %dma_start3A = arith.constant 0 : i32
    %dma_start3A_17 = arith.constant 0 : i32
    %dma_start3A_18 = arith.constant 0 : i32
    %dma_start3A_19 = tpu.memref_slice %arg5[%dma_start3A, %dma_start3A_17, %dma_start3A_18] : memref<8x2x128xi32, #tpu.memory_space<vmem>> -> memref<1x2x128xi32, #tpu.memory_space<vmem>>
    %dma_start3A_20 = tpu.memref_squeeze %dma_start3A_19 : memref<1x2x128xi32, #tpu.memory_space<vmem>> -> memref<2x128xi32, #tpu.memory_space<vmem>>
    %dma_start3A_21 = arith.constant 0 : i32
    %dma_start3A_22 = arith.constant 0 : i32
    %dma_start3A_23 = tpu.memref_slice %arg3[%add3A_16, %dma_start3A_21, %dma_start3A_22] : memref<2560x2x128xi32, #tpu.memory_space<hbm>> -> memref<1x2x128xi32, #tpu.memory_space<hbm>>
    %dma_start3A_24 = tpu.memref_squeeze %dma_start3A_23 : memref<1x2x128xi32, #tpu.memory_space<hbm>> -> memref<2x128xi32, #tpu.memory_space<hbm>>
    %dma_start3A_25 = arith.constant 0 : i32
    %dma_start3A_26 = arith.constant 0 : i32
    %dma_start3A_27 = tpu.memref_slice %arg5[%dma_start3A, %dma_start3A_25, %dma_start3A_26] : memref<8x2x128xi32, #tpu.memory_space<vmem>> -> memref<1x2x128xi32, #tpu.memory_space<vmem>>
    %dma_start3A_28 = tpu.memref_squeeze %dma_start3A_27 : memref<1x2x128xi32, #tpu.memory_space<vmem>> -> memref<2x128xi32, #tpu.memory_space<vmem>>
    %dma_start3A_29 = arith.constant 0 : i32
    %dma_start3A_30 = arith.constant 0 : i32
    %dma_start3A_31 = tpu.memref_slice %arg3[%add3A_16, %dma_start3A_29, %dma_start3A_30] : memref<2560x2x128xi32, #tpu.memory_space<hbm>> -> memref<1x2x128xi32, #tpu.memory_space<hbm>>
    %dma_start3A_32 = tpu.memref_squeeze %dma_start3A_31 : memref<1x2x128xi32, #tpu.memory_space<hbm>> -> memref<2x128xi32, #tpu.memory_space<hbm>>
    tpu.enqueue_dma source(%dma_start3A_32 : memref<2x128xi32, #tpu.memory_space<hbm>>) target(%dma_start3A_28 : memref<2x128xi32, #tpu.memory_space<vmem>>) target_semaphore(%arg8 : memref<!tpu.dma_semaphore, #tpu.memory_space<semaphore_mem>>)
    %add3A_33 = arith.constant 1 : i32
    %add3A_34 = arith.addi %mul3A_14, %add3A_33 : i32
    %dma_start3A_35 = arith.constant 1 : i32
    %dma_start3A_36 = arith.constant 0 : i32
    %dma_start3A_37 = arith.constant 0 : i32
    %dma_start3A_38 = tpu.memref_slice %arg5[%dma_start3A_35, %dma_start3A_36, %dma_start3A_37] : memref<8x2x128xi32, #tpu.memory_space<vmem>> -> memref<1x2x128xi32, #tpu.memory_space<vmem>>
    %dma_start3A_39 = tpu.memref_squeeze %dma_start3A_38 : memref<1x2x128xi32, #tpu.memory_space<vmem>> -> memref<2x128xi32, #tpu.memory_space<vmem>>
    %dma_start3A_40 = arith.constant 0 : i32
    %dma_start3A_41 = arith.constant 0 : i32
    %dma_start3A_42 = tpu.memref_slice %arg3[%add3A_34, %dma_start3A_40, %dma_start3A_41] : memref<2560x2x128xi32, #tpu.memory_space<hbm>> -> memref<1x2x128xi32, #tpu.memory_space<hbm>>
    %dma_start3A_43 = tpu.memref_squeeze %dma_start3A_42 : memref<1x2x128xi32, #tpu.memory_space<hbm>> -> memref<2x128xi32, #tpu.memory_space<hbm>>
    %dma_start3A_44 = arith.constant 0 : i32
    %dma_start3A_45 = arith.constant 0 : i32
    %dma_start3A_46 = tpu.memref_slice %arg5[%dma_start3A_35, %dma_start3A_44, %dma_start3A_45] : memref<8x2x128xi32, #tpu.memory_space<vmem>> -> memref<1x2x128xi32, #tpu.memory_space<vmem>>
    %dma_start3A_47 = tpu.memref_squeeze %dma_start3A_46 : memref<1x2x128xi32, #tpu.memory_space<vmem>> -> memref<2x128xi32, #tpu.memory_space<vmem>>
    %dma_start3A_48 = arith.constant 0 : i32
    %dma_start3A_49 = arith.constant 0 : i32
    %dma_start3A_50 = tpu.memref_slice %arg3[%add3A_34, %dma_start3A_48, %dma_start3A_49] : memref<2560x2x128xi32, #tpu.memory_space<hbm>> -> memref<1x2x128xi32, #tpu.memory_space<hbm>>
    %dma_start3A_51 = tpu.memref_squeeze %dma_start3A_50 : memref<1x2x128xi32, #tpu.memory_space<hbm>> -> memref<2x128xi32, #tpu.memory_space<hbm>>
    tpu.enqueue_dma source(%dma_start3A_51 : memref<2x128xi32, #tpu.memory_space<hbm>>) target(%dma_start3A_47 : memref<2x128xi32, #tpu.memory_space<vmem>>) target_semaphore(%arg9 : memref<!tpu.dma_semaphore, #tpu.memory_space<semaphore_mem>>)
    %add3A_52 = arith.constant 2 : i32
    %add3A_53 = arith.addi %mul3A_14, %add3A_52 : i32
    %dma_start3A_54 = arith.constant 2 : i32
    %dma_start3A_55 = arith.constant 0 : i32
    %dma_start3A_56 = arith.constant 0 : i32
    %dma_start3A_57 = tpu.memref_slice %arg5[%dma_start3A_54, %dma_start3A_55, %dma_start3A_56] : memref<8x2x128xi32, #tpu.memory_space<vmem>> -> memref<1x2x128xi32, #tpu.memory_space<vmem>>
    %dma_start3A_58 = tpu.memref_squeeze %dma_start3A_57 : memref<1x2x128xi32, #tpu.memory_space<vmem>> -> memref<2x128xi32, #tpu.memory_space<vmem>>
    %dma_start3A_59 = arith.constant 0 : i32
    %dma_start3A_60 = arith.constant 0 : i32
    %dma_start3A_61 = tpu.memref_slice %arg3[%add3A_53, %dma_start3A_59, %dma_start3A_60] : memref<2560x2x128xi32, #tpu.memory_space<hbm>> -> memref<1x2x128xi32, #tpu.memory_space<hbm>>
    %dma_start3A_62 = tpu.memref_squeeze %dma_start3A_61 : memref<1x2x128xi32, #tpu.memory_space<hbm>> -> memref<2x128xi32, #tpu.memory_space<hbm>>
    %dma_start3A_63 = arith.constant 0 : i32
    %dma_start3A_64 = arith.constant 0 : i32
    %dma_start3A_65 = tpu.memref_slice %arg5[%dma_start3A_54, %dma_start3A_63, %dma_start3A_64] : memref<8x2x128xi32, #tpu.memory_space<vmem>> -> memref<1x2x128xi32, #tpu.memory_space<vmem>>
    %dma_start3A_66 = tpu.memref_squeeze %dma_start3A_65 : memref<1x2x128xi32, #tpu.memory_space<vmem>> -> memref<2x128xi32, #tpu.memory_space<vmem>>
    %dma_start3A_67 = arith.constant 0 : i32
    %dma_start3A_68 = arith.constant 0 : i32
    %dma_start3A_69 = tpu.memref_slice %arg3[%add3A_53, %dma_start3A_67, %dma_start3A_68] : memref<2560x2x128xi32, #tpu.memory_space<hbm>> -> memref<1x2x128xi32, #tpu.memory_space<hbm>>
    %dma_start3A_70 = tpu.memref_squeeze %dma_start3A_69 : memref<1x2x128xi32, #tpu.memory_space<hbm>> -> memref<2x128xi32, #tpu.memory_space<hbm>>
    tpu.enqueue_dma source(%dma_start3A_70 : memref<2x128xi32, #tpu.memory_space<hbm>>) target(%dma_start3A_66 : memref<2x128xi32, #tpu.memory_space<vmem>>) target_semaphore(%arg10 : memref<!tpu.dma_semaphore, #tpu.memory_space<semaphore_mem>>)
    %add3A_71 = arith.constant 3 : i32
    %add3A_72 = arith.addi %mul3A_14, %add3A_71 : i32
    %dma_start3A_73 = arith.constant 3 : i32
    %dma_start3A_74 = arith.constant 0 : i32
    %dma_start3A_75 = arith.constant 0 : i32
    %dma_start3A_76 = tpu.memref_slice %arg5[%dma_start3A_73, %dma_start3A_74, %dma_start3A_75] : memref<8x2x128xi32, #tpu.memory_space<vmem>> -> memref<1x2x128xi32, #tpu.memory_space<vmem>>
    %dma_start3A_77 = tpu.memref_squeeze %dma_start3A_76 : memref<1x2x128xi32, #tpu.memory_space<vmem>> -> memref<2x128xi32, #tpu.memory_space<vmem>>
    %dma_start3A_78 = arith.constant 0 : i32
    %dma_start3A_79 = arith.constant 0 : i32
    %dma_start3A_80 = tpu.memref_slice %arg3[%add3A_72, %dma_start3A_78, %dma_start3A_79] : memref<2560x2x128xi32, #tpu.memory_space<hbm>> -> memref<1x2x128xi32, #tpu.memory_space<hbm>>
    %dma_start3A_81 = tpu.memref_squeeze %dma_start3A_80 : memref<1x2x128xi32, #tpu.memory_space<hbm>> -> memref<2x128xi32, #tpu.memory_space<hbm>>
    %dma_start3A_82 = arith.constant 0 : i32
    %dma_start3A_83 = arith.constant 0 : i32
    %dma_start3A_84 = tpu.memref_slice %arg5[%dma_start3A_73, %dma_start3A_82, %dma_start3A_83] : memref<8x2x128xi32, #tpu.memory_space<vmem>> -> memref<1x2x128xi32, #tpu.memory_space<vmem>>
    %dma_start3A_85 = tpu.memref_squeeze %dma_start3A_84 : memref<1x2x128xi32, #tpu.memory_space<vmem>> -> memref<2x128xi32, #tpu.memory_space<vmem>>
    %dma_start3A_86 = arith.constant 0 : i32
    %dma_start3A_87 = arith.constant 0 : i32
    %dma_start3A_88 = tpu.memref_slice %arg3[%add3A_72, %dma_start3A_86, %dma_start3A_87] : memref<2560x2x128xi32, #tpu.memory_space<hbm>> -> memref<1x2x128xi32, #tpu.memory_space<hbm>>
    %dma_start3A_89 = tpu.memref_squeeze %dma_start3A_88 : memref<1x2x128xi32, #tpu.memory_space<hbm>> -> memref<2x128xi32, #tpu.memory_space<hbm>>
    tpu.enqueue_dma source(%dma_start3A_89 : memref<2x128xi32, #tpu.memory_space<hbm>>) target(%dma_start3A_85 : memref<2x128xi32, #tpu.memory_space<vmem>>) target_semaphore(%arg11 : memref<!tpu.dma_semaphore, #tpu.memory_space<semaphore_mem>>)
    %add3A_90 = arith.constant 4 : i32
    %add3A_91 = arith.addi %mul3A_14, %add3A_90 : i32
    %dma_start3A_92 = arith.constant 4 : i32
    %dma_start3A_93 = arith.constant 0 : i32
    %dma_start3A_94 = arith.constant 0 : i32
    %dma_start3A_95 = tpu.memref_slice %arg5[%dma_start3A_92, %dma_start3A_93, %dma_start3A_94] : memref<8x2x128xi32, #tpu.memory_space<vmem>> -> memref<1x2x128xi32, #tpu.memory_space<vmem>>
    %dma_start3A_96 = tpu.memref_squeeze %dma_start3A_95 : memref<1x2x128xi32, #tpu.memory_space<vmem>> -> memref<2x128xi32, #tpu.memory_space<vmem>>
    %dma_start3A_97 = arith.constant 0 : i32
    %dma_start3A_98 = arith.constant 0 : i32
    %dma_start3A_99 = tpu.memref_slice %arg3[%add3A_91, %dma_start3A_97, %dma_start3A_98] : memref<2560x2x128xi32, #tpu.memory_space<hbm>> -> memref<1x2x128xi32, #tpu.memory_space<hbm>>
    %dma_start3A_100 = tpu.memref_squeeze %dma_start3A_99 : memref<1x2x128xi32, #tpu.memory_space<hbm>> -> memref<2x128xi32, #tpu.memory_space<hbm>>
    %dma_start3A_101 = arith.constant 0 : i32
    %dma_start3A_102 = arith.constant 0 : i32
    %dma_start3A_103 = tpu.memref_slice %arg5[%dma_start3A_92, %dma_start3A_101, %dma_start3A_102] : memref<8x2x128xi32, #tpu.memory_space<vmem>> -> memref<1x2x128xi32, #tpu.memory_space<vmem>>
    %dma_start3A_104 = tpu.memref_squeeze %dma_start3A_103 : memref<1x2x128xi32, #tpu.memory_space<vmem>> -> memref<2x128xi32, #tpu.memory_space<vmem>>
    %dma_start3A_105 = arith.constant 0 : i32
    %dma_start3A_106 = arith.constant 0 : i32
    %dma_start3A_107 = tpu.memref_slice %arg3[%add3A_91, %dma_start3A_105, %dma_start3A_106] : memref<2560x2x128xi32, #tpu.memory_space<hbm>> -> memref<1x2x128xi32, #tpu.memory_space<hbm>>
    %dma_start3A_108 = tpu.memref_squeeze %dma_start3A_107 : memref<1x2x128xi32, #tpu.memory_space<hbm>> -> memref<2x128xi32, #tpu.memory_space<hbm>>
    tpu.enqueue_dma source(%dma_start3A_108 : memref<2x128xi32, #tpu.memory_space<hbm>>) target(%dma_start3A_104 : memref<2x128xi32, #tpu.memory_space<vmem>>) target_semaphore(%arg12 : memref<!tpu.dma_semaphore, #tpu.memory_space<semaphore_mem>>)
    %add3A_109 = arith.constant 5 : i32
    %add3A_110 = arith.addi %mul3A_14, %add3A_109 : i32
    %dma_start3A_111 = arith.constant 5 : i32
    %dma_start3A_112 = arith.constant 0 : i32
    %dma_start3A_113 = arith.constant 0 : i32
    %dma_start3A_114 = tpu.memref_slice %arg5[%dma_start3A_111, %dma_start3A_112, %dma_start3A_113] : memref<8x2x128xi32, #tpu.memory_space<vmem>> -> memref<1x2x128xi32, #tpu.memory_space<vmem>>
    %dma_start3A_115 = tpu.memref_squeeze %dma_start3A_114 : memref<1x2x128xi32, #tpu.memory_space<vmem>> -> memref<2x128xi32, #tpu.memory_space<vmem>>
    %dma_start3A_116 = arith.constant 0 : i32
    %dma_start3A_117 = arith.constant 0 : i32
    %dma_start3A_118 = tpu.memref_slice %arg3[%add3A_110, %dma_start3A_116, %dma_start3A_117] : memref<2560x2x128xi32, #tpu.memory_space<hbm>> -> memref<1x2x128xi32, #tpu.memory_space<hbm>>
    %dma_start3A_119 = tpu.memref_squeeze %dma_start3A_118 : memref<1x2x128xi32, #tpu.memory_space<hbm>> -> memref<2x128xi32, #tpu.memory_space<hbm>>
    %dma_start3A_120 = arith.constant 0 : i32
    %dma_start3A_121 = arith.constant 0 : i32
    %dma_start3A_122 = tpu.memref_slice %arg5[%dma_start3A_111, %dma_start3A_120, %dma_start3A_121] : memref<8x2x128xi32, #tpu.memory_space<vmem>> -> memref<1x2x128xi32, #tpu.memory_space<vmem>>
    %dma_start3A_123 = tpu.memref_squeeze %dma_start3A_122 : memref<1x2x128xi32, #tpu.memory_space<vmem>> -> memref<2x128xi32, #tpu.memory_space<vmem>>
    %dma_start3A_124 = arith.constant 0 : i32
    %dma_start3A_125 = arith.constant 0 : i32
    %dma_start3A_126 = tpu.memref_slice %arg3[%add3A_110, %dma_start3A_124, %dma_start3A_125] : memref<2560x2x128xi32, #tpu.memory_space<hbm>> -> memref<1x2x128xi32, #tpu.memory_space<hbm>>
    %dma_start3A_127 = tpu.memref_squeeze %dma_start3A_126 : memref<1x2x128xi32, #tpu.memory_space<hbm>> -> memref<2x128xi32, #tpu.memory_space<hbm>>
    tpu.enqueue_dma source(%dma_start3A_127 : memref<2x128xi32, #tpu.memory_space<hbm>>) target(%dma_start3A_123 : memref<2x128xi32, #tpu.memory_space<vmem>>) target_semaphore(%arg13 : memref<!tpu.dma_semaphore, #tpu.memory_space<semaphore_mem>>)
    %add3A_128 = arith.constant 6 : i32
    %add3A_129 = arith.addi %mul3A_14, %add3A_128 : i32
    %dma_start3A_130 = arith.constant 6 : i32
    %dma_start3A_131 = arith.constant 0 : i32
    %dma_start3A_132 = arith.constant 0 : i32
    %dma_start3A_133 = tpu.memref_slice %arg5[%dma_start3A_130, %dma_start3A_131, %dma_start3A_132] : memref<8x2x128xi32, #tpu.memory_space<vmem>> -> memref<1x2x128xi32, #tpu.memory_space<vmem>>
    %dma_start3A_134 = tpu.memref_squeeze %dma_start3A_133 : memref<1x2x128xi32, #tpu.memory_space<vmem>> -> memref<2x128xi32, #tpu.memory_space<vmem>>
    %dma_start3A_135 = arith.constant 0 : i32
    %dma_start3A_136 = arith.constant 0 : i32
    %dma_start3A_137 = tpu.memref_slice %arg3[%add3A_129, %dma_start3A_135, %dma_start3A_136] : memref<2560x2x128xi32, #tpu.memory_space<hbm>> -> memref<1x2x128xi32, #tpu.memory_space<hbm>>
    %dma_start3A_138 = tpu.memref_squeeze %dma_start3A_137 : memref<1x2x128xi32, #tpu.memory_space<hbm>> -> memref<2x128xi32, #tpu.memory_space<hbm>>
    %dma_start3A_139 = arith.constant 0 : i32
    %dma_start3A_140 = arith.constant 0 : i32
    %dma_start3A_141 = tpu.memref_slice %arg5[%dma_start3A_130, %dma_start3A_139, %dma_start3A_140] : memref<8x2x128xi32, #tpu.memory_space<vmem>> -> memref<1x2x128xi32, #tpu.memory_space<vmem>>
    %dma_start3A_142 = tpu.memref_squeeze %dma_start3A_141 : memref<1x2x128xi32, #tpu.memory_space<vmem>> -> memref<2x128xi32, #tpu.memory_space<vmem>>
    %dma_start3A_143 = arith.constant 0 : i32
    %dma_start3A_144 = arith.constant 0 : i32
    %dma_start3A_145 = tpu.memref_slice %arg3[%add3A_129, %dma_start3A_143, %dma_start3A_144] : memref<2560x2x128xi32, #tpu.memory_space<hbm>> -> memref<1x2x128xi32, #tpu.memory_space<hbm>>
    %dma_start3A_146 = tpu.memref_squeeze %dma_start3A_145 : memref<1x2x128xi32, #tpu.memory_space<hbm>> -> memref<2x128xi32, #tpu.memory_space<hbm>>
    tpu.enqueue_dma source(%dma_start3A_146 : memref<2x128xi32, #tpu.memory_space<hbm>>) target(%dma_start3A_142 : memref<2x128xi32, #tpu.memory_space<vmem>>) target_semaphore(%arg14 : memref<!tpu.dma_semaphore, #tpu.memory_space<semaphore_mem>>)
    %add3A_147 = arith.constant 7 : i32
    %add3A_148 = arith.addi %mul3A_14, %add3A_147 : i32
    %dma_start3A_149 = arith.constant 7 : i32
    %dma_start3A_150 = arith.constant 0 : i32
    %dma_start3A_151 = arith.constant 0 : i32
    %dma_start3A_152 = tpu.memref_slice %arg5[%dma_start3A_149, %dma_start3A_150, %dma_start3A_151] : memref<8x2x128xi32, #tpu.memory_space<vmem>> -> memref<1x2x128xi32, #tpu.memory_space<vmem>>
    %dma_start3A_153 = tpu.memref_squeeze %dma_start3A_152 : memref<1x2x128xi32, #tpu.memory_space<vmem>> -> memref<2x128xi32, #tpu.memory_space<vmem>>
    %dma_start3A_154 = arith.constant 0 : i32
    %dma_start3A_155 = arith.constant 0 : i32
    %dma_start3A_156 = tpu.memref_slice %arg3[%add3A_148, %dma_start3A_154, %dma_start3A_155] : memref<2560x2x128xi32, #tpu.memory_space<hbm>> -> memref<1x2x128xi32, #tpu.memory_space<hbm>>
    %dma_start3A_157 = tpu.memref_squeeze %dma_start3A_156 : memref<1x2x128xi32, #tpu.memory_space<hbm>> -> memref<2x128xi32, #tpu.memory_space<hbm>>
    %dma_start3A_158 = arith.constant 0 : i32
    %dma_start3A_159 = arith.constant 0 : i32
    %dma_start3A_160 = tpu.memref_slice %arg5[%dma_start3A_149, %dma_start3A_158, %dma_start3A_159] : memref<8x2x128xi32, #tpu.memory_space<vmem>> -> memref<1x2x128xi32, #tpu.memory_space<vmem>>
    %dma_start3A_161 = tpu.memref_squeeze %dma_start3A_160 : memref<1x2x128xi32, #tpu.memory_space<vmem>> -> memref<2x128xi32, #tpu.memory_space<vmem>>
    %dma_start3A_162 = arith.constant 0 : i32
    %dma_start3A_163 = arith.constant 0 : i32
    %dma_start3A_164 = tpu.memref_slice %arg3[%add3A_148, %dma_start3A_162, %dma_start3A_163] : memref<2560x2x128xi32, #tpu.memory_space<hbm>> -> memref<1x2x128xi32, #tpu.memory_space<hbm>>
    %dma_start3A_165 = tpu.memref_squeeze %dma_start3A_164 : memref<1x2x128xi32, #tpu.memory_space<hbm>> -> memref<2x128xi32, #tpu.memory_space<hbm>>
    tpu.enqueue_dma source(%dma_start3A_165 : memref<2x128xi32, #tpu.memory_space<hbm>>) target(%dma_start3A_161 : memref<2x128xi32, #tpu.memory_space<vmem>>) target_semaphore(%arg15 : memref<!tpu.dma_semaphore, #tpu.memory_space<semaphore_mem>>)
    %add3A_166 = arith.constant 0 : i32
    %add3A_167 = arith.addi %mul3A_14, %add3A_166 : i32
    %dma_wait3A = arith.constant 0 : i32
    %dma_wait3A_168 = arith.constant 0 : i32
    %dma_wait3A_169 = arith.constant 0 : i32
    %dma_wait3A_170 = tpu.memref_slice %arg5[%dma_wait3A, %dma_wait3A_168, %dma_wait3A_169] : memref<8x2x128xi32, #tpu.memory_space<vmem>> -> memref<1x2x128xi32, #tpu.memory_space<vmem>>
    %dma_wait3A_171 = tpu.memref_squeeze %dma_wait3A_170 : memref<1x2x128xi32, #tpu.memory_space<vmem>> -> memref<2x128xi32, #tpu.memory_space<vmem>>
    %dma_wait3A_172 = arith.constant 0 : i32
    %dma_wait3A_173 = arith.constant 0 : i32
    %dma_wait3A_174 = tpu.memref_slice %arg3[%add3A_167, %dma_wait3A_172, %dma_wait3A_173] : memref<2560x2x128xi32, #tpu.memory_space<hbm>> -> memref<1x2x128xi32, #tpu.memory_space<hbm>>
    %dma_wait3A_175 = tpu.memref_squeeze %dma_wait3A_174 : memref<1x2x128xi32, #tpu.memory_space<hbm>> -> memref<2x128xi32, #tpu.memory_space<hbm>>
    %dma_wait3A_176 = arith.constant 0 : i32
    %dma_wait3A_177 = arith.constant 0 : i32
    %dma_wait3A_178 = tpu.memref_slice %arg5[%dma_wait3A, %dma_wait3A_176, %dma_wait3A_177] : memref<8x2x128xi32, #tpu.memory_space<vmem>> -> memref<1x2x128xi32, #tpu.memory_space<vmem>>
    %dma_wait3A_179 = tpu.memref_squeeze %dma_wait3A_178 : memref<1x2x128xi32, #tpu.memory_space<vmem>> -> memref<2x128xi32, #tpu.memory_space<vmem>>
    %dma_wait3A_180 = arith.constant 0 : i32
    %dma_wait3A_181 = arith.constant 0 : i32
    %dma_wait3A_182 = tpu.memref_slice %arg3[%add3A_167, %dma_wait3A_180, %dma_wait3A_181] : memref<2560x2x128xi32, #tpu.memory_space<hbm>> -> memref<1x2x128xi32, #tpu.memory_space<hbm>>
    %dma_wait3A_183 = tpu.memref_squeeze %dma_wait3A_182 : memref<1x2x128xi32, #tpu.memory_space<hbm>> -> memref<2x128xi32, #tpu.memory_space<hbm>>
    tpu.wait_dma2 semaphore(%arg8 : memref<!tpu.dma_semaphore, #tpu.memory_space<semaphore_mem>>) src(%dma_wait3A_183 : memref<2x128xi32, #tpu.memory_space<hbm>>) dst(%dma_wait3A_179 : memref<2x128xi32, #tpu.memory_space<vmem>>)
    %dma_start3A_184 = arith.constant 0 : i32
    %dma_start3A_185 = arith.constant 0 : i32
    %dma_start3A_186 = arith.constant 0 : i32
    %dma_start3A_187 = arith.constant 0 : i32
    %dma_start3A_188 = tpu.memref_slice %arg6[%dma_start3A_186, %dma_start3A_187] : memref<256x128xf32, #tpu.memory_space<vmem>> -> memref<128x128xf32, #tpu.memory_space<vmem>>
    %dma_start3A_189 = arith.constant 0 : i32
    %dma_start3A_190 = tpu.memref_slice %arg5[%dma_start3A_184, %dma_start3A_185, %dma_start3A_189] : memref<8x2x128xi32, #tpu.memory_space<vmem>> -> memref<1x1x128xi32, #tpu.memory_space<vmem>>
    %dma_start3A_191 = tpu.memref_squeeze %dma_start3A_190 : memref<1x1x128xi32, #tpu.memory_space<vmem>> -> memref<128xi32, #tpu.memory_space<vmem>>
    %dma_start3A_192 = arith.constant 0 : i32
    %dma_start3A_193 = arith.constant 0 : i32
    %dma_start3A_194 = tpu.memref_slice %arg2[%dma_start3A_192, %dma_start3A_193] : memref<10240x128xf32, #tpu.memory_space<hbm>> -> memref<10240x128xf32, #tpu.memory_space<hbm>>
    tpu.enqueue_indirect_dma source(%dma_start3A_194 : memref<10240x128xf32, #tpu.memory_space<hbm>>) target(%dma_start3A_188 : memref<128x128xf32, #tpu.memory_space<vmem>>) offsets(%dma_start3A_191 : memref<128xi32, #tpu.memory_space<vmem>>) semaphore(%arg16 : memref<!tpu.dma_semaphore, #tpu.memory_space<semaphore_mem>>)
    %add3A_195 = arith.constant 1 : i32
    %add3A_196 = arith.addi %mul3A_14, %add3A_195 : i32
    %dma_wait3A_197 = arith.constant 1 : i32
    %dma_wait3A_198 = arith.constant 0 : i32
    %dma_wait3A_199 = arith.constant 0 : i32
    %dma_wait3A_200 = tpu.memref_slice %arg5[%dma_wait3A_197, %dma_wait3A_198, %dma_wait3A_199] : memref<8x2x128xi32, #tpu.memory_space<vmem>> -> memref<1x2x128xi32, #tpu.memory_space<vmem>>
    %dma_wait3A_201 = tpu.memref_squeeze %dma_wait3A_200 : memref<1x2x128xi32, #tpu.memory_space<vmem>> -> memref<2x128xi32, #tpu.memory_space<vmem>>
    %dma_wait3A_202 = arith.constant 0 : i32
    %dma_wait3A_203 = arith.constant 0 : i32
    %dma_wait3A_204 = tpu.memref_slice %arg3[%add3A_196, %dma_wait3A_202, %dma_wait3A_203] : memref<2560x2x128xi32, #tpu.memory_space<hbm>> -> memref<1x2x128xi32, #tpu.memory_space<hbm>>
    %dma_wait3A_205 = tpu.memref_squeeze %dma_wait3A_204 : memref<1x2x128xi32, #tpu.memory_space<hbm>> -> memref<2x128xi32, #tpu.memory_space<hbm>>
    %dma_wait3A_206 = arith.constant 0 : i32
    %dma_wait3A_207 = arith.constant 0 : i32
    %dma_wait3A_208 = tpu.memref_slice %arg5[%dma_wait3A_197, %dma_wait3A_206, %dma_wait3A_207] : memref<8x2x128xi32, #tpu.memory_space<vmem>> -> memref<1x2x128xi32, #tpu.memory_space<vmem>>
    %dma_wait3A_209 = tpu.memref_squeeze %dma_wait3A_208 : memref<1x2x128xi32, #tpu.memory_space<vmem>> -> memref<2x128xi32, #tpu.memory_space<vmem>>
    %dma_wait3A_210 = arith.constant 0 : i32
    %dma_wait3A_211 = arith.constant 0 : i32
    %dma_wait3A_212 = tpu.memref_slice %arg3[%add3A_196, %dma_wait3A_210, %dma_wait3A_211] : memref<2560x2x128xi32, #tpu.memory_space<hbm>> -> memref<1x2x128xi32, #tpu.memory_space<hbm>>
    %dma_wait3A_213 = tpu.memref_squeeze %dma_wait3A_212 : memref<1x2x128xi32, #tpu.memory_space<hbm>> -> memref<2x128xi32, #tpu.memory_space<hbm>>
    tpu.wait_dma2 semaphore(%arg9 : memref<!tpu.dma_semaphore, #tpu.memory_space<semaphore_mem>>) src(%dma_wait3A_213 : memref<2x128xi32, #tpu.memory_space<hbm>>) dst(%dma_wait3A_209 : memref<2x128xi32, #tpu.memory_space<vmem>>)
    %dma_start3A_214 = arith.constant 1 : i32
    %dma_start3A_215 = arith.constant 0 : i32
    %dma_start3A_216 = arith.constant 128 : i32
    %dma_start3A_217 = arith.constant 0 : i32
    %dma_start3A_218 = tpu.memref_slice %arg6[%dma_start3A_216, %dma_start3A_217] : memref<256x128xf32, #tpu.memory_space<vmem>> -> memref<128x128xf32, #tpu.memory_space<vmem>>
    %dma_start3A_219 = arith.constant 0 : i32
    %dma_start3A_220 = tpu.memref_slice %arg5[%dma_start3A_214, %dma_start3A_215, %dma_start3A_219] : memref<8x2x128xi32, #tpu.memory_space<vmem>> -> memref<1x1x128xi32, #tpu.memory_space<vmem>>
    %dma_start3A_221 = tpu.memref_squeeze %dma_start3A_220 : memref<1x1x128xi32, #tpu.memory_space<vmem>> -> memref<128xi32, #tpu.memory_space<vmem>>
    %dma_start3A_222 = arith.constant 0 : i32
    %dma_start3A_223 = arith.constant 0 : i32
    %dma_start3A_224 = tpu.memref_slice %arg2[%dma_start3A_222, %dma_start3A_223] : memref<10240x128xf32, #tpu.memory_space<hbm>> -> memref<10240x128xf32, #tpu.memory_space<hbm>>
    tpu.enqueue_indirect_dma source(%dma_start3A_224 : memref<10240x128xf32, #tpu.memory_space<hbm>>) target(%dma_start3A_218 : memref<128x128xf32, #tpu.memory_space<vmem>>) offsets(%dma_start3A_221 : memref<128xi32, #tpu.memory_space<vmem>>) semaphore(%arg17 : memref<!tpu.dma_semaphore, #tpu.memory_space<semaphore_mem>>)
    %scan3A_225 = arith.constant 0 : i32
    %scan3A_226 = arith.constant 10 : i32
    %scan3A_227 = arith.addi %scan3A_225, %scan3A_226 : i32
    %scan3A_228 = arith.constant 1 : i32
    scf.for %scan3A_235 = %scan3A_225 to %scan3A_227 step %scan3A_228  : i32 {
      %mul3A_236 = arith.constant 8 : i32
      %mul3A_237 = arith.muli %scan3A_235, %mul3A_236 : i32
      %add3A_238 = arith.constant 0 : i32
      %add3A_239 = arith.addi %add3A_238, %mul3A_237 : i32
      %add3A_240 = arith.constant 0 : i32
      %add3A_241 = arith.addi %add3A_239, %add3A_240 : i32
      %dma_wait3A_242 = arith.constant 0 : i32
      %dma_wait3A_243 = arith.constant 0 : i32
      %dma_wait3A_244 = arith.constant 0 : i32
      %dma_wait3A_245 = arith.constant 0 : i32
      %dma_wait3A_246 = tpu.memref_slice %arg6[%dma_wait3A_244, %dma_wait3A_245] : memref<256x128xf32, #tpu.memory_space<vmem>> -> memref<128x128xf32, #tpu.memory_space<vmem>>
      %dma_wait3A_247 = arith.constant 0 : i32
      %dma_wait3A_248 = tpu.memref_slice %arg5[%dma_wait3A_242, %dma_wait3A_243, %dma_wait3A_247] : memref<8x2x128xi32, #tpu.memory_space<vmem>> -> memref<1x1x128xi32, #tpu.memory_space<vmem>>
      %dma_wait3A_249 = tpu.memref_squeeze %dma_wait3A_248 : memref<1x1x128xi32, #tpu.memory_space<vmem>> -> memref<128xi32, #tpu.memory_space<vmem>>
      %dma_wait3A_250 = arith.constant 0 : i32
      %dma_wait3A_251 = arith.constant 0 : i32
      %dma_wait3A_252 = tpu.memref_slice %arg2[%dma_wait3A_250, %dma_wait3A_251] : memref<10240x128xf32, #tpu.memory_space<hbm>> -> memref<10240x128xf32, #tpu.memory_space<hbm>>
      tpu.wait_indirect_dma semaphore(%arg16 : memref<!tpu.dma_semaphore, #tpu.memory_space<semaphore_mem>>) src(%dma_wait3A_252 : memref<10240x128xf32, #tpu.memory_space<hbm>>) dst(%dma_wait3A_246 : memref<128x128xf32, #tpu.memory_space<vmem>>)
      %run_scoped3A = arith.constant 0 : i32
      %run_scoped3A_253 = arith.constant 1 : i32
      "tpu.region"() ({
        %run_scoped3A_468 = tpu.sem_alloc : memref<!tpu.dma_semaphore, #tpu.memory_space<semaphore_mem>>
        %dma_start3A_469 = arith.constant 0 : i32
        %dma_start3A_470 = arith.constant 0 : i32
        %dma_start3A_471 = tpu.memref_slice %arg6[%dma_start3A_469, %dma_start3A_470] : memref<256x128xf32, #tpu.memory_space<vmem>> -> memref<128x128xf32, #tpu.memory_space<vmem>>
        %dma_start3A_472 = arith.constant 0 : i32
        %dma_start3A_473 = tpu.memref_slice %arg5[%run_scoped3A, %run_scoped3A_253, %dma_start3A_472] : memref<8x2x128xi32, #tpu.memory_space<vmem>> -> memref<1x1x128xi32, #tpu.memory_space<vmem>>
        %dma_start3A_474 = tpu.memref_squeeze %dma_start3A_473 : memref<1x1x128xi32, #tpu.memory_space<vmem>> -> memref<128xi32, #tpu.memory_space<vmem>>
        %dma_start3A_475 = arith.constant 0 : i32
        %dma_start3A_476 = arith.constant 0 : i32
        %dma_start3A_477 = tpu.memref_slice %arg7[%dma_start3A_475, %dma_start3A_476] : memref<10240x128xf32, #tpu.memory_space<vmem_shared>> -> memref<10240x128xf32, #tpu.memory_space<vmem_shared>>
        tpu.enqueue_indirect_dma source(%dma_start3A_471 : memref<128x128xf32, #tpu.memory_space<vmem>>) target(%dma_start3A_477 : memref<10240x128xf32, #tpu.memory_space<vmem_shared>>) offsets(%dma_start3A_474 : memref<128xi32, #tpu.memory_space<vmem>>) semaphore(%run_scoped3A_468 : memref<!tpu.dma_semaphore, #tpu.memory_space<semaphore_mem>>) {add = true}
        %dma_wait3A_478 = arith.constant 0 : i32
        %dma_wait3A_479 = arith.constant 0 : i32
        %dma_wait3A_480 = tpu.memref_slice %arg6[%dma_wait3A_478, %dma_wait3A_479] : memref<256x128xf32, #tpu.memory_space<vmem>> -> memref<128x128xf32, #tpu.memory_space<vmem>>
        %dma_wait3A_481 = arith.constant 0 : i32
        %dma_wait3A_482 = tpu.memref_slice %arg5[%run_scoped3A, %run_scoped3A_253, %dma_wait3A_481] : memref<8x2x128xi32, #tpu.memory_space<vmem>> -> memref<1x1x128xi32, #tpu.memory_space<vmem>>
        %dma_wait3A_483 = tpu.memref_squeeze %dma_wait3A_482 : memref<1x1x128xi32, #tpu.memory_space<vmem>> -> memref<128xi32, #tpu.memory_space<vmem>>
        %dma_wait3A_484 = arith.constant 0 : i32
        %dma_wait3A_485 = arith.constant 0 : i32
        %dma_wait3A_486 = tpu.memref_slice %arg7[%dma_wait3A_484, %dma_wait3A_485] : memref<10240x128xf32, #tpu.memory_space<vmem_shared>> -> memref<10240x128xf32, #tpu.memory_space<vmem_shared>>
        tpu.wait_indirect_dma semaphore(%run_scoped3A_468 : memref<!tpu.dma_semaphore, #tpu.memory_space<semaphore_mem>>) src(%dma_wait3A_480 : memref<128x128xf32, #tpu.memory_space<vmem>>) dst(%dma_wait3A_486 : memref<10240x128xf32, #tpu.memory_space<vmem_shared>>)
        tpu.yield
      }) : () -> ()
      %add3A_254 = arith.constant 8 : i32
      %add3A_255 = arith.addi %add3A_241, %add3A_254 : i32
      %lt3A = arith.constant 80 : i32
      %lt3A_256 = arith.cmpi slt, %add3A_255, %lt3A : i32
      %convert_element_type3A = arith.extui %lt3A_256 : i1 to i32
      %cond3A = arith.constant 0 : i32
      %cond3A_257 = arith.cmpi ne, %convert_element_type3A, %cond3A : i32
      scf.if %cond3A_257 {
        %add3A_468 = arith.constant 8 : i32
        %add3A_469 = arith.addi %add3A_241, %add3A_468 : i32
        %add3A_470 = arith.addi %mul3A_14, %add3A_469 : i32
        %dma_start3A_471 = arith.constant 0 : i32
        %dma_start3A_472 = arith.constant 0 : i32
        %dma_start3A_473 = arith.constant 0 : i32
        %dma_start3A_474 = tpu.memref_slice %arg5[%dma_start3A_471, %dma_start3A_472, %dma_start3A_473] : memref<8x2x128xi32, #tpu.memory_space<vmem>> -> memref<1x2x128xi32, #tpu.memory_space<vmem>>
        %dma_start3A_475 = tpu.memref_squeeze %dma_start3A_474 : memref<1x2x128xi32, #tpu.memory_space<vmem>> -> memref<2x128xi32, #tpu.memory_space<vmem>>
        %dma_start3A_476 = arith.constant 0 : i32
        %dma_start3A_477 = arith.constant 0 : i32
        %dma_start3A_478 = tpu.memref_slice %arg3[%add3A_470, %dma_start3A_476, %dma_start3A_477] : memref<2560x2x128xi32, #tpu.memory_space<hbm>> -> memref<1x2x128xi32, #tpu.memory_space<hbm>>
        %dma_start3A_479 = tpu.memref_squeeze %dma_start3A_478 : memref<1x2x128xi32, #tpu.memory_space<hbm>> -> memref<2x128xi32, #tpu.memory_space<hbm>>
        %dma_start3A_480 = arith.constant 0 : i32
        %dma_start3A_481 = arith.constant 0 : i32
        %dma_start3A_482 = tpu.memref_slice %arg5[%dma_start3A_471, %dma_start3A_480, %dma_start3A_481] : memref<8x2x128xi32, #tpu.memory_space<vmem>> -> memref<1x2x128xi32, #tpu.memory_space<vmem>>
        %dma_start3A_483 = tpu.memref_squeeze %dma_start3A_482 : memref<1x2x128xi32, #tpu.memory_space<vmem>> -> memref<2x128xi32, #tpu.memory_space<vmem>>
        %dma_start3A_484 = arith.constant 0 : i32
        %dma_start3A_485 = arith.constant 0 : i32
        %dma_start3A_486 = tpu.memref_slice %arg3[%add3A_470, %dma_start3A_484, %dma_start3A_485] : memref<2560x2x128xi32, #tpu.memory_space<hbm>> -> memref<1x2x128xi32, #tpu.memory_space<hbm>>
        %dma_start3A_487 = tpu.memref_squeeze %dma_start3A_486 : memref<1x2x128xi32, #tpu.memory_space<hbm>> -> memref<2x128xi32, #tpu.memory_space<hbm>>
        tpu.enqueue_dma source(%dma_start3A_487 : memref<2x128xi32, #tpu.memory_space<hbm>>) target(%dma_start3A_483 : memref<2x128xi32, #tpu.memory_space<vmem>>) target_semaphore(%arg8 : memref<!tpu.dma_semaphore, #tpu.memory_space<semaphore_mem>>)
      } else {
      }
      %add3A_258 = arith.constant 2 : i32
      %add3A_259 = arith.addi %add3A_241, %add3A_258 : i32
      %lt3A_260 = arith.constant 80 : i32
      %lt3A_261 = arith.cmpi slt, %add3A_259, %lt3A_260 : i32
      %convert_element_type3A_262 = arith.extui %lt3A_261 : i1 to i32
      %cond3A_263 = arith.constant 0 : i32
      %cond3A_264 = arith.cmpi ne, %convert_element_type3A_262, %cond3A_263 : i32
      scf.if %cond3A_264 {
        %add3A_468 = arith.constant 2 : i32
        %add3A_469 = arith.addi %add3A_241, %add3A_468 : i32
        %add3A_470 = arith.addi %mul3A_14, %add3A_469 : i32
        %dma_wait3A_471 = arith.constant 2 : i32
        %dma_wait3A_472 = arith.constant 0 : i32
        %dma_wait3A_473 = arith.constant 0 : i32
        %dma_wait3A_474 = tpu.memref_slice %arg5[%dma_wait3A_471, %dma_wait3A_472, %dma_wait3A_473] : memref<8x2x128xi32, #tpu.memory_space<vmem>> -> memref<1x2x128xi32, #tpu.memory_space<vmem>>
        %dma_wait3A_475 = tpu.memref_squeeze %dma_wait3A_474 : memref<1x2x128xi32, #tpu.memory_space<vmem>> -> memref<2x128xi32, #tpu.memory_space<vmem>>
        %dma_wait3A_476 = arith.constant 0 : i32
        %dma_wait3A_477 = arith.constant 0 : i32
        %dma_wait3A_478 = tpu.memref_slice %arg3[%add3A_470, %dma_wait3A_476, %dma_wait3A_477] : memref<2560x2x128xi32, #tpu.memory_space<hbm>> -> memref<1x2x128xi32, #tpu.memory_space<hbm>>
        %dma_wait3A_479 = tpu.memref_squeeze %dma_wait3A_478 : memref<1x2x128xi32, #tpu.memory_space<hbm>> -> memref<2x128xi32, #tpu.memory_space<hbm>>
        %dma_wait3A_480 = arith.constant 0 : i32
        %dma_wait3A_481 = arith.constant 0 : i32
        %dma_wait3A_482 = tpu.memref_slice %arg5[%dma_wait3A_471, %dma_wait3A_480, %dma_wait3A_481] : memref<8x2x128xi32, #tpu.memory_space<vmem>> -> memref<1x2x128xi32, #tpu.memory_space<vmem>>
        %dma_wait3A_483 = tpu.memref_squeeze %dma_wait3A_482 : memref<1x2x128xi32, #tpu.memory_space<vmem>> -> memref<2x128xi32, #tpu.memory_space<vmem>>
        %dma_wait3A_484 = arith.constant 0 : i32
        %dma_wait3A_485 = arith.constant 0 : i32
        %dma_wait3A_486 = tpu.memref_slice %arg3[%add3A_470, %dma_wait3A_484, %dma_wait3A_485] : memref<2560x2x128xi32, #tpu.memory_space<hbm>> -> memref<1x2x128xi32, #tpu.memory_space<hbm>>
        %dma_wait3A_487 = tpu.memref_squeeze %dma_wait3A_486 : memref<1x2x128xi32, #tpu.memory_space<hbm>> -> memref<2x128xi32, #tpu.memory_space<hbm>>
        tpu.wait_dma2 semaphore(%arg10 : memref<!tpu.dma_semaphore, #tpu.memory_space<semaphore_mem>>) src(%dma_wait3A_487 : memref<2x128xi32, #tpu.memory_space<hbm>>) dst(%dma_wait3A_483 : memref<2x128xi32, #tpu.memory_space<vmem>>)
        %dma_start3A_488 = arith.constant 2 : i32
        %dma_start3A_489 = arith.constant 0 : i32
        %dma_start3A_490 = arith.constant 0 : i32
        %dma_start3A_491 = arith.constant 0 : i32
        %dma_start3A_492 = tpu.memref_slice %arg6[%dma_start3A_490, %dma_start3A_491] : memref<256x128xf32, #tpu.memory_space<vmem>> -> memref<128x128xf32, #tpu.memory_space<vmem>>
        %dma_start3A_493 = arith.constant 0 : i32
        %dma_start3A_494 = tpu.memref_slice %arg5[%dma_start3A_488, %dma_start3A_489, %dma_start3A_493] : memref<8x2x128xi32, #tpu.memory_space<vmem>> -> memref<1x1x128xi32, #tpu.memory_space<vmem>>
        %dma_start3A_495 = tpu.memref_squeeze %dma_start3A_494 : memref<1x1x128xi32, #tpu.memory_space<vmem>> -> memref<128xi32, #tpu.memory_space<vmem>>
        %dma_start3A_496 = arith.constant 0 : i32
        %dma_start3A_497 = arith.constant 0 : i32
        %dma_start3A_498 = tpu.memref_slice %arg2[%dma_start3A_496, %dma_start3A_497] : memref<10240x128xf32, #tpu.memory_space<hbm>> -> memref<10240x128xf32, #tpu.memory_space<hbm>>
        tpu.enqueue_indirect_dma source(%dma_start3A_498 : memref<10240x128xf32, #tpu.memory_space<hbm>>) target(%dma_start3A_492 : memref<128x128xf32, #tpu.memory_space<vmem>>) offsets(%dma_start3A_495 : memref<128xi32, #tpu.memory_space<vmem>>) semaphore(%arg16 : memref<!tpu.dma_semaphore, #tpu.memory_space<semaphore_mem>>)
      } else {
      }
      %add3A_265 = arith.constant 1 : i32
      %add3A_266 = arith.addi %add3A_239, %add3A_265 : i32
      %dma_wait3A_267 = arith.constant 1 : i32
      %dma_wait3A_268 = arith.constant 0 : i32
      %dma_wait3A_269 = arith.constant 128 : i32
      %dma_wait3A_270 = arith.constant 0 : i32
      %dma_wait3A_271 = tpu.memref_slice %arg6[%dma_wait3A_269, %dma_wait3A_270] : memref<256x128xf32, #tpu.memory_space<vmem>> -> memref<128x128xf32, #tpu.memory_space<vmem>>
      %dma_wait3A_272 = arith.constant 0 : i32
      %dma_wait3A_273 = tpu.memref_slice %arg5[%dma_wait3A_267, %dma_wait3A_268, %dma_wait3A_272] : memref<8x2x128xi32, #tpu.memory_space<vmem>> -> memref<1x1x128xi32, #tpu.memory_space<vmem>>
      %dma_wait3A_274 = tpu.memref_squeeze %dma_wait3A_273 : memref<1x1x128xi32, #tpu.memory_space<vmem>> -> memref<128xi32, #tpu.memory_space<vmem>>
      %dma_wait3A_275 = arith.constant 0 : i32
      %dma_wait3A_276 = arith.constant 0 : i32
      %dma_wait3A_277 = tpu.memref_slice %arg2[%dma_wait3A_275, %dma_wait3A_276] : memref<10240x128xf32, #tpu.memory_space<hbm>> -> memref<10240x128xf32, #tpu.memory_space<hbm>>
      tpu.wait_indirect_dma semaphore(%arg17 : memref<!tpu.dma_semaphore, #tpu.memory_space<semaphore_mem>>) src(%dma_wait3A_277 : memref<10240x128xf32, #tpu.memory_space<hbm>>) dst(%dma_wait3A_271 : memref<128x128xf32, #tpu.memory_space<vmem>>)
      %run_scoped3A_278 = arith.constant 1 : i32
      %run_scoped3A_279 = arith.constant 1 : i32
      "tpu.region"() ({
        %run_scoped3A_468 = tpu.sem_alloc : memref<!tpu.dma_semaphore, #tpu.memory_space<semaphore_mem>>
        %dma_start3A_469 = arith.constant 128 : i32
        %dma_start3A_470 = arith.constant 0 : i32
        %dma_start3A_471 = tpu.memref_slice %arg6[%dma_start3A_469, %dma_start3A_470] : memref<256x128xf32, #tpu.memory_space<vmem>> -> memref<128x128xf32, #tpu.memory_space<vmem>>
        %dma_start3A_472 = arith.constant 0 : i32
        %dma_start3A_473 = tpu.memref_slice %arg5[%run_scoped3A_278, %run_scoped3A_279, %dma_start3A_472] : memref<8x2x128xi32, #tpu.memory_space<vmem>> -> memref<1x1x128xi32, #tpu.memory_space<vmem>>
        %dma_start3A_474 = tpu.memref_squeeze %dma_start3A_473 : memref<1x1x128xi32, #tpu.memory_space<vmem>> -> memref<128xi32, #tpu.memory_space<vmem>>
        %dma_start3A_475 = arith.constant 0 : i32
        %dma_start3A_476 = arith.constant 0 : i32
        %dma_start3A_477 = tpu.memref_slice %arg7[%dma_start3A_475, %dma_start3A_476] : memref<10240x128xf32, #tpu.memory_space<vmem_shared>> -> memref<10240x128xf32, #tpu.memory_space<vmem_shared>>
        tpu.enqueue_indirect_dma source(%dma_start3A_471 : memref<128x128xf32, #tpu.memory_space<vmem>>) target(%dma_start3A_477 : memref<10240x128xf32, #tpu.memory_space<vmem_shared>>) offsets(%dma_start3A_474 : memref<128xi32, #tpu.memory_space<vmem>>) semaphore(%run_scoped3A_468 : memref<!tpu.dma_semaphore, #tpu.memory_space<semaphore_mem>>) {add = true}
        %dma_wait3A_478 = arith.constant 128 : i32
        %dma_wait3A_479 = arith.constant 0 : i32
        %dma_wait3A_480 = tpu.memref_slice %arg6[%dma_wait3A_478, %dma_wait3A_479] : memref<256x128xf32, #tpu.memory_space<vmem>> -> memref<128x128xf32, #tpu.memory_space<vmem>>
        %dma_wait3A_481 = arith.constant 0 : i32
        %dma_wait3A_482 = tpu.memref_slice %arg5[%run_scoped3A_278, %run_scoped3A_279, %dma_wait3A_481] : memref<8x2x128xi32, #tpu.memory_space<vmem>> -> memref<1x1x128xi32, #tpu.memory_space<vmem>>
        %dma_wait3A_483 = tpu.memref_squeeze %dma_wait3A_482 : memref<1x1x128xi32, #tpu.memory_space<vmem>> -> memref<128xi32, #tpu.memory_space<vmem>>
        %dma_wait3A_484 = arith.constant 0 : i32
        %dma_wait3A_485 = arith.constant 0 : i32
        %dma_wait3A_486 = tpu.memref_slice %arg7[%dma_wait3A_484, %dma_wait3A_485] : memref<10240x128xf32, #tpu.memory_space<vmem_shared>> -> memref<10240x128xf32, #tpu.memory_space<vmem_shared>>
        tpu.wait_indirect_dma semaphore(%run_scoped3A_468 : memref<!tpu.dma_semaphore, #tpu.memory_space<semaphore_mem>>) src(%dma_wait3A_480 : memref<128x128xf32, #tpu.memory_space<vmem>>) dst(%dma_wait3A_486 : memref<10240x128xf32, #tpu.memory_space<vmem_shared>>)
        tpu.yield
      }) : () -> ()
      %add3A_280 = arith.constant 8 : i32
      %add3A_281 = arith.addi %add3A_266, %add3A_280 : i32
      %lt3A_282 = arith.constant 80 : i32
      %lt3A_283 = arith.cmpi slt, %add3A_281, %lt3A_282 : i32
      %convert_element_type3A_284 = arith.extui %lt3A_283 : i1 to i32
      %cond3A_285 = arith.constant 0 : i32
      %cond3A_286 = arith.cmpi ne, %convert_element_type3A_284, %cond3A_285 : i32
      scf.if %cond3A_286 {
        %add3A_468 = arith.constant 8 : i32
        %add3A_469 = arith.addi %add3A_266, %add3A_468 : i32
        %add3A_470 = arith.addi %mul3A_14, %add3A_469 : i32
        %dma_start3A_471 = arith.constant 1 : i32
        %dma_start3A_472 = arith.constant 0 : i32
        %dma_start3A_473 = arith.constant 0 : i32
        %dma_start3A_474 = tpu.memref_slice %arg5[%dma_start3A_471, %dma_start3A_472, %dma_start3A_473] : memref<8x2x128xi32, #tpu.memory_space<vmem>> -> memref<1x2x128xi32, #tpu.memory_space<vmem>>
        %dma_start3A_475 = tpu.memref_squeeze %dma_start3A_474 : memref<1x2x128xi32, #tpu.memory_space<vmem>> -> memref<2x128xi32, #tpu.memory_space<vmem>>
        %dma_start3A_476 = arith.constant 0 : i32
        %dma_start3A_477 = arith.constant 0 : i32
        %dma_start3A_478 = tpu.memref_slice %arg3[%add3A_470, %dma_start3A_476, %dma_start3A_477] : memref<2560x2x128xi32, #tpu.memory_space<hbm>> -> memref<1x2x128xi32, #tpu.memory_space<hbm>>
        %dma_start3A_479 = tpu.memref_squeeze %dma_start3A_478 : memref<1x2x128xi32, #tpu.memory_space<hbm>> -> memref<2x128xi32, #tpu.memory_space<hbm>>
        %dma_start3A_480 = arith.constant 0 : i32
        %dma_start3A_481 = arith.constant 0 : i32
        %dma_start3A_482 = tpu.memref_slice %arg5[%dma_start3A_471, %dma_start3A_480, %dma_start3A_481] : memref<8x2x128xi32, #tpu.memory_space<vmem>> -> memref<1x2x128xi32, #tpu.memory_space<vmem>>
        %dma_start3A_483 = tpu.memref_squeeze %dma_start3A_482 : memref<1x2x128xi32, #tpu.memory_space<vmem>> -> memref<2x128xi32, #tpu.memory_space<vmem>>
        %dma_start3A_484 = arith.constant 0 : i32
        %dma_start3A_485 = arith.constant 0 : i32
        %dma_start3A_486 = tpu.memref_slice %arg3[%add3A_470, %dma_start3A_484, %dma_start3A_485] : memref<2560x2x128xi32, #tpu.memory_space<hbm>> -> memref<1x2x128xi32, #tpu.memory_space<hbm>>
        %dma_start3A_487 = tpu.memref_squeeze %dma_start3A_486 : memref<1x2x128xi32, #tpu.memory_space<hbm>> -> memref<2x128xi32, #tpu.memory_space<hbm>>
        tpu.enqueue_dma source(%dma_start3A_487 : memref<2x128xi32, #tpu.memory_space<hbm>>) target(%dma_start3A_483 : memref<2x128xi32, #tpu.memory_space<vmem>>) target_semaphore(%arg9 : memref<!tpu.dma_semaphore, #tpu.memory_space<semaphore_mem>>)
      } else {
      }
      %add3A_287 = arith.constant 2 : i32
      %add3A_288 = arith.addi %add3A_266, %add3A_287 : i32
      %lt3A_289 = arith.constant 80 : i32
      %lt3A_290 = arith.cmpi slt, %add3A_288, %lt3A_289 : i32
      %convert_element_type3A_291 = arith.extui %lt3A_290 : i1 to i32
      %cond3A_292 = arith.constant 0 : i32
      %cond3A_293 = arith.cmpi ne, %convert_element_type3A_291, %cond3A_292 : i32
      scf.if %cond3A_293 {
        %add3A_468 = arith.constant 2 : i32
        %add3A_469 = arith.addi %add3A_266, %add3A_468 : i32
        %add3A_470 = arith.addi %mul3A_14, %add3A_469 : i32
        %dma_wait3A_471 = arith.constant 3 : i32
        %dma_wait3A_472 = arith.constant 0 : i32
        %dma_wait3A_473 = arith.constant 0 : i32
        %dma_wait3A_474 = tpu.memref_slice %arg5[%dma_wait3A_471, %dma_wait3A_472, %dma_wait3A_473] : memref<8x2x128xi32, #tpu.memory_space<vmem>> -> memref<1x2x128xi32, #tpu.memory_space<vmem>>
        %dma_wait3A_475 = tpu.memref_squeeze %dma_wait3A_474 : memref<1x2x128xi32, #tpu.memory_space<vmem>> -> memref<2x128xi32, #tpu.memory_space<vmem>>
        %dma_wait3A_476 = arith.constant 0 : i32
        %dma_wait3A_477 = arith.constant 0 : i32
        %dma_wait3A_478 = tpu.memref_slice %arg3[%add3A_470, %dma_wait3A_476, %dma_wait3A_477] : memref<2560x2x128xi32, #tpu.memory_space<hbm>> -> memref<1x2x128xi32, #tpu.memory_space<hbm>>
        %dma_wait3A_479 = tpu.memref_squeeze %dma_wait3A_478 : memref<1x2x128xi32, #tpu.memory_space<hbm>> -> memref<2x128xi32, #tpu.memory_space<hbm>>
        %dma_wait3A_480 = arith.constant 0 : i32
        %dma_wait3A_481 = arith.constant 0 : i32
        %dma_wait3A_482 = tpu.memref_slice %arg5[%dma_wait3A_471, %dma_wait3A_480, %dma_wait3A_481] : memref<8x2x128xi32, #tpu.memory_space<vmem>> -> memref<1x2x128xi32, #tpu.memory_space<vmem>>
        %dma_wait3A_483 = tpu.memref_squeeze %dma_wait3A_482 : memref<1x2x128xi32, #tpu.memory_space<vmem>> -> memref<2x128xi32, #tpu.memory_space<vmem>>
        %dma_wait3A_484 = arith.constant 0 : i32
        %dma_wait3A_485 = arith.constant 0 : i32
        %dma_wait3A_486 = tpu.memref_slice %arg3[%add3A_470, %dma_wait3A_484, %dma_wait3A_485] : memref<2560x2x128xi32, #tpu.memory_space<hbm>> -> memref<1x2x128xi32, #tpu.memory_space<hbm>>
        %dma_wait3A_487 = tpu.memref_squeeze %dma_wait3A_486 : memref<1x2x128xi32, #tpu.memory_space<hbm>> -> memref<2x128xi32, #tpu.memory_space<hbm>>
        tpu.wait_dma2 semaphore(%arg11 : memref<!tpu.dma_semaphore, #tpu.memory_space<semaphore_mem>>) src(%dma_wait3A_487 : memref<2x128xi32, #tpu.memory_space<hbm>>) dst(%dma_wait3A_483 : memref<2x128xi32, #tpu.memory_space<vmem>>)
        %dma_start3A_488 = arith.constant 3 : i32
        %dma_start3A_489 = arith.constant 0 : i32
        %dma_start3A_490 = arith.constant 128 : i32
        %dma_start3A_491 = arith.constant 0 : i32
        %dma_start3A_492 = tpu.memref_slice %arg6[%dma_start3A_490, %dma_start3A_491] : memref<256x128xf32, #tpu.memory_space<vmem>> -> memref<128x128xf32, #tpu.memory_space<vmem>>
        %dma_start3A_493 = arith.constant 0 : i32
        %dma_start3A_494 = tpu.memref_slice %arg5[%dma_start3A_488, %dma_start3A_489, %dma_start3A_493] : memref<8x2x128xi32, #tpu.memory_space<vmem>> -> memref<1x1x128xi32, #tpu.memory_space<vmem>>
        %dma_start3A_495 = tpu.memref_squeeze %dma_start3A_494 : memref<1x1x128xi32, #tpu.memory_space<vmem>> -> memref<128xi32, #tpu.memory_space<vmem>>
        %dma_start3A_496 = arith.constant 0 : i32
        %dma_start3A_497 = arith.constant 0 : i32
        %dma_start3A_498 = tpu.memref_slice %arg2[%dma_start3A_496, %dma_start3A_497] : memref<10240x128xf32, #tpu.memory_space<hbm>> -> memref<10240x128xf32, #tpu.memory_space<hbm>>
        tpu.enqueue_indirect_dma source(%dma_start3A_498 : memref<10240x128xf32, #tpu.memory_space<hbm>>) target(%dma_start3A_492 : memref<128x128xf32, #tpu.memory_space<vmem>>) offsets(%dma_start3A_495 : memref<128xi32, #tpu.memory_space<vmem>>) semaphore(%arg17 : memref<!tpu.dma_semaphore, #tpu.memory_space<semaphore_mem>>)
      } else {
      }
      %add3A_294 = arith.constant 2 : i32
      %add3A_295 = arith.addi %add3A_239, %add3A_294 : i32
      %dma_wait3A_296 = arith.constant 2 : i32
      %dma_wait3A_297 = arith.constant 0 : i32
      %dma_wait3A_298 = arith.constant 0 : i32
      %dma_wait3A_299 = arith.constant 0 : i32
      %dma_wait3A_300 = tpu.memref_slice %arg6[%dma_wait3A_298, %dma_wait3A_299] : memref<256x128xf32, #tpu.memory_space<vmem>> -> memref<128x128xf32, #tpu.memory_space<vmem>>
      %dma_wait3A_301 = arith.constant 0 : i32
      %dma_wait3A_302 = tpu.memref_slice %arg5[%dma_wait3A_296, %dma_wait3A_297, %dma_wait3A_301] : memref<8x2x128xi32, #tpu.memory_space<vmem>> -> memref<1x1x128xi32, #tpu.memory_space<vmem>>
      %dma_wait3A_303 = tpu.memref_squeeze %dma_wait3A_302 : memref<1x1x128xi32, #tpu.memory_space<vmem>> -> memref<128xi32, #tpu.memory_space<vmem>>
      %dma_wait3A_304 = arith.constant 0 : i32
      %dma_wait3A_305 = arith.constant 0 : i32
      %dma_wait3A_306 = tpu.memref_slice %arg2[%dma_wait3A_304, %dma_wait3A_305] : memref<10240x128xf32, #tpu.memory_space<hbm>> -> memref<10240x128xf32, #tpu.memory_space<hbm>>
      tpu.wait_indirect_dma semaphore(%arg16 : memref<!tpu.dma_semaphore, #tpu.memory_space<semaphore_mem>>) src(%dma_wait3A_306 : memref<10240x128xf32, #tpu.memory_space<hbm>>) dst(%dma_wait3A_300 : memref<128x128xf32, #tpu.memory_space<vmem>>)
      %run_scoped3A_307 = arith.constant 2 : i32
      %run_scoped3A_308 = arith.constant 1 : i32
      "tpu.region"() ({
        %run_scoped3A_468 = tpu.sem_alloc : memref<!tpu.dma_semaphore, #tpu.memory_space<semaphore_mem>>
        %dma_start3A_469 = arith.constant 0 : i32
        %dma_start3A_470 = arith.constant 0 : i32
        %dma_start3A_471 = tpu.memref_slice %arg6[%dma_start3A_469, %dma_start3A_470] : memref<256x128xf32, #tpu.memory_space<vmem>> -> memref<128x128xf32, #tpu.memory_space<vmem>>
        %dma_start3A_472 = arith.constant 0 : i32
        %dma_start3A_473 = tpu.memref_slice %arg5[%run_scoped3A_307, %run_scoped3A_308, %dma_start3A_472] : memref<8x2x128xi32, #tpu.memory_space<vmem>> -> memref<1x1x128xi32, #tpu.memory_space<vmem>>
        %dma_start3A_474 = tpu.memref_squeeze %dma_start3A_473 : memref<1x1x128xi32, #tpu.memory_space<vmem>> -> memref<128xi32, #tpu.memory_space<vmem>>
        %dma_start3A_475 = arith.constant 0 : i32
        %dma_start3A_476 = arith.constant 0 : i32
        %dma_start3A_477 = tpu.memref_slice %arg7[%dma_start3A_475, %dma_start3A_476] : memref<10240x128xf32, #tpu.memory_space<vmem_shared>> -> memref<10240x128xf32, #tpu.memory_space<vmem_shared>>
        tpu.enqueue_indirect_dma source(%dma_start3A_471 : memref<128x128xf32, #tpu.memory_space<vmem>>) target(%dma_start3A_477 : memref<10240x128xf32, #tpu.memory_space<vmem_shared>>) offsets(%dma_start3A_474 : memref<128xi32, #tpu.memory_space<vmem>>) semaphore(%run_scoped3A_468 : memref<!tpu.dma_semaphore, #tpu.memory_space<semaphore_mem>>) {add = true}
        %dma_wait3A_478 = arith.constant 0 : i32
        %dma_wait3A_479 = arith.constant 0 : i32
        %dma_wait3A_480 = tpu.memref_slice %arg6[%dma_wait3A_478, %dma_wait3A_479] : memref<256x128xf32, #tpu.memory_space<vmem>> -> memref<128x128xf32, #tpu.memory_space<vmem>>
        %dma_wait3A_481 = arith.constant 0 : i32
        %dma_wait3A_482 = tpu.memref_slice %arg5[%run_scoped3A_307, %run_scoped3A_308, %dma_wait3A_481] : memref<8x2x128xi32, #tpu.memory_space<vmem>> -> memref<1x1x128xi32, #tpu.memory_space<vmem>>
        %dma_wait3A_483 = tpu.memref_squeeze %dma_wait3A_482 : memref<1x1x128xi32, #tpu.memory_space<vmem>> -> memref<128xi32, #tpu.memory_space<vmem>>
        %dma_wait3A_484 = arith.constant 0 : i32
        %dma_wait3A_485 = arith.constant 0 : i32
        %dma_wait3A_486 = tpu.memref_slice %arg7[%dma_wait3A_484, %dma_wait3A_485] : memref<10240x128xf32, #tpu.memory_space<vmem_shared>> -> memref<10240x128xf32, #tpu.memory_space<vmem_shared>>
        tpu.wait_indirect_dma semaphore(%run_scoped3A_468 : memref<!tpu.dma_semaphore, #tpu.memory_space<semaphore_mem>>) src(%dma_wait3A_480 : memref<128x128xf32, #tpu.memory_space<vmem>>) dst(%dma_wait3A_486 : memref<10240x128xf32, #tpu.memory_space<vmem_shared>>)
        tpu.yield
      }) : () -> ()
      %add3A_309 = arith.constant 8 : i32
      %add3A_310 = arith.addi %add3A_295, %add3A_309 : i32
      %lt3A_311 = arith.constant 80 : i32
      %lt3A_312 = arith.cmpi slt, %add3A_310, %lt3A_311 : i32
      %convert_element_type3A_313 = arith.extui %lt3A_312 : i1 to i32
      %cond3A_314 = arith.constant 0 : i32
      %cond3A_315 = arith.cmpi ne, %convert_element_type3A_313, %cond3A_314 : i32
      scf.if %cond3A_315 {
        %add3A_468 = arith.constant 8 : i32
        %add3A_469 = arith.addi %add3A_295, %add3A_468 : i32
        %add3A_470 = arith.addi %mul3A_14, %add3A_469 : i32
        %dma_start3A_471 = arith.constant 2 : i32
        %dma_start3A_472 = arith.constant 0 : i32
        %dma_start3A_473 = arith.constant 0 : i32
        %dma_start3A_474 = tpu.memref_slice %arg5[%dma_start3A_471, %dma_start3A_472, %dma_start3A_473] : memref<8x2x128xi32, #tpu.memory_space<vmem>> -> memref<1x2x128xi32, #tpu.memory_space<vmem>>
        %dma_start3A_475 = tpu.memref_squeeze %dma_start3A_474 : memref<1x2x128xi32, #tpu.memory_space<vmem>> -> memref<2x128xi32, #tpu.memory_space<vmem>>
        %dma_start3A_476 = arith.constant 0 : i32
        %dma_start3A_477 = arith.constant 0 : i32
        %dma_start3A_478 = tpu.memref_slice %arg3[%add3A_470, %dma_start3A_476, %dma_start3A_477] : memref<2560x2x128xi32, #tpu.memory_space<hbm>> -> memref<1x2x128xi32, #tpu.memory_space<hbm>>
        %dma_start3A_479 = tpu.memref_squeeze %dma_start3A_478 : memref<1x2x128xi32, #tpu.memory_space<hbm>> -> memref<2x128xi32, #tpu.memory_space<hbm>>
        %dma_start3A_480 = arith.constant 0 : i32
        %dma_start3A_481 = arith.constant 0 : i32
        %dma_start3A_482 = tpu.memref_slice %arg5[%dma_start3A_471, %dma_start3A_480, %dma_start3A_481] : memref<8x2x128xi32, #tpu.memory_space<vmem>> -> memref<1x2x128xi32, #tpu.memory_space<vmem>>
        %dma_start3A_483 = tpu.memref_squeeze %dma_start3A_482 : memref<1x2x128xi32, #tpu.memory_space<vmem>> -> memref<2x128xi32, #tpu.memory_space<vmem>>
        %dma_start3A_484 = arith.constant 0 : i32
        %dma_start3A_485 = arith.constant 0 : i32
        %dma_start3A_486 = tpu.memref_slice %arg3[%add3A_470, %dma_start3A_484, %dma_start3A_485] : memref<2560x2x128xi32, #tpu.memory_space<hbm>> -> memref<1x2x128xi32, #tpu.memory_space<hbm>>
        %dma_start3A_487 = tpu.memref_squeeze %dma_start3A_486 : memref<1x2x128xi32, #tpu.memory_space<hbm>> -> memref<2x128xi32, #tpu.memory_space<hbm>>
        tpu.enqueue_dma source(%dma_start3A_487 : memref<2x128xi32, #tpu.memory_space<hbm>>) target(%dma_start3A_483 : memref<2x128xi32, #tpu.memory_space<vmem>>) target_semaphore(%arg10 : memref<!tpu.dma_semaphore, #tpu.memory_space<semaphore_mem>>)
      } else {
      }
      %add3A_316 = arith.constant 2 : i32
      %add3A_317 = arith.addi %add3A_295, %add3A_316 : i32
      %lt3A_318 = arith.constant 80 : i32
      %lt3A_319 = arith.cmpi slt, %add3A_317, %lt3A_318 : i32
      %convert_element_type3A_320 = arith.extui %lt3A_319 : i1 to i32
      %cond3A_321 = arith.constant 0 : i32
      %cond3A_322 = arith.cmpi ne, %convert_element_type3A_320, %cond3A_321 : i32
      scf.if %cond3A_322 {
        %add3A_468 = arith.constant 2 : i32
        %add3A_469 = arith.addi %add3A_295, %add3A_468 : i32
        %add3A_470 = arith.addi %mul3A_14, %add3A_469 : i32
        %dma_wait3A_471 = arith.constant 4 : i32
        %dma_wait3A_472 = arith.constant 0 : i32
        %dma_wait3A_473 = arith.constant 0 : i32
        %dma_wait3A_474 = tpu.memref_slice %arg5[%dma_wait3A_471, %dma_wait3A_472, %dma_wait3A_473] : memref<8x2x128xi32, #tpu.memory_space<vmem>> -> memref<1x2x128xi32, #tpu.memory_space<vmem>>
        %dma_wait3A_475 = tpu.memref_squeeze %dma_wait3A_474 : memref<1x2x128xi32, #tpu.memory_space<vmem>> -> memref<2x128xi32, #tpu.memory_space<vmem>>
        %dma_wait3A_476 = arith.constant 0 : i32
        %dma_wait3A_477 = arith.constant 0 : i32
        %dma_wait3A_478 = tpu.memref_slice %arg3[%add3A_470, %dma_wait3A_476, %dma_wait3A_477] : memref<2560x2x128xi32, #tpu.memory_space<hbm>> -> memref<1x2x128xi32, #tpu.memory_space<hbm>>
        %dma_wait3A_479 = tpu.memref_squeeze %dma_wait3A_478 : memref<1x2x128xi32, #tpu.memory_space<hbm>> -> memref<2x128xi32, #tpu.memory_space<hbm>>
        %dma_wait3A_480 = arith.constant 0 : i32
        %dma_wait3A_481 = arith.constant 0 : i32
        %dma_wait3A_482 = tpu.memref_slice %arg5[%dma_wait3A_471, %dma_wait3A_480, %dma_wait3A_481] : memref<8x2x128xi32, #tpu.memory_space<vmem>> -> memref<1x2x128xi32, #tpu.memory_space<vmem>>
        %dma_wait3A_483 = tpu.memref_squeeze %dma_wait3A_482 : memref<1x2x128xi32, #tpu.memory_space<vmem>> -> memref<2x128xi32, #tpu.memory_space<vmem>>
        %dma_wait3A_484 = arith.constant 0 : i32
        %dma_wait3A_485 = arith.constant 0 : i32
        %dma_wait3A_486 = tpu.memref_slice %arg3[%add3A_470, %dma_wait3A_484, %dma_wait3A_485] : memref<2560x2x128xi32, #tpu.memory_space<hbm>> -> memref<1x2x128xi32, #tpu.memory_space<hbm>>
        %dma_wait3A_487 = tpu.memref_squeeze %dma_wait3A_486 : memref<1x2x128xi32, #tpu.memory_space<hbm>> -> memref<2x128xi32, #tpu.memory_space<hbm>>
        tpu.wait_dma2 semaphore(%arg12 : memref<!tpu.dma_semaphore, #tpu.memory_space<semaphore_mem>>) src(%dma_wait3A_487 : memref<2x128xi32, #tpu.memory_space<hbm>>) dst(%dma_wait3A_483 : memref<2x128xi32, #tpu.memory_space<vmem>>)
        %dma_start3A_488 = arith.constant 4 : i32
        %dma_start3A_489 = arith.constant 0 : i32
        %dma_start3A_490 = arith.constant 0 : i32
        %dma_start3A_491 = arith.constant 0 : i32
        %dma_start3A_492 = tpu.memref_slice %arg6[%dma_start3A_490, %dma_start3A_491] : memref<256x128xf32, #tpu.memory_space<vmem>> -> memref<128x128xf32, #tpu.memory_space<vmem>>
        %dma_start3A_493 = arith.constant 0 : i32
        %dma_start3A_494 = tpu.memref_slice %arg5[%dma_start3A_488, %dma_start3A_489, %dma_start3A_493] : memref<8x2x128xi32, #tpu.memory_space<vmem>> -> memref<1x1x128xi32, #tpu.memory_space<vmem>>
        %dma_start3A_495 = tpu.memref_squeeze %dma_start3A_494 : memref<1x1x128xi32, #tpu.memory_space<vmem>> -> memref<128xi32, #tpu.memory_space<vmem>>
        %dma_start3A_496 = arith.constant 0 : i32
        %dma_start3A_497 = arith.constant 0 : i32
        %dma_start3A_498 = tpu.memref_slice %arg2[%dma_start3A_496, %dma_start3A_497] : memref<10240x128xf32, #tpu.memory_space<hbm>> -> memref<10240x128xf32, #tpu.memory_space<hbm>>
        tpu.enqueue_indirect_dma source(%dma_start3A_498 : memref<10240x128xf32, #tpu.memory_space<hbm>>) target(%dma_start3A_492 : memref<128x128xf32, #tpu.memory_space<vmem>>) offsets(%dma_start3A_495 : memref<128xi32, #tpu.memory_space<vmem>>) semaphore(%arg16 : memref<!tpu.dma_semaphore, #tpu.memory_space<semaphore_mem>>)
      } else {
      }
      %add3A_323 = arith.constant 3 : i32
      %add3A_324 = arith.addi %add3A_239, %add3A_323 : i32
      %dma_wait3A_325 = arith.constant 3 : i32
      %dma_wait3A_326 = arith.constant 0 : i32
      %dma_wait3A_327 = arith.constant 128 : i32
      %dma_wait3A_328 = arith.constant 0 : i32
      %dma_wait3A_329 = tpu.memref_slice %arg6[%dma_wait3A_327, %dma_wait3A_328] : memref<256x128xf32, #tpu.memory_space<vmem>> -> memref<128x128xf32, #tpu.memory_space<vmem>>
      %dma_wait3A_330 = arith.constant 0 : i32
      %dma_wait3A_331 = tpu.memref_slice %arg5[%dma_wait3A_325, %dma_wait3A_326, %dma_wait3A_330] : memref<8x2x128xi32, #tpu.memory_space<vmem>> -> memref<1x1x128xi32, #tpu.memory_space<vmem>>
      %dma_wait3A_332 = tpu.memref_squeeze %dma_wait3A_331 : memref<1x1x128xi32, #tpu.memory_space<vmem>> -> memref<128xi32, #tpu.memory_space<vmem>>
      %dma_wait3A_333 = arith.constant 0 : i32
      %dma_wait3A_334 = arith.constant 0 : i32
      %dma_wait3A_335 = tpu.memref_slice %arg2[%dma_wait3A_333, %dma_wait3A_334] : memref<10240x128xf32, #tpu.memory_space<hbm>> -> memref<10240x128xf32, #tpu.memory_space<hbm>>
      tpu.wait_indirect_dma semaphore(%arg17 : memref<!tpu.dma_semaphore, #tpu.memory_space<semaphore_mem>>) src(%dma_wait3A_335 : memref<10240x128xf32, #tpu.memory_space<hbm>>) dst(%dma_wait3A_329 : memref<128x128xf32, #tpu.memory_space<vmem>>)
      %run_scoped3A_336 = arith.constant 3 : i32
      %run_scoped3A_337 = arith.constant 1 : i32
      "tpu.region"() ({
        %run_scoped3A_468 = tpu.sem_alloc : memref<!tpu.dma_semaphore, #tpu.memory_space<semaphore_mem>>
        %dma_start3A_469 = arith.constant 128 : i32
        %dma_start3A_470 = arith.constant 0 : i32
        %dma_start3A_471 = tpu.memref_slice %arg6[%dma_start3A_469, %dma_start3A_470] : memref<256x128xf32, #tpu.memory_space<vmem>> -> memref<128x128xf32, #tpu.memory_space<vmem>>
        %dma_start3A_472 = arith.constant 0 : i32
        %dma_start3A_473 = tpu.memref_slice %arg5[%run_scoped3A_336, %run_scoped3A_337, %dma_start3A_472] : memref<8x2x128xi32, #tpu.memory_space<vmem>> -> memref<1x1x128xi32, #tpu.memory_space<vmem>>
        %dma_start3A_474 = tpu.memref_squeeze %dma_start3A_473 : memref<1x1x128xi32, #tpu.memory_space<vmem>> -> memref<128xi32, #tpu.memory_space<vmem>>
        %dma_start3A_475 = arith.constant 0 : i32
        %dma_start3A_476 = arith.constant 0 : i32
        %dma_start3A_477 = tpu.memref_slice %arg7[%dma_start3A_475, %dma_start3A_476] : memref<10240x128xf32, #tpu.memory_space<vmem_shared>> -> memref<10240x128xf32, #tpu.memory_space<vmem_shared>>
        tpu.enqueue_indirect_dma source(%dma_start3A_471 : memref<128x128xf32, #tpu.memory_space<vmem>>) target(%dma_start3A_477 : memref<10240x128xf32, #tpu.memory_space<vmem_shared>>) offsets(%dma_start3A_474 : memref<128xi32, #tpu.memory_space<vmem>>) semaphore(%run_scoped3A_468 : memref<!tpu.dma_semaphore, #tpu.memory_space<semaphore_mem>>) {add = true}
        %dma_wait3A_478 = arith.constant 128 : i32
        %dma_wait3A_479 = arith.constant 0 : i32
        %dma_wait3A_480 = tpu.memref_slice %arg6[%dma_wait3A_478, %dma_wait3A_479] : memref<256x128xf32, #tpu.memory_space<vmem>> -> memref<128x128xf32, #tpu.memory_space<vmem>>
        %dma_wait3A_481 = arith.constant 0 : i32
        %dma_wait3A_482 = tpu.memref_slice %arg5[%run_scoped3A_336, %run_scoped3A_337, %dma_wait3A_481] : memref<8x2x128xi32, #tpu.memory_space<vmem>> -> memref<1x1x128xi32, #tpu.memory_space<vmem>>
        %dma_wait3A_483 = tpu.memref_squeeze %dma_wait3A_482 : memref<1x1x128xi32, #tpu.memory_space<vmem>> -> memref<128xi32, #tpu.memory_space<vmem>>
        %dma_wait3A_484 = arith.constant 0 : i32
        %dma_wait3A_485 = arith.constant 0 : i32
        %dma_wait3A_486 = tpu.memref_slice %arg7[%dma_wait3A_484, %dma_wait3A_485] : memref<10240x128xf32, #tpu.memory_space<vmem_shared>> -> memref<10240x128xf32, #tpu.memory_space<vmem_shared>>
        tpu.wait_indirect_dma semaphore(%run_scoped3A_468 : memref<!tpu.dma_semaphore, #tpu.memory_space<semaphore_mem>>) src(%dma_wait3A_480 : memref<128x128xf32, #tpu.memory_space<vmem>>) dst(%dma_wait3A_486 : memref<10240x128xf32, #tpu.memory_space<vmem_shared>>)
        tpu.yield
      }) : () -> ()
      %add3A_338 = arith.constant 8 : i32
      %add3A_339 = arith.addi %add3A_324, %add3A_338 : i32
      %lt3A_340 = arith.constant 80 : i32
      %lt3A_341 = arith.cmpi slt, %add3A_339, %lt3A_340 : i32
      %convert_element_type3A_342 = arith.extui %lt3A_341 : i1 to i32
      %cond3A_343 = arith.constant 0 : i32
      %cond3A_344 = arith.cmpi ne, %convert_element_type3A_342, %cond3A_343 : i32
      scf.if %cond3A_344 {
        %add3A_468 = arith.constant 8 : i32
        %add3A_469 = arith.addi %add3A_324, %add3A_468 : i32
        %add3A_470 = arith.addi %mul3A_14, %add3A_469 : i32
        %dma_start3A_471 = arith.constant 3 : i32
        %dma_start3A_472 = arith.constant 0 : i32
        %dma_start3A_473 = arith.constant 0 : i32
        %dma_start3A_474 = tpu.memref_slice %arg5[%dma_start3A_471, %dma_start3A_472, %dma_start3A_473] : memref<8x2x128xi32, #tpu.memory_space<vmem>> -> memref<1x2x128xi32, #tpu.memory_space<vmem>>
        %dma_start3A_475 = tpu.memref_squeeze %dma_start3A_474 : memref<1x2x128xi32, #tpu.memory_space<vmem>> -> memref<2x128xi32, #tpu.memory_space<vmem>>
        %dma_start3A_476 = arith.constant 0 : i32
        %dma_start3A_477 = arith.constant 0 : i32
        %dma_start3A_478 = tpu.memref_slice %arg3[%add3A_470, %dma_start3A_476, %dma_start3A_477] : memref<2560x2x128xi32, #tpu.memory_space<hbm>> -> memref<1x2x128xi32, #tpu.memory_space<hbm>>
        %dma_start3A_479 = tpu.memref_squeeze %dma_start3A_478 : memref<1x2x128xi32, #tpu.memory_space<hbm>> -> memref<2x128xi32, #tpu.memory_space<hbm>>
        %dma_start3A_480 = arith.constant 0 : i32
        %dma_start3A_481 = arith.constant 0 : i32
        %dma_start3A_482 = tpu.memref_slice %arg5[%dma_start3A_471, %dma_start3A_480, %dma_start3A_481] : memref<8x2x128xi32, #tpu.memory_space<vmem>> -> memref<1x2x128xi32, #tpu.memory_space<vmem>>
        %dma_start3A_483 = tpu.memref_squeeze %dma_start3A_482 : memref<1x2x128xi32, #tpu.memory_space<vmem>> -> memref<2x128xi32, #tpu.memory_space<vmem>>
        %dma_start3A_484 = arith.constant 0 : i32
        %dma_start3A_485 = arith.constant 0 : i32
        %dma_start3A_486 = tpu.memref_slice %arg3[%add3A_470, %dma_start3A_484, %dma_start3A_485] : memref<2560x2x128xi32, #tpu.memory_space<hbm>> -> memref<1x2x128xi32, #tpu.memory_space<hbm>>
        %dma_start3A_487 = tpu.memref_squeeze %dma_start3A_486 : memref<1x2x128xi32, #tpu.memory_space<hbm>> -> memref<2x128xi32, #tpu.memory_space<hbm>>
        tpu.enqueue_dma source(%dma_start3A_487 : memref<2x128xi32, #tpu.memory_space<hbm>>) target(%dma_start3A_483 : memref<2x128xi32, #tpu.memory_space<vmem>>) target_semaphore(%arg11 : memref<!tpu.dma_semaphore, #tpu.memory_space<semaphore_mem>>)
      } else {
      }
      %add3A_345 = arith.constant 2 : i32
      %add3A_346 = arith.addi %add3A_324, %add3A_345 : i32
      %lt3A_347 = arith.constant 80 : i32
      %lt3A_348 = arith.cmpi slt, %add3A_346, %lt3A_347 : i32
      %convert_element_type3A_349 = arith.extui %lt3A_348 : i1 to i32
      %cond3A_350 = arith.constant 0 : i32
      %cond3A_351 = arith.cmpi ne, %convert_element_type3A_349, %cond3A_350 : i32
      scf.if %cond3A_351 {
        %add3A_468 = arith.constant 2 : i32
        %add3A_469 = arith.addi %add3A_324, %add3A_468 : i32
        %add3A_470 = arith.addi %mul3A_14, %add3A_469 : i32
        %dma_wait3A_471 = arith.constant 5 : i32
        %dma_wait3A_472 = arith.constant 0 : i32
        %dma_wait3A_473 = arith.constant 0 : i32
        %dma_wait3A_474 = tpu.memref_slice %arg5[%dma_wait3A_471, %dma_wait3A_472, %dma_wait3A_473] : memref<8x2x128xi32, #tpu.memory_space<vmem>> -> memref<1x2x128xi32, #tpu.memory_space<vmem>>
        %dma_wait3A_475 = tpu.memref_squeeze %dma_wait3A_474 : memref<1x2x128xi32, #tpu.memory_space<vmem>> -> memref<2x128xi32, #tpu.memory_space<vmem>>
        %dma_wait3A_476 = arith.constant 0 : i32
        %dma_wait3A_477 = arith.constant 0 : i32
        %dma_wait3A_478 = tpu.memref_slice %arg3[%add3A_470, %dma_wait3A_476, %dma_wait3A_477] : memref<2560x2x128xi32, #tpu.memory_space<hbm>> -> memref<1x2x128xi32, #tpu.memory_space<hbm>>
        %dma_wait3A_479 = tpu.memref_squeeze %dma_wait3A_478 : memref<1x2x128xi32, #tpu.memory_space<hbm>> -> memref<2x128xi32, #tpu.memory_space<hbm>>
        %dma_wait3A_480 = arith.constant 0 : i32
        %dma_wait3A_481 = arith.constant 0 : i32
        %dma_wait3A_482 = tpu.memref_slice %arg5[%dma_wait3A_471, %dma_wait3A_480, %dma_wait3A_481] : memref<8x2x128xi32, #tpu.memory_space<vmem>> -> memref<1x2x128xi32, #tpu.memory_space<vmem>>
        %dma_wait3A_483 = tpu.memref_squeeze %dma_wait3A_482 : memref<1x2x128xi32, #tpu.memory_space<vmem>> -> memref<2x128xi32, #tpu.memory_space<vmem>>
        %dma_wait3A_484 = arith.constant 0 : i32
        %dma_wait3A_485 = arith.constant 0 : i32
        %dma_wait3A_486 = tpu.memref_slice %arg3[%add3A_470, %dma_wait3A_484, %dma_wait3A_485] : memref<2560x2x128xi32, #tpu.memory_space<hbm>> -> memref<1x2x128xi32, #tpu.memory_space<hbm>>
        %dma_wait3A_487 = tpu.memref_squeeze %dma_wait3A_486 : memref<1x2x128xi32, #tpu.memory_space<hbm>> -> memref<2x128xi32, #tpu.memory_space<hbm>>
        tpu.wait_dma2 semaphore(%arg13 : memref<!tpu.dma_semaphore, #tpu.memory_space<semaphore_mem>>) src(%dma_wait3A_487 : memref<2x128xi32, #tpu.memory_space<hbm>>) dst(%dma_wait3A_483 : memref<2x128xi32, #tpu.memory_space<vmem>>)
        %dma_start3A_488 = arith.constant 5 : i32
        %dma_start3A_489 = arith.constant 0 : i32
        %dma_start3A_490 = arith.constant 128 : i32
        %dma_start3A_491 = arith.constant 0 : i32
        %dma_start3A_492 = tpu.memref_slice %arg6[%dma_start3A_490, %dma_start3A_491] : memref<256x128xf32, #tpu.memory_space<vmem>> -> memref<128x128xf32, #tpu.memory_space<vmem>>
        %dma_start3A_493 = arith.constant 0 : i32
        %dma_start3A_494 = tpu.memref_slice %arg5[%dma_start3A_488, %dma_start3A_489, %dma_start3A_493] : memref<8x2x128xi32, #tpu.memory_space<vmem>> -> memref<1x1x128xi32, #tpu.memory_space<vmem>>
        %dma_start3A_495 = tpu.memref_squeeze %dma_start3A_494 : memref<1x1x128xi32, #tpu.memory_space<vmem>> -> memref<128xi32, #tpu.memory_space<vmem>>
        %dma_start3A_496 = arith.constant 0 : i32
        %dma_start3A_497 = arith.constant 0 : i32
        %dma_start3A_498 = tpu.memref_slice %arg2[%dma_start3A_496, %dma_start3A_497] : memref<10240x128xf32, #tpu.memory_space<hbm>> -> memref<10240x128xf32, #tpu.memory_space<hbm>>
        tpu.enqueue_indirect_dma source(%dma_start3A_498 : memref<10240x128xf32, #tpu.memory_space<hbm>>) target(%dma_start3A_492 : memref<128x128xf32, #tpu.memory_space<vmem>>) offsets(%dma_start3A_495 : memref<128xi32, #tpu.memory_space<vmem>>) semaphore(%arg17 : memref<!tpu.dma_semaphore, #tpu.memory_space<semaphore_mem>>)
      } else {
      }
      %add3A_352 = arith.constant 4 : i32
      %add3A_353 = arith.addi %add3A_239, %add3A_352 : i32
      %dma_wait3A_354 = arith.constant 4 : i32
      %dma_wait3A_355 = arith.constant 0 : i32
      %dma_wait3A_356 = arith.constant 0 : i32
      %dma_wait3A_357 = arith.constant 0 : i32
      %dma_wait3A_358 = tpu.memref_slice %arg6[%dma_wait3A_356, %dma_wait3A_357] : memref<256x128xf32, #tpu.memory_space<vmem>> -> memref<128x128xf32, #tpu.memory_space<vmem>>
      %dma_wait3A_359 = arith.constant 0 : i32
      %dma_wait3A_360 = tpu.memref_slice %arg5[%dma_wait3A_354, %dma_wait3A_355, %dma_wait3A_359] : memref<8x2x128xi32, #tpu.memory_space<vmem>> -> memref<1x1x128xi32, #tpu.memory_space<vmem>>
      %dma_wait3A_361 = tpu.memref_squeeze %dma_wait3A_360 : memref<1x1x128xi32, #tpu.memory_space<vmem>> -> memref<128xi32, #tpu.memory_space<vmem>>
      %dma_wait3A_362 = arith.constant 0 : i32
      %dma_wait3A_363 = arith.constant 0 : i32
      %dma_wait3A_364 = tpu.memref_slice %arg2[%dma_wait3A_362, %dma_wait3A_363] : memref<10240x128xf32, #tpu.memory_space<hbm>> -> memref<10240x128xf32, #tpu.memory_space<hbm>>
      tpu.wait_indirect_dma semaphore(%arg16 : memref<!tpu.dma_semaphore, #tpu.memory_space<semaphore_mem>>) src(%dma_wait3A_364 : memref<10240x128xf32, #tpu.memory_space<hbm>>) dst(%dma_wait3A_358 : memref<128x128xf32, #tpu.memory_space<vmem>>)
      %run_scoped3A_365 = arith.constant 4 : i32
      %run_scoped3A_366 = arith.constant 1 : i32
      "tpu.region"() ({
        %run_scoped3A_468 = tpu.sem_alloc : memref<!tpu.dma_semaphore, #tpu.memory_space<semaphore_mem>>
        %dma_start3A_469 = arith.constant 0 : i32
        %dma_start3A_470 = arith.constant 0 : i32
        %dma_start3A_471 = tpu.memref_slice %arg6[%dma_start3A_469, %dma_start3A_470] : memref<256x128xf32, #tpu.memory_space<vmem>> -> memref<128x128xf32, #tpu.memory_space<vmem>>
        %dma_start3A_472 = arith.constant 0 : i32
        %dma_start3A_473 = tpu.memref_slice %arg5[%run_scoped3A_365, %run_scoped3A_366, %dma_start3A_472] : memref<8x2x128xi32, #tpu.memory_space<vmem>> -> memref<1x1x128xi32, #tpu.memory_space<vmem>>
        %dma_start3A_474 = tpu.memref_squeeze %dma_start3A_473 : memref<1x1x128xi32, #tpu.memory_space<vmem>> -> memref<128xi32, #tpu.memory_space<vmem>>
        %dma_start3A_475 = arith.constant 0 : i32
        %dma_start3A_476 = arith.constant 0 : i32
        %dma_start3A_477 = tpu.memref_slice %arg7[%dma_start3A_475, %dma_start3A_476] : memref<10240x128xf32, #tpu.memory_space<vmem_shared>> -> memref<10240x128xf32, #tpu.memory_space<vmem_shared>>
        tpu.enqueue_indirect_dma source(%dma_start3A_471 : memref<128x128xf32, #tpu.memory_space<vmem>>) target(%dma_start3A_477 : memref<10240x128xf32, #tpu.memory_space<vmem_shared>>) offsets(%dma_start3A_474 : memref<128xi32, #tpu.memory_space<vmem>>) semaphore(%run_scoped3A_468 : memref<!tpu.dma_semaphore, #tpu.memory_space<semaphore_mem>>) {add = true}
        %dma_wait3A_478 = arith.constant 0 : i32
        %dma_wait3A_479 = arith.constant 0 : i32
        %dma_wait3A_480 = tpu.memref_slice %arg6[%dma_wait3A_478, %dma_wait3A_479] : memref<256x128xf32, #tpu.memory_space<vmem>> -> memref<128x128xf32, #tpu.memory_space<vmem>>
        %dma_wait3A_481 = arith.constant 0 : i32
        %dma_wait3A_482 = tpu.memref_slice %arg5[%run_scoped3A_365, %run_scoped3A_366, %dma_wait3A_481] : memref<8x2x128xi32, #tpu.memory_space<vmem>> -> memref<1x1x128xi32, #tpu.memory_space<vmem>>
        %dma_wait3A_483 = tpu.memref_squeeze %dma_wait3A_482 : memref<1x1x128xi32, #tpu.memory_space<vmem>> -> memref<128xi32, #tpu.memory_space<vmem>>
        %dma_wait3A_484 = arith.constant 0 : i32
        %dma_wait3A_485 = arith.constant 0 : i32
        %dma_wait3A_486 = tpu.memref_slice %arg7[%dma_wait3A_484, %dma_wait3A_485] : memref<10240x128xf32, #tpu.memory_space<vmem_shared>> -> memref<10240x128xf32, #tpu.memory_space<vmem_shared>>
        tpu.wait_indirect_dma semaphore(%run_scoped3A_468 : memref<!tpu.dma_semaphore, #tpu.memory_space<semaphore_mem>>) src(%dma_wait3A_480 : memref<128x128xf32, #tpu.memory_space<vmem>>) dst(%dma_wait3A_486 : memref<10240x128xf32, #tpu.memory_space<vmem_shared>>)
        tpu.yield
      }) : () -> ()
      %add3A_367 = arith.constant 8 : i32
      %add3A_368 = arith.addi %add3A_353, %add3A_367 : i32
      %lt3A_369 = arith.constant 80 : i32
      %lt3A_370 = arith.cmpi slt, %add3A_368, %lt3A_369 : i32
      %convert_element_type3A_371 = arith.extui %lt3A_370 : i1 to i32
      %cond3A_372 = arith.constant 0 : i32
      %cond3A_373 = arith.cmpi ne, %convert_element_type3A_371, %cond3A_372 : i32
      scf.if %cond3A_373 {
        %add3A_468 = arith.constant 8 : i32
        %add3A_469 = arith.addi %add3A_353, %add3A_468 : i32
        %add3A_470 = arith.addi %mul3A_14, %add3A_469 : i32
        %dma_start3A_471 = arith.constant 4 : i32
        %dma_start3A_472 = arith.constant 0 : i32
        %dma_start3A_473 = arith.constant 0 : i32
        %dma_start3A_474 = tpu.memref_slice %arg5[%dma_start3A_471, %dma_start3A_472, %dma_start3A_473] : memref<8x2x128xi32, #tpu.memory_space<vmem>> -> memref<1x2x128xi32, #tpu.memory_space<vmem>>
        %dma_start3A_475 = tpu.memref_squeeze %dma_start3A_474 : memref<1x2x128xi32, #tpu.memory_space<vmem>> -> memref<2x128xi32, #tpu.memory_space<vmem>>
        %dma_start3A_476 = arith.constant 0 : i32
        %dma_start3A_477 = arith.constant 0 : i32
        %dma_start3A_478 = tpu.memref_slice %arg3[%add3A_470, %dma_start3A_476, %dma_start3A_477] : memref<2560x2x128xi32, #tpu.memory_space<hbm>> -> memref<1x2x128xi32, #tpu.memory_space<hbm>>
        %dma_start3A_479 = tpu.memref_squeeze %dma_start3A_478 : memref<1x2x128xi32, #tpu.memory_space<hbm>> -> memref<2x128xi32, #tpu.memory_space<hbm>>
        %dma_start3A_480 = arith.constant 0 : i32
        %dma_start3A_481 = arith.constant 0 : i32
        %dma_start3A_482 = tpu.memref_slice %arg5[%dma_start3A_471, %dma_start3A_480, %dma_start3A_481] : memref<8x2x128xi32, #tpu.memory_space<vmem>> -> memref<1x2x128xi32, #tpu.memory_space<vmem>>
        %dma_start3A_483 = tpu.memref_squeeze %dma_start3A_482 : memref<1x2x128xi32, #tpu.memory_space<vmem>> -> memref<2x128xi32, #tpu.memory_space<vmem>>
        %dma_start3A_484 = arith.constant 0 : i32
        %dma_start3A_485 = arith.constant 0 : i32
        %dma_start3A_486 = tpu.memref_slice %arg3[%add3A_470, %dma_start3A_484, %dma_start3A_485] : memref<2560x2x128xi32, #tpu.memory_space<hbm>> -> memref<1x2x128xi32, #tpu.memory_space<hbm>>
        %dma_start3A_487 = tpu.memref_squeeze %dma_start3A_486 : memref<1x2x128xi32, #tpu.memory_space<hbm>> -> memref<2x128xi32, #tpu.memory_space<hbm>>
        tpu.enqueue_dma source(%dma_start3A_487 : memref<2x128xi32, #tpu.memory_space<hbm>>) target(%dma_start3A_483 : memref<2x128xi32, #tpu.memory_space<vmem>>) target_semaphore(%arg12 : memref<!tpu.dma_semaphore, #tpu.memory_space<semaphore_mem>>)
      } else {
      }
      %add3A_374 = arith.constant 2 : i32
      %add3A_375 = arith.addi %add3A_353, %add3A_374 : i32
      %lt3A_376 = arith.constant 80 : i32
      %lt3A_377 = arith.cmpi slt, %add3A_375, %lt3A_376 : i32
      %convert_element_type3A_378 = arith.extui %lt3A_377 : i1 to i32
      %cond3A_379 = arith.constant 0 : i32
      %cond3A_380 = arith.cmpi ne, %convert_element_type3A_378, %cond3A_379 : i32
      scf.if %cond3A_380 {
        %add3A_468 = arith.constant 2 : i32
        %add3A_469 = arith.addi %add3A_353, %add3A_468 : i32
        %add3A_470 = arith.addi %mul3A_14, %add3A_469 : i32
        %dma_wait3A_471 = arith.constant 6 : i32
        %dma_wait3A_472 = arith.constant 0 : i32
        %dma_wait3A_473 = arith.constant 0 : i32
        %dma_wait3A_474 = tpu.memref_slice %arg5[%dma_wait3A_471, %dma_wait3A_472, %dma_wait3A_473] : memref<8x2x128xi32, #tpu.memory_space<vmem>> -> memref<1x2x128xi32, #tpu.memory_space<vmem>>
        %dma_wait3A_475 = tpu.memref_squeeze %dma_wait3A_474 : memref<1x2x128xi32, #tpu.memory_space<vmem>> -> memref<2x128xi32, #tpu.memory_space<vmem>>
        %dma_wait3A_476 = arith.constant 0 : i32
        %dma_wait3A_477 = arith.constant 0 : i32
        %dma_wait3A_478 = tpu.memref_slice %arg3[%add3A_470, %dma_wait3A_476, %dma_wait3A_477] : memref<2560x2x128xi32, #tpu.memory_space<hbm>> -> memref<1x2x128xi32, #tpu.memory_space<hbm>>
        %dma_wait3A_479 = tpu.memref_squeeze %dma_wait3A_478 : memref<1x2x128xi32, #tpu.memory_space<hbm>> -> memref<2x128xi32, #tpu.memory_space<hbm>>
        %dma_wait3A_480 = arith.constant 0 : i32
        %dma_wait3A_481 = arith.constant 0 : i32
        %dma_wait3A_482 = tpu.memref_slice %arg5[%dma_wait3A_471, %dma_wait3A_480, %dma_wait3A_481] : memref<8x2x128xi32, #tpu.memory_space<vmem>> -> memref<1x2x128xi32, #tpu.memory_space<vmem>>
        %dma_wait3A_483 = tpu.memref_squeeze %dma_wait3A_482 : memref<1x2x128xi32, #tpu.memory_space<vmem>> -> memref<2x128xi32, #tpu.memory_space<vmem>>
        %dma_wait3A_484 = arith.constant 0 : i32
        %dma_wait3A_485 = arith.constant 0 : i32
        %dma_wait3A_486 = tpu.memref_slice %arg3[%add3A_470, %dma_wait3A_484, %dma_wait3A_485] : memref<2560x2x128xi32, #tpu.memory_space<hbm>> -> memref<1x2x128xi32, #tpu.memory_space<hbm>>
        %dma_wait3A_487 = tpu.memref_squeeze %dma_wait3A_486 : memref<1x2x128xi32, #tpu.memory_space<hbm>> -> memref<2x128xi32, #tpu.memory_space<hbm>>
        tpu.wait_dma2 semaphore(%arg14 : memref<!tpu.dma_semaphore, #tpu.memory_space<semaphore_mem>>) src(%dma_wait3A_487 : memref<2x128xi32, #tpu.memory_space<hbm>>) dst(%dma_wait3A_483 : memref<2x128xi32, #tpu.memory_space<vmem>>)
        %dma_start3A_488 = arith.constant 6 : i32
        %dma_start3A_489 = arith.constant 0 : i32
        %dma_start3A_490 = arith.constant 0 : i32
        %dma_start3A_491 = arith.constant 0 : i32
        %dma_start3A_492 = tpu.memref_slice %arg6[%dma_start3A_490, %dma_start3A_491] : memref<256x128xf32, #tpu.memory_space<vmem>> -> memref<128x128xf32, #tpu.memory_space<vmem>>
        %dma_start3A_493 = arith.constant 0 : i32
        %dma_start3A_494 = tpu.memref_slice %arg5[%dma_start3A_488, %dma_start3A_489, %dma_start3A_493] : memref<8x2x128xi32, #tpu.memory_space<vmem>> -> memref<1x1x128xi32, #tpu.memory_space<vmem>>
        %dma_start3A_495 = tpu.memref_squeeze %dma_start3A_494 : memref<1x1x128xi32, #tpu.memory_space<vmem>> -> memref<128xi32, #tpu.memory_space<vmem>>
        %dma_start3A_496 = arith.constant 0 : i32
        %dma_start3A_497 = arith.constant 0 : i32
        %dma_start3A_498 = tpu.memref_slice %arg2[%dma_start3A_496, %dma_start3A_497] : memref<10240x128xf32, #tpu.memory_space<hbm>> -> memref<10240x128xf32, #tpu.memory_space<hbm>>
        tpu.enqueue_indirect_dma source(%dma_start3A_498 : memref<10240x128xf32, #tpu.memory_space<hbm>>) target(%dma_start3A_492 : memref<128x128xf32, #tpu.memory_space<vmem>>) offsets(%dma_start3A_495 : memref<128xi32, #tpu.memory_space<vmem>>) semaphore(%arg16 : memref<!tpu.dma_semaphore, #tpu.memory_space<semaphore_mem>>)
      } else {
      }
      %add3A_381 = arith.constant 5 : i32
      %add3A_382 = arith.addi %add3A_239, %add3A_381 : i32
      %dma_wait3A_383 = arith.constant 5 : i32
      %dma_wait3A_384 = arith.constant 0 : i32
      %dma_wait3A_385 = arith.constant 128 : i32
      %dma_wait3A_386 = arith.constant 0 : i32
      %dma_wait3A_387 = tpu.memref_slice %arg6[%dma_wait3A_385, %dma_wait3A_386] : memref<256x128xf32, #tpu.memory_space<vmem>> -> memref<128x128xf32, #tpu.memory_space<vmem>>
      %dma_wait3A_388 = arith.constant 0 : i32
      %dma_wait3A_389 = tpu.memref_slice %arg5[%dma_wait3A_383, %dma_wait3A_384, %dma_wait3A_388] : memref<8x2x128xi32, #tpu.memory_space<vmem>> -> memref<1x1x128xi32, #tpu.memory_space<vmem>>
      %dma_wait3A_390 = tpu.memref_squeeze %dma_wait3A_389 : memref<1x1x128xi32, #tpu.memory_space<vmem>> -> memref<128xi32, #tpu.memory_space<vmem>>
      %dma_wait3A_391 = arith.constant 0 : i32
      %dma_wait3A_392 = arith.constant 0 : i32
      %dma_wait3A_393 = tpu.memref_slice %arg2[%dma_wait3A_391, %dma_wait3A_392] : memref<10240x128xf32, #tpu.memory_space<hbm>> -> memref<10240x128xf32, #tpu.memory_space<hbm>>
      tpu.wait_indirect_dma semaphore(%arg17 : memref<!tpu.dma_semaphore, #tpu.memory_space<semaphore_mem>>) src(%dma_wait3A_393 : memref<10240x128xf32, #tpu.memory_space<hbm>>) dst(%dma_wait3A_387 : memref<128x128xf32, #tpu.memory_space<vmem>>)
      %run_scoped3A_394 = arith.constant 5 : i32
      %run_scoped3A_395 = arith.constant 1 : i32
      "tpu.region"() ({
        %run_scoped3A_468 = tpu.sem_alloc : memref<!tpu.dma_semaphore, #tpu.memory_space<semaphore_mem>>
        %dma_start3A_469 = arith.constant 128 : i32
        %dma_start3A_470 = arith.constant 0 : i32
        %dma_start3A_471 = tpu.memref_slice %arg6[%dma_start3A_469, %dma_start3A_470] : memref<256x128xf32, #tpu.memory_space<vmem>> -> memref<128x128xf32, #tpu.memory_space<vmem>>
        %dma_start3A_472 = arith.constant 0 : i32
        %dma_start3A_473 = tpu.memref_slice %arg5[%run_scoped3A_394, %run_scoped3A_395, %dma_start3A_472] : memref<8x2x128xi32, #tpu.memory_space<vmem>> -> memref<1x1x128xi32, #tpu.memory_space<vmem>>
        %dma_start3A_474 = tpu.memref_squeeze %dma_start3A_473 : memref<1x1x128xi32, #tpu.memory_space<vmem>> -> memref<128xi32, #tpu.memory_space<vmem>>
        %dma_start3A_475 = arith.constant 0 : i32
        %dma_start3A_476 = arith.constant 0 : i32
        %dma_start3A_477 = tpu.memref_slice %arg7[%dma_start3A_475, %dma_start3A_476] : memref<10240x128xf32, #tpu.memory_space<vmem_shared>> -> memref<10240x128xf32, #tpu.memory_space<vmem_shared>>
        tpu.enqueue_indirect_dma source(%dma_start3A_471 : memref<128x128xf32, #tpu.memory_space<vmem>>) target(%dma_start3A_477 : memref<10240x128xf32, #tpu.memory_space<vmem_shared>>) offsets(%dma_start3A_474 : memref<128xi32, #tpu.memory_space<vmem>>) semaphore(%run_scoped3A_468 : memref<!tpu.dma_semaphore, #tpu.memory_space<semaphore_mem>>) {add = true}
        %dma_wait3A_478 = arith.constant 128 : i32
        %dma_wait3A_479 = arith.constant 0 : i32
        %dma_wait3A_480 = tpu.memref_slice %arg6[%dma_wait3A_478, %dma_wait3A_479] : memref<256x128xf32, #tpu.memory_space<vmem>> -> memref<128x128xf32, #tpu.memory_space<vmem>>
        %dma_wait3A_481 = arith.constant 0 : i32
        %dma_wait3A_482 = tpu.memref_slice %arg5[%run_scoped3A_394, %run_scoped3A_395, %dma_wait3A_481] : memref<8x2x128xi32, #tpu.memory_space<vmem>> -> memref<1x1x128xi32, #tpu.memory_space<vmem>>
        %dma_wait3A_483 = tpu.memref_squeeze %dma_wait3A_482 : memref<1x1x128xi32, #tpu.memory_space<vmem>> -> memref<128xi32, #tpu.memory_space<vmem>>
        %dma_wait3A_484 = arith.constant 0 : i32
        %dma_wait3A_485 = arith.constant 0 : i32
        %dma_wait3A_486 = tpu.memref_slice %arg7[%dma_wait3A_484, %dma_wait3A_485] : memref<10240x128xf32, #tpu.memory_space<vmem_shared>> -> memref<10240x128xf32, #tpu.memory_space<vmem_shared>>
        tpu.wait_indirect_dma semaphore(%run_scoped3A_468 : memref<!tpu.dma_semaphore, #tpu.memory_space<semaphore_mem>>) src(%dma_wait3A_480 : memref<128x128xf32, #tpu.memory_space<vmem>>) dst(%dma_wait3A_486 : memref<10240x128xf32, #tpu.memory_space<vmem_shared>>)
        tpu.yield
      }) : () -> ()
      %add3A_396 = arith.constant 8 : i32
      %add3A_397 = arith.addi %add3A_382, %add3A_396 : i32
      %lt3A_398 = arith.constant 80 : i32
      %lt3A_399 = arith.cmpi slt, %add3A_397, %lt3A_398 : i32
      %convert_element_type3A_400 = arith.extui %lt3A_399 : i1 to i32
      %cond3A_401 = arith.constant 0 : i32
      %cond3A_402 = arith.cmpi ne, %convert_element_type3A_400, %cond3A_401 : i32
      scf.if %cond3A_402 {
        %add3A_468 = arith.constant 8 : i32
        %add3A_469 = arith.addi %add3A_382, %add3A_468 : i32
        %add3A_470 = arith.addi %mul3A_14, %add3A_469 : i32
        %dma_start3A_471 = arith.constant 5 : i32
        %dma_start3A_472 = arith.constant 0 : i32
        %dma_start3A_473 = arith.constant 0 : i32
        %dma_start3A_474 = tpu.memref_slice %arg5[%dma_start3A_471, %dma_start3A_472, %dma_start3A_473] : memref<8x2x128xi32, #tpu.memory_space<vmem>> -> memref<1x2x128xi32, #tpu.memory_space<vmem>>
        %dma_start3A_475 = tpu.memref_squeeze %dma_start3A_474 : memref<1x2x128xi32, #tpu.memory_space<vmem>> -> memref<2x128xi32, #tpu.memory_space<vmem>>
        %dma_start3A_476 = arith.constant 0 : i32
        %dma_start3A_477 = arith.constant 0 : i32
        %dma_start3A_478 = tpu.memref_slice %arg3[%add3A_470, %dma_start3A_476, %dma_start3A_477] : memref<2560x2x128xi32, #tpu.memory_space<hbm>> -> memref<1x2x128xi32, #tpu.memory_space<hbm>>
        %dma_start3A_479 = tpu.memref_squeeze %dma_start3A_478 : memref<1x2x128xi32, #tpu.memory_space<hbm>> -> memref<2x128xi32, #tpu.memory_space<hbm>>
        %dma_start3A_480 = arith.constant 0 : i32
        %dma_start3A_481 = arith.constant 0 : i32
        %dma_start3A_482 = tpu.memref_slice %arg5[%dma_start3A_471, %dma_start3A_480, %dma_start3A_481] : memref<8x2x128xi32, #tpu.memory_space<vmem>> -> memref<1x2x128xi32, #tpu.memory_space<vmem>>
        %dma_start3A_483 = tpu.memref_squeeze %dma_start3A_482 : memref<1x2x128xi32, #tpu.memory_space<vmem>> -> memref<2x128xi32, #tpu.memory_space<vmem>>
        %dma_start3A_484 = arith.constant 0 : i32
        %dma_start3A_485 = arith.constant 0 : i32
        %dma_start3A_486 = tpu.memref_slice %arg3[%add3A_470, %dma_start3A_484, %dma_start3A_485] : memref<2560x2x128xi32, #tpu.memory_space<hbm>> -> memref<1x2x128xi32, #tpu.memory_space<hbm>>
        %dma_start3A_487 = tpu.memref_squeeze %dma_start3A_486 : memref<1x2x128xi32, #tpu.memory_space<hbm>> -> memref<2x128xi32, #tpu.memory_space<hbm>>
        tpu.enqueue_dma source(%dma_start3A_487 : memref<2x128xi32, #tpu.memory_space<hbm>>) target(%dma_start3A_483 : memref<2x128xi32, #tpu.memory_space<vmem>>) target_semaphore(%arg13 : memref<!tpu.dma_semaphore, #tpu.memory_space<semaphore_mem>>)
      } else {
      }
      %add3A_403 = arith.constant 2 : i32
      %add3A_404 = arith.addi %add3A_382, %add3A_403 : i32
      %lt3A_405 = arith.constant 80 : i32
      %lt3A_406 = arith.cmpi slt, %add3A_404, %lt3A_405 : i32
      %convert_element_type3A_407 = arith.extui %lt3A_406 : i1 to i32
      %cond3A_408 = arith.constant 0 : i32
      %cond3A_409 = arith.cmpi ne, %convert_element_type3A_407, %cond3A_408 : i32
      scf.if %cond3A_409 {
        %add3A_468 = arith.constant 2 : i32
        %add3A_469 = arith.addi %add3A_382, %add3A_468 : i32
        %add3A_470 = arith.addi %mul3A_14, %add3A_469 : i32
        %dma_wait3A_471 = arith.constant 7 : i32
        %dma_wait3A_472 = arith.constant 0 : i32
        %dma_wait3A_473 = arith.constant 0 : i32
        %dma_wait3A_474 = tpu.memref_slice %arg5[%dma_wait3A_471, %dma_wait3A_472, %dma_wait3A_473] : memref<8x2x128xi32, #tpu.memory_space<vmem>> -> memref<1x2x128xi32, #tpu.memory_space<vmem>>
        %dma_wait3A_475 = tpu.memref_squeeze %dma_wait3A_474 : memref<1x2x128xi32, #tpu.memory_space<vmem>> -> memref<2x128xi32, #tpu.memory_space<vmem>>
        %dma_wait3A_476 = arith.constant 0 : i32
        %dma_wait3A_477 = arith.constant 0 : i32
        %dma_wait3A_478 = tpu.memref_slice %arg3[%add3A_470, %dma_wait3A_476, %dma_wait3A_477] : memref<2560x2x128xi32, #tpu.memory_space<hbm>> -> memref<1x2x128xi32, #tpu.memory_space<hbm>>
        %dma_wait3A_479 = tpu.memref_squeeze %dma_wait3A_478 : memref<1x2x128xi32, #tpu.memory_space<hbm>> -> memref<2x128xi32, #tpu.memory_space<hbm>>
        %dma_wait3A_480 = arith.constant 0 : i32
        %dma_wait3A_481 = arith.constant 0 : i32
        %dma_wait3A_482 = tpu.memref_slice %arg5[%dma_wait3A_471, %dma_wait3A_480, %dma_wait3A_481] : memref<8x2x128xi32, #tpu.memory_space<vmem>> -> memref<1x2x128xi32, #tpu.memory_space<vmem>>
        %dma_wait3A_483 = tpu.memref_squeeze %dma_wait3A_482 : memref<1x2x128xi32, #tpu.memory_space<vmem>> -> memref<2x128xi32, #tpu.memory_space<vmem>>
        %dma_wait3A_484 = arith.constant 0 : i32
        %dma_wait3A_485 = arith.constant 0 : i32
        %dma_wait3A_486 = tpu.memref_slice %arg3[%add3A_470, %dma_wait3A_484, %dma_wait3A_485] : memref<2560x2x128xi32, #tpu.memory_space<hbm>> -> memref<1x2x128xi32, #tpu.memory_space<hbm>>
        %dma_wait3A_487 = tpu.memref_squeeze %dma_wait3A_486 : memref<1x2x128xi32, #tpu.memory_space<hbm>> -> memref<2x128xi32, #tpu.memory_space<hbm>>
        tpu.wait_dma2 semaphore(%arg15 : memref<!tpu.dma_semaphore, #tpu.memory_space<semaphore_mem>>) src(%dma_wait3A_487 : memref<2x128xi32, #tpu.memory_space<hbm>>) dst(%dma_wait3A_483 : memref<2x128xi32, #tpu.memory_space<vmem>>)
        %dma_start3A_488 = arith.constant 7 : i32
        %dma_start3A_489 = arith.constant 0 : i32
        %dma_start3A_490 = arith.constant 128 : i32
        %dma_start3A_491 = arith.constant 0 : i32
        %dma_start3A_492 = tpu.memref_slice %arg6[%dma_start3A_490, %dma_start3A_491] : memref<256x128xf32, #tpu.memory_space<vmem>> -> memref<128x128xf32, #tpu.memory_space<vmem>>
        %dma_start3A_493 = arith.constant 0 : i32
        %dma_start3A_494 = tpu.memref_slice %arg5[%dma_start3A_488, %dma_start3A_489, %dma_start3A_493] : memref<8x2x128xi32, #tpu.memory_space<vmem>> -> memref<1x1x128xi32, #tpu.memory_space<vmem>>
        %dma_start3A_495 = tpu.memref_squeeze %dma_start3A_494 : memref<1x1x128xi32, #tpu.memory_space<vmem>> -> memref<128xi32, #tpu.memory_space<vmem>>
        %dma_start3A_496 = arith.constant 0 : i32
        %dma_start3A_497 = arith.constant 0 : i32
        %dma_start3A_498 = tpu.memref_slice %arg2[%dma_start3A_496, %dma_start3A_497] : memref<10240x128xf32, #tpu.memory_space<hbm>> -> memref<10240x128xf32, #tpu.memory_space<hbm>>
        tpu.enqueue_indirect_dma source(%dma_start3A_498 : memref<10240x128xf32, #tpu.memory_space<hbm>>) target(%dma_start3A_492 : memref<128x128xf32, #tpu.memory_space<vmem>>) offsets(%dma_start3A_495 : memref<128xi32, #tpu.memory_space<vmem>>) semaphore(%arg17 : memref<!tpu.dma_semaphore, #tpu.memory_space<semaphore_mem>>)
      } else {
      }
      %add3A_410 = arith.constant 6 : i32
      %add3A_411 = arith.addi %add3A_239, %add3A_410 : i32
      %dma_wait3A_412 = arith.constant 6 : i32
      %dma_wait3A_413 = arith.constant 0 : i32
      %dma_wait3A_414 = arith.constant 0 : i32
      %dma_wait3A_415 = arith.constant 0 : i32
      %dma_wait3A_416 = tpu.memref_slice %arg6[%dma_wait3A_414, %dma_wait3A_415] : memref<256x128xf32, #tpu.memory_space<vmem>> -> memref<128x128xf32, #tpu.memory_space<vmem>>
      %dma_wait3A_417 = arith.constant 0 : i32
      %dma_wait3A_418 = tpu.memref_slice %arg5[%dma_wait3A_412, %dma_wait3A_413, %dma_wait3A_417] : memref<8x2x128xi32, #tpu.memory_space<vmem>> -> memref<1x1x128xi32, #tpu.memory_space<vmem>>
      %dma_wait3A_419 = tpu.memref_squeeze %dma_wait3A_418 : memref<1x1x128xi32, #tpu.memory_space<vmem>> -> memref<128xi32, #tpu.memory_space<vmem>>
      %dma_wait3A_420 = arith.constant 0 : i32
      %dma_wait3A_421 = arith.constant 0 : i32
      %dma_wait3A_422 = tpu.memref_slice %arg2[%dma_wait3A_420, %dma_wait3A_421] : memref<10240x128xf32, #tpu.memory_space<hbm>> -> memref<10240x128xf32, #tpu.memory_space<hbm>>
      tpu.wait_indirect_dma semaphore(%arg16 : memref<!tpu.dma_semaphore, #tpu.memory_space<semaphore_mem>>) src(%dma_wait3A_422 : memref<10240x128xf32, #tpu.memory_space<hbm>>) dst(%dma_wait3A_416 : memref<128x128xf32, #tpu.memory_space<vmem>>)
      %run_scoped3A_423 = arith.constant 6 : i32
      %run_scoped3A_424 = arith.constant 1 : i32
      "tpu.region"() ({
        %run_scoped3A_468 = tpu.sem_alloc : memref<!tpu.dma_semaphore, #tpu.memory_space<semaphore_mem>>
        %dma_start3A_469 = arith.constant 0 : i32
        %dma_start3A_470 = arith.constant 0 : i32
        %dma_start3A_471 = tpu.memref_slice %arg6[%dma_start3A_469, %dma_start3A_470] : memref<256x128xf32, #tpu.memory_space<vmem>> -> memref<128x128xf32, #tpu.memory_space<vmem>>
        %dma_start3A_472 = arith.constant 0 : i32
        %dma_start3A_473 = tpu.memref_slice %arg5[%run_scoped3A_423, %run_scoped3A_424, %dma_start3A_472] : memref<8x2x128xi32, #tpu.memory_space<vmem>> -> memref<1x1x128xi32, #tpu.memory_space<vmem>>
        %dma_start3A_474 = tpu.memref_squeeze %dma_start3A_473 : memref<1x1x128xi32, #tpu.memory_space<vmem>> -> memref<128xi32, #tpu.memory_space<vmem>>
        %dma_start3A_475 = arith.constant 0 : i32
        %dma_start3A_476 = arith.constant 0 : i32
        %dma_start3A_477 = tpu.memref_slice %arg7[%dma_start3A_475, %dma_start3A_476] : memref<10240x128xf32, #tpu.memory_space<vmem_shared>> -> memref<10240x128xf32, #tpu.memory_space<vmem_shared>>
        tpu.enqueue_indirect_dma source(%dma_start3A_471 : memref<128x128xf32, #tpu.memory_space<vmem>>) target(%dma_start3A_477 : memref<10240x128xf32, #tpu.memory_space<vmem_shared>>) offsets(%dma_start3A_474 : memref<128xi32, #tpu.memory_space<vmem>>) semaphore(%run_scoped3A_468 : memref<!tpu.dma_semaphore, #tpu.memory_space<semaphore_mem>>) {add = true}
        %dma_wait3A_478 = arith.constant 0 : i32
        %dma_wait3A_479 = arith.constant 0 : i32
        %dma_wait3A_480 = tpu.memref_slice %arg6[%dma_wait3A_478, %dma_wait3A_479] : memref<256x128xf32, #tpu.memory_space<vmem>> -> memref<128x128xf32, #tpu.memory_space<vmem>>
        %dma_wait3A_481 = arith.constant 0 : i32
        %dma_wait3A_482 = tpu.memref_slice %arg5[%run_scoped3A_423, %run_scoped3A_424, %dma_wait3A_481] : memref<8x2x128xi32, #tpu.memory_space<vmem>> -> memref<1x1x128xi32, #tpu.memory_space<vmem>>
        %dma_wait3A_483 = tpu.memref_squeeze %dma_wait3A_482 : memref<1x1x128xi32, #tpu.memory_space<vmem>> -> memref<128xi32, #tpu.memory_space<vmem>>
        %dma_wait3A_484 = arith.constant 0 : i32
        %dma_wait3A_485 = arith.constant 0 : i32
        %dma_wait3A_486 = tpu.memref_slice %arg7[%dma_wait3A_484, %dma_wait3A_485] : memref<10240x128xf32, #tpu.memory_space<vmem_shared>> -> memref<10240x128xf32, #tpu.memory_space<vmem_shared>>
        tpu.wait_indirect_dma semaphore(%run_scoped3A_468 : memref<!tpu.dma_semaphore, #tpu.memory_space<semaphore_mem>>) src(%dma_wait3A_480 : memref<128x128xf32, #tpu.memory_space<vmem>>) dst(%dma_wait3A_486 : memref<10240x128xf32, #tpu.memory_space<vmem_shared>>)
        tpu.yield
      }) : () -> ()
      %add3A_425 = arith.constant 8 : i32
      %add3A_426 = arith.addi %add3A_411, %add3A_425 : i32
      %lt3A_427 = arith.constant 80 : i32
      %lt3A_428 = arith.cmpi slt, %add3A_426, %lt3A_427 : i32
      %convert_element_type3A_429 = arith.extui %lt3A_428 : i1 to i32
      %cond3A_430 = arith.constant 0 : i32
      %cond3A_431 = arith.cmpi ne, %convert_element_type3A_429, %cond3A_430 : i32
      scf.if %cond3A_431 {
        %add3A_468 = arith.constant 8 : i32
        %add3A_469 = arith.addi %add3A_411, %add3A_468 : i32
        %add3A_470 = arith.addi %mul3A_14, %add3A_469 : i32
        %dma_start3A_471 = arith.constant 6 : i32
        %dma_start3A_472 = arith.constant 0 : i32
        %dma_start3A_473 = arith.constant 0 : i32
        %dma_start3A_474 = tpu.memref_slice %arg5[%dma_start3A_471, %dma_start3A_472, %dma_start3A_473] : memref<8x2x128xi32, #tpu.memory_space<vmem>> -> memref<1x2x128xi32, #tpu.memory_space<vmem>>
        %dma_start3A_475 = tpu.memref_squeeze %dma_start3A_474 : memref<1x2x128xi32, #tpu.memory_space<vmem>> -> memref<2x128xi32, #tpu.memory_space<vmem>>
        %dma_start3A_476 = arith.constant 0 : i32
        %dma_start3A_477 = arith.constant 0 : i32
        %dma_start3A_478 = tpu.memref_slice %arg3[%add3A_470, %dma_start3A_476, %dma_start3A_477] : memref<2560x2x128xi32, #tpu.memory_space<hbm>> -> memref<1x2x128xi32, #tpu.memory_space<hbm>>
        %dma_start3A_479 = tpu.memref_squeeze %dma_start3A_478 : memref<1x2x128xi32, #tpu.memory_space<hbm>> -> memref<2x128xi32, #tpu.memory_space<hbm>>
        %dma_start3A_480 = arith.constant 0 : i32
        %dma_start3A_481 = arith.constant 0 : i32
        %dma_start3A_482 = tpu.memref_slice %arg5[%dma_start3A_471, %dma_start3A_480, %dma_start3A_481] : memref<8x2x128xi32, #tpu.memory_space<vmem>> -> memref<1x2x128xi32, #tpu.memory_space<vmem>>
        %dma_start3A_483 = tpu.memref_squeeze %dma_start3A_482 : memref<1x2x128xi32, #tpu.memory_space<vmem>> -> memref<2x128xi32, #tpu.memory_space<vmem>>
        %dma_start3A_484 = arith.constant 0 : i32
        %dma_start3A_485 = arith.constant 0 : i32
        %dma_start3A_486 = tpu.memref_slice %arg3[%add3A_470, %dma_start3A_484, %dma_start3A_485] : memref<2560x2x128xi32, #tpu.memory_space<hbm>> -> memref<1x2x128xi32, #tpu.memory_space<hbm>>
        %dma_start3A_487 = tpu.memref_squeeze %dma_start3A_486 : memref<1x2x128xi32, #tpu.memory_space<hbm>> -> memref<2x128xi32, #tpu.memory_space<hbm>>
        tpu.enqueue_dma source(%dma_start3A_487 : memref<2x128xi32, #tpu.memory_space<hbm>>) target(%dma_start3A_483 : memref<2x128xi32, #tpu.memory_space<vmem>>) target_semaphore(%arg14 : memref<!tpu.dma_semaphore, #tpu.memory_space<semaphore_mem>>)
      } else {
      }
      %add3A_432 = arith.constant 2 : i32
      %add3A_433 = arith.addi %add3A_411, %add3A_432 : i32
      %lt3A_434 = arith.constant 80 : i32
      %lt3A_435 = arith.cmpi slt, %add3A_433, %lt3A_434 : i32
      %convert_element_type3A_436 = arith.extui %lt3A_435 : i1 to i32
      %cond3A_437 = arith.constant 0 : i32
      %cond3A_438 = arith.cmpi ne, %convert_element_type3A_436, %cond3A_437 : i32
      scf.if %cond3A_438 {
        %add3A_468 = arith.constant 2 : i32
        %add3A_469 = arith.addi %add3A_411, %add3A_468 : i32
        %add3A_470 = arith.addi %mul3A_14, %add3A_469 : i32
        %dma_wait3A_471 = arith.constant 0 : i32
        %dma_wait3A_472 = arith.constant 0 : i32
        %dma_wait3A_473 = arith.constant 0 : i32
        %dma_wait3A_474 = tpu.memref_slice %arg5[%dma_wait3A_471, %dma_wait3A_472, %dma_wait3A_473] : memref<8x2x128xi32, #tpu.memory_space<vmem>> -> memref<1x2x128xi32, #tpu.memory_space<vmem>>
        %dma_wait3A_475 = tpu.memref_squeeze %dma_wait3A_474 : memref<1x2x128xi32, #tpu.memory_space<vmem>> -> memref<2x128xi32, #tpu.memory_space<vmem>>
        %dma_wait3A_476 = arith.constant 0 : i32
        %dma_wait3A_477 = arith.constant 0 : i32
        %dma_wait3A_478 = tpu.memref_slice %arg3[%add3A_470, %dma_wait3A_476, %dma_wait3A_477] : memref<2560x2x128xi32, #tpu.memory_space<hbm>> -> memref<1x2x128xi32, #tpu.memory_space<hbm>>
        %dma_wait3A_479 = tpu.memref_squeeze %dma_wait3A_478 : memref<1x2x128xi32, #tpu.memory_space<hbm>> -> memref<2x128xi32, #tpu.memory_space<hbm>>
        %dma_wait3A_480 = arith.constant 0 : i32
        %dma_wait3A_481 = arith.constant 0 : i32
        %dma_wait3A_482 = tpu.memref_slice %arg5[%dma_wait3A_471, %dma_wait3A_480, %dma_wait3A_481] : memref<8x2x128xi32, #tpu.memory_space<vmem>> -> memref<1x2x128xi32, #tpu.memory_space<vmem>>
        %dma_wait3A_483 = tpu.memref_squeeze %dma_wait3A_482 : memref<1x2x128xi32, #tpu.memory_space<vmem>> -> memref<2x128xi32, #tpu.memory_space<vmem>>
        %dma_wait3A_484 = arith.constant 0 : i32
        %dma_wait3A_485 = arith.constant 0 : i32
        %dma_wait3A_486 = tpu.memref_slice %arg3[%add3A_470, %dma_wait3A_484, %dma_wait3A_485] : memref<2560x2x128xi32, #tpu.memory_space<hbm>> -> memref<1x2x128xi32, #tpu.memory_space<hbm>>
        %dma_wait3A_487 = tpu.memref_squeeze %dma_wait3A_486 : memref<1x2x128xi32, #tpu.memory_space<hbm>> -> memref<2x128xi32, #tpu.memory_space<hbm>>
        tpu.wait_dma2 semaphore(%arg8 : memref<!tpu.dma_semaphore, #tpu.memory_space<semaphore_mem>>) src(%dma_wait3A_487 : memref<2x128xi32, #tpu.memory_space<hbm>>) dst(%dma_wait3A_483 : memref<2x128xi32, #tpu.memory_space<vmem>>)
        %dma_start3A_488 = arith.constant 0 : i32
        %dma_start3A_489 = arith.constant 0 : i32
        %dma_start3A_490 = arith.constant 0 : i32
        %dma_start3A_491 = arith.constant 0 : i32
        %dma_start3A_492 = tpu.memref_slice %arg6[%dma_start3A_490, %dma_start3A_491] : memref<256x128xf32, #tpu.memory_space<vmem>> -> memref<128x128xf32, #tpu.memory_space<vmem>>
        %dma_start3A_493 = arith.constant 0 : i32
        %dma_start3A_494 = tpu.memref_slice %arg5[%dma_start3A_488, %dma_start3A_489, %dma_start3A_493] : memref<8x2x128xi32, #tpu.memory_space<vmem>> -> memref<1x1x128xi32, #tpu.memory_space<vmem>>
        %dma_start3A_495 = tpu.memref_squeeze %dma_start3A_494 : memref<1x1x128xi32, #tpu.memory_space<vmem>> -> memref<128xi32, #tpu.memory_space<vmem>>
        %dma_start3A_496 = arith.constant 0 : i32
        %dma_start3A_497 = arith.constant 0 : i32
        %dma_start3A_498 = tpu.memref_slice %arg2[%dma_start3A_496, %dma_start3A_497] : memref<10240x128xf32, #tpu.memory_space<hbm>> -> memref<10240x128xf32, #tpu.memory_space<hbm>>
        tpu.enqueue_indirect_dma source(%dma_start3A_498 : memref<10240x128xf32, #tpu.memory_space<hbm>>) target(%dma_start3A_492 : memref<128x128xf32, #tpu.memory_space<vmem>>) offsets(%dma_start3A_495 : memref<128xi32, #tpu.memory_space<vmem>>) semaphore(%arg16 : memref<!tpu.dma_semaphore, #tpu.memory_space<semaphore_mem>>)
      } else {
      }
      %add3A_439 = arith.constant 7 : i32
      %add3A_440 = arith.addi %add3A_239, %add3A_439 : i32
      %dma_wait3A_441 = arith.constant 7 : i32
      %dma_wait3A_442 = arith.constant 0 : i32
      %dma_wait3A_443 = arith.constant 128 : i32
      %dma_wait3A_444 = arith.constant 0 : i32
      %dma_wait3A_445 = tpu.memref_slice %arg6[%dma_wait3A_443, %dma_wait3A_444] : memref<256x128xf32, #tpu.memory_space<vmem>> -> memref<128x128xf32, #tpu.memory_space<vmem>>
      %dma_wait3A_446 = arith.constant 0 : i32
      %dma_wait3A_447 = tpu.memref_slice %arg5[%dma_wait3A_441, %dma_wait3A_442, %dma_wait3A_446] : memref<8x2x128xi32, #tpu.memory_space<vmem>> -> memref<1x1x128xi32, #tpu.memory_space<vmem>>
      %dma_wait3A_448 = tpu.memref_squeeze %dma_wait3A_447 : memref<1x1x128xi32, #tpu.memory_space<vmem>> -> memref<128xi32, #tpu.memory_space<vmem>>
      %dma_wait3A_449 = arith.constant 0 : i32
      %dma_wait3A_450 = arith.constant 0 : i32
      %dma_wait3A_451 = tpu.memref_slice %arg2[%dma_wait3A_449, %dma_wait3A_450] : memref<10240x128xf32, #tpu.memory_space<hbm>> -> memref<10240x128xf32, #tpu.memory_space<hbm>>
      tpu.wait_indirect_dma semaphore(%arg17 : memref<!tpu.dma_semaphore, #tpu.memory_space<semaphore_mem>>) src(%dma_wait3A_451 : memref<10240x128xf32, #tpu.memory_space<hbm>>) dst(%dma_wait3A_445 : memref<128x128xf32, #tpu.memory_space<vmem>>)
      %run_scoped3A_452 = arith.constant 7 : i32
      %run_scoped3A_453 = arith.constant 1 : i32
      "tpu.region"() ({
        %run_scoped3A_468 = tpu.sem_alloc : memref<!tpu.dma_semaphore, #tpu.memory_space<semaphore_mem>>
        %dma_start3A_469 = arith.constant 128 : i32
        %dma_start3A_470 = arith.constant 0 : i32
        %dma_start3A_471 = tpu.memref_slice %arg6[%dma_start3A_469, %dma_start3A_470] : memref<256x128xf32, #tpu.memory_space<vmem>> -> memref<128x128xf32, #tpu.memory_space<vmem>>
        %dma_start3A_472 = arith.constant 0 : i32
        %dma_start3A_473 = tpu.memref_slice %arg5[%run_scoped3A_452, %run_scoped3A_453, %dma_start3A_472] : memref<8x2x128xi32, #tpu.memory_space<vmem>> -> memref<1x1x128xi32, #tpu.memory_space<vmem>>
        %dma_start3A_474 = tpu.memref_squeeze %dma_start3A_473 : memref<1x1x128xi32, #tpu.memory_space<vmem>> -> memref<128xi32, #tpu.memory_space<vmem>>
        %dma_start3A_475 = arith.constant 0 : i32
        %dma_start3A_476 = arith.constant 0 : i32
        %dma_start3A_477 = tpu.memref_slice %arg7[%dma_start3A_475, %dma_start3A_476] : memref<10240x128xf32, #tpu.memory_space<vmem_shared>> -> memref<10240x128xf32, #tpu.memory_space<vmem_shared>>
        tpu.enqueue_indirect_dma source(%dma_start3A_471 : memref<128x128xf32, #tpu.memory_space<vmem>>) target(%dma_start3A_477 : memref<10240x128xf32, #tpu.memory_space<vmem_shared>>) offsets(%dma_start3A_474 : memref<128xi32, #tpu.memory_space<vmem>>) semaphore(%run_scoped3A_468 : memref<!tpu.dma_semaphore, #tpu.memory_space<semaphore_mem>>) {add = true}
        %dma_wait3A_478 = arith.constant 128 : i32
        %dma_wait3A_479 = arith.constant 0 : i32
        %dma_wait3A_480 = tpu.memref_slice %arg6[%dma_wait3A_478, %dma_wait3A_479] : memref<256x128xf32, #tpu.memory_space<vmem>> -> memref<128x128xf32, #tpu.memory_space<vmem>>
        %dma_wait3A_481 = arith.constant 0 : i32
        %dma_wait3A_482 = tpu.memref_slice %arg5[%run_scoped3A_452, %run_scoped3A_453, %dma_wait3A_481] : memref<8x2x128xi32, #tpu.memory_space<vmem>> -> memref<1x1x128xi32, #tpu.memory_space<vmem>>
        %dma_wait3A_483 = tpu.memref_squeeze %dma_wait3A_482 : memref<1x1x128xi32, #tpu.memory_space<vmem>> -> memref<128xi32, #tpu.memory_space<vmem>>
        %dma_wait3A_484 = arith.constant 0 : i32
        %dma_wait3A_485 = arith.constant 0 : i32
        %dma_wait3A_486 = tpu.memref_slice %arg7[%dma_wait3A_484, %dma_wait3A_485] : memref<10240x128xf32, #tpu.memory_space<vmem_shared>> -> memref<10240x128xf32, #tpu.memory_space<vmem_shared>>
        tpu.wait_indirect_dma semaphore(%run_scoped3A_468 : memref<!tpu.dma_semaphore, #tpu.memory_space<semaphore_mem>>) src(%dma_wait3A_480 : memref<128x128xf32, #tpu.memory_space<vmem>>) dst(%dma_wait3A_486 : memref<10240x128xf32, #tpu.memory_space<vmem_shared>>)
        tpu.yield
      }) : () -> ()
      %add3A_454 = arith.constant 8 : i32
      %add3A_455 = arith.addi %add3A_440, %add3A_454 : i32
      %lt3A_456 = arith.constant 80 : i32
      %lt3A_457 = arith.cmpi slt, %add3A_455, %lt3A_456 : i32
      %convert_element_type3A_458 = arith.extui %lt3A_457 : i1 to i32
      %cond3A_459 = arith.constant 0 : i32
      %cond3A_460 = arith.cmpi ne, %convert_element_type3A_458, %cond3A_459 : i32
      scf.if %cond3A_460 {
        %add3A_468 = arith.constant 8 : i32
        %add3A_469 = arith.addi %add3A_440, %add3A_468 : i32
        %add3A_470 = arith.addi %mul3A_14, %add3A_469 : i32
        %dma_start3A_471 = arith.constant 7 : i32
        %dma_start3A_472 = arith.constant 0 : i32
        %dma_start3A_473 = arith.constant 0 : i32
        %dma_start3A_474 = tpu.memref_slice %arg5[%dma_start3A_471, %dma_start3A_472, %dma_start3A_473] : memref<8x2x128xi32, #tpu.memory_space<vmem>> -> memref<1x2x128xi32, #tpu.memory_space<vmem>>
        %dma_start3A_475 = tpu.memref_squeeze %dma_start3A_474 : memref<1x2x128xi32, #tpu.memory_space<vmem>> -> memref<2x128xi32, #tpu.memory_space<vmem>>
        %dma_start3A_476 = arith.constant 0 : i32
        %dma_start3A_477 = arith.constant 0 : i32
        %dma_start3A_478 = tpu.memref_slice %arg3[%add3A_470, %dma_start3A_476, %dma_start3A_477] : memref<2560x2x128xi32, #tpu.memory_space<hbm>> -> memref<1x2x128xi32, #tpu.memory_space<hbm>>
        %dma_start3A_479 = tpu.memref_squeeze %dma_start3A_478 : memref<1x2x128xi32, #tpu.memory_space<hbm>> -> memref<2x128xi32, #tpu.memory_space<hbm>>
        %dma_start3A_480 = arith.constant 0 : i32
        %dma_start3A_481 = arith.constant 0 : i32
        %dma_start3A_482 = tpu.memref_slice %arg5[%dma_start3A_471, %dma_start3A_480, %dma_start3A_481] : memref<8x2x128xi32, #tpu.memory_space<vmem>> -> memref<1x2x128xi32, #tpu.memory_space<vmem>>
        %dma_start3A_483 = tpu.memref_squeeze %dma_start3A_482 : memref<1x2x128xi32, #tpu.memory_space<vmem>> -> memref<2x128xi32, #tpu.memory_space<vmem>>
        %dma_start3A_484 = arith.constant 0 : i32
        %dma_start3A_485 = arith.constant 0 : i32
        %dma_start3A_486 = tpu.memref_slice %arg3[%add3A_470, %dma_start3A_484, %dma_start3A_485] : memref<2560x2x128xi32, #tpu.memory_space<hbm>> -> memref<1x2x128xi32, #tpu.memory_space<hbm>>
        %dma_start3A_487 = tpu.memref_squeeze %dma_start3A_486 : memref<1x2x128xi32, #tpu.memory_space<hbm>> -> memref<2x128xi32, #tpu.memory_space<hbm>>
        tpu.enqueue_dma source(%dma_start3A_487 : memref<2x128xi32, #tpu.memory_space<hbm>>) target(%dma_start3A_483 : memref<2x128xi32, #tpu.memory_space<vmem>>) target_semaphore(%arg15 : memref<!tpu.dma_semaphore, #tpu.memory_space<semaphore_mem>>)
      } else {
      }
      %add3A_461 = arith.constant 2 : i32
      %add3A_462 = arith.addi %add3A_440, %add3A_461 : i32
      %lt3A_463 = arith.constant 80 : i32
      %lt3A_464 = arith.cmpi slt, %add3A_462, %lt3A_463 : i32
      %convert_element_type3A_465 = arith.extui %lt3A_464 : i1 to i32
      %cond3A_466 = arith.constant 0 : i32
      %cond3A_467 = arith.cmpi ne, %convert_element_type3A_465, %cond3A_466 : i32
      scf.if %cond3A_467 {
        %add3A_468 = arith.constant 2 : i32
        %add3A_469 = arith.addi %add3A_440, %add3A_468 : i32
        %add3A_470 = arith.addi %mul3A_14, %add3A_469 : i32
        %dma_wait3A_471 = arith.constant 1 : i32
        %dma_wait3A_472 = arith.constant 0 : i32
        %dma_wait3A_473 = arith.constant 0 : i32
        %dma_wait3A_474 = tpu.memref_slice %arg5[%dma_wait3A_471, %dma_wait3A_472, %dma_wait3A_473] : memref<8x2x128xi32, #tpu.memory_space<vmem>> -> memref<1x2x128xi32, #tpu.memory_space<vmem>>
        %dma_wait3A_475 = tpu.memref_squeeze %dma_wait3A_474 : memref<1x2x128xi32, #tpu.memory_space<vmem>> -> memref<2x128xi32, #tpu.memory_space<vmem>>
        %dma_wait3A_476 = arith.constant 0 : i32
        %dma_wait3A_477 = arith.constant 0 : i32
        %dma_wait3A_478 = tpu.memref_slice %arg3[%add3A_470, %dma_wait3A_476, %dma_wait3A_477] : memref<2560x2x128xi32, #tpu.memory_space<hbm>> -> memref<1x2x128xi32, #tpu.memory_space<hbm>>
        %dma_wait3A_479 = tpu.memref_squeeze %dma_wait3A_478 : memref<1x2x128xi32, #tpu.memory_space<hbm>> -> memref<2x128xi32, #tpu.memory_space<hbm>>
        %dma_wait3A_480 = arith.constant 0 : i32
        %dma_wait3A_481 = arith.constant 0 : i32
        %dma_wait3A_482 = tpu.memref_slice %arg5[%dma_wait3A_471, %dma_wait3A_480, %dma_wait3A_481] : memref<8x2x128xi32, #tpu.memory_space<vmem>> -> memref<1x2x128xi32, #tpu.memory_space<vmem>>
        %dma_wait3A_483 = tpu.memref_squeeze %dma_wait3A_482 : memref<1x2x128xi32, #tpu.memory_space<vmem>> -> memref<2x128xi32, #tpu.memory_space<vmem>>
        %dma_wait3A_484 = arith.constant 0 : i32
        %dma_wait3A_485 = arith.constant 0 : i32
        %dma_wait3A_486 = tpu.memref_slice %arg3[%add3A_470, %dma_wait3A_484, %dma_wait3A_485] : memref<2560x2x128xi32, #tpu.memory_space<hbm>> -> memref<1x2x128xi32, #tpu.memory_space<hbm>>
        %dma_wait3A_487 = tpu.memref_squeeze %dma_wait3A_486 : memref<1x2x128xi32, #tpu.memory_space<hbm>> -> memref<2x128xi32, #tpu.memory_space<hbm>>
        tpu.wait_dma2 semaphore(%arg9 : memref<!tpu.dma_semaphore, #tpu.memory_space<semaphore_mem>>) src(%dma_wait3A_487 : memref<2x128xi32, #tpu.memory_space<hbm>>) dst(%dma_wait3A_483 : memref<2x128xi32, #tpu.memory_space<vmem>>)
        %dma_start3A_488 = arith.constant 1 : i32
        %dma_start3A_489 = arith.constant 0 : i32
        %dma_start3A_490 = arith.constant 128 : i32
        %dma_start3A_491 = arith.constant 0 : i32
        %dma_start3A_492 = tpu.memref_slice %arg6[%dma_start3A_490, %dma_start3A_491] : memref<256x128xf32, #tpu.memory_space<vmem>> -> memref<128x128xf32, #tpu.memory_space<vmem>>
        %dma_start3A_493 = arith.constant 0 : i32
        %dma_start3A_494 = tpu.memref_slice %arg5[%dma_start3A_488, %dma_start3A_489, %dma_start3A_493] : memref<8x2x128xi32, #tpu.memory_space<vmem>> -> memref<1x1x128xi32, #tpu.memory_space<vmem>>
        %dma_start3A_495 = tpu.memref_squeeze %dma_start3A_494 : memref<1x1x128xi32, #tpu.memory_space<vmem>> -> memref<128xi32, #tpu.memory_space<vmem>>
        %dma_start3A_496 = arith.constant 0 : i32
        %dma_start3A_497 = arith.constant 0 : i32
        %dma_start3A_498 = tpu.memref_slice %arg2[%dma_start3A_496, %dma_start3A_497] : memref<10240x128xf32, #tpu.memory_space<hbm>> -> memref<10240x128xf32, #tpu.memory_space<hbm>>
        tpu.enqueue_indirect_dma source(%dma_start3A_498 : memref<10240x128xf32, #tpu.memory_space<hbm>>) target(%dma_start3A_492 : memref<128x128xf32, #tpu.memory_space<vmem>>) offsets(%dma_start3A_495 : memref<128xi32, #tpu.memory_space<vmem>>) semaphore(%arg17 : memref<!tpu.dma_semaphore, #tpu.memory_space<semaphore_mem>>)
      } else {
      }
    }
    %scan3A_229 = arith.constant 10 : i32
    %barrier3A_230 = arith.constant 0 : index
    tpu.barrier barrier_id(%barrier3A_230)
    %mul3A_231 = arith.constant 640 : i32
    %mul3A_232 = arith.muli %arg1, %mul3A_231 : i32
    %mul3A_233 = arith.constant 640 : i32
    %mul3A_234 = arith.muli %arg1, %mul3A_233 : i32
    "tpu.region"() ({
      %run_scoped3A = tpu.sem_alloc : memref<!tpu.dma_semaphore, #tpu.memory_space<semaphore_mem>>
      %dma_start3A_235 = arith.constant 0 : i32
      %dma_start3A_236 = tpu.memref_slice %arg4[%arg0, %mul3A_234, %dma_start3A_235] : memref<2x10240x128xf32, #tpu.memory_space<hbm>> -> memref<1x640x128xf32, #tpu.memory_space<hbm>>
      %dma_start3A_237 = tpu.memref_squeeze %dma_start3A_236 : memref<1x640x128xf32, #tpu.memory_space<hbm>> -> memref<640x128xf32, #tpu.memory_space<hbm>>
      %dma_start3A_238 = arith.constant 0 : i32
      %dma_start3A_239 = tpu.memref_slice %arg7[%mul3A_232, %dma_start3A_238] : memref<10240x128xf32, #tpu.memory_space<vmem_shared>> -> memref<640x128xf32, #tpu.memory_space<vmem_shared>>
      tpu.enqueue_dma source(%dma_start3A_239 : memref<640x128xf32, #tpu.memory_space<vmem_shared>>) target(%dma_start3A_237 : memref<640x128xf32, #tpu.memory_space<hbm>>) target_semaphore(%run_scoped3A : memref<!tpu.dma_semaphore, #tpu.memory_space<semaphore_mem>>)
      %dma_wait3A_240 = arith.constant 0 : i32
      %dma_wait3A_241 = tpu.memref_slice %arg4[%arg0, %mul3A_234, %dma_wait3A_240] : memref<2x10240x128xf32, #tpu.memory_space<hbm>> -> memref<1x640x128xf32, #tpu.memory_space<hbm>>
      %dma_wait3A_242 = tpu.memref_squeeze %dma_wait3A_241 : memref<1x640x128xf32, #tpu.memory_space<hbm>> -> memref<640x128xf32, #tpu.memory_space<hbm>>
      %dma_wait3A_243 = arith.constant 0 : i32
      %dma_wait3A_244 = tpu.memref_slice %arg7[%mul3A_232, %dma_wait3A_243] : memref<10240x128xf32, #tpu.memory_space<vmem_shared>> -> memref<640x128xf32, #tpu.memory_space<vmem_shared>>
      tpu.wait_dma2 semaphore(%run_scoped3A : memref<!tpu.dma_semaphore, #tpu.memory_space<semaphore_mem>>) src(%dma_wait3A_244 : memref<640x128xf32, #tpu.memory_space<vmem_shared>>) dst(%dma_wait3A_242 : memref<640x128xf32, #tpu.memory_space<hbm>>)
      tpu.yield
    }) : () -> ()
    return
  }
}

#map = affine_map<(d0, d1) -> (0, 0)>
#map1 = affine_map<(d0, d1) -> (0, 0, 0)>
module attributes {stable_mosaic.version = 14 : i64} {
  func.func @_sc_edges(%arg0: i32, %arg1: i32, %arg2: memref<10240x128xf32, #tpu.memory_space<hbm>>, %arg3: memref<2560x2x128xi32, #tpu.memory_space<hbm>>, %arg4: memref<2x10240x128xf32, #tpu.memory_space<hbm>>, %arg5: memref<8x2x128xi32, #tpu.memory_space<vmem>>, %arg6: memref<256x128xf32, #tpu.memory_space<vmem>>, %arg7: memref<10240x128xf32, #tpu.memory_space<vmem_shared>>, %arg8: memref<!tpu.dma_semaphore, #tpu.memory_space<semaphore_mem>>, %arg9: memref<!tpu.dma_semaphore, #tpu.memory_space<semaphore_mem>>, %arg10: memref<!tpu.dma_semaphore, #tpu.memory_space<semaphore_mem>>, %arg11: memref<!tpu.dma_semaphore, #tpu.memory_space<semaphore_mem>>, %arg12: memref<!tpu.dma_semaphore, #tpu.memory_space<semaphore_mem>>, %arg13: memref<!tpu.dma_semaphore, #tpu.memory_space<semaphore_mem>>, %arg14: memref<!tpu.dma_semaphore, #tpu.memory_space<semaphore_mem>>, %arg15: memref<!tpu.dma_semaphore, #tpu.memory_space<semaphore_mem>>, %arg16: memref<!tpu.dma_semaphore, #tpu.memory_space<semaphore_mem>>, %arg17: memref<!tpu.dma_semaphore, #tpu.memory_space<semaphore_mem>>) attributes {dimension_semantics = [#tpu.dimension_semantics<core_parallel>, #tpu.dimension_semantics<subcore_parallel>], iteration_bounds = array<i64: 2, 16>, scalar_prefetch = 0 : i64, scratch_operands = 13 : i64, tpu.core_type = #tpu.core_type<sc_vector_subcore>, window_params = [{transform_indices = #map}, {transform_indices = #map1}, {transform_indices = #map1}]} {
    %broadcast_in_dim3A = arith.constant 0.000000e+00 : f32
    %broadcast_in_dim3A_0 = vector.broadcast %broadcast_in_dim3A : f32 to vector<16xf32>
    %scan3A = arith.constant 0 : i32
    %scan3A_1 = arith.constant 128 : i32
    %scan3A_2 = arith.addi %scan3A, %scan3A_1 : i32
    %scan3A_3 = arith.constant 1 : i32
    scf.for %scan3A_235 = %scan3A to %scan3A_2 step %scan3A_3  : i32 {
      %mul3A_236 = arith.constant 1 : i32
      %mul3A_237 = arith.muli %scan3A_235, %mul3A_236 : i32
      %add3A_238 = arith.constant 0 : i32
      %add3A_239 = arith.addi %add3A_238, %mul3A_237 : i32
      %scan3A_240 = arith.constant 0 : i32
      %scan3A_241 = arith.constant 8 : i32
      %scan3A_242 = arith.addi %scan3A_240, %scan3A_241 : i32
      %scan3A_243 = arith.constant 1 : i32
      scf.for %scan3A_245 = %scan3A_240 to %scan3A_242 step %scan3A_243  : i32 {
        %mul3A_246 = arith.constant 1 : i32
        %mul3A_247 = arith.muli %scan3A_245, %mul3A_246 : i32
        %add3A_248 = arith.constant 0 : i32
        %add3A_249 = arith.addi %add3A_248, %mul3A_247 : i32
        %mul3A_250 = arith.constant 16 : i32
        %mul3A_251 = arith.muli %add3A_249, %mul3A_250 : i32
        %swap3A = arith.index_cast %add3A_239 : i32 to index
        %swap3A_252 = arith.index_cast %mul3A_251 : i32 to index
        %swap3A_253 = tpu.vector_load %arg6[%swap3A, %swap3A_252] {strides = array<i32>} : memref<256x128xf32, #tpu.memory_space<vmem>>, vector<1x16xf32>,
        %swap3A_254 = vector.shape_cast %swap3A_253 : vector<1x16xf32> to vector<16xf32>
        %swap3A_255 = vector.shape_cast %broadcast_in_dim3A_0 : vector<16xf32> to vector<1x16xf32>
        tpu.vector_store %arg6[%swap3A, %swap3A_252], %swap3A_255 {strides = array<i32>} : memref<256x128xf32, #tpu.memory_space<vmem>>, vector<1x16xf32>,
      }
      %scan3A_244 = arith.constant 8 : i32
    }
    %scan3A_4 = arith.constant 128 : i32
    %mul3A = arith.constant 640 : i32
    %mul3A_5 = arith.muli %arg1, %mul3A : i32
    %scan3A_6 = arith.constant 0 : i32
    %scan3A_7 = arith.constant 5 : i32
    %scan3A_8 = arith.addi %scan3A_6, %scan3A_7 : i32
    %scan3A_9 = arith.constant 1 : i32
    scf.for %scan3A_235 = %scan3A_6 to %scan3A_8 step %scan3A_9  : i32 {
      %mul3A_236 = arith.constant 1 : i32
      %mul3A_237 = arith.muli %scan3A_235, %mul3A_236 : i32
      %add3A_238 = arith.constant 0 : i32
      %add3A_239 = arith.addi %add3A_238, %mul3A_237 : i32
      %mul3A_240 = arith.constant 128 : i32
      %mul3A_241 = arith.muli %add3A_239, %mul3A_240 : i32
      %add3A_242 = arith.addi %mul3A_5, %mul3A_241 : i32
      "tpu.region"() ({
        %run_scoped3A = tpu.sem_alloc : memref<!tpu.dma_semaphore, #tpu.memory_space<semaphore_mem>>
        %dma_start3A_243 = arith.constant 0 : i32
        %dma_start3A_244 = arith.constant 0 : i32
        %dma_start3A_245 = tpu.memref_slice %arg6[%dma_start3A_243, %dma_start3A_244] : memref<256x128xf32, #tpu.memory_space<vmem>> -> memref<128x128xf32, #tpu.memory_space<vmem>>
        %dma_start3A_246 = arith.constant 0 : i32
        %dma_start3A_247 = tpu.memref_slice %arg7[%add3A_242, %dma_start3A_246] : memref<10240x128xf32, #tpu.memory_space<vmem_shared>> -> memref<128x128xf32, #tpu.memory_space<vmem_shared>>
        %dma_start3A_248 = arith.constant 0 : i32
        %dma_start3A_249 = tpu.memref_slice %arg7[%add3A_242, %dma_start3A_248] : memref<10240x128xf32, #tpu.memory_space<vmem_shared>> -> memref<128x128xf32, #tpu.memory_space<vmem_shared>>
        %dma_start3A_250 = arith.constant 0 : i32
        %dma_start3A_251 = arith.constant 0 : i32
        %dma_start3A_252 = tpu.memref_slice %arg6[%dma_start3A_250, %dma_start3A_251] : memref<256x128xf32, #tpu.memory_space<vmem>> -> memref<128x128xf32, #tpu.memory_space<vmem>>
        tpu.enqueue_dma source(%dma_start3A_252 : memref<128x128xf32, #tpu.memory_space<vmem>>) target(%dma_start3A_249 : memref<128x128xf32, #tpu.memory_space<vmem_shared>>) target_semaphore(%run_scoped3A : memref<!tpu.dma_semaphore, #tpu.memory_space<semaphore_mem>>)
        %dma_wait3A_253 = arith.constant 0 : i32
        %dma_wait3A_254 = arith.constant 0 : i32
        %dma_wait3A_255 = tpu.memref_slice %arg6[%dma_wait3A_253, %dma_wait3A_254] : memref<256x128xf32, #tpu.memory_space<vmem>> -> memref<128x128xf32, #tpu.memory_space<vmem>>
        %dma_wait3A_256 = arith.constant 0 : i32
        %dma_wait3A_257 = tpu.memref_slice %arg7[%add3A_242, %dma_wait3A_256] : memref<10240x128xf32, #tpu.memory_space<vmem_shared>> -> memref<128x128xf32, #tpu.memory_space<vmem_shared>>
        %dma_wait3A_258 = arith.constant 0 : i32
        %dma_wait3A_259 = tpu.memref_slice %arg7[%add3A_242, %dma_wait3A_258] : memref<10240x128xf32, #tpu.memory_space<vmem_shared>> -> memref<128x128xf32, #tpu.memory_space<vmem_shared>>
        %dma_wait3A_260 = arith.constant 0 : i32
        %dma_wait3A_261 = arith.constant 0 : i32
        %dma_wait3A_262 = tpu.memref_slice %arg6[%dma_wait3A_260, %dma_wait3A_261] : memref<256x128xf32, #tpu.memory_space<vmem>> -> memref<128x128xf32, #tpu.memory_space<vmem>>
        tpu.wait_dma2 semaphore(%run_scoped3A : memref<!tpu.dma_semaphore, #tpu.memory_space<semaphore_mem>>) src(%dma_wait3A_262 : memref<128x128xf32, #tpu.memory_space<vmem>>) dst(%dma_wait3A_259 : memref<128x128xf32, #tpu.memory_space<vmem_shared>>)
        tpu.yield
      }) : () -> ()
    }
    %scan3A_10 = arith.constant 5 : i32
    %barrier3A = arith.constant 0 : index
    tpu.barrier barrier_id(%barrier3A)
    %mul3A_11 = arith.constant 16 : i32
    %mul3A_12 = arith.muli %arg0, %mul3A_11 : i32
    %add3A = arith.addi %mul3A_12, %arg1 : i32
    %mul3A_13 = arith.constant 80 : i32
    %mul3A_14 = arith.muli %add3A, %mul3A_13 : i32
    %add3A_15 = arith.constant 0 : i32
    %add3A_16 = arith.addi %mul3A_14, %add3A_15 : i32
    %dma_start3A = arith.constant 0 : i32
    %dma_start3A_17 = arith.constant 0 : i32
    %dma_start3A_18 = arith.constant 0 : i32
    %dma_start3A_19 = tpu.memref_slice %arg5[%dma_start3A, %dma_start3A_17, %dma_start3A_18] : memref<8x2x128xi32, #tpu.memory_space<vmem>> -> memref<1x2x128xi32, #tpu.memory_space<vmem>>
    %dma_start3A_20 = tpu.memref_squeeze %dma_start3A_19 : memref<1x2x128xi32, #tpu.memory_space<vmem>> -> memref<2x128xi32, #tpu.memory_space<vmem>>
    %dma_start3A_21 = arith.constant 0 : i32
    %dma_start3A_22 = arith.constant 0 : i32
    %dma_start3A_23 = tpu.memref_slice %arg3[%add3A_16, %dma_start3A_21, %dma_start3A_22] : memref<2560x2x128xi32, #tpu.memory_space<hbm>> -> memref<1x2x128xi32, #tpu.memory_space<hbm>>
    %dma_start3A_24 = tpu.memref_squeeze %dma_start3A_23 : memref<1x2x128xi32, #tpu.memory_space<hbm>> -> memref<2x128xi32, #tpu.memory_space<hbm>>
    %dma_start3A_25 = arith.constant 0 : i32
    %dma_start3A_26 = arith.constant 0 : i32
    %dma_start3A_27 = tpu.memref_slice %arg5[%dma_start3A, %dma_start3A_25, %dma_start3A_26] : memref<8x2x128xi32, #tpu.memory_space<vmem>> -> memref<1x2x128xi32, #tpu.memory_space<vmem>>
    %dma_start3A_28 = tpu.memref_squeeze %dma_start3A_27 : memref<1x2x128xi32, #tpu.memory_space<vmem>> -> memref<2x128xi32, #tpu.memory_space<vmem>>
    %dma_start3A_29 = arith.constant 0 : i32
    %dma_start3A_30 = arith.constant 0 : i32
    %dma_start3A_31 = tpu.memref_slice %arg3[%add3A_16, %dma_start3A_29, %dma_start3A_30] : memref<2560x2x128xi32, #tpu.memory_space<hbm>> -> memref<1x2x128xi32, #tpu.memory_space<hbm>>
    %dma_start3A_32 = tpu.memref_squeeze %dma_start3A_31 : memref<1x2x128xi32, #tpu.memory_space<hbm>> -> memref<2x128xi32, #tpu.memory_space<hbm>>
    tpu.enqueue_dma source(%dma_start3A_32 : memref<2x128xi32, #tpu.memory_space<hbm>>) target(%dma_start3A_28 : memref<2x128xi32, #tpu.memory_space<vmem>>) target_semaphore(%arg8 : memref<!tpu.dma_semaphore, #tpu.memory_space<semaphore_mem>>)
    %add3A_33 = arith.constant 1 : i32
    %add3A_34 = arith.addi %mul3A_14, %add3A_33 : i32
    %dma_start3A_35 = arith.constant 1 : i32
    %dma_start3A_36 = arith.constant 0 : i32
    %dma_start3A_37 = arith.constant 0 : i32
    %dma_start3A_38 = tpu.memref_slice %arg5[%dma_start3A_35, %dma_start3A_36, %dma_start3A_37] : memref<8x2x128xi32, #tpu.memory_space<vmem>> -> memref<1x2x128xi32, #tpu.memory_space<vmem>>
    %dma_start3A_39 = tpu.memref_squeeze %dma_start3A_38 : memref<1x2x128xi32, #tpu.memory_space<vmem>> -> memref<2x128xi32, #tpu.memory_space<vmem>>
    %dma_start3A_40 = arith.constant 0 : i32
    %dma_start3A_41 = arith.constant 0 : i32
    %dma_start3A_42 = tpu.memref_slice %arg3[%add3A_34, %dma_start3A_40, %dma_start3A_41] : memref<2560x2x128xi32, #tpu.memory_space<hbm>> -> memref<1x2x128xi32, #tpu.memory_space<hbm>>
    %dma_start3A_43 = tpu.memref_squeeze %dma_start3A_42 : memref<1x2x128xi32, #tpu.memory_space<hbm>> -> memref<2x128xi32, #tpu.memory_space<hbm>>
    %dma_start3A_44 = arith.constant 0 : i32
    %dma_start3A_45 = arith.constant 0 : i32
    %dma_start3A_46 = tpu.memref_slice %arg5[%dma_start3A_35, %dma_start3A_44, %dma_start3A_45] : memref<8x2x128xi32, #tpu.memory_space<vmem>> -> memref<1x2x128xi32, #tpu.memory_space<vmem>>
    %dma_start3A_47 = tpu.memref_squeeze %dma_start3A_46 : memref<1x2x128xi32, #tpu.memory_space<vmem>> -> memref<2x128xi32, #tpu.memory_space<vmem>>
    %dma_start3A_48 = arith.constant 0 : i32
    %dma_start3A_49 = arith.constant 0 : i32
    %dma_start3A_50 = tpu.memref_slice %arg3[%add3A_34, %dma_start3A_48, %dma_start3A_49] : memref<2560x2x128xi32, #tpu.memory_space<hbm>> -> memref<1x2x128xi32, #tpu.memory_space<hbm>>
    %dma_start3A_51 = tpu.memref_squeeze %dma_start3A_50 : memref<1x2x128xi32, #tpu.memory_space<hbm>> -> memref<2x128xi32, #tpu.memory_space<hbm>>
    tpu.enqueue_dma source(%dma_start3A_51 : memref<2x128xi32, #tpu.memory_space<hbm>>) target(%dma_start3A_47 : memref<2x128xi32, #tpu.memory_space<vmem>>) target_semaphore(%arg9 : memref<!tpu.dma_semaphore, #tpu.memory_space<semaphore_mem>>)
    %add3A_52 = arith.constant 2 : i32
    %add3A_53 = arith.addi %mul3A_14, %add3A_52 : i32
    %dma_start3A_54 = arith.constant 2 : i32
    %dma_start3A_55 = arith.constant 0 : i32
    %dma_start3A_56 = arith.constant 0 : i32
    %dma_start3A_57 = tpu.memref_slice %arg5[%dma_start3A_54, %dma_start3A_55, %dma_start3A_56] : memref<8x2x128xi32, #tpu.memory_space<vmem>> -> memref<1x2x128xi32, #tpu.memory_space<vmem>>
    %dma_start3A_58 = tpu.memref_squeeze %dma_start3A_57 : memref<1x2x128xi32, #tpu.memory_space<vmem>> -> memref<2x128xi32, #tpu.memory_space<vmem>>
    %dma_start3A_59 = arith.constant 0 : i32
    %dma_start3A_60 = arith.constant 0 : i32
    %dma_start3A_61 = tpu.memref_slice %arg3[%add3A_53, %dma_start3A_59, %dma_start3A_60] : memref<2560x2x128xi32, #tpu.memory_space<hbm>> -> memref<1x2x128xi32, #tpu.memory_space<hbm>>
    %dma_start3A_62 = tpu.memref_squeeze %dma_start3A_61 : memref<1x2x128xi32, #tpu.memory_space<hbm>> -> memref<2x128xi32, #tpu.memory_space<hbm>>
    %dma_start3A_63 = arith.constant 0 : i32
    %dma_start3A_64 = arith.constant 0 : i32
    %dma_start3A_65 = tpu.memref_slice %arg5[%dma_start3A_54, %dma_start3A_63, %dma_start3A_64] : memref<8x2x128xi32, #tpu.memory_space<vmem>> -> memref<1x2x128xi32, #tpu.memory_space<vmem>>
    %dma_start3A_66 = tpu.memref_squeeze %dma_start3A_65 : memref<1x2x128xi32, #tpu.memory_space<vmem>> -> memref<2x128xi32, #tpu.memory_space<vmem>>
    %dma_start3A_67 = arith.constant 0 : i32
    %dma_start3A_68 = arith.constant 0 : i32
    %dma_start3A_69 = tpu.memref_slice %arg3[%add3A_53, %dma_start3A_67, %dma_start3A_68] : memref<2560x2x128xi32, #tpu.memory_space<hbm>> -> memref<1x2x128xi32, #tpu.memory_space<hbm>>
    %dma_start3A_70 = tpu.memref_squeeze %dma_start3A_69 : memref<1x2x128xi32, #tpu.memory_space<hbm>> -> memref<2x128xi32, #tpu.memory_space<hbm>>
    tpu.enqueue_dma source(%dma_start3A_70 : memref<2x128xi32, #tpu.memory_space<hbm>>) target(%dma_start3A_66 : memref<2x128xi32, #tpu.memory_space<vmem>>) target_semaphore(%arg10 : memref<!tpu.dma_semaphore, #tpu.memory_space<semaphore_mem>>)
    %add3A_71 = arith.constant 3 : i32
    %add3A_72 = arith.addi %mul3A_14, %add3A_71 : i32
    %dma_start3A_73 = arith.constant 3 : i32
    %dma_start3A_74 = arith.constant 0 : i32
    %dma_start3A_75 = arith.constant 0 : i32
    %dma_start3A_76 = tpu.memref_slice %arg5[%dma_start3A_73, %dma_start3A_74, %dma_start3A_75] : memref<8x2x128xi32, #tpu.memory_space<vmem>> -> memref<1x2x128xi32, #tpu.memory_space<vmem>>
    %dma_start3A_77 = tpu.memref_squeeze %dma_start3A_76 : memref<1x2x128xi32, #tpu.memory_space<vmem>> -> memref<2x128xi32, #tpu.memory_space<vmem>>
    %dma_start3A_78 = arith.constant 0 : i32
    %dma_start3A_79 = arith.constant 0 : i32
    %dma_start3A_80 = tpu.memref_slice %arg3[%add3A_72, %dma_start3A_78, %dma_start3A_79] : memref<2560x2x128xi32, #tpu.memory_space<hbm>> -> memref<1x2x128xi32, #tpu.memory_space<hbm>>
    %dma_start3A_81 = tpu.memref_squeeze %dma_start3A_80 : memref<1x2x128xi32, #tpu.memory_space<hbm>> -> memref<2x128xi32, #tpu.memory_space<hbm>>
    %dma_start3A_82 = arith.constant 0 : i32
    %dma_start3A_83 = arith.constant 0 : i32
    %dma_start3A_84 = tpu.memref_slice %arg5[%dma_start3A_73, %dma_start3A_82, %dma_start3A_83] : memref<8x2x128xi32, #tpu.memory_space<vmem>> -> memref<1x2x128xi32, #tpu.memory_space<vmem>>
    %dma_start3A_85 = tpu.memref_squeeze %dma_start3A_84 : memref<1x2x128xi32, #tpu.memory_space<vmem>> -> memref<2x128xi32, #tpu.memory_space<vmem>>
    %dma_start3A_86 = arith.constant 0 : i32
    %dma_start3A_87 = arith.constant 0 : i32
    %dma_start3A_88 = tpu.memref_slice %arg3[%add3A_72, %dma_start3A_86, %dma_start3A_87] : memref<2560x2x128xi32, #tpu.memory_space<hbm>> -> memref<1x2x128xi32, #tpu.memory_space<hbm>>
    %dma_start3A_89 = tpu.memref_squeeze %dma_start3A_88 : memref<1x2x128xi32, #tpu.memory_space<hbm>> -> memref<2x128xi32, #tpu.memory_space<hbm>>
    tpu.enqueue_dma source(%dma_start3A_89 : memref<2x128xi32, #tpu.memory_space<hbm>>) target(%dma_start3A_85 : memref<2x128xi32, #tpu.memory_space<vmem>>) target_semaphore(%arg11 : memref<!tpu.dma_semaphore, #tpu.memory_space<semaphore_mem>>)
    %add3A_90 = arith.constant 4 : i32
    %add3A_91 = arith.addi %mul3A_14, %add3A_90 : i32
    %dma_start3A_92 = arith.constant 4 : i32
    %dma_start3A_93 = arith.constant 0 : i32
    %dma_start3A_94 = arith.constant 0 : i32
    %dma_start3A_95 = tpu.memref_slice %arg5[%dma_start3A_92, %dma_start3A_93, %dma_start3A_94] : memref<8x2x128xi32, #tpu.memory_space<vmem>> -> memref<1x2x128xi32, #tpu.memory_space<vmem>>
    %dma_start3A_96 = tpu.memref_squeeze %dma_start3A_95 : memref<1x2x128xi32, #tpu.memory_space<vmem>> -> memref<2x128xi32, #tpu.memory_space<vmem>>
    %dma_start3A_97 = arith.constant 0 : i32
    %dma_start3A_98 = arith.constant 0 : i32
    %dma_start3A_99 = tpu.memref_slice %arg3[%add3A_91, %dma_start3A_97, %dma_start3A_98] : memref<2560x2x128xi32, #tpu.memory_space<hbm>> -> memref<1x2x128xi32, #tpu.memory_space<hbm>>
    %dma_start3A_100 = tpu.memref_squeeze %dma_start3A_99 : memref<1x2x128xi32, #tpu.memory_space<hbm>> -> memref<2x128xi32, #tpu.memory_space<hbm>>
    %dma_start3A_101 = arith.constant 0 : i32
    %dma_start3A_102 = arith.constant 0 : i32
    %dma_start3A_103 = tpu.memref_slice %arg5[%dma_start3A_92, %dma_start3A_101, %dma_start3A_102] : memref<8x2x128xi32, #tpu.memory_space<vmem>> -> memref<1x2x128xi32, #tpu.memory_space<vmem>>
    %dma_start3A_104 = tpu.memref_squeeze %dma_start3A_103 : memref<1x2x128xi32, #tpu.memory_space<vmem>> -> memref<2x128xi32, #tpu.memory_space<vmem>>
    %dma_start3A_105 = arith.constant 0 : i32
    %dma_start3A_106 = arith.constant 0 : i32
    %dma_start3A_107 = tpu.memref_slice %arg3[%add3A_91, %dma_start3A_105, %dma_start3A_106] : memref<2560x2x128xi32, #tpu.memory_space<hbm>> -> memref<1x2x128xi32, #tpu.memory_space<hbm>>
    %dma_start3A_108 = tpu.memref_squeeze %dma_start3A_107 : memref<1x2x128xi32, #tpu.memory_space<hbm>> -> memref<2x128xi32, #tpu.memory_space<hbm>>
    tpu.enqueue_dma source(%dma_start3A_108 : memref<2x128xi32, #tpu.memory_space<hbm>>) target(%dma_start3A_104 : memref<2x128xi32, #tpu.memory_space<vmem>>) target_semaphore(%arg12 : memref<!tpu.dma_semaphore, #tpu.memory_space<semaphore_mem>>)
    %add3A_109 = arith.constant 5 : i32
    %add3A_110 = arith.addi %mul3A_14, %add3A_109 : i32
    %dma_start3A_111 = arith.constant 5 : i32
    %dma_start3A_112 = arith.constant 0 : i32
    %dma_start3A_113 = arith.constant 0 : i32
    %dma_start3A_114 = tpu.memref_slice %arg5[%dma_start3A_111, %dma_start3A_112, %dma_start3A_113] : memref<8x2x128xi32, #tpu.memory_space<vmem>> -> memref<1x2x128xi32, #tpu.memory_space<vmem>>
    %dma_start3A_115 = tpu.memref_squeeze %dma_start3A_114 : memref<1x2x128xi32, #tpu.memory_space<vmem>> -> memref<2x128xi32, #tpu.memory_space<vmem>>
    %dma_start3A_116 = arith.constant 0 : i32
    %dma_start3A_117 = arith.constant 0 : i32
    %dma_start3A_118 = tpu.memref_slice %arg3[%add3A_110, %dma_start3A_116, %dma_start3A_117] : memref<2560x2x128xi32, #tpu.memory_space<hbm>> -> memref<1x2x128xi32, #tpu.memory_space<hbm>>
    %dma_start3A_119 = tpu.memref_squeeze %dma_start3A_118 : memref<1x2x128xi32, #tpu.memory_space<hbm>> -> memref<2x128xi32, #tpu.memory_space<hbm>>
    %dma_start3A_120 = arith.constant 0 : i32
    %dma_start3A_121 = arith.constant 0 : i32
    %dma_start3A_122 = tpu.memref_slice %arg5[%dma_start3A_111, %dma_start3A_120, %dma_start3A_121] : memref<8x2x128xi32, #tpu.memory_space<vmem>> -> memref<1x2x128xi32, #tpu.memory_space<vmem>>
    %dma_start3A_123 = tpu.memref_squeeze %dma_start3A_122 : memref<1x2x128xi32, #tpu.memory_space<vmem>> -> memref<2x128xi32, #tpu.memory_space<vmem>>
    %dma_start3A_124 = arith.constant 0 : i32
    %dma_start3A_125 = arith.constant 0 : i32
    %dma_start3A_126 = tpu.memref_slice %arg3[%add3A_110, %dma_start3A_124, %dma_start3A_125] : memref<2560x2x128xi32, #tpu.memory_space<hbm>> -> memref<1x2x128xi32, #tpu.memory_space<hbm>>
    %dma_start3A_127 = tpu.memref_squeeze %dma_start3A_126 : memref<1x2x128xi32, #tpu.memory_space<hbm>> -> memref<2x128xi32, #tpu.memory_space<hbm>>
    tpu.enqueue_dma source(%dma_start3A_127 : memref<2x128xi32, #tpu.memory_space<hbm>>) target(%dma_start3A_123 : memref<2x128xi32, #tpu.memory_space<vmem>>) target_semaphore(%arg13 : memref<!tpu.dma_semaphore, #tpu.memory_space<semaphore_mem>>)
    %add3A_128 = arith.constant 6 : i32
    %add3A_129 = arith.addi %mul3A_14, %add3A_128 : i32
    %dma_start3A_130 = arith.constant 6 : i32
    %dma_start3A_131 = arith.constant 0 : i32
    %dma_start3A_132 = arith.constant 0 : i32
    %dma_start3A_133 = tpu.memref_slice %arg5[%dma_start3A_130, %dma_start3A_131, %dma_start3A_132] : memref<8x2x128xi32, #tpu.memory_space<vmem>> -> memref<1x2x128xi32, #tpu.memory_space<vmem>>
    %dma_start3A_134 = tpu.memref_squeeze %dma_start3A_133 : memref<1x2x128xi32, #tpu.memory_space<vmem>> -> memref<2x128xi32, #tpu.memory_space<vmem>>
    %dma_start3A_135 = arith.constant 0 : i32
    %dma_start3A_136 = arith.constant 0 : i32
    %dma_start3A_137 = tpu.memref_slice %arg3[%add3A_129, %dma_start3A_135, %dma_start3A_136] : memref<2560x2x128xi32, #tpu.memory_space<hbm>> -> memref<1x2x128xi32, #tpu.memory_space<hbm>>
    %dma_start3A_138 = tpu.memref_squeeze %dma_start3A_137 : memref<1x2x128xi32, #tpu.memory_space<hbm>> -> memref<2x128xi32, #tpu.memory_space<hbm>>
    %dma_start3A_139 = arith.constant 0 : i32
    %dma_start3A_140 = arith.constant 0 : i32
    %dma_start3A_141 = tpu.memref_slice %arg5[%dma_start3A_130, %dma_start3A_139, %dma_start3A_140] : memref<8x2x128xi32, #tpu.memory_space<vmem>> -> memref<1x2x128xi32, #tpu.memory_space<vmem>>
    %dma_start3A_142 = tpu.memref_squeeze %dma_start3A_141 : memref<1x2x128xi32, #tpu.memory_space<vmem>> -> memref<2x128xi32, #tpu.memory_space<vmem>>
    %dma_start3A_143 = arith.constant 0 : i32
    %dma_start3A_144 = arith.constant 0 : i32
    %dma_start3A_145 = tpu.memref_slice %arg3[%add3A_129, %dma_start3A_143, %dma_start3A_144] : memref<2560x2x128xi32, #tpu.memory_space<hbm>> -> memref<1x2x128xi32, #tpu.memory_space<hbm>>
    %dma_start3A_146 = tpu.memref_squeeze %dma_start3A_145 : memref<1x2x128xi32, #tpu.memory_space<hbm>> -> memref<2x128xi32, #tpu.memory_space<hbm>>
    tpu.enqueue_dma source(%dma_start3A_146 : memref<2x128xi32, #tpu.memory_space<hbm>>) target(%dma_start3A_142 : memref<2x128xi32, #tpu.memory_space<vmem>>) target_semaphore(%arg14 : memref<!tpu.dma_semaphore, #tpu.memory_space<semaphore_mem>>)
    %add3A_147 = arith.constant 7 : i32
    %add3A_148 = arith.addi %mul3A_14, %add3A_147 : i32
    %dma_start3A_149 = arith.constant 7 : i32
    %dma_start3A_150 = arith.constant 0 : i32
    %dma_start3A_151 = arith.constant 0 : i32
    %dma_start3A_152 = tpu.memref_slice %arg5[%dma_start3A_149, %dma_start3A_150, %dma_start3A_151] : memref<8x2x128xi32, #tpu.memory_space<vmem>> -> memref<1x2x128xi32, #tpu.memory_space<vmem>>
    %dma_start3A_153 = tpu.memref_squeeze %dma_start3A_152 : memref<1x2x128xi32, #tpu.memory_space<vmem>> -> memref<2x128xi32, #tpu.memory_space<vmem>>
    %dma_start3A_154 = arith.constant 0 : i32
    %dma_start3A_155 = arith.constant 0 : i32
    %dma_start3A_156 = tpu.memref_slice %arg3[%add3A_148, %dma_start3A_154, %dma_start3A_155] : memref<2560x2x128xi32, #tpu.memory_space<hbm>> -> memref<1x2x128xi32, #tpu.memory_space<hbm>>
    %dma_start3A_157 = tpu.memref_squeeze %dma_start3A_156 : memref<1x2x128xi32, #tpu.memory_space<hbm>> -> memref<2x128xi32, #tpu.memory_space<hbm>>
    %dma_start3A_158 = arith.constant 0 : i32
    %dma_start3A_159 = arith.constant 0 : i32
    %dma_start3A_160 = tpu.memref_slice %arg5[%dma_start3A_149, %dma_start3A_158, %dma_start3A_159] : memref<8x2x128xi32, #tpu.memory_space<vmem>> -> memref<1x2x128xi32, #tpu.memory_space<vmem>>
    %dma_start3A_161 = tpu.memref_squeeze %dma_start3A_160 : memref<1x2x128xi32, #tpu.memory_space<vmem>> -> memref<2x128xi32, #tpu.memory_space<vmem>>
    %dma_start3A_162 = arith.constant 0 : i32
    %dma_start3A_163 = arith.constant 0 : i32
    %dma_start3A_164 = tpu.memref_slice %arg3[%add3A_148, %dma_start3A_162, %dma_start3A_163] : memref<2560x2x128xi32, #tpu.memory_space<hbm>> -> memref<1x2x128xi32, #tpu.memory_space<hbm>>
    %dma_start3A_165 = tpu.memref_squeeze %dma_start3A_164 : memref<1x2x128xi32, #tpu.memory_space<hbm>> -> memref<2x128xi32, #tpu.memory_space<hbm>>
    tpu.enqueue_dma source(%dma_start3A_165 : memref<2x128xi32, #tpu.memory_space<hbm>>) target(%dma_start3A_161 : memref<2x128xi32, #tpu.memory_space<vmem>>) target_semaphore(%arg15 : memref<!tpu.dma_semaphore, #tpu.memory_space<semaphore_mem>>)
    %add3A_166 = arith.constant 0 : i32
    %add3A_167 = arith.addi %mul3A_14, %add3A_166 : i32
    %dma_wait3A = arith.constant 0 : i32
    %dma_wait3A_168 = arith.constant 0 : i32
    %dma_wait3A_169 = arith.constant 0 : i32
    %dma_wait3A_170 = tpu.memref_slice %arg5[%dma_wait3A, %dma_wait3A_168, %dma_wait3A_169] : memref<8x2x128xi32, #tpu.memory_space<vmem>> -> memref<1x2x128xi32, #tpu.memory_space<vmem>>
    %dma_wait3A_171 = tpu.memref_squeeze %dma_wait3A_170 : memref<1x2x128xi32, #tpu.memory_space<vmem>> -> memref<2x128xi32, #tpu.memory_space<vmem>>
    %dma_wait3A_172 = arith.constant 0 : i32
    %dma_wait3A_173 = arith.constant 0 : i32
    %dma_wait3A_174 = tpu.memref_slice %arg3[%add3A_167, %dma_wait3A_172, %dma_wait3A_173] : memref<2560x2x128xi32, #tpu.memory_space<hbm>> -> memref<1x2x128xi32, #tpu.memory_space<hbm>>
    %dma_wait3A_175 = tpu.memref_squeeze %dma_wait3A_174 : memref<1x2x128xi32, #tpu.memory_space<hbm>> -> memref<2x128xi32, #tpu.memory_space<hbm>>
    %dma_wait3A_176 = arith.constant 0 : i32
    %dma_wait3A_177 = arith.constant 0 : i32
    %dma_wait3A_178 = tpu.memref_slice %arg5[%dma_wait3A, %dma_wait3A_176, %dma_wait3A_177] : memref<8x2x128xi32, #tpu.memory_space<vmem>> -> memref<1x2x128xi32, #tpu.memory_space<vmem>>
    %dma_wait3A_179 = tpu.memref_squeeze %dma_wait3A_178 : memref<1x2x128xi32, #tpu.memory_space<vmem>> -> memref<2x128xi32, #tpu.memory_space<vmem>>
    %dma_wait3A_180 = arith.constant 0 : i32
    %dma_wait3A_181 = arith.constant 0 : i32
    %dma_wait3A_182 = tpu.memref_slice %arg3[%add3A_167, %dma_wait3A_180, %dma_wait3A_181] : memref<2560x2x128xi32, #tpu.memory_space<hbm>> -> memref<1x2x128xi32, #tpu.memory_space<hbm>>
    %dma_wait3A_183 = tpu.memref_squeeze %dma_wait3A_182 : memref<1x2x128xi32, #tpu.memory_space<hbm>> -> memref<2x128xi32, #tpu.memory_space<hbm>>
    tpu.wait_dma2 semaphore(%arg8 : memref<!tpu.dma_semaphore, #tpu.memory_space<semaphore_mem>>) src(%dma_wait3A_183 : memref<2x128xi32, #tpu.memory_space<hbm>>) dst(%dma_wait3A_179 : memref<2x128xi32, #tpu.memory_space<vmem>>)
    %dma_start3A_184 = arith.constant 0 : i32
    %dma_start3A_185 = arith.constant 0 : i32
    %dma_start3A_186 = arith.constant 0 : i32
    %dma_start3A_187 = arith.constant 0 : i32
    %dma_start3A_188 = tpu.memref_slice %arg6[%dma_start3A_186, %dma_start3A_187] : memref<256x128xf32, #tpu.memory_space<vmem>> -> memref<128x128xf32, #tpu.memory_space<vmem>>
    %dma_start3A_189 = arith.constant 0 : i32
    %dma_start3A_190 = tpu.memref_slice %arg5[%dma_start3A_184, %dma_start3A_185, %dma_start3A_189] : memref<8x2x128xi32, #tpu.memory_space<vmem>> -> memref<1x1x128xi32, #tpu.memory_space<vmem>>
    %dma_start3A_191 = tpu.memref_squeeze %dma_start3A_190 : memref<1x1x128xi32, #tpu.memory_space<vmem>> -> memref<128xi32, #tpu.memory_space<vmem>>
    %dma_start3A_192 = arith.constant 0 : i32
    %dma_start3A_193 = arith.constant 0 : i32
    %dma_start3A_194 = tpu.memref_slice %arg2[%dma_start3A_192, %dma_start3A_193] : memref<10240x128xf32, #tpu.memory_space<hbm>> -> memref<10240x128xf32, #tpu.memory_space<hbm>>
    tpu.enqueue_indirect_dma source(%dma_start3A_194 : memref<10240x128xf32, #tpu.memory_space<hbm>>) target(%dma_start3A_188 : memref<128x128xf32, #tpu.memory_space<vmem>>) offsets(%dma_start3A_191 : memref<128xi32, #tpu.memory_space<vmem>>) semaphore(%arg16 : memref<!tpu.dma_semaphore, #tpu.memory_space<semaphore_mem>>)
    %add3A_195 = arith.constant 1 : i32
    %add3A_196 = arith.addi %mul3A_14, %add3A_195 : i32
    %dma_wait3A_197 = arith.constant 1 : i32
    %dma_wait3A_198 = arith.constant 0 : i32
    %dma_wait3A_199 = arith.constant 0 : i32
    %dma_wait3A_200 = tpu.memref_slice %arg5[%dma_wait3A_197, %dma_wait3A_198, %dma_wait3A_199] : memref<8x2x128xi32, #tpu.memory_space<vmem>> -> memref<1x2x128xi32, #tpu.memory_space<vmem>>
    %dma_wait3A_201 = tpu.memref_squeeze %dma_wait3A_200 : memref<1x2x128xi32, #tpu.memory_space<vmem>> -> memref<2x128xi32, #tpu.memory_space<vmem>>
    %dma_wait3A_202 = arith.constant 0 : i32
    %dma_wait3A_203 = arith.constant 0 : i32
    %dma_wait3A_204 = tpu.memref_slice %arg3[%add3A_196, %dma_wait3A_202, %dma_wait3A_203] : memref<2560x2x128xi32, #tpu.memory_space<hbm>> -> memref<1x2x128xi32, #tpu.memory_space<hbm>>
    %dma_wait3A_205 = tpu.memref_squeeze %dma_wait3A_204 : memref<1x2x128xi32, #tpu.memory_space<hbm>> -> memref<2x128xi32, #tpu.memory_space<hbm>>
    %dma_wait3A_206 = arith.constant 0 : i32
    %dma_wait3A_207 = arith.constant 0 : i32
    %dma_wait3A_208 = tpu.memref_slice %arg5[%dma_wait3A_197, %dma_wait3A_206, %dma_wait3A_207] : memref<8x2x128xi32, #tpu.memory_space<vmem>> -> memref<1x2x128xi32, #tpu.memory_space<vmem>>
    %dma_wait3A_209 = tpu.memref_squeeze %dma_wait3A_208 : memref<1x2x128xi32, #tpu.memory_space<vmem>> -> memref<2x128xi32, #tpu.memory_space<vmem>>
    %dma_wait3A_210 = arith.constant 0 : i32
    %dma_wait3A_211 = arith.constant 0 : i32
    %dma_wait3A_212 = tpu.memref_slice %arg3[%add3A_196, %dma_wait3A_210, %dma_wait3A_211] : memref<2560x2x128xi32, #tpu.memory_space<hbm>> -> memref<1x2x128xi32, #tpu.memory_space<hbm>>
    %dma_wait3A_213 = tpu.memref_squeeze %dma_wait3A_212 : memref<1x2x128xi32, #tpu.memory_space<hbm>> -> memref<2x128xi32, #tpu.memory_space<hbm>>
    tpu.wait_dma2 semaphore(%arg9 : memref<!tpu.dma_semaphore, #tpu.memory_space<semaphore_mem>>) src(%dma_wait3A_213 : memref<2x128xi32, #tpu.memory_space<hbm>>) dst(%dma_wait3A_209 : memref<2x128xi32, #tpu.memory_space<vmem>>)
    %dma_start3A_214 = arith.constant 1 : i32
    %dma_start3A_215 = arith.constant 0 : i32
    %dma_start3A_216 = arith.constant 128 : i32
    %dma_start3A_217 = arith.constant 0 : i32
    %dma_start3A_218 = tpu.memref_slice %arg6[%dma_start3A_216, %dma_start3A_217] : memref<256x128xf32, #tpu.memory_space<vmem>> -> memref<128x128xf32, #tpu.memory_space<vmem>>
    %dma_start3A_219 = arith.constant 0 : i32
    %dma_start3A_220 = tpu.memref_slice %arg5[%dma_start3A_214, %dma_start3A_215, %dma_start3A_219] : memref<8x2x128xi32, #tpu.memory_space<vmem>> -> memref<1x1x128xi32, #tpu.memory_space<vmem>>
    %dma_start3A_221 = tpu.memref_squeeze %dma_start3A_220 : memref<1x1x128xi32, #tpu.memory_space<vmem>> -> memref<128xi32, #tpu.memory_space<vmem>>
    %dma_start3A_222 = arith.constant 0 : i32
    %dma_start3A_223 = arith.constant 0 : i32
    %dma_start3A_224 = tpu.memref_slice %arg2[%dma_start3A_222, %dma_start3A_223] : memref<10240x128xf32, #tpu.memory_space<hbm>> -> memref<10240x128xf32, #tpu.memory_space<hbm>>
    tpu.enqueue_indirect_dma source(%dma_start3A_224 : memref<10240x128xf32, #tpu.memory_space<hbm>>) target(%dma_start3A_218 : memref<128x128xf32, #tpu.memory_space<vmem>>) offsets(%dma_start3A_221 : memref<128xi32, #tpu.memory_space<vmem>>) semaphore(%arg17 : memref<!tpu.dma_semaphore, #tpu.memory_space<semaphore_mem>>)
    %scan3A_225 = arith.constant 0 : i32
    %scan3A_226 = arith.constant 10 : i32
    %scan3A_227 = arith.addi %scan3A_225, %scan3A_226 : i32
    %scan3A_228 = arith.constant 1 : i32
    scf.for %scan3A_235 = %scan3A_225 to %scan3A_227 step %scan3A_228  : i32 {
      %mul3A_236 = arith.constant 8 : i32
      %mul3A_237 = arith.muli %scan3A_235, %mul3A_236 : i32
      %add3A_238 = arith.constant 0 : i32
      %add3A_239 = arith.addi %add3A_238, %mul3A_237 : i32
      %add3A_240 = arith.constant 0 : i32
      %add3A_241 = arith.addi %add3A_239, %add3A_240 : i32
      %dma_wait3A_242 = arith.constant 0 : i32
      %dma_wait3A_243 = arith.constant 0 : i32
      %dma_wait3A_244 = arith.constant 0 : i32
      %dma_wait3A_245 = arith.constant 0 : i32
      %dma_wait3A_246 = tpu.memref_slice %arg6[%dma_wait3A_244, %dma_wait3A_245] : memref<256x128xf32, #tpu.memory_space<vmem>> -> memref<128x128xf32, #tpu.memory_space<vmem>>
      %dma_wait3A_247 = arith.constant 0 : i32
      %dma_wait3A_248 = tpu.memref_slice %arg5[%dma_wait3A_242, %dma_wait3A_243, %dma_wait3A_247] : memref<8x2x128xi32, #tpu.memory_space<vmem>> -> memref<1x1x128xi32, #tpu.memory_space<vmem>>
      %dma_wait3A_249 = tpu.memref_squeeze %dma_wait3A_248 : memref<1x1x128xi32, #tpu.memory_space<vmem>> -> memref<128xi32, #tpu.memory_space<vmem>>
      %dma_wait3A_250 = arith.constant 0 : i32
      %dma_wait3A_251 = arith.constant 0 : i32
      %dma_wait3A_252 = tpu.memref_slice %arg2[%dma_wait3A_250, %dma_wait3A_251] : memref<10240x128xf32, #tpu.memory_space<hbm>> -> memref<10240x128xf32, #tpu.memory_space<hbm>>
      tpu.wait_indirect_dma semaphore(%arg16 : memref<!tpu.dma_semaphore, #tpu.memory_space<semaphore_mem>>) src(%dma_wait3A_252 : memref<10240x128xf32, #tpu.memory_space<hbm>>) dst(%dma_wait3A_246 : memref<128x128xf32, #tpu.memory_space<vmem>>)
      %run_scoped3A = arith.constant 0 : i32
      %run_scoped3A_253 = arith.constant 1 : i32
      "tpu.region"() ({
        %run_scoped3A_468 = tpu.sem_alloc : memref<!tpu.dma_semaphore, #tpu.memory_space<semaphore_mem>>
        %dma_start3A_469 = arith.constant 0 : i32
        %dma_start3A_470 = arith.constant 0 : i32
        %dma_start3A_471 = tpu.memref_slice %arg6[%dma_start3A_469, %dma_start3A_470] : memref<256x128xf32, #tpu.memory_space<vmem>> -> memref<128x128xf32, #tpu.memory_space<vmem>>
        %dma_start3A_472 = arith.constant 0 : i32
        %dma_start3A_473 = tpu.memref_slice %arg5[%run_scoped3A, %run_scoped3A_253, %dma_start3A_472] : memref<8x2x128xi32, #tpu.memory_space<vmem>> -> memref<1x1x128xi32, #tpu.memory_space<vmem>>
        %dma_start3A_474 = tpu.memref_squeeze %dma_start3A_473 : memref<1x1x128xi32, #tpu.memory_space<vmem>> -> memref<128xi32, #tpu.memory_space<vmem>>
        %dma_start3A_475 = arith.constant 0 : i32
        %dma_start3A_476 = arith.constant 0 : i32
        %dma_start3A_477 = tpu.memref_slice %arg7[%dma_start3A_475, %dma_start3A_476] : memref<10240x128xf32, #tpu.memory_space<vmem_shared>> -> memref<10240x128xf32, #tpu.memory_space<vmem_shared>>
        tpu.enqueue_indirect_dma source(%dma_start3A_471 : memref<128x128xf32, #tpu.memory_space<vmem>>) target(%dma_start3A_477 : memref<10240x128xf32, #tpu.memory_space<vmem_shared>>) offsets(%dma_start3A_474 : memref<128xi32, #tpu.memory_space<vmem>>) semaphore(%run_scoped3A_468 : memref<!tpu.dma_semaphore, #tpu.memory_space<semaphore_mem>>) {add = true}
        %dma_wait3A_478 = arith.constant 0 : i32
        %dma_wait3A_479 = arith.constant 0 : i32
        %dma_wait3A_480 = tpu.memref_slice %arg6[%dma_wait3A_478, %dma_wait3A_479] : memref<256x128xf32, #tpu.memory_space<vmem>> -> memref<128x128xf32, #tpu.memory_space<vmem>>
        %dma_wait3A_481 = arith.constant 0 : i32
        %dma_wait3A_482 = tpu.memref_slice %arg5[%run_scoped3A, %run_scoped3A_253, %dma_wait3A_481] : memref<8x2x128xi32, #tpu.memory_space<vmem>> -> memref<1x1x128xi32, #tpu.memory_space<vmem>>
        %dma_wait3A_483 = tpu.memref_squeeze %dma_wait3A_482 : memref<1x1x128xi32, #tpu.memory_space<vmem>> -> memref<128xi32, #tpu.memory_space<vmem>>
        %dma_wait3A_484 = arith.constant 0 : i32
        %dma_wait3A_485 = arith.constant 0 : i32
        %dma_wait3A_486 = tpu.memref_slice %arg7[%dma_wait3A_484, %dma_wait3A_485] : memref<10240x128xf32, #tpu.memory_space<vmem_shared>> -> memref<10240x128xf32, #tpu.memory_space<vmem_shared>>
        tpu.wait_indirect_dma semaphore(%run_scoped3A_468 : memref<!tpu.dma_semaphore, #tpu.memory_space<semaphore_mem>>) src(%dma_wait3A_480 : memref<128x128xf32, #tpu.memory_space<vmem>>) dst(%dma_wait3A_486 : memref<10240x128xf32, #tpu.memory_space<vmem_shared>>)
        tpu.yield
      }) : () -> ()
      %add3A_254 = arith.constant 8 : i32
      %add3A_255 = arith.addi %add3A_241, %add3A_254 : i32
      %lt3A = arith.constant 80 : i32
      %lt3A_256 = arith.cmpi slt, %add3A_255, %lt3A : i32
      %convert_element_type3A = arith.extui %lt3A_256 : i1 to i32
      %cond3A = arith.constant 0 : i32
      %cond3A_257 = arith.cmpi ne, %convert_element_type3A, %cond3A : i32
      scf.if %cond3A_257 {
        %add3A_468 = arith.constant 8 : i32
        %add3A_469 = arith.addi %add3A_241, %add3A_468 : i32
        %add3A_470 = arith.addi %mul3A_14, %add3A_469 : i32
        %dma_start3A_471 = arith.constant 0 : i32
        %dma_start3A_472 = arith.constant 0 : i32
        %dma_start3A_473 = arith.constant 0 : i32
        %dma_start3A_474 = tpu.memref_slice %arg5[%dma_start3A_471, %dma_start3A_472, %dma_start3A_473] : memref<8x2x128xi32, #tpu.memory_space<vmem>> -> memref<1x2x128xi32, #tpu.memory_space<vmem>>
        %dma_start3A_475 = tpu.memref_squeeze %dma_start3A_474 : memref<1x2x128xi32, #tpu.memory_space<vmem>> -> memref<2x128xi32, #tpu.memory_space<vmem>>
        %dma_start3A_476 = arith.constant 0 : i32
        %dma_start3A_477 = arith.constant 0 : i32
        %dma_start3A_478 = tpu.memref_slice %arg3[%add3A_470, %dma_start3A_476, %dma_start3A_477] : memref<2560x2x128xi32, #tpu.memory_space<hbm>> -> memref<1x2x128xi32, #tpu.memory_space<hbm>>
        %dma_start3A_479 = tpu.memref_squeeze %dma_start3A_478 : memref<1x2x128xi32, #tpu.memory_space<hbm>> -> memref<2x128xi32, #tpu.memory_space<hbm>>
        %dma_start3A_480 = arith.constant 0 : i32
        %dma_start3A_481 = arith.constant 0 : i32
        %dma_start3A_482 = tpu.memref_slice %arg5[%dma_start3A_471, %dma_start3A_480, %dma_start3A_481] : memref<8x2x128xi32, #tpu.memory_space<vmem>> -> memref<1x2x128xi32, #tpu.memory_space<vmem>>
        %dma_start3A_483 = tpu.memref_squeeze %dma_start3A_482 : memref<1x2x128xi32, #tpu.memory_space<vmem>> -> memref<2x128xi32, #tpu.memory_space<vmem>>
        %dma_start3A_484 = arith.constant 0 : i32
        %dma_start3A_485 = arith.constant 0 : i32
        %dma_start3A_486 = tpu.memref_slice %arg3[%add3A_470, %dma_start3A_484, %dma_start3A_485] : memref<2560x2x128xi32, #tpu.memory_space<hbm>> -> memref<1x2x128xi32, #tpu.memory_space<hbm>>
        %dma_start3A_487 = tpu.memref_squeeze %dma_start3A_486 : memref<1x2x128xi32, #tpu.memory_space<hbm>> -> memref<2x128xi32, #tpu.memory_space<hbm>>
        tpu.enqueue_dma source(%dma_start3A_487 : memref<2x128xi32, #tpu.memory_space<hbm>>) target(%dma_start3A_483 : memref<2x128xi32, #tpu.memory_space<vmem>>) target_semaphore(%arg8 : memref<!tpu.dma_semaphore, #tpu.memory_space<semaphore_mem>>)
      } else {
      }
      %add3A_258 = arith.constant 2 : i32
      %add3A_259 = arith.addi %add3A_241, %add3A_258 : i32
      %lt3A_260 = arith.constant 80 : i32
      %lt3A_261 = arith.cmpi slt, %add3A_259, %lt3A_260 : i32
      %convert_element_type3A_262 = arith.extui %lt3A_261 : i1 to i32
      %cond3A_263 = arith.constant 0 : i32
      %cond3A_264 = arith.cmpi ne, %convert_element_type3A_262, %cond3A_263 : i32
      scf.if %cond3A_264 {
        %add3A_468 = arith.constant 2 : i32
        %add3A_469 = arith.addi %add3A_241, %add3A_468 : i32
        %add3A_470 = arith.addi %mul3A_14, %add3A_469 : i32
        %dma_wait3A_471 = arith.constant 2 : i32
        %dma_wait3A_472 = arith.constant 0 : i32
        %dma_wait3A_473 = arith.constant 0 : i32
        %dma_wait3A_474 = tpu.memref_slice %arg5[%dma_wait3A_471, %dma_wait3A_472, %dma_wait3A_473] : memref<8x2x128xi32, #tpu.memory_space<vmem>> -> memref<1x2x128xi32, #tpu.memory_space<vmem>>
        %dma_wait3A_475 = tpu.memref_squeeze %dma_wait3A_474 : memref<1x2x128xi32, #tpu.memory_space<vmem>> -> memref<2x128xi32, #tpu.memory_space<vmem>>
        %dma_wait3A_476 = arith.constant 0 : i32
        %dma_wait3A_477 = arith.constant 0 : i32
        %dma_wait3A_478 = tpu.memref_slice %arg3[%add3A_470, %dma_wait3A_476, %dma_wait3A_477] : memref<2560x2x128xi32, #tpu.memory_space<hbm>> -> memref<1x2x128xi32, #tpu.memory_space<hbm>>
        %dma_wait3A_479 = tpu.memref_squeeze %dma_wait3A_478 : memref<1x2x128xi32, #tpu.memory_space<hbm>> -> memref<2x128xi32, #tpu.memory_space<hbm>>
        %dma_wait3A_480 = arith.constant 0 : i32
        %dma_wait3A_481 = arith.constant 0 : i32
        %dma_wait3A_482 = tpu.memref_slice %arg5[%dma_wait3A_471, %dma_wait3A_480, %dma_wait3A_481] : memref<8x2x128xi32, #tpu.memory_space<vmem>> -> memref<1x2x128xi32, #tpu.memory_space<vmem>>
        %dma_wait3A_483 = tpu.memref_squeeze %dma_wait3A_482 : memref<1x2x128xi32, #tpu.memory_space<vmem>> -> memref<2x128xi32, #tpu.memory_space<vmem>>
        %dma_wait3A_484 = arith.constant 0 : i32
        %dma_wait3A_485 = arith.constant 0 : i32
        %dma_wait3A_486 = tpu.memref_slice %arg3[%add3A_470, %dma_wait3A_484, %dma_wait3A_485] : memref<2560x2x128xi32, #tpu.memory_space<hbm>> -> memref<1x2x128xi32, #tpu.memory_space<hbm>>
        %dma_wait3A_487 = tpu.memref_squeeze %dma_wait3A_486 : memref<1x2x128xi32, #tpu.memory_space<hbm>> -> memref<2x128xi32, #tpu.memory_space<hbm>>
        tpu.wait_dma2 semaphore(%arg10 : memref<!tpu.dma_semaphore, #tpu.memory_space<semaphore_mem>>) src(%dma_wait3A_487 : memref<2x128xi32, #tpu.memory_space<hbm>>) dst(%dma_wait3A_483 : memref<2x128xi32, #tpu.memory_space<vmem>>)
        %dma_start3A_488 = arith.constant 2 : i32
        %dma_start3A_489 = arith.constant 0 : i32
        %dma_start3A_490 = arith.constant 0 : i32
        %dma_start3A_491 = arith.constant 0 : i32
        %dma_start3A_492 = tpu.memref_slice %arg6[%dma_start3A_490, %dma_start3A_491] : memref<256x128xf32, #tpu.memory_space<vmem>> -> memref<128x128xf32, #tpu.memory_space<vmem>>
        %dma_start3A_493 = arith.constant 0 : i32
        %dma_start3A_494 = tpu.memref_slice %arg5[%dma_start3A_488, %dma_start3A_489, %dma_start3A_493] : memref<8x2x128xi32, #tpu.memory_space<vmem>> -> memref<1x1x128xi32, #tpu.memory_space<vmem>>
        %dma_start3A_495 = tpu.memref_squeeze %dma_start3A_494 : memref<1x1x128xi32, #tpu.memory_space<vmem>> -> memref<128xi32, #tpu.memory_space<vmem>>
        %dma_start3A_496 = arith.constant 0 : i32
        %dma_start3A_497 = arith.constant 0 : i32
        %dma_start3A_498 = tpu.memref_slice %arg2[%dma_start3A_496, %dma_start3A_497] : memref<10240x128xf32, #tpu.memory_space<hbm>> -> memref<10240x128xf32, #tpu.memory_space<hbm>>
        tpu.enqueue_indirect_dma source(%dma_start3A_498 : memref<10240x128xf32, #tpu.memory_space<hbm>>) target(%dma_start3A_492 : memref<128x128xf32, #tpu.memory_space<vmem>>) offsets(%dma_start3A_495 : memref<128xi32, #tpu.memory_space<vmem>>) semaphore(%arg16 : memref<!tpu.dma_semaphore, #tpu.memory_space<semaphore_mem>>)
      } else {
      }
      %add3A_265 = arith.constant 1 : i32
      %add3A_266 = arith.addi %add3A_239, %add3A_265 : i32
      %dma_wait3A_267 = arith.constant 1 : i32
      %dma_wait3A_268 = arith.constant 0 : i32
      %dma_wait3A_269 = arith.constant 128 : i32
      %dma_wait3A_270 = arith.constant 0 : i32
      %dma_wait3A_271 = tpu.memref_slice %arg6[%dma_wait3A_269, %dma_wait3A_270] : memref<256x128xf32, #tpu.memory_space<vmem>> -> memref<128x128xf32, #tpu.memory_space<vmem>>
      %dma_wait3A_272 = arith.constant 0 : i32
      %dma_wait3A_273 = tpu.memref_slice %arg5[%dma_wait3A_267, %dma_wait3A_268, %dma_wait3A_272] : memref<8x2x128xi32, #tpu.memory_space<vmem>> -> memref<1x1x128xi32, #tpu.memory_space<vmem>>
      %dma_wait3A_274 = tpu.memref_squeeze %dma_wait3A_273 : memref<1x1x128xi32, #tpu.memory_space<vmem>> -> memref<128xi32, #tpu.memory_space<vmem>>
      %dma_wait3A_275 = arith.constant 0 : i32
      %dma_wait3A_276 = arith.constant 0 : i32
      %dma_wait3A_277 = tpu.memref_slice %arg2[%dma_wait3A_275, %dma_wait3A_276] : memref<10240x128xf32, #tpu.memory_space<hbm>> -> memref<10240x128xf32, #tpu.memory_space<hbm>>
      tpu.wait_indirect_dma semaphore(%arg17 : memref<!tpu.dma_semaphore, #tpu.memory_space<semaphore_mem>>) src(%dma_wait3A_277 : memref<10240x128xf32, #tpu.memory_space<hbm>>) dst(%dma_wait3A_271 : memref<128x128xf32, #tpu.memory_space<vmem>>)
      %run_scoped3A_278 = arith.constant 1 : i32
      %run_scoped3A_279 = arith.constant 1 : i32
      "tpu.region"() ({
        %run_scoped3A_468 = tpu.sem_alloc : memref<!tpu.dma_semaphore, #tpu.memory_space<semaphore_mem>>
        %dma_start3A_469 = arith.constant 128 : i32
        %dma_start3A_470 = arith.constant 0 : i32
        %dma_start3A_471 = tpu.memref_slice %arg6[%dma_start3A_469, %dma_start3A_470] : memref<256x128xf32, #tpu.memory_space<vmem>> -> memref<128x128xf32, #tpu.memory_space<vmem>>
        %dma_start3A_472 = arith.constant 0 : i32
        %dma_start3A_473 = tpu.memref_slice %arg5[%run_scoped3A_278, %run_scoped3A_279, %dma_start3A_472] : memref<8x2x128xi32, #tpu.memory_space<vmem>> -> memref<1x1x128xi32, #tpu.memory_space<vmem>>
        %dma_start3A_474 = tpu.memref_squeeze %dma_start3A_473 : memref<1x1x128xi32, #tpu.memory_space<vmem>> -> memref<128xi32, #tpu.memory_space<vmem>>
        %dma_start3A_475 = arith.constant 0 : i32
        %dma_start3A_476 = arith.constant 0 : i32
        %dma_start3A_477 = tpu.memref_slice %arg7[%dma_start3A_475, %dma_start3A_476] : memref<10240x128xf32, #tpu.memory_space<vmem_shared>> -> memref<10240x128xf32, #tpu.memory_space<vmem_shared>>
        tpu.enqueue_indirect_dma source(%dma_start3A_471 : memref<128x128xf32, #tpu.memory_space<vmem>>) target(%dma_start3A_477 : memref<10240x128xf32, #tpu.memory_space<vmem_shared>>) offsets(%dma_start3A_474 : memref<128xi32, #tpu.memory_space<vmem>>) semaphore(%run_scoped3A_468 : memref<!tpu.dma_semaphore, #tpu.memory_space<semaphore_mem>>) {add = true}
        %dma_wait3A_478 = arith.constant 128 : i32
        %dma_wait3A_479 = arith.constant 0 : i32
        %dma_wait3A_480 = tpu.memref_slice %arg6[%dma_wait3A_478, %dma_wait3A_479] : memref<256x128xf32, #tpu.memory_space<vmem>> -> memref<128x128xf32, #tpu.memory_space<vmem>>
        %dma_wait3A_481 = arith.constant 0 : i32
        %dma_wait3A_482 = tpu.memref_slice %arg5[%run_scoped3A_278, %run_scoped3A_279, %dma_wait3A_481] : memref<8x2x128xi32, #tpu.memory_space<vmem>> -> memref<1x1x128xi32, #tpu.memory_space<vmem>>
        %dma_wait3A_483 = tpu.memref_squeeze %dma_wait3A_482 : memref<1x1x128xi32, #tpu.memory_space<vmem>> -> memref<128xi32, #tpu.memory_space<vmem>>
        %dma_wait3A_484 = arith.constant 0 : i32
        %dma_wait3A_485 = arith.constant 0 : i32
        %dma_wait3A_486 = tpu.memref_slice %arg7[%dma_wait3A_484, %dma_wait3A_485] : memref<10240x128xf32, #tpu.memory_space<vmem_shared>> -> memref<10240x128xf32, #tpu.memory_space<vmem_shared>>
        tpu.wait_indirect_dma semaphore(%run_scoped3A_468 : memref<!tpu.dma_semaphore, #tpu.memory_space<semaphore_mem>>) src(%dma_wait3A_480 : memref<128x128xf32, #tpu.memory_space<vmem>>) dst(%dma_wait3A_486 : memref<10240x128xf32, #tpu.memory_space<vmem_shared>>)
        tpu.yield
      }) : () -> ()
      %add3A_280 = arith.constant 8 : i32
      %add3A_281 = arith.addi %add3A_266, %add3A_280 : i32
      %lt3A_282 = arith.constant 80 : i32
      %lt3A_283 = arith.cmpi slt, %add3A_281, %lt3A_282 : i32
      %convert_element_type3A_284 = arith.extui %lt3A_283 : i1 to i32
      %cond3A_285 = arith.constant 0 : i32
      %cond3A_286 = arith.cmpi ne, %convert_element_type3A_284, %cond3A_285 : i32
      scf.if %cond3A_286 {
        %add3A_468 = arith.constant 8 : i32
        %add3A_469 = arith.addi %add3A_266, %add3A_468 : i32
        %add3A_470 = arith.addi %mul3A_14, %add3A_469 : i32
        %dma_start3A_471 = arith.constant 1 : i32
        %dma_start3A_472 = arith.constant 0 : i32
        %dma_start3A_473 = arith.constant 0 : i32
        %dma_start3A_474 = tpu.memref_slice %arg5[%dma_start3A_471, %dma_start3A_472, %dma_start3A_473] : memref<8x2x128xi32, #tpu.memory_space<vmem>> -> memref<1x2x128xi32, #tpu.memory_space<vmem>>
        %dma_start3A_475 = tpu.memref_squeeze %dma_start3A_474 : memref<1x2x128xi32, #tpu.memory_space<vmem>> -> memref<2x128xi32, #tpu.memory_space<vmem>>
        %dma_start3A_476 = arith.constant 0 : i32
        %dma_start3A_477 = arith.constant 0 : i32
        %dma_start3A_478 = tpu.memref_slice %arg3[%add3A_470, %dma_start3A_476, %dma_start3A_477] : memref<2560x2x128xi32, #tpu.memory_space<hbm>> -> memref<1x2x128xi32, #tpu.memory_space<hbm>>
        %dma_start3A_479 = tpu.memref_squeeze %dma_start3A_478 : memref<1x2x128xi32, #tpu.memory_space<hbm>> -> memref<2x128xi32, #tpu.memory_space<hbm>>
        %dma_start3A_480 = arith.constant 0 : i32
        %dma_start3A_481 = arith.constant 0 : i32
        %dma_start3A_482 = tpu.memref_slice %arg5[%dma_start3A_471, %dma_start3A_480, %dma_start3A_481] : memref<8x2x128xi32, #tpu.memory_space<vmem>> -> memref<1x2x128xi32, #tpu.memory_space<vmem>>
        %dma_start3A_483 = tpu.memref_squeeze %dma_start3A_482 : memref<1x2x128xi32, #tpu.memory_space<vmem>> -> memref<2x128xi32, #tpu.memory_space<vmem>>
        %dma_start3A_484 = arith.constant 0 : i32
        %dma_start3A_485 = arith.constant 0 : i32
        %dma_start3A_486 = tpu.memref_slice %arg3[%add3A_470, %dma_start3A_484, %dma_start3A_485] : memref<2560x2x128xi32, #tpu.memory_space<hbm>> -> memref<1x2x128xi32, #tpu.memory_space<hbm>>
        %dma_start3A_487 = tpu.memref_squeeze %dma_start3A_486 : memref<1x2x128xi32, #tpu.memory_space<hbm>> -> memref<2x128xi32, #tpu.memory_space<hbm>>
        tpu.enqueue_dma source(%dma_start3A_487 : memref<2x128xi32, #tpu.memory_space<hbm>>) target(%dma_start3A_483 : memref<2x128xi32, #tpu.memory_space<vmem>>) target_semaphore(%arg9 : memref<!tpu.dma_semaphore, #tpu.memory_space<semaphore_mem>>)
      } else {
      }
      %add3A_287 = arith.constant 2 : i32
      %add3A_288 = arith.addi %add3A_266, %add3A_287 : i32
      %lt3A_289 = arith.constant 80 : i32
      %lt3A_290 = arith.cmpi slt, %add3A_288, %lt3A_289 : i32
      %convert_element_type3A_291 = arith.extui %lt3A_290 : i1 to i32
      %cond3A_292 = arith.constant 0 : i32
      %cond3A_293 = arith.cmpi ne, %convert_element_type3A_291, %cond3A_292 : i32
      scf.if %cond3A_293 {
        %add3A_468 = arith.constant 2 : i32
        %add3A_469 = arith.addi %add3A_266, %add3A_468 : i32
        %add3A_470 = arith.addi %mul3A_14, %add3A_469 : i32
        %dma_wait3A_471 = arith.constant 3 : i32
        %dma_wait3A_472 = arith.constant 0 : i32
        %dma_wait3A_473 = arith.constant 0 : i32
        %dma_wait3A_474 = tpu.memref_slice %arg5[%dma_wait3A_471, %dma_wait3A_472, %dma_wait3A_473] : memref<8x2x128xi32, #tpu.memory_space<vmem>> -> memref<1x2x128xi32, #tpu.memory_space<vmem>>
        %dma_wait3A_475 = tpu.memref_squeeze %dma_wait3A_474 : memref<1x2x128xi32, #tpu.memory_space<vmem>> -> memref<2x128xi32, #tpu.memory_space<vmem>>
        %dma_wait3A_476 = arith.constant 0 : i32
        %dma_wait3A_477 = arith.constant 0 : i32
        %dma_wait3A_478 = tpu.memref_slice %arg3[%add3A_470, %dma_wait3A_476, %dma_wait3A_477] : memref<2560x2x128xi32, #tpu.memory_space<hbm>> -> memref<1x2x128xi32, #tpu.memory_space<hbm>>
        %dma_wait3A_479 = tpu.memref_squeeze %dma_wait3A_478 : memref<1x2x128xi32, #tpu.memory_space<hbm>> -> memref<2x128xi32, #tpu.memory_space<hbm>>
        %dma_wait3A_480 = arith.constant 0 : i32
        %dma_wait3A_481 = arith.constant 0 : i32
        %dma_wait3A_482 = tpu.memref_slice %arg5[%dma_wait3A_471, %dma_wait3A_480, %dma_wait3A_481] : memref<8x2x128xi32, #tpu.memory_space<vmem>> -> memref<1x2x128xi32, #tpu.memory_space<vmem>>
        %dma_wait3A_483 = tpu.memref_squeeze %dma_wait3A_482 : memref<1x2x128xi32, #tpu.memory_space<vmem>> -> memref<2x128xi32, #tpu.memory_space<vmem>>
        %dma_wait3A_484 = arith.constant 0 : i32
        %dma_wait3A_485 = arith.constant 0 : i32
        %dma_wait3A_486 = tpu.memref_slice %arg3[%add3A_470, %dma_wait3A_484, %dma_wait3A_485] : memref<2560x2x128xi32, #tpu.memory_space<hbm>> -> memref<1x2x128xi32, #tpu.memory_space<hbm>>
        %dma_wait3A_487 = tpu.memref_squeeze %dma_wait3A_486 : memref<1x2x128xi32, #tpu.memory_space<hbm>> -> memref<2x128xi32, #tpu.memory_space<hbm>>
        tpu.wait_dma2 semaphore(%arg11 : memref<!tpu.dma_semaphore, #tpu.memory_space<semaphore_mem>>) src(%dma_wait3A_487 : memref<2x128xi32, #tpu.memory_space<hbm>>) dst(%dma_wait3A_483 : memref<2x128xi32, #tpu.memory_space<vmem>>)
        %dma_start3A_488 = arith.constant 3 : i32
        %dma_start3A_489 = arith.constant 0 : i32
        %dma_start3A_490 = arith.constant 128 : i32
        %dma_start3A_491 = arith.constant 0 : i32
        %dma_start3A_492 = tpu.memref_slice %arg6[%dma_start3A_490, %dma_start3A_491] : memref<256x128xf32, #tpu.memory_space<vmem>> -> memref<128x128xf32, #tpu.memory_space<vmem>>
        %dma_start3A_493 = arith.constant 0 : i32
        %dma_start3A_494 = tpu.memref_slice %arg5[%dma_start3A_488, %dma_start3A_489, %dma_start3A_493] : memref<8x2x128xi32, #tpu.memory_space<vmem>> -> memref<1x1x128xi32, #tpu.memory_space<vmem>>
        %dma_start3A_495 = tpu.memref_squeeze %dma_start3A_494 : memref<1x1x128xi32, #tpu.memory_space<vmem>> -> memref<128xi32, #tpu.memory_space<vmem>>
        %dma_start3A_496 = arith.constant 0 : i32
        %dma_start3A_497 = arith.constant 0 : i32
        %dma_start3A_498 = tpu.memref_slice %arg2[%dma_start3A_496, %dma_start3A_497] : memref<10240x128xf32, #tpu.memory_space<hbm>> -> memref<10240x128xf32, #tpu.memory_space<hbm>>
        tpu.enqueue_indirect_dma source(%dma_start3A_498 : memref<10240x128xf32, #tpu.memory_space<hbm>>) target(%dma_start3A_492 : memref<128x128xf32, #tpu.memory_space<vmem>>) offsets(%dma_start3A_495 : memref<128xi32, #tpu.memory_space<vmem>>) semaphore(%arg17 : memref<!tpu.dma_semaphore, #tpu.memory_space<semaphore_mem>>)
      } else {
      }
      %add3A_294 = arith.constant 2 : i32
      %add3A_295 = arith.addi %add3A_239, %add3A_294 : i32
      %dma_wait3A_296 = arith.constant 2 : i32
      %dma_wait3A_297 = arith.constant 0 : i32
      %dma_wait3A_298 = arith.constant 0 : i32
      %dma_wait3A_299 = arith.constant 0 : i32
      %dma_wait3A_300 = tpu.memref_slice %arg6[%dma_wait3A_298, %dma_wait3A_299] : memref<256x128xf32, #tpu.memory_space<vmem>> -> memref<128x128xf32, #tpu.memory_space<vmem>>
      %dma_wait3A_301 = arith.constant 0 : i32
      %dma_wait3A_302 = tpu.memref_slice %arg5[%dma_wait3A_296, %dma_wait3A_297, %dma_wait3A_301] : memref<8x2x128xi32, #tpu.memory_space<vmem>> -> memref<1x1x128xi32, #tpu.memory_space<vmem>>
      %dma_wait3A_303 = tpu.memref_squeeze %dma_wait3A_302 : memref<1x1x128xi32, #tpu.memory_space<vmem>> -> memref<128xi32, #tpu.memory_space<vmem>>
      %dma_wait3A_304 = arith.constant 0 : i32
      %dma_wait3A_305 = arith.constant 0 : i32
      %dma_wait3A_306 = tpu.memref_slice %arg2[%dma_wait3A_304, %dma_wait3A_305] : memref<10240x128xf32, #tpu.memory_space<hbm>> -> memref<10240x128xf32, #tpu.memory_space<hbm>>
      tpu.wait_indirect_dma semaphore(%arg16 : memref<!tpu.dma_semaphore, #tpu.memory_space<semaphore_mem>>) src(%dma_wait3A_306 : memref<10240x128xf32, #tpu.memory_space<hbm>>) dst(%dma_wait3A_300 : memref<128x128xf32, #tpu.memory_space<vmem>>)
      %run_scoped3A_307 = arith.constant 2 : i32
      %run_scoped3A_308 = arith.constant 1 : i32
      "tpu.region"() ({
        %run_scoped3A_468 = tpu.sem_alloc : memref<!tpu.dma_semaphore, #tpu.memory_space<semaphore_mem>>
        %dma_start3A_469 = arith.constant 0 : i32
        %dma_start3A_470 = arith.constant 0 : i32
        %dma_start3A_471 = tpu.memref_slice %arg6[%dma_start3A_469, %dma_start3A_470] : memref<256x128xf32, #tpu.memory_space<vmem>> -> memref<128x128xf32, #tpu.memory_space<vmem>>
        %dma_start3A_472 = arith.constant 0 : i32
        %dma_start3A_473 = tpu.memref_slice %arg5[%run_scoped3A_307, %run_scoped3A_308, %dma_start3A_472] : memref<8x2x128xi32, #tpu.memory_space<vmem>> -> memref<1x1x128xi32, #tpu.memory_space<vmem>>
        %dma_start3A_474 = tpu.memref_squeeze %dma_start3A_473 : memref<1x1x128xi32, #tpu.memory_space<vmem>> -> memref<128xi32, #tpu.memory_space<vmem>>
        %dma_start3A_475 = arith.constant 0 : i32
        %dma_start3A_476 = arith.constant 0 : i32
        %dma_start3A_477 = tpu.memref_slice %arg7[%dma_start3A_475, %dma_start3A_476] : memref<10240x128xf32, #tpu.memory_space<vmem_shared>> -> memref<10240x128xf32, #tpu.memory_space<vmem_shared>>
        tpu.enqueue_indirect_dma source(%dma_start3A_471 : memref<128x128xf32, #tpu.memory_space<vmem>>) target(%dma_start3A_477 : memref<10240x128xf32, #tpu.memory_space<vmem_shared>>) offsets(%dma_start3A_474 : memref<128xi32, #tpu.memory_space<vmem>>) semaphore(%run_scoped3A_468 : memref<!tpu.dma_semaphore, #tpu.memory_space<semaphore_mem>>) {add = true}
        %dma_wait3A_478 = arith.constant 0 : i32
        %dma_wait3A_479 = arith.constant 0 : i32
        %dma_wait3A_480 = tpu.memref_slice %arg6[%dma_wait3A_478, %dma_wait3A_479] : memref<256x128xf32, #tpu.memory_space<vmem>> -> memref<128x128xf32, #tpu.memory_space<vmem>>
        %dma_wait3A_481 = arith.constant 0 : i32
        %dma_wait3A_482 = tpu.memref_slice %arg5[%run_scoped3A_307, %run_scoped3A_308, %dma_wait3A_481] : memref<8x2x128xi32, #tpu.memory_space<vmem>> -> memref<1x1x128xi32, #tpu.memory_space<vmem>>
        %dma_wait3A_483 = tpu.memref_squeeze %dma_wait3A_482 : memref<1x1x128xi32, #tpu.memory_space<vmem>> -> memref<128xi32, #tpu.memory_space<vmem>>
        %dma_wait3A_484 = arith.constant 0 : i32
        %dma_wait3A_485 = arith.constant 0 : i32
        %dma_wait3A_486 = tpu.memref_slice %arg7[%dma_wait3A_484, %dma_wait3A_485] : memref<10240x128xf32, #tpu.memory_space<vmem_shared>> -> memref<10240x128xf32, #tpu.memory_space<vmem_shared>>
        tpu.wait_indirect_dma semaphore(%run_scoped3A_468 : memref<!tpu.dma_semaphore, #tpu.memory_space<semaphore_mem>>) src(%dma_wait3A_480 : memref<128x128xf32, #tpu.memory_space<vmem>>) dst(%dma_wait3A_486 : memref<10240x128xf32, #tpu.memory_space<vmem_shared>>)
        tpu.yield
      }) : () -> ()
      %add3A_309 = arith.constant 8 : i32
      %add3A_310 = arith.addi %add3A_295, %add3A_309 : i32
      %lt3A_311 = arith.constant 80 : i32
      %lt3A_312 = arith.cmpi slt, %add3A_310, %lt3A_311 : i32
      %convert_element_type3A_313 = arith.extui %lt3A_312 : i1 to i32
      %cond3A_314 = arith.constant 0 : i32
      %cond3A_315 = arith.cmpi ne, %convert_element_type3A_313, %cond3A_314 : i32
      scf.if %cond3A_315 {
        %add3A_468 = arith.constant 8 : i32
        %add3A_469 = arith.addi %add3A_295, %add3A_468 : i32
        %add3A_470 = arith.addi %mul3A_14, %add3A_469 : i32
        %dma_start3A_471 = arith.constant 2 : i32
        %dma_start3A_472 = arith.constant 0 : i32
        %dma_start3A_473 = arith.constant 0 : i32
        %dma_start3A_474 = tpu.memref_slice %arg5[%dma_start3A_471, %dma_start3A_472, %dma_start3A_473] : memref<8x2x128xi32, #tpu.memory_space<vmem>> -> memref<1x2x128xi32, #tpu.memory_space<vmem>>
        %dma_start3A_475 = tpu.memref_squeeze %dma_start3A_474 : memref<1x2x128xi32, #tpu.memory_space<vmem>> -> memref<2x128xi32, #tpu.memory_space<vmem>>
        %dma_start3A_476 = arith.constant 0 : i32
        %dma_start3A_477 = arith.constant 0 : i32
        %dma_start3A_478 = tpu.memref_slice %arg3[%add3A_470, %dma_start3A_476, %dma_start3A_477] : memref<2560x2x128xi32, #tpu.memory_space<hbm>> -> memref<1x2x128xi32, #tpu.memory_space<hbm>>
        %dma_start3A_479 = tpu.memref_squeeze %dma_start3A_478 : memref<1x2x128xi32, #tpu.memory_space<hbm>> -> memref<2x128xi32, #tpu.memory_space<hbm>>
        %dma_start3A_480 = arith.constant 0 : i32
        %dma_start3A_481 = arith.constant 0 : i32
        %dma_start3A_482 = tpu.memref_slice %arg5[%dma_start3A_471, %dma_start3A_480, %dma_start3A_481] : memref<8x2x128xi32, #tpu.memory_space<vmem>> -> memref<1x2x128xi32, #tpu.memory_space<vmem>>
        %dma_start3A_483 = tpu.memref_squeeze %dma_start3A_482 : memref<1x2x128xi32, #tpu.memory_space<vmem>> -> memref<2x128xi32, #tpu.memory_space<vmem>>
        %dma_start3A_484 = arith.constant 0 : i32
        %dma_start3A_485 = arith.constant 0 : i32
        %dma_start3A_486 = tpu.memref_slice %arg3[%add3A_470, %dma_start3A_484, %dma_start3A_485] : memref<2560x2x128xi32, #tpu.memory_space<hbm>> -> memref<1x2x128xi32, #tpu.memory_space<hbm>>
        %dma_start3A_487 = tpu.memref_squeeze %dma_start3A_486 : memref<1x2x128xi32, #tpu.memory_space<hbm>> -> memref<2x128xi32, #tpu.memory_space<hbm>>
        tpu.enqueue_dma source(%dma_start3A_487 : memref<2x128xi32, #tpu.memory_space<hbm>>) target(%dma_start3A_483 : memref<2x128xi32, #tpu.memory_space<vmem>>) target_semaphore(%arg10 : memref<!tpu.dma_semaphore, #tpu.memory_space<semaphore_mem>>)
      } else {
      }
      %add3A_316 = arith.constant 2 : i32
      %add3A_317 = arith.addi %add3A_295, %add3A_316 : i32
      %lt3A_318 = arith.constant 80 : i32
      %lt3A_319 = arith.cmpi slt, %add3A_317, %lt3A_318 : i32
      %convert_element_type3A_320 = arith.extui %lt3A_319 : i1 to i32
      %cond3A_321 = arith.constant 0 : i32
      %cond3A_322 = arith.cmpi ne, %convert_element_type3A_320, %cond3A_321 : i32
      scf.if %cond3A_322 {
        %add3A_468 = arith.constant 2 : i32
        %add3A_469 = arith.addi %add3A_295, %add3A_468 : i32
        %add3A_470 = arith.addi %mul3A_14, %add3A_469 : i32
        %dma_wait3A_471 = arith.constant 4 : i32
        %dma_wait3A_472 = arith.constant 0 : i32
        %dma_wait3A_473 = arith.constant 0 : i32
        %dma_wait3A_474 = tpu.memref_slice %arg5[%dma_wait3A_471, %dma_wait3A_472, %dma_wait3A_473] : memref<8x2x128xi32, #tpu.memory_space<vmem>> -> memref<1x2x128xi32, #tpu.memory_space<vmem>>
        %dma_wait3A_475 = tpu.memref_squeeze %dma_wait3A_474 : memref<1x2x128xi32, #tpu.memory_space<vmem>> -> memref<2x128xi32, #tpu.memory_space<vmem>>
        %dma_wait3A_476 = arith.constant 0 : i32
        %dma_wait3A_477 = arith.constant 0 : i32
        %dma_wait3A_478 = tpu.memref_slice %arg3[%add3A_470, %dma_wait3A_476, %dma_wait3A_477] : memref<2560x2x128xi32, #tpu.memory_space<hbm>> -> memref<1x2x128xi32, #tpu.memory_space<hbm>>
        %dma_wait3A_479 = tpu.memref_squeeze %dma_wait3A_478 : memref<1x2x128xi32, #tpu.memory_space<hbm>> -> memref<2x128xi32, #tpu.memory_space<hbm>>
        %dma_wait3A_480 = arith.constant 0 : i32
        %dma_wait3A_481 = arith.constant 0 : i32
        %dma_wait3A_482 = tpu.memref_slice %arg5[%dma_wait3A_471, %dma_wait3A_480, %dma_wait3A_481] : memref<8x2x128xi32, #tpu.memory_space<vmem>> -> memref<1x2x128xi32, #tpu.memory_space<vmem>>
        %dma_wait3A_483 = tpu.memref_squeeze %dma_wait3A_482 : memref<1x2x128xi32, #tpu.memory_space<vmem>> -> memref<2x128xi32, #tpu.memory_space<vmem>>
        %dma_wait3A_484 = arith.constant 0 : i32
        %dma_wait3A_485 = arith.constant 0 : i32
        %dma_wait3A_486 = tpu.memref_slice %arg3[%add3A_470, %dma_wait3A_484, %dma_wait3A_485] : memref<2560x2x128xi32, #tpu.memory_space<hbm>> -> memref<1x2x128xi32, #tpu.memory_space<hbm>>
        %dma_wait3A_487 = tpu.memref_squeeze %dma_wait3A_486 : memref<1x2x128xi32, #tpu.memory_space<hbm>> -> memref<2x128xi32, #tpu.memory_space<hbm>>
        tpu.wait_dma2 semaphore(%arg12 : memref<!tpu.dma_semaphore, #tpu.memory_space<semaphore_mem>>) src(%dma_wait3A_487 : memref<2x128xi32, #tpu.memory_space<hbm>>) dst(%dma_wait3A_483 : memref<2x128xi32, #tpu.memory_space<vmem>>)
        %dma_start3A_488 = arith.constant 4 : i32
        %dma_start3A_489 = arith.constant 0 : i32
        %dma_start3A_490 = arith.constant 0 : i32
        %dma_start3A_491 = arith.constant 0 : i32
        %dma_start3A_492 = tpu.memref_slice %arg6[%dma_start3A_490, %dma_start3A_491] : memref<256x128xf32, #tpu.memory_space<vmem>> -> memref<128x128xf32, #tpu.memory_space<vmem>>
        %dma_start3A_493 = arith.constant 0 : i32
        %dma_start3A_494 = tpu.memref_slice %arg5[%dma_start3A_488, %dma_start3A_489, %dma_start3A_493] : memref<8x2x128xi32, #tpu.memory_space<vmem>> -> memref<1x1x128xi32, #tpu.memory_space<vmem>>
        %dma_start3A_495 = tpu.memref_squeeze %dma_start3A_494 : memref<1x1x128xi32, #tpu.memory_space<vmem>> -> memref<128xi32, #tpu.memory_space<vmem>>
        %dma_start3A_496 = arith.constant 0 : i32
        %dma_start3A_497 = arith.constant 0 : i32
        %dma_start3A_498 = tpu.memref_slice %arg2[%dma_start3A_496, %dma_start3A_497] : memref<10240x128xf32, #tpu.memory_space<hbm>> -> memref<10240x128xf32, #tpu.memory_space<hbm>>
        tpu.enqueue_indirect_dma source(%dma_start3A_498 : memref<10240x128xf32, #tpu.memory_space<hbm>>) target(%dma_start3A_492 : memref<128x128xf32, #tpu.memory_space<vmem>>) offsets(%dma_start3A_495 : memref<128xi32, #tpu.memory_space<vmem>>) semaphore(%arg16 : memref<!tpu.dma_semaphore, #tpu.memory_space<semaphore_mem>>)
      } else {
      }
      %add3A_323 = arith.constant 3 : i32
      %add3A_324 = arith.addi %add3A_239, %add3A_323 : i32
      %dma_wait3A_325 = arith.constant 3 : i32
      %dma_wait3A_326 = arith.constant 0 : i32
      %dma_wait3A_327 = arith.constant 128 : i32
      %dma_wait3A_328 = arith.constant 0 : i32
      %dma_wait3A_329 = tpu.memref_slice %arg6[%dma_wait3A_327, %dma_wait3A_328] : memref<256x128xf32, #tpu.memory_space<vmem>> -> memref<128x128xf32, #tpu.memory_space<vmem>>
      %dma_wait3A_330 = arith.constant 0 : i32
      %dma_wait3A_331 = tpu.memref_slice %arg5[%dma_wait3A_325, %dma_wait3A_326, %dma_wait3A_330] : memref<8x2x128xi32, #tpu.memory_space<vmem>> -> memref<1x1x128xi32, #tpu.memory_space<vmem>>
      %dma_wait3A_332 = tpu.memref_squeeze %dma_wait3A_331 : memref<1x1x128xi32, #tpu.memory_space<vmem>> -> memref<128xi32, #tpu.memory_space<vmem>>
      %dma_wait3A_333 = arith.constant 0 : i32
      %dma_wait3A_334 = arith.constant 0 : i32
      %dma_wait3A_335 = tpu.memref_slice %arg2[%dma_wait3A_333, %dma_wait3A_334] : memref<10240x128xf32, #tpu.memory_space<hbm>> -> memref<10240x128xf32, #tpu.memory_space<hbm>>
      tpu.wait_indirect_dma semaphore(%arg17 : memref<!tpu.dma_semaphore, #tpu.memory_space<semaphore_mem>>) src(%dma_wait3A_335 : memref<10240x128xf32, #tpu.memory_space<hbm>>) dst(%dma_wait3A_329 : memref<128x128xf32, #tpu.memory_space<vmem>>)
      %run_scoped3A_336 = arith.constant 3 : i32
      %run_scoped3A_337 = arith.constant 1 : i32
      "tpu.region"() ({
        %run_scoped3A_468 = tpu.sem_alloc : memref<!tpu.dma_semaphore, #tpu.memory_space<semaphore_mem>>
        %dma_start3A_469 = arith.constant 128 : i32
        %dma_start3A_470 = arith.constant 0 : i32
        %dma_start3A_471 = tpu.memref_slice %arg6[%dma_start3A_469, %dma_start3A_470] : memref<256x128xf32, #tpu.memory_space<vmem>> -> memref<128x128xf32, #tpu.memory_space<vmem>>
        %dma_start3A_472 = arith.constant 0 : i32
        %dma_start3A_473 = tpu.memref_slice %arg5[%run_scoped3A_336, %run_scoped3A_337, %dma_start3A_472] : memref<8x2x128xi32, #tpu.memory_space<vmem>> -> memref<1x1x128xi32, #tpu.memory_space<vmem>>
        %dma_start3A_474 = tpu.memref_squeeze %dma_start3A_473 : memref<1x1x128xi32, #tpu.memory_space<vmem>> -> memref<128xi32, #tpu.memory_space<vmem>>
        %dma_start3A_475 = arith.constant 0 : i32
        %dma_start3A_476 = arith.constant 0 : i32
        %dma_start3A_477 = tpu.memref_slice %arg7[%dma_start3A_475, %dma_start3A_476] : memref<10240x128xf32, #tpu.memory_space<vmem_shared>> -> memref<10240x128xf32, #tpu.memory_space<vmem_shared>>
        tpu.enqueue_indirect_dma source(%dma_start3A_471 : memref<128x128xf32, #tpu.memory_space<vmem>>) target(%dma_start3A_477 : memref<10240x128xf32, #tpu.memory_space<vmem_shared>>) offsets(%dma_start3A_474 : memref<128xi32, #tpu.memory_space<vmem>>) semaphore(%run_scoped3A_468 : memref<!tpu.dma_semaphore, #tpu.memory_space<semaphore_mem>>) {add = true}
        %dma_wait3A_478 = arith.constant 128 : i32
        %dma_wait3A_479 = arith.constant 0 : i32
        %dma_wait3A_480 = tpu.memref_slice %arg6[%dma_wait3A_478, %dma_wait3A_479] : memref<256x128xf32, #tpu.memory_space<vmem>> -> memref<128x128xf32, #tpu.memory_space<vmem>>
        %dma_wait3A_481 = arith.constant 0 : i32
        %dma_wait3A_482 = tpu.memref_slice %arg5[%run_scoped3A_336, %run_scoped3A_337, %dma_wait3A_481] : memref<8x2x128xi32, #tpu.memory_space<vmem>> -> memref<1x1x128xi32, #tpu.memory_space<vmem>>
        %dma_wait3A_483 = tpu.memref_squeeze %dma_wait3A_482 : memref<1x1x128xi32, #tpu.memory_space<vmem>> -> memref<128xi32, #tpu.memory_space<vmem>>
        %dma_wait3A_484 = arith.constant 0 : i32
        %dma_wait3A_485 = arith.constant 0 : i32
        %dma_wait3A_486 = tpu.memref_slice %arg7[%dma_wait3A_484, %dma_wait3A_485] : memref<10240x128xf32, #tpu.memory_space<vmem_shared>> -> memref<10240x128xf32, #tpu.memory_space<vmem_shared>>
        tpu.wait_indirect_dma semaphore(%run_scoped3A_468 : memref<!tpu.dma_semaphore, #tpu.memory_space<semaphore_mem>>) src(%dma_wait3A_480 : memref<128x128xf32, #tpu.memory_space<vmem>>) dst(%dma_wait3A_486 : memref<10240x128xf32, #tpu.memory_space<vmem_shared>>)
        tpu.yield
      }) : () -> ()
      %add3A_338 = arith.constant 8 : i32
      %add3A_339 = arith.addi %add3A_324, %add3A_338 : i32
      %lt3A_340 = arith.constant 80 : i32
      %lt3A_341 = arith.cmpi slt, %add3A_339, %lt3A_340 : i32
      %convert_element_type3A_342 = arith.extui %lt3A_341 : i1 to i32
      %cond3A_343 = arith.constant 0 : i32
      %cond3A_344 = arith.cmpi ne, %convert_element_type3A_342, %cond3A_343 : i32
      scf.if %cond3A_344 {
        %add3A_468 = arith.constant 8 : i32
        %add3A_469 = arith.addi %add3A_324, %add3A_468 : i32
        %add3A_470 = arith.addi %mul3A_14, %add3A_469 : i32
        %dma_start3A_471 = arith.constant 3 : i32
        %dma_start3A_472 = arith.constant 0 : i32
        %dma_start3A_473 = arith.constant 0 : i32
        %dma_start3A_474 = tpu.memref_slice %arg5[%dma_start3A_471, %dma_start3A_472, %dma_start3A_473] : memref<8x2x128xi32, #tpu.memory_space<vmem>> -> memref<1x2x128xi32, #tpu.memory_space<vmem>>
        %dma_start3A_475 = tpu.memref_squeeze %dma_start3A_474 : memref<1x2x128xi32, #tpu.memory_space<vmem>> -> memref<2x128xi32, #tpu.memory_space<vmem>>
        %dma_start3A_476 = arith.constant 0 : i32
        %dma_start3A_477 = arith.constant 0 : i32
        %dma_start3A_478 = tpu.memref_slice %arg3[%add3A_470, %dma_start3A_476, %dma_start3A_477] : memref<2560x2x128xi32, #tpu.memory_space<hbm>> -> memref<1x2x128xi32, #tpu.memory_space<hbm>>
        %dma_start3A_479 = tpu.memref_squeeze %dma_start3A_478 : memref<1x2x128xi32, #tpu.memory_space<hbm>> -> memref<2x128xi32, #tpu.memory_space<hbm>>
        %dma_start3A_480 = arith.constant 0 : i32
        %dma_start3A_481 = arith.constant 0 : i32
        %dma_start3A_482 = tpu.memref_slice %arg5[%dma_start3A_471, %dma_start3A_480, %dma_start3A_481] : memref<8x2x128xi32, #tpu.memory_space<vmem>> -> memref<1x2x128xi32, #tpu.memory_space<vmem>>
        %dma_start3A_483 = tpu.memref_squeeze %dma_start3A_482 : memref<1x2x128xi32, #tpu.memory_space<vmem>> -> memref<2x128xi32, #tpu.memory_space<vmem>>
        %dma_start3A_484 = arith.constant 0 : i32
        %dma_start3A_485 = arith.constant 0 : i32
        %dma_start3A_486 = tpu.memref_slice %arg3[%add3A_470, %dma_start3A_484, %dma_start3A_485] : memref<2560x2x128xi32, #tpu.memory_space<hbm>> -> memref<1x2x128xi32, #tpu.memory_space<hbm>>
        %dma_start3A_487 = tpu.memref_squeeze %dma_start3A_486 : memref<1x2x128xi32, #tpu.memory_space<hbm>> -> memref<2x128xi32, #tpu.memory_space<hbm>>
        tpu.enqueue_dma source(%dma_start3A_487 : memref<2x128xi32, #tpu.memory_space<hbm>>) target(%dma_start3A_483 : memref<2x128xi32, #tpu.memory_space<vmem>>) target_semaphore(%arg11 : memref<!tpu.dma_semaphore, #tpu.memory_space<semaphore_mem>>)
      } else {
      }
      %add3A_345 = arith.constant 2 : i32
      %add3A_346 = arith.addi %add3A_324, %add3A_345 : i32
      %lt3A_347 = arith.constant 80 : i32
      %lt3A_348 = arith.cmpi slt, %add3A_346, %lt3A_347 : i32
      %convert_element_type3A_349 = arith.extui %lt3A_348 : i1 to i32
      %cond3A_350 = arith.constant 0 : i32
      %cond3A_351 = arith.cmpi ne, %convert_element_type3A_349, %cond3A_350 : i32
      scf.if %cond3A_351 {
        %add3A_468 = arith.constant 2 : i32
        %add3A_469 = arith.addi %add3A_324, %add3A_468 : i32
        %add3A_470 = arith.addi %mul3A_14, %add3A_469 : i32
        %dma_wait3A_471 = arith.constant 5 : i32
        %dma_wait3A_472 = arith.constant 0 : i32
        %dma_wait3A_473 = arith.constant 0 : i32
        %dma_wait3A_474 = tpu.memref_slice %arg5[%dma_wait3A_471, %dma_wait3A_472, %dma_wait3A_473] : memref<8x2x128xi32, #tpu.memory_space<vmem>> -> memref<1x2x128xi32, #tpu.memory_space<vmem>>
        %dma_wait3A_475 = tpu.memref_squeeze %dma_wait3A_474 : memref<1x2x128xi32, #tpu.memory_space<vmem>> -> memref<2x128xi32, #tpu.memory_space<vmem>>
        %dma_wait3A_476 = arith.constant 0 : i32
        %dma_wait3A_477 = arith.constant 0 : i32
        %dma_wait3A_478 = tpu.memref_slice %arg3[%add3A_470, %dma_wait3A_476, %dma_wait3A_477] : memref<2560x2x128xi32, #tpu.memory_space<hbm>> -> memref<1x2x128xi32, #tpu.memory_space<hbm>>
        %dma_wait3A_479 = tpu.memref_squeeze %dma_wait3A_478 : memref<1x2x128xi32, #tpu.memory_space<hbm>> -> memref<2x128xi32, #tpu.memory_space<hbm>>
        %dma_wait3A_480 = arith.constant 0 : i32
        %dma_wait3A_481 = arith.constant 0 : i32
        %dma_wait3A_482 = tpu.memref_slice %arg5[%dma_wait3A_471, %dma_wait3A_480, %dma_wait3A_481] : memref<8x2x128xi32, #tpu.memory_space<vmem>> -> memref<1x2x128xi32, #tpu.memory_space<vmem>>
        %dma_wait3A_483 = tpu.memref_squeeze %dma_wait3A_482 : memref<1x2x128xi32, #tpu.memory_space<vmem>> -> memref<2x128xi32, #tpu.memory_space<vmem>>
        %dma_wait3A_484 = arith.constant 0 : i32
        %dma_wait3A_485 = arith.constant 0 : i32
        %dma_wait3A_486 = tpu.memref_slice %arg3[%add3A_470, %dma_wait3A_484, %dma_wait3A_485] : memref<2560x2x128xi32, #tpu.memory_space<hbm>> -> memref<1x2x128xi32, #tpu.memory_space<hbm>>
        %dma_wait3A_487 = tpu.memref_squeeze %dma_wait3A_486 : memref<1x2x128xi32, #tpu.memory_space<hbm>> -> memref<2x128xi32, #tpu.memory_space<hbm>>
        tpu.wait_dma2 semaphore(%arg13 : memref<!tpu.dma_semaphore, #tpu.memory_space<semaphore_mem>>) src(%dma_wait3A_487 : memref<2x128xi32, #tpu.memory_space<hbm>>) dst(%dma_wait3A_483 : memref<2x128xi32, #tpu.memory_space<vmem>>)
        %dma_start3A_488 = arith.constant 5 : i32
        %dma_start3A_489 = arith.constant 0 : i32
        %dma_start3A_490 = arith.constant 128 : i32
        %dma_start3A_491 = arith.constant 0 : i32
        %dma_start3A_492 = tpu.memref_slice %arg6[%dma_start3A_490, %dma_start3A_491] : memref<256x128xf32, #tpu.memory_space<vmem>> -> memref<128x128xf32, #tpu.memory_space<vmem>>
        %dma_start3A_493 = arith.constant 0 : i32
        %dma_start3A_494 = tpu.memref_slice %arg5[%dma_start3A_488, %dma_start3A_489, %dma_start3A_493] : memref<8x2x128xi32, #tpu.memory_space<vmem>> -> memref<1x1x128xi32, #tpu.memory_space<vmem>>
        %dma_start3A_495 = tpu.memref_squeeze %dma_start3A_494 : memref<1x1x128xi32, #tpu.memory_space<vmem>> -> memref<128xi32, #tpu.memory_space<vmem>>
        %dma_start3A_496 = arith.constant 0 : i32
        %dma_start3A_497 = arith.constant 0 : i32
        %dma_start3A_498 = tpu.memref_slice %arg2[%dma_start3A_496, %dma_start3A_497] : memref<10240x128xf32, #tpu.memory_space<hbm>> -> memref<10240x128xf32, #tpu.memory_space<hbm>>
        tpu.enqueue_indirect_dma source(%dma_start3A_498 : memref<10240x128xf32, #tpu.memory_space<hbm>>) target(%dma_start3A_492 : memref<128x128xf32, #tpu.memory_space<vmem>>) offsets(%dma_start3A_495 : memref<128xi32, #tpu.memory_space<vmem>>) semaphore(%arg17 : memref<!tpu.dma_semaphore, #tpu.memory_space<semaphore_mem>>)
      } else {
      }
      %add3A_352 = arith.constant 4 : i32
      %add3A_353 = arith.addi %add3A_239, %add3A_352 : i32
      %dma_wait3A_354 = arith.constant 4 : i32
      %dma_wait3A_355 = arith.constant 0 : i32
      %dma_wait3A_356 = arith.constant 0 : i32
      %dma_wait3A_357 = arith.constant 0 : i32
      %dma_wait3A_358 = tpu.memref_slice %arg6[%dma_wait3A_356, %dma_wait3A_357] : memref<256x128xf32, #tpu.memory_space<vmem>> -> memref<128x128xf32, #tpu.memory_space<vmem>>
      %dma_wait3A_359 = arith.constant 0 : i32
      %dma_wait3A_360 = tpu.memref_slice %arg5[%dma_wait3A_354, %dma_wait3A_355, %dma_wait3A_359] : memref<8x2x128xi32, #tpu.memory_space<vmem>> -> memref<1x1x128xi32, #tpu.memory_space<vmem>>
      %dma_wait3A_361 = tpu.memref_squeeze %dma_wait3A_360 : memref<1x1x128xi32, #tpu.memory_space<vmem>> -> memref<128xi32, #tpu.memory_space<vmem>>
      %dma_wait3A_362 = arith.constant 0 : i32
      %dma_wait3A_363 = arith.constant 0 : i32
      %dma_wait3A_364 = tpu.memref_slice %arg2[%dma_wait3A_362, %dma_wait3A_363] : memref<10240x128xf32, #tpu.memory_space<hbm>> -> memref<10240x128xf32, #tpu.memory_space<hbm>>
      tpu.wait_indirect_dma semaphore(%arg16 : memref<!tpu.dma_semaphore, #tpu.memory_space<semaphore_mem>>) src(%dma_wait3A_364 : memref<10240x128xf32, #tpu.memory_space<hbm>>) dst(%dma_wait3A_358 : memref<128x128xf32, #tpu.memory_space<vmem>>)
      %run_scoped3A_365 = arith.constant 4 : i32
      %run_scoped3A_366 = arith.constant 1 : i32
      "tpu.region"() ({
        %run_scoped3A_468 = tpu.sem_alloc : memref<!tpu.dma_semaphore, #tpu.memory_space<semaphore_mem>>
        %dma_start3A_469 = arith.constant 0 : i32
        %dma_start3A_470 = arith.constant 0 : i32
        %dma_start3A_471 = tpu.memref_slice %arg6[%dma_start3A_469, %dma_start3A_470] : memref<256x128xf32, #tpu.memory_space<vmem>> -> memref<128x128xf32, #tpu.memory_space<vmem>>
        %dma_start3A_472 = arith.constant 0 : i32
        %dma_start3A_473 = tpu.memref_slice %arg5[%run_scoped3A_365, %run_scoped3A_366, %dma_start3A_472] : memref<8x2x128xi32, #tpu.memory_space<vmem>> -> memref<1x1x128xi32, #tpu.memory_space<vmem>>
        %dma_start3A_474 = tpu.memref_squeeze %dma_start3A_473 : memref<1x1x128xi32, #tpu.memory_space<vmem>> -> memref<128xi32, #tpu.memory_space<vmem>>
        %dma_start3A_475 = arith.constant 0 : i32
        %dma_start3A_476 = arith.constant 0 : i32
        %dma_start3A_477 = tpu.memref_slice %arg7[%dma_start3A_475, %dma_start3A_476] : memref<10240x128xf32, #tpu.memory_space<vmem_shared>> -> memref<10240x128xf32, #tpu.memory_space<vmem_shared>>
        tpu.enqueue_indirect_dma source(%dma_start3A_471 : memref<128x128xf32, #tpu.memory_space<vmem>>) target(%dma_start3A_477 : memref<10240x128xf32, #tpu.memory_space<vmem_shared>>) offsets(%dma_start3A_474 : memref<128xi32, #tpu.memory_space<vmem>>) semaphore(%run_scoped3A_468 : memref<!tpu.dma_semaphore, #tpu.memory_space<semaphore_mem>>) {add = true}
        %dma_wait3A_478 = arith.constant 0 : i32
        %dma_wait3A_479 = arith.constant 0 : i32
        %dma_wait3A_480 = tpu.memref_slice %arg6[%dma_wait3A_478, %dma_wait3A_479] : memref<256x128xf32, #tpu.memory_space<vmem>> -> memref<128x128xf32, #tpu.memory_space<vmem>>
        %dma_wait3A_481 = arith.constant 0 : i32
        %dma_wait3A_482 = tpu.memref_slice %arg5[%run_scoped3A_365, %run_scoped3A_366, %dma_wait3A_481] : memref<8x2x128xi32, #tpu.memory_space<vmem>> -> memref<1x1x128xi32, #tpu.memory_space<vmem>>
        %dma_wait3A_483 = tpu.memref_squeeze %dma_wait3A_482 : memref<1x1x128xi32, #tpu.memory_space<vmem>> -> memref<128xi32, #tpu.memory_space<vmem>>
        %dma_wait3A_484 = arith.constant 0 : i32
        %dma_wait3A_485 = arith.constant 0 : i32
        %dma_wait3A_486 = tpu.memref_slice %arg7[%dma_wait3A_484, %dma_wait3A_485] : memref<10240x128xf32, #tpu.memory_space<vmem_shared>> -> memref<10240x128xf32, #tpu.memory_space<vmem_shared>>
        tpu.wait_indirect_dma semaphore(%run_scoped3A_468 : memref<!tpu.dma_semaphore, #tpu.memory_space<semaphore_mem>>) src(%dma_wait3A_480 : memref<128x128xf32, #tpu.memory_space<vmem>>) dst(%dma_wait3A_486 : memref<10240x128xf32, #tpu.memory_space<vmem_shared>>)
        tpu.yield
      }) : () -> ()
      %add3A_367 = arith.constant 8 : i32
      %add3A_368 = arith.addi %add3A_353, %add3A_367 : i32
      %lt3A_369 = arith.constant 80 : i32
      %lt3A_370 = arith.cmpi slt, %add3A_368, %lt3A_369 : i32
      %convert_element_type3A_371 = arith.extui %lt3A_370 : i1 to i32
      %cond3A_372 = arith.constant 0 : i32
      %cond3A_373 = arith.cmpi ne, %convert_element_type3A_371, %cond3A_372 : i32
      scf.if %cond3A_373 {
        %add3A_468 = arith.constant 8 : i32
        %add3A_469 = arith.addi %add3A_353, %add3A_468 : i32
        %add3A_470 = arith.addi %mul3A_14, %add3A_469 : i32
        %dma_start3A_471 = arith.constant 4 : i32
        %dma_start3A_472 = arith.constant 0 : i32
        %dma_start3A_473 = arith.constant 0 : i32
        %dma_start3A_474 = tpu.memref_slice %arg5[%dma_start3A_471, %dma_start3A_472, %dma_start3A_473] : memref<8x2x128xi32, #tpu.memory_space<vmem>> -> memref<1x2x128xi32, #tpu.memory_space<vmem>>
        %dma_start3A_475 = tpu.memref_squeeze %dma_start3A_474 : memref<1x2x128xi32, #tpu.memory_space<vmem>> -> memref<2x128xi32, #tpu.memory_space<vmem>>
        %dma_start3A_476 = arith.constant 0 : i32
        %dma_start3A_477 = arith.constant 0 : i32
        %dma_start3A_478 = tpu.memref_slice %arg3[%add3A_470, %dma_start3A_476, %dma_start3A_477] : memref<2560x2x128xi32, #tpu.memory_space<hbm>> -> memref<1x2x128xi32, #tpu.memory_space<hbm>>
        %dma_start3A_479 = tpu.memref_squeeze %dma_start3A_478 : memref<1x2x128xi32, #tpu.memory_space<hbm>> -> memref<2x128xi32, #tpu.memory_space<hbm>>
        %dma_start3A_480 = arith.constant 0 : i32
        %dma_start3A_481 = arith.constant 0 : i32
        %dma_start3A_482 = tpu.memref_slice %arg5[%dma_start3A_471, %dma_start3A_480, %dma_start3A_481] : memref<8x2x128xi32, #tpu.memory_space<vmem>> -> memref<1x2x128xi32, #tpu.memory_space<vmem>>
        %dma_start3A_483 = tpu.memref_squeeze %dma_start3A_482 : memref<1x2x128xi32, #tpu.memory_space<vmem>> -> memref<2x128xi32, #tpu.memory_space<vmem>>
        %dma_start3A_484 = arith.constant 0 : i32
        %dma_start3A_485 = arith.constant 0 : i32
        %dma_start3A_486 = tpu.memref_slice %arg3[%add3A_470, %dma_start3A_484, %dma_start3A_485] : memref<2560x2x128xi32, #tpu.memory_space<hbm>> -> memref<1x2x128xi32, #tpu.memory_space<hbm>>
        %dma_start3A_487 = tpu.memref_squeeze %dma_start3A_486 : memref<1x2x128xi32, #tpu.memory_space<hbm>> -> memref<2x128xi32, #tpu.memory_space<hbm>>
        tpu.enqueue_dma source(%dma_start3A_487 : memref<2x128xi32, #tpu.memory_space<hbm>>) target(%dma_start3A_483 : memref<2x128xi32, #tpu.memory_space<vmem>>) target_semaphore(%arg12 : memref<!tpu.dma_semaphore, #tpu.memory_space<semaphore_mem>>)
      } else {
      }
      %add3A_374 = arith.constant 2 : i32
      %add3A_375 = arith.addi %add3A_353, %add3A_374 : i32
      %lt3A_376 = arith.constant 80 : i32
      %lt3A_377 = arith.cmpi slt, %add3A_375, %lt3A_376 : i32
      %convert_element_type3A_378 = arith.extui %lt3A_377 : i1 to i32
      %cond3A_379 = arith.constant 0 : i32
      %cond3A_380 = arith.cmpi ne, %convert_element_type3A_378, %cond3A_379 : i32
      scf.if %cond3A_380 {
        %add3A_468 = arith.constant 2 : i32
        %add3A_469 = arith.addi %add3A_353, %add3A_468 : i32
        %add3A_470 = arith.addi %mul3A_14, %add3A_469 : i32
        %dma_wait3A_471 = arith.constant 6 : i32
        %dma_wait3A_472 = arith.constant 0 : i32
        %dma_wait3A_473 = arith.constant 0 : i32
        %dma_wait3A_474 = tpu.memref_slice %arg5[%dma_wait3A_471, %dma_wait3A_472, %dma_wait3A_473] : memref<8x2x128xi32, #tpu.memory_space<vmem>> -> memref<1x2x128xi32, #tpu.memory_space<vmem>>
        %dma_wait3A_475 = tpu.memref_squeeze %dma_wait3A_474 : memref<1x2x128xi32, #tpu.memory_space<vmem>> -> memref<2x128xi32, #tpu.memory_space<vmem>>
        %dma_wait3A_476 = arith.constant 0 : i32
        %dma_wait3A_477 = arith.constant 0 : i32
        %dma_wait3A_478 = tpu.memref_slice %arg3[%add3A_470, %dma_wait3A_476, %dma_wait3A_477] : memref<2560x2x128xi32, #tpu.memory_space<hbm>> -> memref<1x2x128xi32, #tpu.memory_space<hbm>>
        %dma_wait3A_479 = tpu.memref_squeeze %dma_wait3A_478 : memref<1x2x128xi32, #tpu.memory_space<hbm>> -> memref<2x128xi32, #tpu.memory_space<hbm>>
        %dma_wait3A_480 = arith.constant 0 : i32
        %dma_wait3A_481 = arith.constant 0 : i32
        %dma_wait3A_482 = tpu.memref_slice %arg5[%dma_wait3A_471, %dma_wait3A_480, %dma_wait3A_481] : memref<8x2x128xi32, #tpu.memory_space<vmem>> -> memref<1x2x128xi32, #tpu.memory_space<vmem>>
        %dma_wait3A_483 = tpu.memref_squeeze %dma_wait3A_482 : memref<1x2x128xi32, #tpu.memory_space<vmem>> -> memref<2x128xi32, #tpu.memory_space<vmem>>
        %dma_wait3A_484 = arith.constant 0 : i32
        %dma_wait3A_485 = arith.constant 0 : i32
        %dma_wait3A_486 = tpu.memref_slice %arg3[%add3A_470, %dma_wait3A_484, %dma_wait3A_485] : memref<2560x2x128xi32, #tpu.memory_space<hbm>> -> memref<1x2x128xi32, #tpu.memory_space<hbm>>
        %dma_wait3A_487 = tpu.memref_squeeze %dma_wait3A_486 : memref<1x2x128xi32, #tpu.memory_space<hbm>> -> memref<2x128xi32, #tpu.memory_space<hbm>>
        tpu.wait_dma2 semaphore(%arg14 : memref<!tpu.dma_semaphore, #tpu.memory_space<semaphore_mem>>) src(%dma_wait3A_487 : memref<2x128xi32, #tpu.memory_space<hbm>>) dst(%dma_wait3A_483 : memref<2x128xi32, #tpu.memory_space<vmem>>)
        %dma_start3A_488 = arith.constant 6 : i32
        %dma_start3A_489 = arith.constant 0 : i32
        %dma_start3A_490 = arith.constant 0 : i32
        %dma_start3A_491 = arith.constant 0 : i32
        %dma_start3A_492 = tpu.memref_slice %arg6[%dma_start3A_490, %dma_start3A_491] : memref<256x128xf32, #tpu.memory_space<vmem>> -> memref<128x128xf32, #tpu.memory_space<vmem>>
        %dma_start3A_493 = arith.constant 0 : i32
        %dma_start3A_494 = tpu.memref_slice %arg5[%dma_start3A_488, %dma_start3A_489, %dma_start3A_493] : memref<8x2x128xi32, #tpu.memory_space<vmem>> -> memref<1x1x128xi32, #tpu.memory_space<vmem>>
        %dma_start3A_495 = tpu.memref_squeeze %dma_start3A_494 : memref<1x1x128xi32, #tpu.memory_space<vmem>> -> memref<128xi32, #tpu.memory_space<vmem>>
        %dma_start3A_496 = arith.constant 0 : i32
        %dma_start3A_497 = arith.constant 0 : i32
        %dma_start3A_498 = tpu.memref_slice %arg2[%dma_start3A_496, %dma_start3A_497] : memref<10240x128xf32, #tpu.memory_space<hbm>> -> memref<10240x128xf32, #tpu.memory_space<hbm>>
        tpu.enqueue_indirect_dma source(%dma_start3A_498 : memref<10240x128xf32, #tpu.memory_space<hbm>>) target(%dma_start3A_492 : memref<128x128xf32, #tpu.memory_space<vmem>>) offsets(%dma_start3A_495 : memref<128xi32, #tpu.memory_space<vmem>>) semaphore(%arg16 : memref<!tpu.dma_semaphore, #tpu.memory_space<semaphore_mem>>)
      } else {
      }
      %add3A_381 = arith.constant 5 : i32
      %add3A_382 = arith.addi %add3A_239, %add3A_381 : i32
      %dma_wait3A_383 = arith.constant 5 : i32
      %dma_wait3A_384 = arith.constant 0 : i32
      %dma_wait3A_385 = arith.constant 128 : i32
      %dma_wait3A_386 = arith.constant 0 : i32
      %dma_wait3A_387 = tpu.memref_slice %arg6[%dma_wait3A_385, %dma_wait3A_386] : memref<256x128xf32, #tpu.memory_space<vmem>> -> memref<128x128xf32, #tpu.memory_space<vmem>>
      %dma_wait3A_388 = arith.constant 0 : i32
      %dma_wait3A_389 = tpu.memref_slice %arg5[%dma_wait3A_383, %dma_wait3A_384, %dma_wait3A_388] : memref<8x2x128xi32, #tpu.memory_space<vmem>> -> memref<1x1x128xi32, #tpu.memory_space<vmem>>
      %dma_wait3A_390 = tpu.memref_squeeze %dma_wait3A_389 : memref<1x1x128xi32, #tpu.memory_space<vmem>> -> memref<128xi32, #tpu.memory_space<vmem>>
      %dma_wait3A_391 = arith.constant 0 : i32
      %dma_wait3A_392 = arith.constant 0 : i32
      %dma_wait3A_393 = tpu.memref_slice %arg2[%dma_wait3A_391, %dma_wait3A_392] : memref<10240x128xf32, #tpu.memory_space<hbm>> -> memref<10240x128xf32, #tpu.memory_space<hbm>>
      tpu.wait_indirect_dma semaphore(%arg17 : memref<!tpu.dma_semaphore, #tpu.memory_space<semaphore_mem>>) src(%dma_wait3A_393 : memref<10240x128xf32, #tpu.memory_space<hbm>>) dst(%dma_wait3A_387 : memref<128x128xf32, #tpu.memory_space<vmem>>)
      %run_scoped3A_394 = arith.constant 5 : i32
      %run_scoped3A_395 = arith.constant 1 : i32
      "tpu.region"() ({
        %run_scoped3A_468 = tpu.sem_alloc : memref<!tpu.dma_semaphore, #tpu.memory_space<semaphore_mem>>
        %dma_start3A_469 = arith.constant 128 : i32
        %dma_start3A_470 = arith.constant 0 : i32
        %dma_start3A_471 = tpu.memref_slice %arg6[%dma_start3A_469, %dma_start3A_470] : memref<256x128xf32, #tpu.memory_space<vmem>> -> memref<128x128xf32, #tpu.memory_space<vmem>>
        %dma_start3A_472 = arith.constant 0 : i32
        %dma_start3A_473 = tpu.memref_slice %arg5[%run_scoped3A_394, %run_scoped3A_395, %dma_start3A_472] : memref<8x2x128xi32, #tpu.memory_space<vmem>> -> memref<1x1x128xi32, #tpu.memory_space<vmem>>
        %dma_start3A_474 = tpu.memref_squeeze %dma_start3A_473 : memref<1x1x128xi32, #tpu.memory_space<vmem>> -> memref<128xi32, #tpu.memory_space<vmem>>
        %dma_start3A_475 = arith.constant 0 : i32
        %dma_start3A_476 = arith.constant 0 : i32
        %dma_start3A_477 = tpu.memref_slice %arg7[%dma_start3A_475, %dma_start3A_476] : memref<10240x128xf32, #tpu.memory_space<vmem_shared>> -> memref<10240x128xf32, #tpu.memory_space<vmem_shared>>
        tpu.enqueue_indirect_dma source(%dma_start3A_471 : memref<128x128xf32, #tpu.memory_space<vmem>>) target(%dma_start3A_477 : memref<10240x128xf32, #tpu.memory_space<vmem_shared>>) offsets(%dma_start3A_474 : memref<128xi32, #tpu.memory_space<vmem>>) semaphore(%run_scoped3A_468 : memref<!tpu.dma_semaphore, #tpu.memory_space<semaphore_mem>>) {add = true}
        %dma_wait3A_478 = arith.constant 128 : i32
        %dma_wait3A_479 = arith.constant 0 : i32
        %dma_wait3A_480 = tpu.memref_slice %arg6[%dma_wait3A_478, %dma_wait3A_479] : memref<256x128xf32, #tpu.memory_space<vmem>> -> memref<128x128xf32, #tpu.memory_space<vmem>>
        %dma_wait3A_481 = arith.constant 0 : i32
        %dma_wait3A_482 = tpu.memref_slice %arg5[%run_scoped3A_394, %run_scoped3A_395, %dma_wait3A_481] : memref<8x2x128xi32, #tpu.memory_space<vmem>> -> memref<1x1x128xi32, #tpu.memory_space<vmem>>
        %dma_wait3A_483 = tpu.memref_squeeze %dma_wait3A_482 : memref<1x1x128xi32, #tpu.memory_space<vmem>> -> memref<128xi32, #tpu.memory_space<vmem>>
        %dma_wait3A_484 = arith.constant 0 : i32
        %dma_wait3A_485 = arith.constant 0 : i32
        %dma_wait3A_486 = tpu.memref_slice %arg7[%dma_wait3A_484, %dma_wait3A_485] : memref<10240x128xf32, #tpu.memory_space<vmem_shared>> -> memref<10240x128xf32, #tpu.memory_space<vmem_shared>>
        tpu.wait_indirect_dma semaphore(%run_scoped3A_468 : memref<!tpu.dma_semaphore, #tpu.memory_space<semaphore_mem>>) src(%dma_wait3A_480 : memref<128x128xf32, #tpu.memory_space<vmem>>) dst(%dma_wait3A_486 : memref<10240x128xf32, #tpu.memory_space<vmem_shared>>)
        tpu.yield
      }) : () -> ()
      %add3A_396 = arith.constant 8 : i32
      %add3A_397 = arith.addi %add3A_382, %add3A_396 : i32
      %lt3A_398 = arith.constant 80 : i32
      %lt3A_399 = arith.cmpi slt, %add3A_397, %lt3A_398 : i32
      %convert_element_type3A_400 = arith.extui %lt3A_399 : i1 to i32
      %cond3A_401 = arith.constant 0 : i32
      %cond3A_402 = arith.cmpi ne, %convert_element_type3A_400, %cond3A_401 : i32
      scf.if %cond3A_402 {
        %add3A_468 = arith.constant 8 : i32
        %add3A_469 = arith.addi %add3A_382, %add3A_468 : i32
        %add3A_470 = arith.addi %mul3A_14, %add3A_469 : i32
        %dma_start3A_471 = arith.constant 5 : i32
        %dma_start3A_472 = arith.constant 0 : i32
        %dma_start3A_473 = arith.constant 0 : i32
        %dma_start3A_474 = tpu.memref_slice %arg5[%dma_start3A_471, %dma_start3A_472, %dma_start3A_473] : memref<8x2x128xi32, #tpu.memory_space<vmem>> -> memref<1x2x128xi32, #tpu.memory_space<vmem>>
        %dma_start3A_475 = tpu.memref_squeeze %dma_start3A_474 : memref<1x2x128xi32, #tpu.memory_space<vmem>> -> memref<2x128xi32, #tpu.memory_space<vmem>>
        %dma_start3A_476 = arith.constant 0 : i32
        %dma_start3A_477 = arith.constant 0 : i32
        %dma_start3A_478 = tpu.memref_slice %arg3[%add3A_470, %dma_start3A_476, %dma_start3A_477] : memref<2560x2x128xi32, #tpu.memory_space<hbm>> -> memref<1x2x128xi32, #tpu.memory_space<hbm>>
        %dma_start3A_479 = tpu.memref_squeeze %dma_start3A_478 : memref<1x2x128xi32, #tpu.memory_space<hbm>> -> memref<2x128xi32, #tpu.memory_space<hbm>>
        %dma_start3A_480 = arith.constant 0 : i32
        %dma_start3A_481 = arith.constant 0 : i32
        %dma_start3A_482 = tpu.memref_slice %arg5[%dma_start3A_471, %dma_start3A_480, %dma_start3A_481] : memref<8x2x128xi32, #tpu.memory_space<vmem>> -> memref<1x2x128xi32, #tpu.memory_space<vmem>>
        %dma_start3A_483 = tpu.memref_squeeze %dma_start3A_482 : memref<1x2x128xi32, #tpu.memory_space<vmem>> -> memref<2x128xi32, #tpu.memory_space<vmem>>
        %dma_start3A_484 = arith.constant 0 : i32
        %dma_start3A_485 = arith.constant 0 : i32
        %dma_start3A_486 = tpu.memref_slice %arg3[%add3A_470, %dma_start3A_484, %dma_start3A_485] : memref<2560x2x128xi32, #tpu.memory_space<hbm>> -> memref<1x2x128xi32, #tpu.memory_space<hbm>>
        %dma_start3A_487 = tpu.memref_squeeze %dma_start3A_486 : memref<1x2x128xi32, #tpu.memory_space<hbm>> -> memref<2x128xi32, #tpu.memory_space<hbm>>
        tpu.enqueue_dma source(%dma_start3A_487 : memref<2x128xi32, #tpu.memory_space<hbm>>) target(%dma_start3A_483 : memref<2x128xi32, #tpu.memory_space<vmem>>) target_semaphore(%arg13 : memref<!tpu.dma_semaphore, #tpu.memory_space<semaphore_mem>>)
      } else {
      }
      %add3A_403 = arith.constant 2 : i32
      %add3A_404 = arith.addi %add3A_382, %add3A_403 : i32
      %lt3A_405 = arith.constant 80 : i32
      %lt3A_406 = arith.cmpi slt, %add3A_404, %lt3A_405 : i32
      %convert_element_type3A_407 = arith.extui %lt3A_406 : i1 to i32
      %cond3A_408 = arith.constant 0 : i32
      %cond3A_409 = arith.cmpi ne, %convert_element_type3A_407, %cond3A_408 : i32
      scf.if %cond3A_409 {
        %add3A_468 = arith.constant 2 : i32
        %add3A_469 = arith.addi %add3A_382, %add3A_468 : i32
        %add3A_470 = arith.addi %mul3A_14, %add3A_469 : i32
        %dma_wait3A_471 = arith.constant 7 : i32
        %dma_wait3A_472 = arith.constant 0 : i32
        %dma_wait3A_473 = arith.constant 0 : i32
        %dma_wait3A_474 = tpu.memref_slice %arg5[%dma_wait3A_471, %dma_wait3A_472, %dma_wait3A_473] : memref<8x2x128xi32, #tpu.memory_space<vmem>> -> memref<1x2x128xi32, #tpu.memory_space<vmem>>
        %dma_wait3A_475 = tpu.memref_squeeze %dma_wait3A_474 : memref<1x2x128xi32, #tpu.memory_space<vmem>> -> memref<2x128xi32, #tpu.memory_space<vmem>>
        %dma_wait3A_476 = arith.constant 0 : i32
        %dma_wait3A_477 = arith.constant 0 : i32
        %dma_wait3A_478 = tpu.memref_slice %arg3[%add3A_470, %dma_wait3A_476, %dma_wait3A_477] : memref<2560x2x128xi32, #tpu.memory_space<hbm>> -> memref<1x2x128xi32, #tpu.memory_space<hbm>>
        %dma_wait3A_479 = tpu.memref_squeeze %dma_wait3A_478 : memref<1x2x128xi32, #tpu.memory_space<hbm>> -> memref<2x128xi32, #tpu.memory_space<hbm>>
        %dma_wait3A_480 = arith.constant 0 : i32
        %dma_wait3A_481 = arith.constant 0 : i32
        %dma_wait3A_482 = tpu.memref_slice %arg5[%dma_wait3A_471, %dma_wait3A_480, %dma_wait3A_481] : memref<8x2x128xi32, #tpu.memory_space<vmem>> -> memref<1x2x128xi32, #tpu.memory_space<vmem>>
        %dma_wait3A_483 = tpu.memref_squeeze %dma_wait3A_482 : memref<1x2x128xi32, #tpu.memory_space<vmem>> -> memref<2x128xi32, #tpu.memory_space<vmem>>
        %dma_wait3A_484 = arith.constant 0 : i32
        %dma_wait3A_485 = arith.constant 0 : i32
        %dma_wait3A_486 = tpu.memref_slice %arg3[%add3A_470, %dma_wait3A_484, %dma_wait3A_485] : memref<2560x2x128xi32, #tpu.memory_space<hbm>> -> memref<1x2x128xi32, #tpu.memory_space<hbm>>
        %dma_wait3A_487 = tpu.memref_squeeze %dma_wait3A_486 : memref<1x2x128xi32, #tpu.memory_space<hbm>> -> memref<2x128xi32, #tpu.memory_space<hbm>>
        tpu.wait_dma2 semaphore(%arg15 : memref<!tpu.dma_semaphore, #tpu.memory_space<semaphore_mem>>) src(%dma_wait3A_487 : memref<2x128xi32, #tpu.memory_space<hbm>>) dst(%dma_wait3A_483 : memref<2x128xi32, #tpu.memory_space<vmem>>)
        %dma_start3A_488 = arith.constant 7 : i32
        %dma_start3A_489 = arith.constant 0 : i32
        %dma_start3A_490 = arith.constant 128 : i32
        %dma_start3A_491 = arith.constant 0 : i32
        %dma_start3A_492 = tpu.memref_slice %arg6[%dma_start3A_490, %dma_start3A_491] : memref<256x128xf32, #tpu.memory_space<vmem>> -> memref<128x128xf32, #tpu.memory_space<vmem>>
        %dma_start3A_493 = arith.constant 0 : i32
        %dma_start3A_494 = tpu.memref_slice %arg5[%dma_start3A_488, %dma_start3A_489, %dma_start3A_493] : memref<8x2x128xi32, #tpu.memory_space<vmem>> -> memref<1x1x128xi32, #tpu.memory_space<vmem>>
        %dma_start3A_495 = tpu.memref_squeeze %dma_start3A_494 : memref<1x1x128xi32, #tpu.memory_space<vmem>> -> memref<128xi32, #tpu.memory_space<vmem>>
        %dma_start3A_496 = arith.constant 0 : i32
        %dma_start3A_497 = arith.constant 0 : i32
        %dma_start3A_498 = tpu.memref_slice %arg2[%dma_start3A_496, %dma_start3A_497] : memref<10240x128xf32, #tpu.memory_space<hbm>> -> memref<10240x128xf32, #tpu.memory_space<hbm>>
        tpu.enqueue_indirect_dma source(%dma_start3A_498 : memref<10240x128xf32, #tpu.memory_space<hbm>>) target(%dma_start3A_492 : memref<128x128xf32, #tpu.memory_space<vmem>>) offsets(%dma_start3A_495 : memref<128xi32, #tpu.memory_space<vmem>>) semaphore(%arg17 : memref<!tpu.dma_semaphore, #tpu.memory_space<semaphore_mem>>)
      } else {
      }
      %add3A_410 = arith.constant 6 : i32
      %add3A_411 = arith.addi %add3A_239, %add3A_410 : i32
      %dma_wait3A_412 = arith.constant 6 : i32
      %dma_wait3A_413 = arith.constant 0 : i32
      %dma_wait3A_414 = arith.constant 0 : i32
      %dma_wait3A_415 = arith.constant 0 : i32
      %dma_wait3A_416 = tpu.memref_slice %arg6[%dma_wait3A_414, %dma_wait3A_415] : memref<256x128xf32, #tpu.memory_space<vmem>> -> memref<128x128xf32, #tpu.memory_space<vmem>>
      %dma_wait3A_417 = arith.constant 0 : i32
      %dma_wait3A_418 = tpu.memref_slice %arg5[%dma_wait3A_412, %dma_wait3A_413, %dma_wait3A_417] : memref<8x2x128xi32, #tpu.memory_space<vmem>> -> memref<1x1x128xi32, #tpu.memory_space<vmem>>
      %dma_wait3A_419 = tpu.memref_squeeze %dma_wait3A_418 : memref<1x1x128xi32, #tpu.memory_space<vmem>> -> memref<128xi32, #tpu.memory_space<vmem>>
      %dma_wait3A_420 = arith.constant 0 : i32
      %dma_wait3A_421 = arith.constant 0 : i32
      %dma_wait3A_422 = tpu.memref_slice %arg2[%dma_wait3A_420, %dma_wait3A_421] : memref<10240x128xf32, #tpu.memory_space<hbm>> -> memref<10240x128xf32, #tpu.memory_space<hbm>>
      tpu.wait_indirect_dma semaphore(%arg16 : memref<!tpu.dma_semaphore, #tpu.memory_space<semaphore_mem>>) src(%dma_wait3A_422 : memref<10240x128xf32, #tpu.memory_space<hbm>>) dst(%dma_wait3A_416 : memref<128x128xf32, #tpu.memory_space<vmem>>)
      %run_scoped3A_423 = arith.constant 6 : i32
      %run_scoped3A_424 = arith.constant 1 : i32
      "tpu.region"() ({
        %run_scoped3A_468 = tpu.sem_alloc : memref<!tpu.dma_semaphore, #tpu.memory_space<semaphore_mem>>
        %dma_start3A_469 = arith.constant 0 : i32
        %dma_start3A_470 = arith.constant 0 : i32
        %dma_start3A_471 = tpu.memref_slice %arg6[%dma_start3A_469, %dma_start3A_470] : memref<256x128xf32, #tpu.memory_space<vmem>> -> memref<128x128xf32, #tpu.memory_space<vmem>>
        %dma_start3A_472 = arith.constant 0 : i32
        %dma_start3A_473 = tpu.memref_slice %arg5[%run_scoped3A_423, %run_scoped3A_424, %dma_start3A_472] : memref<8x2x128xi32, #tpu.memory_space<vmem>> -> memref<1x1x128xi32, #tpu.memory_space<vmem>>
        %dma_start3A_474 = tpu.memref_squeeze %dma_start3A_473 : memref<1x1x128xi32, #tpu.memory_space<vmem>> -> memref<128xi32, #tpu.memory_space<vmem>>
        %dma_start3A_475 = arith.constant 0 : i32
        %dma_start3A_476 = arith.constant 0 : i32
        %dma_start3A_477 = tpu.memref_slice %arg7[%dma_start3A_475, %dma_start3A_476] : memref<10240x128xf32, #tpu.memory_space<vmem_shared>> -> memref<10240x128xf32, #tpu.memory_space<vmem_shared>>
        tpu.enqueue_indirect_dma source(%dma_start3A_471 : memref<128x128xf32, #tpu.memory_space<vmem>>) target(%dma_start3A_477 : memref<10240x128xf32, #tpu.memory_space<vmem_shared>>) offsets(%dma_start3A_474 : memref<128xi32, #tpu.memory_space<vmem>>) semaphore(%run_scoped3A_468 : memref<!tpu.dma_semaphore, #tpu.memory_space<semaphore_mem>>) {add = true}
        %dma_wait3A_478 = arith.constant 0 : i32
        %dma_wait3A_479 = arith.constant 0 : i32
        %dma_wait3A_480 = tpu.memref_slice %arg6[%dma_wait3A_478, %dma_wait3A_479] : memref<256x128xf32, #tpu.memory_space<vmem>> -> memref<128x128xf32, #tpu.memory_space<vmem>>
        %dma_wait3A_481 = arith.constant 0 : i32
        %dma_wait3A_482 = tpu.memref_slice %arg5[%run_scoped3A_423, %run_scoped3A_424, %dma_wait3A_481] : memref<8x2x128xi32, #tpu.memory_space<vmem>> -> memref<1x1x128xi32, #tpu.memory_space<vmem>>
        %dma_wait3A_483 = tpu.memref_squeeze %dma_wait3A_482 : memref<1x1x128xi32, #tpu.memory_space<vmem>> -> memref<128xi32, #tpu.memory_space<vmem>>
        %dma_wait3A_484 = arith.constant 0 : i32
        %dma_wait3A_485 = arith.constant 0 : i32
        %dma_wait3A_486 = tpu.memref_slice %arg7[%dma_wait3A_484, %dma_wait3A_485] : memref<10240x128xf32, #tpu.memory_space<vmem_shared>> -> memref<10240x128xf32, #tpu.memory_space<vmem_shared>>
        tpu.wait_indirect_dma semaphore(%run_scoped3A_468 : memref<!tpu.dma_semaphore, #tpu.memory_space<semaphore_mem>>) src(%dma_wait3A_480 : memref<128x128xf32, #tpu.memory_space<vmem>>) dst(%dma_wait3A_486 : memref<10240x128xf32, #tpu.memory_space<vmem_shared>>)
        tpu.yield
      }) : () -> ()
      %add3A_425 = arith.constant 8 : i32
      %add3A_426 = arith.addi %add3A_411, %add3A_425 : i32
      %lt3A_427 = arith.constant 80 : i32
      %lt3A_428 = arith.cmpi slt, %add3A_426, %lt3A_427 : i32
      %convert_element_type3A_429 = arith.extui %lt3A_428 : i1 to i32
      %cond3A_430 = arith.constant 0 : i32
      %cond3A_431 = arith.cmpi ne, %convert_element_type3A_429, %cond3A_430 : i32
      scf.if %cond3A_431 {
        %add3A_468 = arith.constant 8 : i32
        %add3A_469 = arith.addi %add3A_411, %add3A_468 : i32
        %add3A_470 = arith.addi %mul3A_14, %add3A_469 : i32
        %dma_start3A_471 = arith.constant 6 : i32
        %dma_start3A_472 = arith.constant 0 : i32
        %dma_start3A_473 = arith.constant 0 : i32
        %dma_start3A_474 = tpu.memref_slice %arg5[%dma_start3A_471, %dma_start3A_472, %dma_start3A_473] : memref<8x2x128xi32, #tpu.memory_space<vmem>> -> memref<1x2x128xi32, #tpu.memory_space<vmem>>
        %dma_start3A_475 = tpu.memref_squeeze %dma_start3A_474 : memref<1x2x128xi32, #tpu.memory_space<vmem>> -> memref<2x128xi32, #tpu.memory_space<vmem>>
        %dma_start3A_476 = arith.constant 0 : i32
        %dma_start3A_477 = arith.constant 0 : i32
        %dma_start3A_478 = tpu.memref_slice %arg3[%add3A_470, %dma_start3A_476, %dma_start3A_477] : memref<2560x2x128xi32, #tpu.memory_space<hbm>> -> memref<1x2x128xi32, #tpu.memory_space<hbm>>
        %dma_start3A_479 = tpu.memref_squeeze %dma_start3A_478 : memref<1x2x128xi32, #tpu.memory_space<hbm>> -> memref<2x128xi32, #tpu.memory_space<hbm>>
        %dma_start3A_480 = arith.constant 0 : i32
        %dma_start3A_481 = arith.constant 0 : i32
        %dma_start3A_482 = tpu.memref_slice %arg5[%dma_start3A_471, %dma_start3A_480, %dma_start3A_481] : memref<8x2x128xi32, #tpu.memory_space<vmem>> -> memref<1x2x128xi32, #tpu.memory_space<vmem>>
        %dma_start3A_483 = tpu.memref_squeeze %dma_start3A_482 : memref<1x2x128xi32, #tpu.memory_space<vmem>> -> memref<2x128xi32, #tpu.memory_space<vmem>>
        %dma_start3A_484 = arith.constant 0 : i32
        %dma_start3A_485 = arith.constant 0 : i32
        %dma_start3A_486 = tpu.memref_slice %arg3[%add3A_470, %dma_start3A_484, %dma_start3A_485] : memref<2560x2x128xi32, #tpu.memory_space<hbm>> -> memref<1x2x128xi32, #tpu.memory_space<hbm>>
        %dma_start3A_487 = tpu.memref_squeeze %dma_start3A_486 : memref<1x2x128xi32, #tpu.memory_space<hbm>> -> memref<2x128xi32, #tpu.memory_space<hbm>>
        tpu.enqueue_dma source(%dma_start3A_487 : memref<2x128xi32, #tpu.memory_space<hbm>>) target(%dma_start3A_483 : memref<2x128xi32, #tpu.memory_space<vmem>>) target_semaphore(%arg14 : memref<!tpu.dma_semaphore, #tpu.memory_space<semaphore_mem>>)
      } else {
      }
      %add3A_432 = arith.constant 2 : i32
      %add3A_433 = arith.addi %add3A_411, %add3A_432 : i32
      %lt3A_434 = arith.constant 80 : i32
      %lt3A_435 = arith.cmpi slt, %add3A_433, %lt3A_434 : i32
      %convert_element_type3A_436 = arith.extui %lt3A_435 : i1 to i32
      %cond3A_437 = arith.constant 0 : i32
      %cond3A_438 = arith.cmpi ne, %convert_element_type3A_436, %cond3A_437 : i32
      scf.if %cond3A_438 {
        %add3A_468 = arith.constant 2 : i32
        %add3A_469 = arith.addi %add3A_411, %add3A_468 : i32
        %add3A_470 = arith.addi %mul3A_14, %add3A_469 : i32
        %dma_wait3A_471 = arith.constant 0 : i32
        %dma_wait3A_472 = arith.constant 0 : i32
        %dma_wait3A_473 = arith.constant 0 : i32
        %dma_wait3A_474 = tpu.memref_slice %arg5[%dma_wait3A_471, %dma_wait3A_472, %dma_wait3A_473] : memref<8x2x128xi32, #tpu.memory_space<vmem>> -> memref<1x2x128xi32, #tpu.memory_space<vmem>>
        %dma_wait3A_475 = tpu.memref_squeeze %dma_wait3A_474 : memref<1x2x128xi32, #tpu.memory_space<vmem>> -> memref<2x128xi32, #tpu.memory_space<vmem>>
        %dma_wait3A_476 = arith.constant 0 : i32
        %dma_wait3A_477 = arith.constant 0 : i32
        %dma_wait3A_478 = tpu.memref_slice %arg3[%add3A_470, %dma_wait3A_476, %dma_wait3A_477] : memref<2560x2x128xi32, #tpu.memory_space<hbm>> -> memref<1x2x128xi32, #tpu.memory_space<hbm>>
        %dma_wait3A_479 = tpu.memref_squeeze %dma_wait3A_478 : memref<1x2x128xi32, #tpu.memory_space<hbm>> -> memref<2x128xi32, #tpu.memory_space<hbm>>
        %dma_wait3A_480 = arith.constant 0 : i32
        %dma_wait3A_481 = arith.constant 0 : i32
        %dma_wait3A_482 = tpu.memref_slice %arg5[%dma_wait3A_471, %dma_wait3A_480, %dma_wait3A_481] : memref<8x2x128xi32, #tpu.memory_space<vmem>> -> memref<1x2x128xi32, #tpu.memory_space<vmem>>
        %dma_wait3A_483 = tpu.memref_squeeze %dma_wait3A_482 : memref<1x2x128xi32, #tpu.memory_space<vmem>> -> memref<2x128xi32, #tpu.memory_space<vmem>>
        %dma_wait3A_484 = arith.constant 0 : i32
        %dma_wait3A_485 = arith.constant 0 : i32
        %dma_wait3A_486 = tpu.memref_slice %arg3[%add3A_470, %dma_wait3A_484, %dma_wait3A_485] : memref<2560x2x128xi32, #tpu.memory_space<hbm>> -> memref<1x2x128xi32, #tpu.memory_space<hbm>>
        %dma_wait3A_487 = tpu.memref_squeeze %dma_wait3A_486 : memref<1x2x128xi32, #tpu.memory_space<hbm>> -> memref<2x128xi32, #tpu.memory_space<hbm>>
        tpu.wait_dma2 semaphore(%arg8 : memref<!tpu.dma_semaphore, #tpu.memory_space<semaphore_mem>>) src(%dma_wait3A_487 : memref<2x128xi32, #tpu.memory_space<hbm>>) dst(%dma_wait3A_483 : memref<2x128xi32, #tpu.memory_space<vmem>>)
        %dma_start3A_488 = arith.constant 0 : i32
        %dma_start3A_489 = arith.constant 0 : i32
        %dma_start3A_490 = arith.constant 0 : i32
        %dma_start3A_491 = arith.constant 0 : i32
        %dma_start3A_492 = tpu.memref_slice %arg6[%dma_start3A_490, %dma_start3A_491] : memref<256x128xf32, #tpu.memory_space<vmem>> -> memref<128x128xf32, #tpu.memory_space<vmem>>
        %dma_start3A_493 = arith.constant 0 : i32
        %dma_start3A_494 = tpu.memref_slice %arg5[%dma_start3A_488, %dma_start3A_489, %dma_start3A_493] : memref<8x2x128xi32, #tpu.memory_space<vmem>> -> memref<1x1x128xi32, #tpu.memory_space<vmem>>
        %dma_start3A_495 = tpu.memref_squeeze %dma_start3A_494 : memref<1x1x128xi32, #tpu.memory_space<vmem>> -> memref<128xi32, #tpu.memory_space<vmem>>
        %dma_start3A_496 = arith.constant 0 : i32
        %dma_start3A_497 = arith.constant 0 : i32
        %dma_start3A_498 = tpu.memref_slice %arg2[%dma_start3A_496, %dma_start3A_497] : memref<10240x128xf32, #tpu.memory_space<hbm>> -> memref<10240x128xf32, #tpu.memory_space<hbm>>
        tpu.enqueue_indirect_dma source(%dma_start3A_498 : memref<10240x128xf32, #tpu.memory_space<hbm>>) target(%dma_start3A_492 : memref<128x128xf32, #tpu.memory_space<vmem>>) offsets(%dma_start3A_495 : memref<128xi32, #tpu.memory_space<vmem>>) semaphore(%arg16 : memref<!tpu.dma_semaphore, #tpu.memory_space<semaphore_mem>>)
      } else {
      }
      %add3A_439 = arith.constant 7 : i32
      %add3A_440 = arith.addi %add3A_239, %add3A_439 : i32
      %dma_wait3A_441 = arith.constant 7 : i32
      %dma_wait3A_442 = arith.constant 0 : i32
      %dma_wait3A_443 = arith.constant 128 : i32
      %dma_wait3A_444 = arith.constant 0 : i32
      %dma_wait3A_445 = tpu.memref_slice %arg6[%dma_wait3A_443, %dma_wait3A_444] : memref<256x128xf32, #tpu.memory_space<vmem>> -> memref<128x128xf32, #tpu.memory_space<vmem>>
      %dma_wait3A_446 = arith.constant 0 : i32
      %dma_wait3A_447 = tpu.memref_slice %arg5[%dma_wait3A_441, %dma_wait3A_442, %dma_wait3A_446] : memref<8x2x128xi32, #tpu.memory_space<vmem>> -> memref<1x1x128xi32, #tpu.memory_space<vmem>>
      %dma_wait3A_448 = tpu.memref_squeeze %dma_wait3A_447 : memref<1x1x128xi32, #tpu.memory_space<vmem>> -> memref<128xi32, #tpu.memory_space<vmem>>
      %dma_wait3A_449 = arith.constant 0 : i32
      %dma_wait3A_450 = arith.constant 0 : i32
      %dma_wait3A_451 = tpu.memref_slice %arg2[%dma_wait3A_449, %dma_wait3A_450] : memref<10240x128xf32, #tpu.memory_space<hbm>> -> memref<10240x128xf32, #tpu.memory_space<hbm>>
      tpu.wait_indirect_dma semaphore(%arg17 : memref<!tpu.dma_semaphore, #tpu.memory_space<semaphore_mem>>) src(%dma_wait3A_451 : memref<10240x128xf32, #tpu.memory_space<hbm>>) dst(%dma_wait3A_445 : memref<128x128xf32, #tpu.memory_space<vmem>>)
      %run_scoped3A_452 = arith.constant 7 : i32
      %run_scoped3A_453 = arith.constant 1 : i32
      "tpu.region"() ({
        %run_scoped3A_468 = tpu.sem_alloc : memref<!tpu.dma_semaphore, #tpu.memory_space<semaphore_mem>>
        %dma_start3A_469 = arith.constant 128 : i32
        %dma_start3A_470 = arith.constant 0 : i32
        %dma_start3A_471 = tpu.memref_slice %arg6[%dma_start3A_469, %dma_start3A_470] : memref<256x128xf32, #tpu.memory_space<vmem>> -> memref<128x128xf32, #tpu.memory_space<vmem>>
        %dma_start3A_472 = arith.constant 0 : i32
        %dma_start3A_473 = tpu.memref_slice %arg5[%run_scoped3A_452, %run_scoped3A_453, %dma_start3A_472] : memref<8x2x128xi32, #tpu.memory_space<vmem>> -> memref<1x1x128xi32, #tpu.memory_space<vmem>>
        %dma_start3A_474 = tpu.memref_squeeze %dma_start3A_473 : memref<1x1x128xi32, #tpu.memory_space<vmem>> -> memref<128xi32, #tpu.memory_space<vmem>>
        %dma_start3A_475 = arith.constant 0 : i32
        %dma_start3A_476 = arith.constant 0 : i32
        %dma_start3A_477 = tpu.memref_slice %arg7[%dma_start3A_475, %dma_start3A_476] : memref<10240x128xf32, #tpu.memory_space<vmem_shared>> -> memref<10240x128xf32, #tpu.memory_space<vmem_shared>>
        tpu.enqueue_indirect_dma source(%dma_start3A_471 : memref<128x128xf32, #tpu.memory_space<vmem>>) target(%dma_start3A_477 : memref<10240x128xf32, #tpu.memory_space<vmem_shared>>) offsets(%dma_start3A_474 : memref<128xi32, #tpu.memory_space<vmem>>) semaphore(%run_scoped3A_468 : memref<!tpu.dma_semaphore, #tpu.memory_space<semaphore_mem>>) {add = true}
        %dma_wait3A_478 = arith.constant 128 : i32
        %dma_wait3A_479 = arith.constant 0 : i32
        %dma_wait3A_480 = tpu.memref_slice %arg6[%dma_wait3A_478, %dma_wait3A_479] : memref<256x128xf32, #tpu.memory_space<vmem>> -> memref<128x128xf32, #tpu.memory_space<vmem>>
        %dma_wait3A_481 = arith.constant 0 : i32
        %dma_wait3A_482 = tpu.memref_slice %arg5[%run_scoped3A_452, %run_scoped3A_453, %dma_wait3A_481] : memref<8x2x128xi32, #tpu.memory_space<vmem>> -> memref<1x1x128xi32, #tpu.memory_space<vmem>>
        %dma_wait3A_483 = tpu.memref_squeeze %dma_wait3A_482 : memref<1x1x128xi32, #tpu.memory_space<vmem>> -> memref<128xi32, #tpu.memory_space<vmem>>
        %dma_wait3A_484 = arith.constant 0 : i32
        %dma_wait3A_485 = arith.constant 0 : i32
        %dma_wait3A_486 = tpu.memref_slice %arg7[%dma_wait3A_484, %dma_wait3A_485] : memref<10240x128xf32, #tpu.memory_space<vmem_shared>> -> memref<10240x128xf32, #tpu.memory_space<vmem_shared>>
        tpu.wait_indirect_dma semaphore(%run_scoped3A_468 : memref<!tpu.dma_semaphore, #tpu.memory_space<semaphore_mem>>) src(%dma_wait3A_480 : memref<128x128xf32, #tpu.memory_space<vmem>>) dst(%dma_wait3A_486 : memref<10240x128xf32, #tpu.memory_space<vmem_shared>>)
        tpu.yield
      }) : () -> ()
      %add3A_454 = arith.constant 8 : i32
      %add3A_455 = arith.addi %add3A_440, %add3A_454 : i32
      %lt3A_456 = arith.constant 80 : i32
      %lt3A_457 = arith.cmpi slt, %add3A_455, %lt3A_456 : i32
      %convert_element_type3A_458 = arith.extui %lt3A_457 : i1 to i32
      %cond3A_459 = arith.constant 0 : i32
      %cond3A_460 = arith.cmpi ne, %convert_element_type3A_458, %cond3A_459 : i32
      scf.if %cond3A_460 {
        %add3A_468 = arith.constant 8 : i32
        %add3A_469 = arith.addi %add3A_440, %add3A_468 : i32
        %add3A_470 = arith.addi %mul3A_14, %add3A_469 : i32
        %dma_start3A_471 = arith.constant 7 : i32
        %dma_start3A_472 = arith.constant 0 : i32
        %dma_start3A_473 = arith.constant 0 : i32
        %dma_start3A_474 = tpu.memref_slice %arg5[%dma_start3A_471, %dma_start3A_472, %dma_start3A_473] : memref<8x2x128xi32, #tpu.memory_space<vmem>> -> memref<1x2x128xi32, #tpu.memory_space<vmem>>
        %dma_start3A_475 = tpu.memref_squeeze %dma_start3A_474 : memref<1x2x128xi32, #tpu.memory_space<vmem>> -> memref<2x128xi32, #tpu.memory_space<vmem>>
        %dma_start3A_476 = arith.constant 0 : i32
        %dma_start3A_477 = arith.constant 0 : i32
        %dma_start3A_478 = tpu.memref_slice %arg3[%add3A_470, %dma_start3A_476, %dma_start3A_477] : memref<2560x2x128xi32, #tpu.memory_space<hbm>> -> memref<1x2x128xi32, #tpu.memory_space<hbm>>
        %dma_start3A_479 = tpu.memref_squeeze %dma_start3A_478 : memref<1x2x128xi32, #tpu.memory_space<hbm>> -> memref<2x128xi32, #tpu.memory_space<hbm>>
        %dma_start3A_480 = arith.constant 0 : i32
        %dma_start3A_481 = arith.constant 0 : i32
        %dma_start3A_482 = tpu.memref_slice %arg5[%dma_start3A_471, %dma_start3A_480, %dma_start3A_481] : memref<8x2x128xi32, #tpu.memory_space<vmem>> -> memref<1x2x128xi32, #tpu.memory_space<vmem>>
        %dma_start3A_483 = tpu.memref_squeeze %dma_start3A_482 : memref<1x2x128xi32, #tpu.memory_space<vmem>> -> memref<2x128xi32, #tpu.memory_space<vmem>>
        %dma_start3A_484 = arith.constant 0 : i32
        %dma_start3A_485 = arith.constant 0 : i32
        %dma_start3A_486 = tpu.memref_slice %arg3[%add3A_470, %dma_start3A_484, %dma_start3A_485] : memref<2560x2x128xi32, #tpu.memory_space<hbm>> -> memref<1x2x128xi32, #tpu.memory_space<hbm>>
        %dma_start3A_487 = tpu.memref_squeeze %dma_start3A_486 : memref<1x2x128xi32, #tpu.memory_space<hbm>> -> memref<2x128xi32, #tpu.memory_space<hbm>>
        tpu.enqueue_dma source(%dma_start3A_487 : memref<2x128xi32, #tpu.memory_space<hbm>>) target(%dma_start3A_483 : memref<2x128xi32, #tpu.memory_space<vmem>>) target_semaphore(%arg15 : memref<!tpu.dma_semaphore, #tpu.memory_space<semaphore_mem>>)
      } else {
      }
      %add3A_461 = arith.constant 2 : i32
      %add3A_462 = arith.addi %add3A_440, %add3A_461 : i32
      %lt3A_463 = arith.constant 80 : i32
      %lt3A_464 = arith.cmpi slt, %add3A_462, %lt3A_463 : i32
      %convert_element_type3A_465 = arith.extui %lt3A_464 : i1 to i32
      %cond3A_466 = arith.constant 0 : i32
      %cond3A_467 = arith.cmpi ne, %convert_element_type3A_465, %cond3A_466 : i32
      scf.if %cond3A_467 {
        %add3A_468 = arith.constant 2 : i32
        %add3A_469 = arith.addi %add3A_440, %add3A_468 : i32
        %add3A_470 = arith.addi %mul3A_14, %add3A_469 : i32
        %dma_wait3A_471 = arith.constant 1 : i32
        %dma_wait3A_472 = arith.constant 0 : i32
        %dma_wait3A_473 = arith.constant 0 : i32
        %dma_wait3A_474 = tpu.memref_slice %arg5[%dma_wait3A_471, %dma_wait3A_472, %dma_wait3A_473] : memref<8x2x128xi32, #tpu.memory_space<vmem>> -> memref<1x2x128xi32, #tpu.memory_space<vmem>>
        %dma_wait3A_475 = tpu.memref_squeeze %dma_wait3A_474 : memref<1x2x128xi32, #tpu.memory_space<vmem>> -> memref<2x128xi32, #tpu.memory_space<vmem>>
        %dma_wait3A_476 = arith.constant 0 : i32
        %dma_wait3A_477 = arith.constant 0 : i32
        %dma_wait3A_478 = tpu.memref_slice %arg3[%add3A_470, %dma_wait3A_476, %dma_wait3A_477] : memref<2560x2x128xi32, #tpu.memory_space<hbm>> -> memref<1x2x128xi32, #tpu.memory_space<hbm>>
        %dma_wait3A_479 = tpu.memref_squeeze %dma_wait3A_478 : memref<1x2x128xi32, #tpu.memory_space<hbm>> -> memref<2x128xi32, #tpu.memory_space<hbm>>
        %dma_wait3A_480 = arith.constant 0 : i32
        %dma_wait3A_481 = arith.constant 0 : i32
        %dma_wait3A_482 = tpu.memref_slice %arg5[%dma_wait3A_471, %dma_wait3A_480, %dma_wait3A_481] : memref<8x2x128xi32, #tpu.memory_space<vmem>> -> memref<1x2x128xi32, #tpu.memory_space<vmem>>
        %dma_wait3A_483 = tpu.memref_squeeze %dma_wait3A_482 : memref<1x2x128xi32, #tpu.memory_space<vmem>> -> memref<2x128xi32, #tpu.memory_space<vmem>>
        %dma_wait3A_484 = arith.constant 0 : i32
        %dma_wait3A_485 = arith.constant 0 : i32
        %dma_wait3A_486 = tpu.memref_slice %arg3[%add3A_470, %dma_wait3A_484, %dma_wait3A_485] : memref<2560x2x128xi32, #tpu.memory_space<hbm>> -> memref<1x2x128xi32, #tpu.memory_space<hbm>>
        %dma_wait3A_487 = tpu.memref_squeeze %dma_wait3A_486 : memref<1x2x128xi32, #tpu.memory_space<hbm>> -> memref<2x128xi32, #tpu.memory_space<hbm>>
        tpu.wait_dma2 semaphore(%arg9 : memref<!tpu.dma_semaphore, #tpu.memory_space<semaphore_mem>>) src(%dma_wait3A_487 : memref<2x128xi32, #tpu.memory_space<hbm>>) dst(%dma_wait3A_483 : memref<2x128xi32, #tpu.memory_space<vmem>>)
        %dma_start3A_488 = arith.constant 1 : i32
        %dma_start3A_489 = arith.constant 0 : i32
        %dma_start3A_490 = arith.constant 128 : i32
        %dma_start3A_491 = arith.constant 0 : i32
        %dma_start3A_492 = tpu.memref_slice %arg6[%dma_start3A_490, %dma_start3A_491] : memref<256x128xf32, #tpu.memory_space<vmem>> -> memref<128x128xf32, #tpu.memory_space<vmem>>
        %dma_start3A_493 = arith.constant 0 : i32
        %dma_start3A_494 = tpu.memref_slice %arg5[%dma_start3A_488, %dma_start3A_489, %dma_start3A_493] : memref<8x2x128xi32, #tpu.memory_space<vmem>> -> memref<1x1x128xi32, #tpu.memory_space<vmem>>
        %dma_start3A_495 = tpu.memref_squeeze %dma_start3A_494 : memref<1x1x128xi32, #tpu.memory_space<vmem>> -> memref<128xi32, #tpu.memory_space<vmem>>
        %dma_start3A_496 = arith.constant 0 : i32
        %dma_start3A_497 = arith.constant 0 : i32
        %dma_start3A_498 = tpu.memref_slice %arg2[%dma_start3A_496, %dma_start3A_497] : memref<10240x128xf32, #tpu.memory_space<hbm>> -> memref<10240x128xf32, #tpu.memory_space<hbm>>
        tpu.enqueue_indirect_dma source(%dma_start3A_498 : memref<10240x128xf32, #tpu.memory_space<hbm>>) target(%dma_start3A_492 : memref<128x128xf32, #tpu.memory_space<vmem>>) offsets(%dma_start3A_495 : memref<128xi32, #tpu.memory_space<vmem>>) semaphore(%arg17 : memref<!tpu.dma_semaphore, #tpu.memory_space<semaphore_mem>>)
      } else {
      }
    }
    %scan3A_229 = arith.constant 10 : i32
    %barrier3A_230 = arith.constant 0 : index
    tpu.barrier barrier_id(%barrier3A_230)
    %mul3A_231 = arith.constant 640 : i32
    %mul3A_232 = arith.muli %arg1, %mul3A_231 : i32
    %mul3A_233 = arith.constant 640 : i32
    %mul3A_234 = arith.muli %arg1, %mul3A_233 : i32
    "tpu.region"() ({
      %run_scoped3A = tpu.sem_alloc : memref<!tpu.dma_semaphore, #tpu.memory_space<semaphore_mem>>
      %dma_start3A_235 = arith.constant 0 : i32
      %dma_start3A_236 = tpu.memref_slice %arg4[%arg0, %mul3A_234, %dma_start3A_235] : memref<2x10240x128xf32, #tpu.memory_space<hbm>> -> memref<1x640x128xf32, #tpu.memory_space<hbm>>
      %dma_start3A_237 = tpu.memref_squeeze %dma_start3A_236 : memref<1x640x128xf32, #tpu.memory_space<hbm>> -> memref<640x128xf32, #tpu.memory_space<hbm>>
      %dma_start3A_238 = arith.constant 0 : i32
      %dma_start3A_239 = tpu.memref_slice %arg7[%mul3A_232, %dma_start3A_238] : memref<10240x128xf32, #tpu.memory_space<vmem_shared>> -> memref<640x128xf32, #tpu.memory_space<vmem_shared>>
      tpu.enqueue_dma source(%dma_start3A_239 : memref<640x128xf32, #tpu.memory_space<vmem_shared>>) target(%dma_start3A_237 : memref<640x128xf32, #tpu.memory_space<hbm>>) target_semaphore(%run_scoped3A : memref<!tpu.dma_semaphore, #tpu.memory_space<semaphore_mem>>)
      %dma_wait3A_240 = arith.constant 0 : i32
      %dma_wait3A_241 = tpu.memref_slice %arg4[%arg0, %mul3A_234, %dma_wait3A_240] : memref<2x10240x128xf32, #tpu.memory_space<hbm>> -> memref<1x640x128xf32, #tpu.memory_space<hbm>>
      %dma_wait3A_242 = tpu.memref_squeeze %dma_wait3A_241 : memref<1x640x128xf32, #tpu.memory_space<hbm>> -> memref<640x128xf32, #tpu.memory_space<hbm>>
      %dma_wait3A_243 = arith.constant 0 : i32
      %dma_wait3A_244 = tpu.memref_slice %arg7[%mul3A_232, %dma_wait3A_243] : memref<10240x128xf32, #tpu.memory_space<vmem_shared>> -> memref<640x128xf32, #tpu.memory_space<vmem_shared>>
      tpu.wait_dma2 semaphore(%run_scoped3A : memref<!tpu.dma_semaphore, #tpu.memory_space<semaphore_mem>>) src(%dma_wait3A_244 : memref<640x128xf32, #tpu.memory_space<vmem_shared>>) dst(%dma_wait3A_242 : memref<640x128xf32, #tpu.memory_space<hbm>>)
      tpu.yield
    }) : () -> ()
    return
  }
}

module attributes {stable_mosaic.version = 14 : i64} {
  func.func @_tc_matmul_body(%arg0: memref<10240x128xf32, #tpu.memory_space<vmem>>, %arg1: memref<128x128xf32, #tpu.memory_space<vmem>>, %arg2: memref<10240x128xf32, #tpu.memory_space<vmem>>) attributes {dimension_semantics = [], scalar_prefetch = 0 : i64, scratch_operands = 0 : i64, tpu.core_type = #tpu.core_type<tc>} {
    %get3A = arith.constant 0 : index
    %get3A_0 = arith.constant 0 : index
    %get3A_1 = vector.load %arg0[%get3A, %get3A_0] : memref<10240x128xf32, #tpu.memory_space<vmem>>, vector<10240x128xf32>
    %get3A_2 = arith.constant 0 : index
    %get3A_3 = arith.constant 0 : index
    %get3A_4 = vector.load %arg1[%get3A_2, %get3A_3] : memref<128x128xf32, #tpu.memory_space<vmem>>, vector<128x128xf32>
    %dot_general3A = arith.constant dense<0.000000e+00> : vector<10240x128xf32>
    %dot_general3A_5 = tpu.matmul %get3A_1, %get3A_4, %dot_general3A {dimension_numbers = #tpu.dot_dimension_numbers<[1], [0], [0], [1], [0, 0, 1, 1], [], []>, transpose_lhs_hint = false} : vector<10240x128xf32>, vector<128x128xf32>, vector<10240x128xf32> -> vector<10240x128xf32>
    %swap3A = arith.constant 0 : index
    %swap3A_6 = arith.constant 0 : index
    %swap3A_7 = vector.load %arg2[%swap3A, %swap3A_6] : memref<10240x128xf32, #tpu.memory_space<vmem>>, vector<10240x128xf32>
    tpu.vector_store %arg2[%swap3A, %swap3A_6], %dot_general3A_5 {strides = array<i32>} : memref<10240x128xf32, #tpu.memory_space<vmem>>, vector<10240x128xf32>,
    return
  }
}

module attributes {stable_mosaic.version = 14 : i64} {
  func.func @_tc_prep_body(%arg0: memref<2x10240x128xf32, #tpu.memory_space<vmem>>, %arg1: memref<10240x128xf32, #tpu.memory_space<vmem>>, %arg2: memref<10240x1xf32, #tpu.memory_space<vmem>>, %arg3: memref<10240x128xf32, #tpu.memory_space<vmem>>) attributes {dimension_semantics = [], scalar_prefetch = 0 : i64, scratch_operands = 0 : i64, tpu.core_type = #tpu.core_type<tc>} {
    %get3A = arith.constant 0 : index
    %get3A_0 = arith.constant 0 : index
    %get3A_1 = arith.constant 0 : index
    %get3A_2 = vector.load %arg0[%get3A, %get3A_0, %get3A_1] : memref<2x10240x128xf32, #tpu.memory_space<vmem>>, vector<2x10240x128xf32>
    %slice3A = vector.extract_strided_slice %get3A_2 {offsets = [0, 0, 0], sizes = [1, 10240, 1], strides = [1, 1, 1]} : vector<2x10240x128xf32> to vector<1x10240x1xf32>
    %squeeze3A = vector.shape_cast %slice3A : vector<1x10240x1xf32> to vector<10240x1xf32>
    %slice3A_3 = vector.extract_strided_slice %get3A_2 {offsets = [1, 0, 0], sizes = [1, 10240, 1], strides = [1, 1, 1]} : vector<2x10240x128xf32> to vector<1x10240x1xf32>
    %squeeze3A_4 = vector.shape_cast %slice3A_3 : vector<1x10240x1xf32> to vector<10240x1xf32>
    %add3A = arith.addf %squeeze3A, %squeeze3A_4 : vector<10240x1xf32>
    %add3A_5 = arith.constant 1.000000e+00 : f32
    %add3A_6 = vector.broadcast %add3A_5 : f32 to vector<10240x1xf32>
    %add3A_7 = arith.addf %add3A, %add3A_6 : vector<10240x1xf32>
    %rsqrt3A = math.rsqrt %add3A_7 : vector<10240x1xf32>
    %swap3A = arith.constant 0 : index
    %swap3A_8 = arith.constant 0 : index
    %swap3A_9 = vector.load %arg2[%swap3A, %swap3A_8] : memref<10240x1xf32, #tpu.memory_space<vmem>>, vector<10240x1xf32>
    tpu.vector_store %arg2[%swap3A, %swap3A_8], %rsqrt3A {strides = array<i32>} : memref<10240x1xf32, #tpu.memory_space<vmem>>, vector<10240x1xf32>,
    %get3A_10 = arith.constant 0 : index
    %get3A_11 = arith.constant 0 : index
    %get3A_12 = vector.load %arg1[%get3A_10, %get3A_11] : memref<10240x128xf32, #tpu.memory_space<vmem>>, vector<10240x128xf32>
    %mul3A = vector.broadcast %rsqrt3A : vector<10240x1xf32> to vector<10240x128xf32>
    %mul3A_13 = arith.mulf %mul3A, %get3A_12 : vector<10240x128xf32>
    %iota3A = tpu.iota {dimensions = array<i32: 0>} : vector<10240x128xi32>
    %lt3A = arith.constant 10000 : i32
    %lt3A_14 = vector.broadcast %lt3A : i32 to vector<10240x128xi32>
    %lt3A_15 = arith.cmpi slt, %iota3A, %lt3A_14 : vector<10240x128xi32>
    %jit3A = arith.constant 0.000000e+00 : f32
    %broadcast_in_dim3A = vector.broadcast %jit3A : f32 to vector<10240x128xf32>
    %select_n3A = arith.select %lt3A_15, %mul3A_13, %broadcast_in_dim3A : vector<10240x128xi1>, vector<10240x128xf32>
    %swap3A_16 = arith.constant 0 : index
    %swap3A_17 = arith.constant 0 : index
    %swap3A_18 = vector.load %arg3[%swap3A_16, %swap3A_17] : memref<10240x128xf32, #tpu.memory_space<vmem>>, vector<10240x128xf32>
    tpu.vector_store %arg3[%swap3A_16, %swap3A_17], %select_n3A {strides = array<i32>} : memref<10240x128xf32, #tpu.memory_space<vmem>>, vector<10240x128xf32>,
    return
  }
}

module attributes {stable_mosaic.version = 14 : i64} {
  func.func @_tc_mid_body(%arg0: memref<2x10240x128xf32, #tpu.memory_space<vmem>>, %arg1: memref<10240x128xf32, #tpu.memory_space<vmem>>, %arg2: memref<10240x1xf32, #tpu.memory_space<vmem>>, %arg3: memref<128xf32, #tpu.memory_space<vmem>>, %arg4: memref<128x128xf32, #tpu.memory_space<vmem>>, %arg5: memref<10240x128xf32, #tpu.memory_space<vmem>>) attributes {dimension_semantics = [], scalar_prefetch = 0 : i64, scratch_operands = 0 : i64, tpu.core_type = #tpu.core_type<tc>} {
    %get3A = arith.constant 0 : index
    %get3A_0 = arith.constant 0 : index
    %get3A_1 = arith.constant 0 : index
    %get3A_2 = vector.load %arg0[%get3A, %get3A_0, %get3A_1] : memref<2x10240x128xf32, #tpu.memory_space<vmem>>, vector<2x10240x128xf32>
    %get3A_3 = arith.constant 0 : index
    %get3A_4 = arith.constant 0 : index
    %get3A_5 = vector.load %arg2[%get3A_3, %get3A_4] : memref<10240x1xf32, #tpu.memory_space<vmem>>, vector<10240x1xf32>
    %slice3A = vector.extract_strided_slice %get3A_2 {offsets = [0, 0, 0], sizes = [1, 10240, 128], strides = [1, 1, 1]} : vector<2x10240x128xf32> to vector<1x10240x128xf32>
    %squeeze3A = vector.shape_cast %slice3A : vector<1x10240x128xf32> to vector<10240x128xf32>
    %slice3A_6 = vector.extract_strided_slice %get3A_2 {offsets = [1, 0, 0], sizes = [1, 10240, 128], strides = [1, 1, 1]} : vector<2x10240x128xf32> to vector<1x10240x128xf32>
    %squeeze3A_7 = vector.shape_cast %slice3A_6 : vector<1x10240x128xf32> to vector<10240x128xf32>
    %add3A = arith.addf %squeeze3A, %squeeze3A_7 : vector<10240x128xf32>
    %get3A_8 = arith.constant 0 : index
    %get3A_9 = arith.constant 0 : index
    %get3A_10 = vector.load %arg1[%get3A_8, %get3A_9] : memref<10240x128xf32, #tpu.memory_space<vmem>>, vector<10240x128xf32>
    %add3A_11 = arith.addf %add3A, %get3A_10 : vector<10240x128xf32>
    %mul3A = vector.broadcast %get3A_5 : vector<10240x1xf32> to vector<10240x128xf32>
    %mul3A_12 = arith.mulf %mul3A, %add3A_11 : vector<10240x128xf32>
    %get3A_13 = arith.constant 0 : index
    %get3A_14 = vector.load %arg3[%get3A_13] : memref<128xf32, #tpu.memory_space<vmem>>, vector<128xf32>
    %broadcast_in_dim3A = vector.shape_cast %get3A_14 : vector<128xf32> to vector<1x128xf32>
    %add3A_15 = vector.broadcast %broadcast_in_dim3A : vector<1x128xf32> to vector<10240x128xf32>
    %add3A_16 = arith.addf %mul3A_12, %add3A_15 : vector<10240x128xf32>
    %max3A = arith.constant 0.000000e+00 : f32
    %max3A_17 = vector.broadcast %max3A : f32 to vector<10240x128xf32>
    %max3A_18 = arith.maximumf %add3A_16, %max3A_17 : vector<10240x128xf32>
    %get3A_19 = arith.constant 0 : index
    %get3A_20 = arith.constant 0 : index
    %get3A_21 = vector.load %arg4[%get3A_19, %get3A_20] : memref<128x128xf32, #tpu.memory_space<vmem>>, vector<128x128xf32>
    %dot_general3A = arith.constant dense<0.000000e+00> : vector<10240x128xf32>
    %dot_general3A_22 = tpu.matmul %max3A_18, %get3A_21, %dot_general3A {dimension_numbers = #tpu.dot_dimension_numbers<[1], [0], [0], [1], [0, 0, 1, 1], [], []>, transpose_lhs_hint = false} : vector<10240x128xf32>, vector<128x128xf32>, vector<10240x128xf32> -> vector<10240x128xf32>
    %mul3A_23 = vector.broadcast %get3A_5 : vector<10240x1xf32> to vector<10240x128xf32>
    %mul3A_24 = arith.mulf %mul3A_23, %dot_general3A_22 : vector<10240x128xf32>
    %iota3A = tpu.iota {dimensions = array<i32: 0>} : vector<10240x128xi32>
    %lt3A = arith.constant 10000 : i32
    %lt3A_25 = vector.broadcast %lt3A : i32 to vector<10240x128xi32>
    %lt3A_26 = arith.cmpi slt, %iota3A, %lt3A_25 : vector<10240x128xi32>
    %jit3A = arith.constant 0.000000e+00 : f32
    %broadcast_in_dim3A_27 = vector.broadcast %jit3A : f32 to vector<10240x128xf32>
    %select_n3A = arith.select %lt3A_26, %mul3A_24, %broadcast_in_dim3A_27 : vector<10240x128xi1>, vector<10240x128xf32>
    %swap3A = arith.constant 0 : index
    %swap3A_28 = arith.constant 0 : index
    %swap3A_29 = vector.load %arg5[%swap3A, %swap3A_28] : memref<10240x128xf32, #tpu.memory_space<vmem>>, vector<10240x128xf32>
    tpu.vector_store %arg5[%swap3A, %swap3A_28], %select_n3A {strides = array<i32>} : memref<10240x128xf32, #tpu.memory_space<vmem>>, vector<10240x128xf32>,
    return
  }
}

module attributes {stable_mosaic.version = 14 : i64} {
  func.func @_tc_final_body(%arg0: memref<2x10240x128xf32, #tpu.memory_space<vmem>>, %arg1: memref<10240x128xf32, #tpu.memory_space<vmem>>, %arg2: memref<10240x1xf32, #tpu.memory_space<vmem>>, %arg3: memref<128xf32, #tpu.memory_space<vmem>>, %arg4: memref<128x64xf32, #tpu.memory_space<vmem>>, %arg5: memref<64xf32, #tpu.memory_space<vmem>>, %arg6: memref<10240x64xf32, #tpu.memory_space<vmem>>) attributes {dimension_semantics = [], scalar_prefetch = 0 : i64, scratch_operands = 0 : i64, tpu.core_type = #tpu.core_type<tc>} {
    %get3A = arith.constant 0 : index
    %get3A_0 = arith.constant 0 : index
    %get3A_1 = arith.constant 0 : index
    %get3A_2 = vector.load %arg0[%get3A, %get3A_0, %get3A_1] : memref<2x10240x128xf32, #tpu.memory_space<vmem>>, vector<2x10240x128xf32>
    %slice3A = vector.extract_strided_slice %get3A_2 {offsets = [0, 0, 0], sizes = [1, 10240, 128], strides = [1, 1, 1]} : vector<2x10240x128xf32> to vector<1x10240x128xf32>
    %squeeze3A = vector.shape_cast %slice3A : vector<1x10240x128xf32> to vector<10240x128xf32>
    %slice3A_3 = vector.extract_strided_slice %get3A_2 {offsets = [1, 0, 0], sizes = [1, 10240, 128], strides = [1, 1, 1]} : vector<2x10240x128xf32> to vector<1x10240x128xf32>
    %squeeze3A_4 = vector.shape_cast %slice3A_3 : vector<1x10240x128xf32> to vector<10240x128xf32>
    %add3A = arith.addf %squeeze3A, %squeeze3A_4 : vector<10240x128xf32>
    %get3A_5 = arith.constant 0 : index
    %get3A_6 = arith.constant 0 : index
    %get3A_7 = vector.load %arg1[%get3A_5, %get3A_6] : memref<10240x128xf32, #tpu.memory_space<vmem>>, vector<10240x128xf32>
    %add3A_8 = arith.addf %add3A, %get3A_7 : vector<10240x128xf32>
    %get3A_9 = arith.constant 0 : index
    %get3A_10 = arith.constant 0 : index
    %get3A_11 = vector.load %arg2[%get3A_9, %get3A_10] : memref<10240x1xf32, #tpu.memory_space<vmem>>, vector<10240x1xf32>
    %mul3A = vector.broadcast %get3A_11 : vector<10240x1xf32> to vector<10240x128xf32>
    %mul3A_12 = arith.mulf %mul3A, %add3A_8 : vector<10240x128xf32>
    %get3A_13 = arith.constant 0 : index
    %get3A_14 = vector.load %arg3[%get3A_13] : memref<128xf32, #tpu.memory_space<vmem>>, vector<128xf32>
    %broadcast_in_dim3A = vector.shape_cast %get3A_14 : vector<128xf32> to vector<1x128xf32>
    %add3A_15 = vector.broadcast %broadcast_in_dim3A : vector<1x128xf32> to vector<10240x128xf32>
    %add3A_16 = arith.addf %mul3A_12, %add3A_15 : vector<10240x128xf32>
    %max3A = arith.constant 0.000000e+00 : f32
    %max3A_17 = vector.broadcast %max3A : f32 to vector<10240x128xf32>
    %max3A_18 = arith.maximumf %add3A_16, %max3A_17 : vector<10240x128xf32>
    %get3A_19 = arith.constant 0 : index
    %get3A_20 = arith.constant 0 : index
    %get3A_21 = vector.load %arg4[%get3A_19, %get3A_20] : memref<128x64xf32, #tpu.memory_space<vmem>>, vector<128x64xf32>
    %dot_general3A = arith.constant dense<0.000000e+00> : vector<10240x64xf32>
    %dot_general3A_22 = tpu.matmul %max3A_18, %get3A_21, %dot_general3A {dimension_numbers = #tpu.dot_dimension_numbers<[1], [0], [0], [1], [0, 0, 1, 1], [], []>, transpose_lhs_hint = false} : vector<10240x128xf32>, vector<128x64xf32>, vector<10240x64xf32> -> vector<10240x64xf32>
    %get3A_23 = arith.constant 0 : index
    %get3A_24 = vector.load %arg5[%get3A_23] : memref<64xf32, #tpu.memory_space<vmem>>, vector<64xf32>
    %broadcast_in_dim3A_25 = vector.shape_cast %get3A_24 : vector<64xf32> to vector<1x64xf32>
    %add3A_26 = vector.broadcast %broadcast_in_dim3A_25 : vector<1x64xf32> to vector<10240x64xf32>
    %add3A_27 = arith.addf %dot_general3A_22, %add3A_26 : vector<10240x64xf32>
    %swap3A = arith.constant 0 : index
    %swap3A_28 = arith.constant 0 : index
    %swap3A_29 = vector.load %arg6[%swap3A, %swap3A_28] : memref<10240x64xf32, #tpu.memory_space<vmem>>, vector<10240x64xf32>
    tpu.vector_store %arg6[%swap3A, %swap3A_28], %add3A_27 {strides = array<i32>} : memref<10240x64xf32, #tpu.memory_space<vmem>>, vector<10240x64xf32>,
    return
  }
}

</mosaic_0001>

<sc_bundles>
// kernel: kernel.12.cloned.1.call-start
scs
__scs_entry_jumppad:
0x0: {  	(pc) =	sbr.rel $0x88, $3  }
0x1: {  	(tag) =	ssettag $0x0;
	lr =	simm.s32 $0x1  }
0x2: {  	[smem:$0x3F99] =	sst lr;
	_ =	strace $0xD0000000  }
0x3: {  	_ = 	snop  }
0x4: {  	_ = 	snop  }
0x5: {  	_ = 	snop  }
0x6: {  	_ = 	snop  }
0x7: {  	_ = 	snop  }
__scs_overlays_trampoline_lowered:
0x8: {  	[smem:$0x3FA8] =	sst s0  }
0x9: {  	[smem:$0x3FA9] =	sst s1  }
0xa: {  	[smem:$0x3FAA] =	sst s2  }
0xb: {  	[smem:$0x3FAB] =	sst s3  }
0xc: {  	[smem:$0x3FAC] =	sst s4  }
0xd: {  	[smem:$0x3FAD] =	sst s5  }
0xe: {  	[smem:$0x3FAE] =	sst s6  }
0xf: {  	[smem:$0x3FAF] =	sst s7  }
0x10: {  	[smem:$0x3FB0] =	sst s8  }
0x11: {  	[smem:$0x3FB1] =	sst s9;
	s0 =	simm.s32 @!p0 $0x0  }
0x12: {  	s1 =	sld [smem:$0x3F97];
	s0 =	simm.s32 @p0 $0x1  }
0x13: {  	[smem:$0x3FB2] =	sst s0;
	s0 =	simm.s32 @!p1 $0x0  }
0x14: {  	s2 =	sld [smem:$0x3F96];
	s0 =	simm.s32 @p1 $0x1  }
0x15: {  	[smem:$0x3FB3] =	sst s0;
	s0 =	simm.s32 @!p2 $0x0  }
0x16: {  	s3 =	sld [smem:$0x3FDB];
	s0 =	simm.s32 @p2 $0x1  }
0x17: {  	s4 =	simm.s32 $0x1BF5;
	[smem:$0x3FB5] =	sst s0  }
0x18: {  	s0 =	sld [smem:$0x3F98];
	_ =	swait.ge [sflag:s4], $0x0  }
0x19: {  	s7 =	sld [smem:$0x3F99]  }
0x1a: {  	s8 =	sadd.s32 $0xFFFFE003, lr  }
0x1b: {  	s9 =	sadd.s32 $0xFFFFFEF7, lr;
	s5 =	simm.s32 $0xFFFFFFFF;
	p2 =	slt.u32 s8, $0xFFFFF086  }
0x1c: {  	p1 =	slt.u32 s9, $0xF7A;
	s5 =	simm.s32 @!p2 $0x0  }
0x1d: {  	s5 =	simm.s32 @p1 $0x1;
	p0 =	seq.s32 s7, s2  }
0x1e: {  	s7 =	smul.u32 @!p0 $0xF7A, s2;
	p2 =	seq.s32 @!p0 s5, $0x0  }
0x1f: {  	s9 =	smul.u32 $0xF7A, s1;
	s8 =	simm.s32 @!p0 $0x1BF5;
	p2 =	por !p2, p0  }
0x20: {  	[sflag:s8] =	ssyncset.s32 @!p0 $0xFFFFF086;
	s6 =	sadd.s32 @!p0 s3, s7;
	s7 =	simm.s32 @!p0 $0x108  }
0x21: {  	s3 =	sadd.s32 s3, s9;
	s6 =	sadd.s32 @!p0 $0x88, s6;
	s7 =	simm.s32 @p2 $0x1082  }
0x22: {  	[simem:s7], [sflag:s8] =	dma.local @!p0 [hbm:s6], $0xF7A  }
0x23: {  	s9 =	sor.u32 $0xD0000000, s2;
	s6 =	simm.s32 $0x108;
	_ =	swait.ge @!p0 [sflag:s8], $0x0  }
0x24: {  	s3 =	sadd.s32 $0x88, s3;
	s6 =	simm.s32 @!p1 $0x1082;
	[sflag:s4] =	ssyncset.s32 $0xFFFFF086  }
0x25: {  	[simem:s6], [sflag:s4] =	dma.local [hbm:s3], $0xF7A  }
0x26: {  	[smem:$0x3F99] =	sst s1;
	(tag) =	ssettag s2;
	_ =	strace s9  }
0x27: {  	s1 =	sld [smem:$0x3FA9]  }
0x28: {  	s2 =	sld [smem:$0x3FAA]  }
0x29: {  	s4 =	sld [smem:$0x3FAC]  }
0x2a: {  	p0 =	seq.s32 s5, $0x0;
	s5 =	sld [smem:$0x3FAD]  }
0x2b: {  	s6 =	sld [smem:$0x3FAE]  }
0x2c: {  	s7 =	sld [smem:$0x3FAF]  }
0x2d: {  	s3 =	simm.s32 $0x108;
	s8 =	sld [smem:$0x3FB0]  }
0x2e: {  	s3 =	simm.s32 @!p0 $0x1082;
	s9 =	sld [smem:$0x3FB1]  }
0x2f: {  	lr =	sadd.s32 s0, s3;
	s0 =	sld [smem:$0x3FA8]  }
0x30: {  	s3 =	sld [smem:$0x3FAB]  }
0x31: {  	[smem:$0x3FB4] =	sst s10  }
0x32: {  	s10 =	sld [smem:$0x3FB2];
	_ =	sdelay $0x3  }
0x33: {  	p0 =	seq.s32 s10, $0x1;
	s10 =	sld [smem:$0x3FB4];
	_ =	sdelay $0x3  }
0x34: {  	[smem:$0x3FB4] =	sst s10  }
0x35: {  	s10 =	sld [smem:$0x3FB3];
	_ =	sdelay $0x3  }
0x36: {  	p1 =	seq.s32 s10, $0x1;
	s10 =	sld [smem:$0x3FB4];
	_ =	sdelay $0x3  }
0x37: {  	[smem:$0x3FB4] =	sst s10  }
0x38: {  	s10 =	sld [smem:$0x3FB5]  }
0x39: {  	_ = 	snop;
	(pc) =	sbr.ind lr, $3  }
0x3a: {  	_ = 	snop  }
0x3b: {  	_ = 	snop  }
0x3c: {  	p2 =	seq.s32 s10, $0x1;
	s10 =	sld [smem:$0x3FB4]  }
0x3d: {  	_ =	shalt  }
0x3e: {  	_ =	shalt  }
0x3f: {  	_ =	shalt  }
0x40: {  	_ =	shalt  }
0x41: {  	_ =	shalt  }
0x42: {  	_ =	shalt  }
0x43: {  	_ =	shalt  }
0x44: {  	_ =	shalt  }
0x45: {  	_ =	shalt  }
0x46: {  	_ =	shalt  }
0x47: {  	_ =	shalt  }
0x48: {  	_ =	shalt  }
0x49: {  	_ =	shalt  }
0x4a: {  	_ =	shalt  }
0x4b: {  	_ =	shalt  }
0x4c: {  	_ =	shalt  }
0x4d: {  	_ =	shalt  }
0x4e: {  	_ =	shalt  }
0x4f: {  	_ =	shalt  }
0x50: {  	_ =	shalt  }
0x51: {  	_ =	shalt  }
0x52: {  	_ =	shalt  }
0x53: {  	_ =	shalt  }
0x54: {  	_ =	shalt  }
0x55: {  	_ =	shalt  }
0x56: {  	_ =	shalt  }
0x57: {  	_ =	shalt  }
0x58: {  	_ =	shalt  }
0x59: {  	_ =	shalt  }
0x5a: {  	_ =	shalt  }
0x5b: {  	_ =	shalt  }
0x5c: {  	_ =	shalt  }
0x5d: {  	_ =	shalt  }
0x5e: {  	_ =	shalt  }
0x5f: {  	_ =	shalt  }
0x60: {  	_ =	shalt  }
0x61: {  	_ =	shalt  }
0x62: {  	_ =	shalt  }
0x63: {  	_ =	shalt  }
0x64: {  	_ =	shalt  }
0x65: {  	_ =	shalt  }
0x66: {  	_ =	shalt  }
0x67: {  	_ =	shalt  }
0x68: {  	_ =	shalt  }
0x69: {  	_ =	shalt  }
0x6a: {  	_ =	shalt  }
0x6b: {  	_ =	shalt  }
0x6c: {  	_ =	shalt  }
0x6d: {  	_ =	shalt  }
0x6e: {  	_ =	shalt  }
0x6f: {  	_ =	shalt  }
0x70: {  	_ =	shalt  }
0x71: {  	_ =	shalt  }
0x72: {  	_ =	shalt  }
0x73: {  	_ =	shalt  }
0x74: {  	_ =	shalt  }
0x75: {  	_ =	shalt  }
0x76: {  	_ =	shalt  }
0x77: {  	_ =	shalt  }
0x78: {  	_ =	shalt  }
0x79: {  	_ =	shalt  }
0x7a: {  	_ =	shalt  }
0x7b: {  	_ =	shalt  }
0x7c: {  	_ =	shalt  }
0x7d: {  	_ =	shalt  }
0x7e: {  	_ =	shalt  }
0x7f: {  	_ =	shalt  }
0x80: {  	_ =	shalt  }
0x81: {  	_ =	shalt  }
0x82: {  	_ =	shalt  }
0x83: {  	_ =	shalt  }
0x84: {  	_ =	shalt  }
0x85: {  	_ =	shalt  }
0x86: {  	_ =	shalt  }
0x87: {  	_ =	shalt  }
.Lfunc_end0:
.L_simem_size_0:
called_computation.1_lowered:
.L_overlay_start_0:
0x88: {  	s2 =	sld [smem:$0x3FD9]  }
0x89: {  	s3 =	sld [smem:$0x3FFE];
	_ =	sdelay $0x1  }
0x8a: {  	s1 =	srdreg.scid  }
0x8b: {  	s0 =	sand.u32 $0x1, s1  }
0x8c: {  	s16 =	sshll.u32 s0, $0xA;
	s2 =	sadd.s32 s3, s2  }
0x8d: {  	s2 =	sadd.s32 s2, s16  }
0x8e: {  	[smem:$0x3FC0] =	sst s2  }
0x8f: {  	_ = 	snop  }
0x90: {  	(tm) =	ssettm $0x1  }
0x91: {  	s17 =	sld [smem:$0x3FFB];
	_ =	sdelay $0x3  }
0x92: {  	_ =	strace s17  }
0x93: {  	s2 =	sld [smem:$0x3FFC];
	_ =	sdelay $0x3  }
0x94: {  	_ =	strace s2  }
0x95: {  	s2 =	sld [smem:$0x3FFD];
	_ =	sdelay $0x3  }
0x96: {  	_ =	strace s2  }
0x97: {  	_ =	strace $0x8FFFFFFF  }
0x98: {  	s18 =	sld [smem:$0x3FDB];
	_ =	sdelay $0x1  }
0x99: {  	s19 =	simm.s32 $_scs_section_size  }
0x9a: {  	s4 =	simm.s32 $_size__tile_overlayer_lowered;
	s5 =	simm.s32 $_tile_overlayer_lowered  }
0x9b: {  	s22 =	simm.s32 $0x1BFF;
	s21 =	sshll.u32 s5, $0x1;
	s2 =	sadd.s32 s19, s18  }
0x9c: {  	s6 =	simm.s32 $0x0;
	s20 =	sshll.u32 s4, $0x1;
	s4 =	sadd.s32 s21, s2  }
0x9d: {  	[timem:s6], [sflag:s22] =	dma.local [hbm:s4], s20  }
0x9e: {  	_ =	swait.ge [sflag:s22], s20  }
0x9f: {  	s3 =	ssub.s32 $0x0, s20;
	[sflag:s22] =	ssyncset.done $0x0  }
0xa0: {  	[sflag:s22] =	ssyncadd.s32 s3;
	_ =	sdelay $0x1  }
0xa1: {  	s23 =	simm.s32 $0x1B8B  }
0xa2: {  	_ =	swait.ge [sflag:s23], $0x1  }
0xa3: {  	[sflag:s23] =	ssyncset.done $0x0  }
0xa4: {  	s25 =	simm.s32 $0x1B8E;
	s24 =	sld [smem:$0x3FFE];
	[sflag:s23] =	ssyncadd.s32 $0xFFFFFFFF  }
0xa5: {  	s26 =	simm.s32 $execute0_lowered;
	[smem:$0x3FD2] =	sst s25  }
0xa6: {  	s4 =	sshll.u32 s26, $0x1;
	_ =	strace $0x80000049;
	[dreg:$0x1] =	wrdreg $0xFFFFFFFF  }
0xa7: {  	s28 =	simm.s32 $_size_execute0_lowered;
	s2 =	sadd.s32 s2, s4;
	[dreg:$0x0] =	wrdreg $0x0  }
0xa8: {  	s4 =	sshll.u32 s28, $0x1;
	[dreg:$0x2] =	wrdreg s2  }
0xa9: {  	[dreg:$0x3] =	wrdreg s4  }
0xaa: {  	[dreg:$0x4] =	wrdreg $0xC0  }
0xab: {  	_ =	task [dreg:s6], $0x5FFFF  }
0xac: {  	[dreg:$0x1] =	wrdreg $0xFFFFFFFF  }
0xad: {  	[dreg:$0x0] =	wrdreg $0x60  }
0xae: {  	[dreg:$0x2] =	wrdreg s24  }
0xaf: {  	[dreg:$0x3] =	wrdreg $0x88000  }
0xb0: {  	[dreg:$0x4] =	wrdreg $0x9  }
0xb1: {  	_ =	task.clear_ibuf [dreg:s6], $0x5FFFF;
	_ =	strace $0x90000049  }
0xb2: {  	s29 =	simm.s32 $0x9;
	_ =	strace $0x8000004B  }
0xb3: {  	_ =	swait.ge [sflag:s29], $0x1  }
0xb4: {  	[sflag:s29] =	ssyncadd.s32 $0xFFFFFFFF  }
0xb5: {  	_ =	strace $0x9000004B  }
0xb6: {  	_ =	sfence  }
0xb7: {  	s30 =	sld [smem:$0x0];
	_ =	sdelay $0x2  }
0xb8: {  	s31 =	sshll.u32 s1, $0xD;
	s1 =	sshrl.u32 s1, $0x2  }
0xb9: {  	s3 =	sand.u32 $0x4000, s31;
	s1 =	sadd.s32 s1, s30  }
0xba: {  	s0 =	sor.u32 s3, s0;
	s1 =	sshll.u32 s1, $0x11  }
0xbb: {  	s0 =	sor.u32 s1, s0  }
0xbc: {  	s0 =	sadd.s32 $0x8F2B, s0  }
0xbd: {  	[sflag:s0] =	ssyncadd.remote.s32 $0x1  }
0xbe: {  	_ =	sfence.sel $0xFFFF  }
0xbf: {  	[dreg:$0x0] =	wrdreg $0xFFFFFFFF;
	(pc) =	sbr.abs _section_cstart, $3  }
0xc0: {  	[dreg:$0x1] =	wrdreg $0xFFFFFFFF  }
0xc1: {  	_ =	task.clear_ibuf [dreg:s6], $0x2FFFF;
	_ =	strace $0x9FFFFFFF  }
0xc2: {  	(tm) =	ssettm $0x7FFFFFFF  }
0xc3: {  	_ =	shalt  }
tec
execute0_lowered:
.L_overlay_start_1:
0x0: {  	(tag) =	ssettag $0x1  }
0x1: {  	s0 =	rddreg [dreg:$0x0]  }
0x2: {  	s1 =	rddreg [dreg:$0x1];
	s3 =	simm.s32 $0x0;
	s2 =	srdreg.scid  }
0x3: {  	s10 =	stileid.u32;
	s11 =	simm.s32 $0x4800;
	s28 =	simm.s32 $0x7  }
0x4: {  	s30 =	simm.s32 $0x8;
	s31 =	simm.s32 $0x100;
	s6 =	smul.u32 $0x14000, s10  }
0x5: {  	[smem:$0x7FF] =	sst s3;
	s2 =	sand.u32 $0x1, s2;
	s12 =	smul.u32 $0x50000, s10  }
0x6: {  	s4 =	sadd.s32 $0x2C00, s0;
	s5 =	smul.u32 $0x140000, s2;
	s8 =	sshll.u32 s2, $0x4  }
0x7: {  	s7 =	sadd.s32 $0x52C00, s0;
	s18 =	smul.u32 $0x50, s10;
	s8 =	sor.u32 s10, s8  }
0x8: {  	s5 =	sadd.s32 s6, s5;
	s8 =	smul.u32 $0xA00, s8;
	s6 =	sshrl.u32 s12, $0x2  }
0x9: {  	_ =	strace $0x8000004A;
	s9 =	ssub.s32 $0x2, s2;
	s19 =	sadd.s32 s6, s1  }
0xa: {  	s2 =	smul.u32 $0x500, s2;
	s8 =	sadd.s32 s7, s8;
	[dreg:$0x3] =	wrdreg s19  }
0xb: {  	s13 =	sshrl.u32 s9, $0x1;
	s24 =	sadd.s32 $0x4000, s19;
	[dreg:$0x4] =	wrdreg s8  }
0xc: {  	s10 =	simm.s32 $0x2;
	s25 =	sadd.s32 $0x8000, s19;
	[dreg:$0xe] =	wrdreg s24  }
0xd: {  	s23 =	sadd.s32 s18, s2;
	s26 =	sadd.s32 $0xC000, s19;
	[dreg:$0xf] =	wrdreg s25  }
0xe: {  	s2 =	simm.s32 $0x600;
	s29 =	sadd.s32 $0x10000, s19;
	[dreg:$0x10] =	wrdreg s26  }
0xf: {  	s12 =	simm.s32 $0x9;
	s14 =	sadd.s32 $0x20, s8;
	[dreg:$0x11] =	wrdreg s29  }
0x10: {  	s18 =	simm.s32 $0x5;
	s15 =	sadd.s32 $0x40, s8;
	[dreg:$0x5] =	wrdreg s14  }
0x11: {  	s5 =	sshrl.u32 s5, $0x3;
	s16 =	sadd.s32 $0x60, s8;
	[dreg:$0x6] =	wrdreg s15  }
0x12: {  	s6 =	simm.s32 $0x6;
	s17 =	sadd.s32 $0x80, s8;
	[dreg:$0x7] =	wrdreg s16  }
0x13: {  	s0 =	sadd.s32 s5, s0;
	s20 =	sadd.s32 $0xA0, s8;
	[dreg:$0x8] =	wrdreg s17  }
0x14: {  	s5 =	ssub.s32 s9, s13;
	s21 =	sadd.s32 $0xC0, s8;
	[dreg:$0x9] =	wrdreg s20  }
0x15: {  	s9 =	simm.s32 $0x80;
	s8 =	sadd.s32 $0xE0, s8;
	[dreg:$0xa] =	wrdreg s21  }
0x16: {  	s13 =	simm.s32 $0x3;
	s0 =	sadd.s32 $0x66C00, s0;
	[dreg:$0xb] =	wrdreg s8  }
0x17: {  	s22 =	smax.u32 s5, $0x1;
	s25 =	simm.s32 $0x800;
	[dreg:$0xc] =	wrdreg s0  }
.Ltmp0:
0x18: {  	s26 =	simm.s32 $0xB;
	[dreg:$0xd] =	wrdreg s22;
	(pc) =	sbr.rel .LBB2_1-.Ltmp0, $4  }
0x19: {  	s0 =	sshll.u32 s23, $0x5;
	s8 =	simm.s32 $0x1;
	s14 =	simm.s32 $0xA  }
0x1a: {  	s16 =	simm.s32 $0x4;
	s15 =	simm.s32 $0x0;
	s20 =	sadd.s32 s0, s7  }
0x1b: {  	s7 =	simm.s32 $0x700;
	s0 =	simm.s32 $0x780;
	s21 =	sadd.s32 $0x1C0, s20  }
0x1c: {  	v0 =	vimm.f32 $0.0e+00;
	s22 =	sadd.s32 $0x180, s20;
	s23 =	sadd.s32 $0x140, s20;
	s24 =	sadd.s32 $0x100, s20  }
.LBB2_6:
0x1d: {  	_ =	swait.ge [sflag:s14], $0x4000  }
0x1e: {  	[sflag:s14] =	ssyncset.done $0x0  }
0x1f: {  	[sflag:s14] =	ssyncadd.s32 $0xFFFFC000  }
0x20: {  	[spmem:s1] =	stream.indirect.scatter.add.f32 [tilespmem:s11], [sflag:$0xB], $0x80, s0, s9, $0xb8;
	[tilespmem:$0x1C800] =	vst v63  }
0x21: {  	_ =	swait.ge [sflag:s26], $0x4000  }
0x22: {  	[sflag:s26] =	ssyncset.done $0x0  }
0x23: {  	[sflag:s26] =	ssyncadd.s32 $0xFFFFC000  }
0x24: {  	s5 =	stileid.u32;
	[bflag:$0x0] =	sbarrier.arrive $0xFFFF  }
0x25: {  	s5 =	sshll.u32 s5, $0x6;
	s19 =	rddreg [dreg:$0x3]  }
0x26: {  	s5 =	sor.u32 $0x1C0B, s5;
	s17 =	rddreg [dreg:$0xc];
	s15 =	sshrl.u32 s19, $0x3  }
0x27: {  	[hbm:s17], [sflag:s5] =	dma.local [spmem:s15], $0x2800  }
0x28: {  	_ =	swait.ge [sflag:s26], $0x2800  }
0x29: {  	s17 =	rddreg [dreg:$0x12]  }
0x2a: {  	s29 =	rddreg [dreg:$0xd];
	s15 =	sadd.s32 $0x1, s17  }
0x2b: {  	p0 =	sne.s32 s15, s29  }
.Ltmp1:
0x2c: {  	_ = 	snop;
	(pc) =	sbr.rel @!p0 .LBB2_7-.Ltmp1, $3  }
0x2d: {  	_ =	sdelay $0x1  }
0x2e: {  	[sflag:s26] =	ssyncset.done $0x0  }
0x2f: {  	[sflag:s26] =	ssyncadd.s32 $0xFFFFD800  }
.LBB2_1:
0x30: {  	[dreg:$0x12] =	wrdreg s15;
	s15 =	simm.s32 $0x0;
	s17 =	simm.s32 $0x200  }
.LBB2_2:
0x31: {  	p0 =	sne.s32 s17, $0xFE00;
	[tilespmem:s15+$0x870] =	vst v0  }
0x32: {  	[tilespmem:s15+$0x800] =	vst v0  }
0x33: {  	[tilespmem:s15+$0x810] =	vst v0  }
.Ltmp2:
0x34: {  	[tilespmem:s15+$0x820] =	vst v0;
	(pc) =	sbr.rel @p0 .LBB2_2-.Ltmp2, $4  }
0x35: {  	[tilespmem:s15+$0x830] =	vst v0  }
0x36: {  	[tilespmem:s15+$0x840] =	vst v0  }
0x37: {  	[tilespmem:s15+$0x850] =	vst v0  }
0x38: {  	[tilespmem:s15+$0x860] =	vst v0;
	s15 =	sshra.s32 s17, $0x2;
	s17 =	sadd.s32 $0x200, s17  }
0x39: {  	[tilespmem:s15+$0x870] =	vst v0  }
0x3a: {  	[tilespmem:s15+$0x800] =	vst v0  }
0x3b: {  	[tilespmem:s15+$0x810] =	vst v0  }
0x3c: {  	[tilespmem:s15+$0x820] =	vst v0  }
0x3d: {  	[tilespmem:s15+$0x830] =	vst v0  }
0x3e: {  	[tilespmem:s15+$0x840] =	vst v0  }
0x3f: {  	[tilespmem:s15+$0x850] =	vst v0  }
0x40: {  	[tilespmem:s15+$0x860] =	vst v0  }
0x41: {  	[spmem:s19] =	stream.linear.scatter [tilespmem:s25], [sflag:$0xB], $0x4000, $0x38;
	[tilespmem:$0x1C800] =	vst v63  }
0x42: {  	_ =	swait.ge [sflag:s26], $0x4000  }
0x43: {  	[sflag:s26] =	ssyncset.done $0x0  }
0x44: {  	s5 =	rddreg [dreg:$0xe];
	[sflag:s26] =	ssyncadd.s32 $0xFFFFC000  }
0x45: {  	[spmem:s5] =	stream.linear.scatter [tilespmem:s25], [sflag:$0xB], $0x4000, $0x38;
	[tilespmem:$0x1C800] =	vst v63  }
0x46: {  	_ =	swait.ge [sflag:s26], $0x4000  }
0x47: {  	[sflag:s26] =	ssyncset.done $0x0  }
0x48: {  	s29 =	rddreg [dreg:$0xf];
	[sflag:s26] =	ssyncadd.s32 $0xFFFFC000  }
0x49: {  	[spmem:s29] =	stream.linear.scatter [tilespmem:s25], [sflag:$0xB], $0x4000, $0x38;
	[tilespmem:$0x1C800] =	vst v63  }
0x4a: {  	_ =	swait.ge [sflag:s26], $0x4000  }
0x4b: {  	[sflag:s26] =	ssyncset.done $0x0  }
0x4c: {  	s15 =	rddreg [dreg:$0x10];
	[sflag:s26] =	ssyncadd.s32 $0xFFFFC000  }
0x4d: {  	[spmem:s15] =	stream.linear.scatter [tilespmem:s25], [sflag:$0xB], $0x4000, $0x38;
	[tilespmem:$0x1C800] =	vst v63  }
0x4e: {  	_ =	swait.ge [sflag:s26], $0x4000  }
0x4f: {  	[sflag:s26] =	ssyncset.done $0x0  }
0x50: {  	s17 =	rddreg [dreg:$0x11];
	[sflag:s26] =	ssyncadd.s32 $0xFFFFC000  }
0x51: {  	[spmem:s17] =	stream.linear.scatter [tilespmem:s25], [sflag:$0xB], $0x4000, $0x38;
	[tilespmem:$0x1C800] =	vst v63  }
0x52: {  	_ =	swait.ge [sflag:s26], $0x4000  }
0x53: {  	[sflag:s26] =	ssyncset.done $0x0  }
0x54: {  	[sflag:s26] =	ssyncadd.s32 $0xFFFFC000  }
0x55: {  	[bflag:$0x0] =	sbarrier.arrive $0xFFFF  }
0x56: {  	s15 =	simm.s32 $0x0;
	s19 =	rddreg [dreg:$0x4]  }
0x57: {  	[tilespmem:s15], [sflag:$0x1] =	stream.linear.gather [hbm4b:s19+s15], $0x100, $0x38;
	[tilespmem:$0x1C800] =	vst v63  }
0x58: {  	s17 =	simm.s32 $0x100;
	s29 =	rddreg [dreg:$0x5]  }
0x59: {  	[tilespmem:s17], [sflag:$0x2] =	stream.linear.gather [hbm4b:s29+s15], $0x100, $0x38;
	[tilespmem:$0x1C800] =	vst v63  }
0x5a: {  	s19 =	rddreg [dreg:$0x6];
	s29 =	simm.s32 $0x200  }
0x5b: {  	[tilespmem:s29], [sflag:$0x3] =	stream.linear.gather [hbm4b:s19+s15], $0x100, $0x38;
	[tilespmem:$0x1C800] =	vst v63  }
0x5c: {  	s19 =	rddreg [dreg:$0x7];
	s29 =	simm.s32 $0x300  }
0x5d: {  	[tilespmem:s29], [sflag:$0x4] =	stream.linear.gather [hbm4b:s19+s15], $0x100, $0x38;
	[tilespmem:$0x1C800] =	vst v63  }
0x5e: {  	s19 =	rddreg [dreg:$0x8];
	s29 =	simm.s32 $0x400  }
0x5f: {  	[tilespmem:s29], [sflag:$0x5] =	stream.linear.gather [hbm4b:s19+s15], $0x100, $0x38;
	[tilespmem:$0x1C800] =	vst v63  }
0x60: {  	s19 =	rddreg [dreg:$0x9];
	s29 =	simm.s32 $0x500  }
0x61: {  	[tilespmem:s29], [sflag:$0x6] =	stream.linear.gather [hbm4b:s19+s15], $0x100, $0x38;
	[tilespmem:$0x1C800] =	vst v63  }
0x62: {  	s19 =	rddreg [dreg:$0xa]  }
0x63: {  	[tilespmem:s2], [sflag:$0x7] =	stream.linear.gather [hbm4b:s19+s15], $0x100, $0x38;
	[tilespmem:$0x1C800] =	vst v63  }
0x64: {  	s29 =	rddreg [dreg:$0xb]  }
0x65: {  	[tilespmem:s7], [sflag:$0x8] =	stream.linear.gather [hbm4b:s29+s15], $0x100, $0x38;
	[tilespmem:$0x1C800] =	vst v63  }
0x66: {  	_ =	swait.ge [sflag:s8], $0x100  }
0x67: {  	[sflag:s8] =	ssyncset.done $0x0  }
0x68: {  	[sflag:s8] =	ssyncadd.s32 $0xFFFFFF00  }
0x69: {  	[tilespmem:s25], [sflag:$0x9] =	stream.indirect.gather [hbm4b:s4+s9], $0x80, s15, s9, $0xb8;
	[tilespmem:$0x1C800] =	vst v63  }
0x6a: {  	_ =	swait.ge [sflag:s10], $0x100  }
0x6b: {  	[sflag:s10] =	ssyncset.done $0x0  }
0x6c: {  	[sflag:s10] =	ssyncadd.s32 $0xFFFFFF00  }
0x6d: {  	[tilespmem:s11], [sflag:$0xA] =	stream.indirect.gather [hbm4b:s4+s9], $0x80, s17, s9, $0xb8;
	[tilespmem:$0x1C800] =	vst v63  }
.LBB2_4:
0x6e: {  	_ =	swait.ge [sflag:s12], $0x4000  }
0x6f: {  	[sflag:s12] =	ssyncset.done $0x0  }
0x70: {  	[sflag:s12] =	ssyncadd.s32 $0xFFFFC000  }
0x71: {  	[spmem:s1] =	stream.indirect.scatter.add.f32 [tilespmem:s25], [sflag:$0xB], $0x80, s9, s9, $0xb8;
	[tilespmem:$0x1C800] =	vst v63  }
0x72: {  	_ =	swait.ge [sflag:s26], $0x4000  }
0x73: {  	p0 =	seq.s32 s15, $0x900;
	[sflag:s26] =	ssyncset.done $0x0  }
0x74: {  	s19 =	sadd.s32 @!p0 s15, s24;
	s17 =	simm.s32 @!p0 $0x0;
	[sflag:s26] =	ssyncadd.s32 $0xFFFFC000  }
0x75: {  	[tilespmem:s17], [sflag:$0x1] =	stream.linear.gather @!p0 [hbm4b:s19+s17], $0x100, $0x38;
	[tilespmem:$0x1C800] =	vst v63  }
0x76: {  	_ =	swait.ge [sflag:s13], $0x100  }
0x77: {  	[sflag:s13] =	ssyncset.done $0x0  }
0x78: {  	s5 =	simm.s32 $0x200;
	[sflag:s13] =	ssyncadd.s32 $0xFFFFFF00  }
0x79: {  	[tilespmem:s25], [sflag:$0x9] =	stream.indirect.gather [hbm4b:s4+s9], $0x80, s5, s9, $0xb8;
	[tilespmem:$0x1C800] =	vst v63  }
0x7a: {  	_ =	swait.ge [sflag:s14], $0x4000  }
0x7b: {  	[sflag:s14] =	ssyncset.done $0x0  }
0x7c: {  	s19 =	simm.s32 $0x180;
	[sflag:s14] =	ssyncadd.s32 $0xFFFFC000  }
0x7d: {  	[spmem:s1] =	stream.indirect.scatter.add.f32 [tilespmem:s11], [sflag:$0xB], $0x80, s19, s9, $0xb8;
	[tilespmem:$0x1C800] =	vst v63  }
0x7e: {  	_ =	swait.ge [sflag:s26], $0x4000  }
0x7f: {  	s19 =	sadd.s32 @!p0 s15, s20;
	[sflag:s26] =	ssyncset.done $0x0  }
0x80: {  	s29 =	simm.s32 @!p0 $0x100;
	s5 =	sadd.s32 @!p0 $0x120, s19;
	[sflag:s26] =	ssyncadd.s32 $0xFFFFC000  }
0x81: {  	[tilespmem:s29], [sflag:$0x2] =	stream.linear.gather @!p0 [hbm4b:s5+s17], $0x100, $0x38;
	[tilespmem:$0x1C800] =	vst v63  }
0x82: {  	_ =	swait.ge [sflag:s16], $0x100  }
0x83: {  	[sflag:s16] =	ssyncset.done $0x0  }
0x84: {  	s29 =	simm.s32 $0x300;
	[sflag:s16] =	ssyncadd.s32 $0xFFFFFF00  }
0x85: {  	[tilespmem:s11], [sflag:$0xA] =	stream.indirect.gather [hbm4b:s4+s9], $0x80, s29, s9, $0xb8;
	[tilespmem:$0x1C800] =	vst v63  }
0x86: {  	_ =	swait.ge [sflag:s12], $0x4000  }
0x87: {  	[sflag:s12] =	ssyncset.done $0x0  }
0x88: {  	s29 =	simm.s32 $0x280;
	[sflag:s12] =	ssyncadd.s32 $0xFFFFC000  }
0x89: {  	[spmem:s1] =	stream.indirect.scatter.add.f32 [tilespmem:s25], [sflag:$0xB], $0x80, s29, s9, $0xb8;
	[tilespmem:$0x1C800] =	vst v63  }
0x8a: {  	_ =	swait.ge [sflag:s26], $0x4000  }
0x8b: {  	[sflag:s26] =	ssyncset.done $0x0  }
0x8c: {  	s5 =	sadd.s32 @!p0 s15, s23;
	s29 =	simm.s32 @!p0 $0x200;
	[sflag:s26] =	ssyncadd.s32 $0xFFFFC000  }
0x8d: {  	[tilespmem:s29], [sflag:$0x3] =	stream.linear.gather @!p0 [hbm4b:s5+s17], $0x100, $0x38;
	[tilespmem:$0x1C800] =	vst v63  }
0x8e: {  	_ =	swait.ge [sflag:s18], $0x100  }
0x8f: {  	[sflag:s18] =	ssyncset.done $0x0  }
0x90: {  	s29 =	simm.s32 $0x400;
	[sflag:s18] =	ssyncadd.s32 $0xFFFFFF00  }
0x91: {  	[tilespmem:s25], [sflag:$0x9] =	stream.indirect.gather [hbm4b:s4+s9], $0x80, s29, s9, $0xb8;
	[tilespmem:$0x1C800] =	vst v63  }
0x92: {  	_ =	swait.ge [sflag:s14], $0x4000  }
0x93: {  	[sflag:s14] =	ssyncset.done $0x0  }
0x94: {  	s29 =	simm.s32 $0x380;
	[sflag:s14] =	ssyncadd.s32 $0xFFFFC000  }
0x95: {  	[spmem:s1] =	stream.indirect.scatter.add.f32 [tilespmem:s11], [sflag:$0xB], $0x80, s29, s9, $0xb8;
	[tilespmem:$0x1C800] =	vst v63  }
0x96: {  	_ =	swait.ge [sflag:s26], $0x4000  }
0x97: {  	[sflag:s26] =	ssyncset.done $0x0  }
0x98: {  	s5 =	sadd.s32 @!p0 $0x160, s19;
	s29 =	simm.s32 @!p0 $0x300;
	[sflag:s26] =	ssyncadd.s32 $0xFFFFC000  }
0x99: {  	[tilespmem:s29], [sflag:$0x4] =	stream.linear.gather @!p0 [hbm4b:s5+s17], $0x100, $0x38;
	[tilespmem:$0x1C800] =	vst v63  }
0x9a: {  	_ =	swait.ge [sflag:s6], $0x100  }
0x9b: {  	[sflag:s6] =	ssyncset.done $0x0  }
0x9c: {  	s29 =	simm.s32 $0x500;
	[sflag:s6] =	ssyncadd.s32 $0xFFFFFF00  }
0x9d: {  	[tilespmem:s11], [sflag:$0xA] =	stream.indirect.gather [hbm4b:s4+s9], $0x80, s29, s9, $0xb8;
	[tilespmem:$0x1C800] =	vst v63  }
0x9e: {  	_ =	swait.ge [sflag:s12], $0x4000  }
0x9f: {  	[sflag:s12] =	ssyncset.done $0x0  }
0xa0: {  	s29 =	simm.s32 $0x480;
	[sflag:s12] =	ssyncadd.s32 $0xFFFFC000  }
0xa1: {  	[spmem:s1] =	stream.indirect.scatter.add.f32 [tilespmem:s25], [sflag:$0xB], $0x80, s29, s9, $0xb8;
	[tilespmem:$0x1C800] =	vst v63  }
0xa2: {  	_ =	swait.ge [sflag:s26], $0x4000  }
0xa3: {  	[sflag:s26] =	ssyncset.done $0x0  }
0xa4: {  	s5 =	sadd.s32 @!p0 s15, s22;
	s29 =	simm.s32 @!p0 $0x400;
	[sflag:s26] =	ssyncadd.s32 $0xFFFFC000  }
0xa5: {  	[tilespmem:s29], [sflag:$0x5] =	stream.linear.gather @!p0 [hbm4b:s5+s17], $0x100, $0x38;
	[tilespmem:$0x1C800] =	vst v63  }
0xa6: {  	_ =	swait.ge [sflag:s28], $0x100  }
0xa7: {  	[sflag:s28] =	ssyncset.done $0x0  }
0xa8: {  	[sflag:s28] =	ssyncadd.s32 $0xFFFFFF00  }
0xa9: {  	[tilespmem:s25], [sflag:$0x9] =	stream.indirect.gather [hbm4b:s4+s9], $0x80, s2, s9, $0xb8;
	[tilespmem:$0x1C800] =	vst v63  }
0xaa: {  	_ =	swait.ge [sflag:s14], $0x4000  }
0xab: {  	[sflag:s14] =	ssyncset.done $0x0  }
0xac: {  	s29 =	simm.s32 $0x580;
	[sflag:s14] =	ssyncadd.s32 $0xFFFFC000  }
0xad: {  	[spmem:s1] =	stream.indirect.scatter.add.f32 [tilespmem:s11], [sflag:$0xB], $0x80, s29, s9, $0xb8;
	[tilespmem:$0x1C800] =	vst v63  }
0xae: {  	_ =	swait.ge [sflag:s26], $0x4000  }
0xaf: {  	[sflag:s26] =	ssyncset.done $0x0  }
0xb0: {  	s5 =	sadd.s32 @!p0 $0x1A0, s19;
	s19 =	simm.s32 @!p0 $0x500;
	[sflag:s26] =	ssyncadd.s32 $0xFFFFC000  }
0xb1: {  	[tilespmem:s19], [sflag:$0x6] =	stream.linear.gather @!p0 [hbm4b:s5+s17], $0x100, $0x38;
	[tilespmem:$0x1C800] =	vst v63  }
0xb2: {  	_ =	swait.ge [sflag:s30], $0x100  }
0xb3: {  	[sflag:s30] =	ssyncset.done $0x0  }
0xb4: {  	[sflag:s30] =	ssyncadd.s32 $0xFFFFFF00  }
0xb5: {  	[tilespmem:s11], [sflag:$0xA] =	stream.indirect.gather [hbm4b:s4+s9], $0x80, s7, s9, $0xb8;
	[tilespmem:$0x1C800] =	vst v63  }
0xb6: {  	_ =	swait.ge [sflag:s12], $0x4000  }
0xb7: {  	[sflag:s12] =	ssyncset.done $0x0  }
.Ltmp3:
0xb8: {  	s29 =	simm.s32 $0x680;
	[sflag:s12] =	ssyncadd.s32 $0xFFFFC000;
	(pc) =	sbr.rel @p0 .LBB2_6-.Ltmp3, $4  }
0xb9: {  	[spmem:s1] =	stream.indirect.scatter.add.f32 [tilespmem:s25], [sflag:$0xB], $0x80, s29, s9, $0xb8;
	[tilespmem:$0x1C800] =	vst v63  }
0xba: {  	_ =	swait.ge [sflag:s26], $0x4000  }
0xbb: {  	[sflag:s26] =	ssyncset.done $0x0  }
0xbc: {  	[sflag:s26] =	ssyncadd.s32 $0xFFFFC000  }
0xbd: {  	s5 =	sadd.s32 s15, s21  }
0xbe: {  	[tilespmem:s2], [sflag:$0x7] =	stream.linear.gather [hbm4b:s5+s3], $0x100, $0x38;
	[tilespmem:$0x1C800] =	vst v63  }
0xbf: {  	_ =	swait.ge [sflag:s8], $0x100  }
0xc0: {  	[sflag:s8] =	ssyncset.done $0x0  }
0xc1: {  	[sflag:s8] =	ssyncadd.s32 $0xFFFFFF00  }
0xc2: {  	[tilespmem:s25], [sflag:$0x9] =	stream.indirect.gather [hbm4b:s4+s9], $0x80, s3, s9, $0xb8;
	[tilespmem:$0x1C800] =	vst v63  }
0xc3: {  	_ =	swait.ge [sflag:s14], $0x4000  }
0xc4: {  	[sflag:s14] =	ssyncset.done $0x0  }
0xc5: {  	[sflag:s14] =	ssyncadd.s32 $0xFFFFC000  }
0xc6: {  	[spmem:s1] =	stream.indirect.scatter.add.f32 [tilespmem:s11], [sflag:$0xB], $0x80, s0, s9, $0xb8;
	[tilespmem:$0x1C800] =	vst v63  }
0xc7: {  	_ =	swait.ge [sflag:s26], $0x4000  }
0xc8: {  	s29 =	sadd.s32 s15, s20;
	[sflag:s26] =	ssyncset.done $0x0  }
0xc9: {  	s5 =	sadd.s32 $0x1E0, s29;
	[sflag:s26] =	ssyncadd.s32 $0xFFFFC000  }
0xca: {  	[tilespmem:s7], [sflag:$0x8] =	stream.linear.gather [hbm4b:s5+s3], $0x100, $0x38;
	[tilespmem:$0x1C800] =	vst v63  }
.Ltmp4:
0xcb: {  	_ = 	snop;
	(pc) =	sbr.rel .LBB2_4-.Ltmp4, $4  }
0xcc: {  	_ =	swait.ge [sflag:s10], $0x100  }
0xcd: {  	[sflag:s10] =	ssyncset.done $0x0  }
0xce: {  	s15 =	sadd.s32 $0x100, s15;
	[sflag:s10] =	ssyncadd.s32 $0xFFFFFF00  }
0xcf: {  	[tilespmem:s11], [sflag:$0xA] =	stream.indirect.gather [hbm4b:s4+s9], $0x80, s31, s9, $0xb8;
	[tilespmem:$0x1C800] =	vst v63  }
.LBB2_7:
0xd0: {  	_ =	sfence.sel $0x180000  }
0xd1: {  	[bflag:$0x0] =	sbarrier.arrive $0xFFFF  }
0xd2: {  	_ =	strace $0x9000004A  }
0xd3: {  	s0 =	stileid.u32;
	[bflag:$0x2] =	sbarrier.arrive $0xFFFF  }
0xd4: {  	p0 =	sne.s32 s0, $0x0;
	s0 =	rddreg [dreg:$0x2]  }
0xd5: {  	s0 =	sadd.s32 @!p0 $0x100000, s0  }
0xd6: {  	[sflag:s0] =	ssyncadd.tile.s32 @!p0 $0x1;
	_ =	shalt  }
.Lfunc_end2:
_tile_overlayer_lowered:
.L_overlay_start_2:
0xd7: {  	(tag) =	ssettag $0x2  }
0xd8: {  	s0 =	rddreg [dreg:$0x0];
	s2 =	stileid.u32  }
0xd9: {  	s1 =	rddreg [dreg:$0x1];
	p0 =	sne.s32 s2, $0x0  }
0xda: {  	s3 =	rddreg [dreg:$0x2];
	[bflag:$0x3] =	sbarrier.arrive $0xFFFF;
	s2 =	simm.s32 @!p0 $0x1C0B  }
0xdb: {  	[timem:s3], [sflag:s2] =	dma.local @!p0 [hbm:s0], s1  }
0xdc: {  	s0 =	simm.s32 @!p0 $0xB  }
0xdd: {  	_ =	swait.ge @!p0 [sflag:s0], s1  }
0xde: {  	s1 =	ssub.s32 @!p0 $0x0, s1;
	[sflag:s0] =	ssyncset.done @!p0 $0x0  }
0xdf: {  	[sflag:s0] =	ssyncadd.s32 @!p0 s1  }
0xe0: {  	[bflag:$0x3] =	sbarrier.arrive $0xFFFF  }
0xe1: {  	_ =	shalt  }

// kernel: kernel.15.cloned.1.call-start
scs
__scs_entry_jumppad:
0x0: {  	(pc) =	sbr.rel $0x88, $3  }
0x1: {  	(tag) =	ssettag $0x0;
	lr =	simm.s32 $0x1  }
0x2: {  	[smem:$0x3F99] =	sst lr;
	_ =	strace $0xD0000000  }
0x3: {  	_ = 	snop  }
0x4: {  	_ = 	snop  }
0x5: {  	_ = 	snop  }
0x6: {  	_ = 	snop  }
0x7: {  	_ = 	snop  }
__scs_overlays_trampoline_lowered:
0x8: {  	[smem:$0x3FA8] =	sst s0  }
0x9: {  	[smem:$0x3FA9] =	sst s1  }
0xa: {  	[smem:$0x3FAA] =	sst s2  }
0xb: {  	[smem:$0x3FAB] =	sst s3  }
0xc: {  	[smem:$0x3FAC] =	sst s4  }
0xd: {  	[smem:$0x3FAD] =	sst s5  }
0xe: {  	[smem:$0x3FAE] =	sst s6  }
0xf: {  	[smem:$0x3FAF] =	sst s7  }
0x10: {  	[smem:$0x3FB0] =	sst s8  }
0x11: {  	[smem:$0x3FB1] =	sst s9;
	s0 =	simm.s32 @!p0 $0x0  }
0x12: {  	s1 =	sld [smem:$0x3F97];
	s0 =	simm.s32 @p0 $0x1  }
0x13: {  	[smem:$0x3FB2] =	sst s0;
	s0 =	simm.s32 @!p1 $0x0  }
0x14: {  	s2 =	sld [smem:$0x3F96];
	s0 =	simm.s32 @p1 $0x1  }
0x15: {  	[smem:$0x3FB3] =	sst s0;
	s0 =	simm.s32 @!p2 $0x0  }
0x16: {  	s3 =	sld [smem:$0x3FDB];
	s0 =	simm.s32 @p2 $0x1  }
0x17: {  	s4 =	simm.s32 $0x1BF5;
	[smem:$0x3FB5] =	sst s0  }
0x18: {  	s0 =	sld [smem:$0x3F98];
	_ =	swait.ge [sflag:s4], $0x0  }
0x19: {  	s7 =	sld [smem:$0x3F99]  }
0x1a: {  	s8 =	sadd.s32 $0xFFFFE003, lr  }
0x1b: {  	s9 =	sadd.s32 $0xFFFFFEF7, lr;
	s5 =	simm.s32 $0xFFFFFFFF;
	p2 =	slt.u32 s8, $0xFFFFF086  }
0x1c: {  	p1 =	slt.u32 s9, $0xF7A;
	s5 =	simm.s32 @!p2 $0x0  }
0x1d: {  	s5 =	simm.s32 @p1 $0x1;
	p0 =	seq.s32 s7, s2  }
0x1e: {  	s7 =	smul.u32 @!p0 $0xF7A, s2;
	p2 =	seq.s32 @!p0 s5, $0x0  }
0x1f: {  	s9 =	smul.u32 $0xF7A, s1;
	s8 =	simm.s32 @!p0 $0x1BF5;
	p2 =	por !p2, p0  }
0x20: {  	[sflag:s8] =	ssyncset.s32 @!p0 $0xFFFFF086;
	s6 =	sadd.s32 @!p0 s3, s7;
	s7 =	simm.s32 @!p0 $0x108  }
0x21: {  	s3 =	sadd.s32 s3, s9;
	s6 =	sadd.s32 @!p0 $0x88, s6;
	s7 =	simm.s32 @p2 $0x1082  }
0x22: {  	[simem:s7], [sflag:s8] =	dma.local @!p0 [hbm:s6], $0xF7A  }
0x23: {  	s9 =	sor.u32 $0xD0000000, s2;
	s6 =	simm.s32 $0x108;
	_ =	swait.ge @!p0 [sflag:s8], $0x0  }
0x24: {  	s3 =	sadd.s32 $0x88, s3;
	s6 =	simm.s32 @!p1 $0x1082;
	[sflag:s4] =	ssyncset.s32 $0xFFFFF086  }
0x25: {  	[simem:s6], [sflag:s4] =	dma.local [hbm:s3], $0xF7A  }
0x26: {  	[smem:$0x3F99] =	sst s1;
	(tag) =	ssettag s2;
	_ =	strace s9  }
0x27: {  	s1 =	sld [smem:$0x3FA9]  }
0x28: {  	s2 =	sld [smem:$0x3FAA]  }
0x29: {  	s4 =	sld [smem:$0x3FAC]  }
0x2a: {  	p0 =	seq.s32 s5, $0x0;
	s5 =	sld [smem:$0x3FAD]  }
0x2b: {  	s6 =	sld [smem:$0x3FAE]  }
0x2c: {  	s7 =	sld [smem:$0x3FAF]  }
0x2d: {  	s3 =	simm.s32 $0x108;
	s8 =	sld [smem:$0x3FB0]  }
0x2e: {  	s3 =	simm.s32 @!p0 $0x1082;
	s9 =	sld [smem:$0x3FB1]  }
0x2f: {  	lr =	sadd.s32 s0, s3;
	s0 =	sld [smem:$0x3FA8]  }
0x30: {  	s3 =	sld [smem:$0x3FAB]  }
0x31: {  	[smem:$0x3FB4] =	sst s10  }
0x32: {  	s10 =	sld [smem:$0x3FB2];
	_ =	sdelay $0x3  }
0x33: {  	p0 =	seq.s32 s10, $0x1;
	s10 =	sld [smem:$0x3FB4];
	_ =	sdelay $0x3  }
0x34: {  	[smem:$0x3FB4] =	sst s10  }
0x35: {  	s10 =	sld [smem:$0x3FB3];
	_ =	sdelay $0x3  }
0x36: {  	p1 =	seq.s32 s10, $0x1;
	s10 =	sld [smem:$0x3FB4];
	_ =	sdelay $0x3  }
0x37: {  	[smem:$0x3FB4] =	sst s10  }
0x38: {  	s10 =	sld [smem:$0x3FB5]  }
0x39: {  	_ = 	snop;
	(pc) =	sbr.ind lr, $3  }
0x3a: {  	_ = 	snop  }
0x3b: {  	_ = 	snop  }
0x3c: {  	p2 =	seq.s32 s10, $0x1;
	s10 =	sld [smem:$0x3FB4]  }
0x3d: {  	_ =	shalt  }
0x3e: {  	_ =	shalt  }
0x3f: {  	_ =	shalt  }
0x40: {  	_ =	shalt  }
0x41: {  	_ =	shalt  }
0x42: {  	_ =	shalt  }
0x43: {  	_ =	shalt  }
0x44: {  	_ =	shalt  }
0x45: {  	_ =	shalt  }
0x46: {  	_ =	shalt  }
0x47: {  	_ =	shalt  }
0x48: {  	_ =	shalt  }
0x49: {  	_ =	shalt  }
0x4a: {  	_ =	shalt  }
0x4b: {  	_ =	shalt  }
0x4c: {  	_ =	shalt  }
0x4d: {  	_ =	shalt  }
0x4e: {  	_ =	shalt  }
0x4f: {  	_ =	shalt  }
0x50: {  	_ =	shalt  }
0x51: {  	_ =	shalt  }
0x52: {  	_ =	shalt  }
0x53: {  	_ =	shalt  }
0x54: {  	_ =	shalt  }
0x55: {  	_ =	shalt  }
0x56: {  	_ =	shalt  }
0x57: {  	_ =	shalt  }
0x58: {  	_ =	shalt  }
0x59: {  	_ =	shalt  }
0x5a: {  	_ =	shalt  }
0x5b: {  	_ =	shalt  }
0x5c: {  	_ =	shalt  }
0x5d: {  	_ =	shalt  }
0x5e: {  	_ =	shalt  }
0x5f: {  	_ =	shalt  }
0x60: {  	_ =	shalt  }
0x61: {  	_ =	shalt  }
0x62: {  	_ =	shalt  }
0x63: {  	_ =	shalt  }
0x64: {  	_ =	shalt  }
0x65: {  	_ =	shalt  }
0x66: {  	_ =	shalt  }
0x67: {  	_ =	shalt  }
0x68: {  	_ =	shalt  }
0x69: {  	_ =	shalt  }
0x6a: {  	_ =	shalt  }
0x6b: {  	_ =	shalt  }
0x6c: {  	_ =	shalt  }
0x6d: {  	_ =	shalt  }
0x6e: {  	_ =	shalt  }
0x6f: {  	_ =	shalt  }
0x70: {  	_ =	shalt  }
0x71: {  	_ =	shalt  }
0x72: {  	_ =	shalt  }
0x73: {  	_ =	shalt  }
0x74: {  	_ =	shalt  }
0x75: {  	_ =	shalt  }
0x76: {  	_ =	shalt  }
0x77: {  	_ =	shalt  }
0x78: {  	_ =	shalt  }
0x79: {  	_ =	shalt  }
0x7a: {  	_ =	shalt  }
0x7b: {  	_ =	shalt  }
0x7c: {  	_ =	shalt  }
0x7d: {  	_ =	shalt  }
0x7e: {  	_ =	shalt  }
0x7f: {  	_ =	shalt  }
0x80: {  	_ =	shalt  }
0x81: {  	_ =	shalt  }
0x82: {  	_ =	shalt  }
0x83: {  	_ =	shalt  }
0x84: {  	_ =	shalt  }
0x85: {  	_ =	shalt  }
0x86: {  	_ =	shalt  }
0x87: {  	_ =	shalt  }
.Lfunc_end0:
.L_simem_size_0:
called_computation.2_lowered:
.L_overlay_start_0:
0x88: {  	s2 =	sld [smem:$0x3FD9]  }
0x89: {  	s3 =	sld [smem:$0x3FFE];
	_ =	sdelay $0x1  }
0x8a: {  	s1 =	srdreg.scid  }
0x8b: {  	s0 =	sand.u32 $0x1, s1  }
0x8c: {  	s16 =	sshll.u32 s0, $0xA;
	s2 =	sadd.s32 s3, s2  }
0x8d: {  	s2 =	sadd.s32 s2, s16  }
0x8e: {  	[smem:$0x3FC0] =	sst s2  }
0x8f: {  	_ = 	snop  }
0x90: {  	(tm) =	ssettm $0x1  }
0x91: {  	s17 =	sld [smem:$0x3FFB];
	_ =	sdelay $0x3  }
0x92: {  	_ =	strace s17  }
0x93: {  	s2 =	sld [smem:$0x3FFC];
	_ =	sdelay $0x3  }
0x94: {  	_ =	strace s2  }
0x95: {  	s2 =	sld [smem:$0x3FFD];
	_ =	sdelay $0x3  }
0x96: {  	_ =	strace s2  }
0x97: {  	_ =	strace $0x8FFFFFFF  }
0x98: {  	s18 =	sld [smem:$0x3FDB];
	_ =	sdelay $0x1  }
0x99: {  	s19 =	simm.s32 $_scs_section_size  }
0x9a: {  	s4 =	simm.s32 $_size__tile_overlayer_lowered;
	s5 =	simm.s32 $_tile_overlayer_lowered  }
0x9b: {  	s22 =	simm.s32 $0x1BFF;
	s21 =	sshll.u32 s5, $0x1;
	s2 =	sadd.s32 s19, s18  }
0x9c: {  	s6 =	simm.s32 $0x0;
	s20 =	sshll.u32 s4, $0x1;
	s4 =	sadd.s32 s21, s2  }
0x9d: {  	[timem:s6], [sflag:s22] =	dma.local [hbm:s4], s20  }
0x9e: {  	_ =	swait.ge [sflag:s22], s20  }
0x9f: {  	s3 =	ssub.s32 $0x0, s20;
	[sflag:s22] =	ssyncset.done $0x0  }
0xa0: {  	[sflag:s22] =	ssyncadd.s32 s3;
	_ =	sdelay $0x1  }
0xa1: {  	s23 =	simm.s32 $0x1B8B  }
0xa2: {  	_ =	swait.ge [sflag:s23], $0x1  }
0xa3: {  	[sflag:s23] =	ssyncset.done $0x0  }
0xa4: {  	s25 =	simm.s32 $0x1B8E;
	s24 =	sld [smem:$0x3FFE];
	[sflag:s23] =	ssyncadd.s32 $0xFFFFFFFF  }
0xa5: {  	s26 =	simm.s32 $execute0_lowered;
	[smem:$0x3FD2] =	sst s25  }
0xa6: {  	s4 =	sshll.u32 s26, $0x1;
	_ =	strace $0x8000004C;
	[dreg:$0x1] =	wrdreg $0xFFFFFFFF  }
0xa7: {  	s28 =	simm.s32 $_size_execute0_lowered;
	s2 =	sadd.s32 s2, s4;
	[dreg:$0x0] =	wrdreg $0x0  }
0xa8: {  	s4 =	sshll.u32 s28, $0x1;
	[dreg:$0x2] =	wrdreg s2  }
0xa9: {  	[dreg:$0x3] =	wrdreg s4  }
0xaa: {  	[dreg:$0x4] =	wrdreg $0xC0  }
0xab: {  	_ =	task [dreg:s6], $0x5FFFF  }
0xac: {  	[dreg:$0x1] =	wrdreg $0xFFFFFFFF  }
0xad: {  	[dreg:$0x0] =	wrdreg $0x60  }
0xae: {  	[dreg:$0x2] =	wrdreg s24  }
0xaf: {  	[dreg:$0x3] =	wrdreg $0x88000  }
0xb0: {  	[dreg:$0x4] =	wrdreg $0x9  }
0xb1: {  	_ =	task.clear_ibuf [dreg:s6], $0x5FFFF;
	_ =	strace $0x9000004C  }
0xb2: {  	s29 =	simm.s32 $0x9;
	_ =	strace $0x8000004E  }
0xb3: {  	_ =	swait.ge [sflag:s29], $0x1  }
0xb4: {  	[sflag:s29] =	ssyncadd.s32 $0xFFFFFFFF  }
0xb5: {  	_ =	strace $0x9000004E  }
0xb6: {  	_ =	sfence  }
0xb7: {  	s30 =	sld [smem:$0x0];
	_ =	sdelay $0x2  }
0xb8: {  	s31 =	sshll.u32 s1, $0xD;
	s1 =	sshrl.u32 s1, $0x2  }
0xb9: {  	s3 =	sand.u32 $0x4000, s31;
	s1 =	sadd.s32 s1, s30  }
0xba: {  	s0 =	sor.u32 s3, s0;
	s1 =	sshll.u32 s1, $0x11  }
0xbb: {  	s0 =	sor.u32 s1, s0  }
0xbc: {  	s0 =	sadd.s32 $0x8F2B, s0  }
0xbd: {  	[sflag:s0] =	ssyncadd.remote.s32 $0x1  }
0xbe: {  	_ =	sfence.sel $0xFFFF  }
0xbf: {  	[dreg:$0x0] =	wrdreg $0xFFFFFFFF;
	(pc) =	sbr.abs _section_cstart, $3  }
0xc0: {  	[dreg:$0x1] =	wrdreg $0xFFFFFFFF  }
0xc1: {  	_ =	task.clear_ibuf [dreg:s6], $0x2FFFF;
	_ =	strace $0x9FFFFFFF  }
0xc2: {  	(tm) =	ssettm $0x7FFFFFFF  }
0xc3: {  	_ =	shalt  }
tec
execute0_lowered:
.L_overlay_start_1:
0x0: {  	(tag) =	ssettag $0x1  }
0x1: {  	s0 =	rddreg [dreg:$0x0]  }
0x2: {  	s1 =	rddreg [dreg:$0x1];
	s3 =	simm.s32 $0x0;
	s2 =	srdreg.scid  }
0x3: {  	s10 =	stileid.u32;
	s11 =	simm.s32 $0x4800;
	s28 =	simm.s32 $0x7  }
0x4: {  	s30 =	simm.s32 $0x8;
	s31 =	simm.s32 $0x100;
	s6 =	smul.u32 $0x14000, s10  }
0x5: {  	[smem:$0x7FF] =	sst s3;
	s2 =	sand.u32 $0x1, s2;
	s12 =	smul.u32 $0x50000, s10  }
0x6: {  	s4 =	sadd.s32 $0x2C00, s0;
	s5 =	smul.u32 $0x140000, s2;
	s8 =	sshll.u32 s2, $0x4  }
0x7: {  	s7 =	sadd.s32 $0x52C00, s0;
	s18 =	smul.u32 $0x50, s10;
	s8 =	sor.u32 s10, s8  }
0x8: {  	s5 =	sadd.s32 s6, s5;
	s8 =	smul.u32 $0xA00, s8;
	s6 =	sshrl.u32 s12, $0x2  }
0x9: {  	_ =	strace $0x8000004D;
	s9 =	ssub.s32 $0x2, s2;
	s19 =	sadd.s32 s6, s1  }
0xa: {  	s2 =	smul.u32 $0x500, s2;
	s8 =	sadd.s32 s7, s8;
	[dreg:$0x3] =	wrdreg s19  }
0xb: {  	s13 =	sshrl.u32 s9, $0x1;
	s24 =	sadd.s32 $0x4000, s19;
	[dreg:$0x4] =	wrdreg s8  }
0xc: {  	s10 =	simm.s32 $0x2;
	s25 =	sadd.s32 $0x8000, s19;
	[dreg:$0xe] =	wrdreg s24  }
0xd: {  	s23 =	sadd.s32 s18, s2;
	s26 =	sadd.s32 $0xC000, s19;
	[dreg:$0xf] =	wrdreg s25  }
0xe: {  	s2 =	simm.s32 $0x600;
	s29 =	sadd.s32 $0x10000, s19;
	[dreg:$0x10] =	wrdreg s26  }
0xf: {  	s12 =	simm.s32 $0x9;
	s14 =	sadd.s32 $0x20, s8;
	[dreg:$0x11] =	wrdreg s29  }
0x10: {  	s18 =	simm.s32 $0x5;
	s15 =	sadd.s32 $0x40, s8;
	[dreg:$0x5] =	wrdreg s14  }
0x11: {  	s5 =	sshrl.u32 s5, $0x3;
	s16 =	sadd.s32 $0x60, s8;
	[dreg:$0x6] =	wrdreg s15  }
0x12: {  	s6 =	simm.s32 $0x6;
	s17 =	sadd.s32 $0x80, s8;
	[dreg:$0x7] =	wrdreg s16  }
0x13: {  	s0 =	sadd.s32 s5, s0;
	s20 =	sadd.s32 $0xA0, s8;
	[dreg:$0x8] =	wrdreg s17  }
0x14: {  	s5 =	ssub.s32 s9, s13;
	s21 =	sadd.s32 $0xC0, s8;
	[dreg:$0x9] =	wrdreg s20  }
0x15: {  	s9 =	simm.s32 $0x80;
	s8 =	sadd.s32 $0xE0, s8;
	[dreg:$0xa] =	wrdreg s21  }
0x16: {  	s13 =	simm.s32 $0x3;
	s0 =	sadd.s32 $0x66C00, s0;
	[dreg:$0xb] =	wrdreg s8  }
0x17: {  	s22 =	smax.u32 s5, $0x1;
	s25 =	simm.s32 $0x800;
	[dreg:$0xc] =	wrdreg s0  }
.Ltmp0:
0x18: {  	s26 =	simm.s32 $0xB;
	[dreg:$0xd] =	wrdreg s22;
	(pc) =	sbr.rel .LBB2_1-.Ltmp0, $4  }
0x19: {  	s0 =	sshll.u32 s23, $0x5;
	s8 =	simm.s32 $0x1;
	s14 =	simm.s32 $0xA  }
0x1a: {  	s16 =	simm.s32 $0x4;
	s15 =	simm.s32 $0x0;
	s20 =	sadd.s32 s0, s7  }
0x1b: {  	s7 =	simm.s32 $0x700;
	s0 =	simm.s32 $0x780;
	s21 =	sadd.s32 $0x1C0, s20  }
0x1c: {  	v0 =	vimm.f32 $0.0e+00;
	s22 =	sadd.s32 $0x180, s20;
	s23 =	sadd.s32 $0x140, s20;
	s24 =	sadd.s32 $0x100, s20  }
.LBB2_6:
0x1d: {  	_ =	swait.ge [sflag:s14], $0x4000  }
0x1e: {  	[sflag:s14] =	ssyncset.done $0x0  }
0x1f: {  	[sflag:s14] =	ssyncadd.s32 $0xFFFFC000  }
0x20: {  	[spmem:s1] =	stream.indirect.scatter.add.f32 [tilespmem:s11], [sflag:$0xB], $0x80, s0, s9, $0xb8;
	[tilespmem:$0x1C800] =	vst v63  }
0x21: {  	_ =	swait.ge [sflag:s26], $0x4000  }
0x22: {  	[sflag:s26] =	ssyncset.done $0x0  }
0x23: {  	[sflag:s26] =	ssyncadd.s32 $0xFFFFC000  }
0x24: {  	s5 =	stileid.u32;
	[bflag:$0x0] =	sbarrier.arrive $0xFFFF  }
0x25: {  	s5 =	sshll.u32 s5, $0x6;
	s19 =	rddreg [dreg:$0x3]  }
0x26: {  	s5 =	sor.u32 $0x1C0B, s5;
	s17 =	rddreg [dreg:$0xc];
	s15 =	sshrl.u32 s19, $0x3  }
0x27: {  	[hbm:s17], [sflag:s5] =	dma.local [spmem:s15], $0x2800  }
0x28: {  	_ =	swait.ge [sflag:s26], $0x2800  }
0x29: {  	s17 =	rddreg [dreg:$0x12]  }
0x2a: {  	s29 =	rddreg [dreg:$0xd];
	s15 =	sadd.s32 $0x1, s17  }
0x2b: {  	p0 =	sne.s32 s15, s29  }
.Ltmp1:
0x2c: {  	_ = 	snop;
	(pc) =	sbr.rel @!p0 .LBB2_7-.Ltmp1, $3  }
0x2d: {  	_ =	sdelay $0x1  }
0x2e: {  	[sflag:s26] =	ssyncset.done $0x0  }
0x2f: {  	[sflag:s26] =	ssyncadd.s32 $0xFFFFD800  }
.LBB2_1:
0x30: {  	[dreg:$0x12] =	wrdreg s15;
	s15 =	simm.s32 $0x0;
	s17 =	simm.s32 $0x200  }
.LBB2_2:
0x31: {  	p0 =	sne.s32 s17, $0xFE00;
	[tilespmem:s15+$0x870] =	vst v0  }
0x32: {  	[tilespmem:s15+$0x800] =	vst v0  }
0x33: {  	[tilespmem:s15+$0x810] =	vst v0  }
.Ltmp2:
0x34: {  	[tilespmem:s15+$0x820] =	vst v0;
	(pc) =	sbr.rel @p0 .LBB2_2-.Ltmp2, $4  }
0x35: {  	[tilespmem:s15+$0x830] =	vst v0  }
0x36: {  	[tilespmem:s15+$0x840] =	vst v0  }
0x37: {  	[tilespmem:s15+$0x850] =	vst v0  }
0x38: {  	[tilespmem:s15+$0x860] =	vst v0;
	s15 =	sshra.s32 s17, $0x2;
	s17 =	sadd.s32 $0x200, s17  }
0x39: {  	[tilespmem:s15+$0x870] =	vst v0  }
0x3a: {  	[tilespmem:s15+$0x800] =	vst v0  }
0x3b: {  	[tilespmem:s15+$0x810] =	vst v0  }
0x3c: {  	[tilespmem:s15+$0x820] =	vst v0  }
0x3d: {  	[tilespmem:s15+$0x830] =	vst v0  }
0x3e: {  	[tilespmem:s15+$0x840] =	vst v0  }
0x3f: {  	[tilespmem:s15+$0x850] =	vst v0  }
0x40: {  	[tilespmem:s15+$0x860] =	vst v0  }
0x41: {  	[spmem:s19] =	stream.linear.scatter [tilespmem:s25], [sflag:$0xB], $0x4000, $0x38;
	[tilespmem:$0x1C800] =	vst v63  }
0x42: {  	_ =	swait.ge [sflag:s26], $0x4000  }
0x43: {  	[sflag:s26] =	ssyncset.done $0x0  }
0x44: {  	s5 =	rddreg [dreg:$0xe];
	[sflag:s26] =	ssyncadd.s32 $0xFFFFC000  }
0x45: {  	[spmem:s5] =	stream.linear.scatter [tilespmem:s25], [sflag:$0xB], $0x4000, $0x38;
	[tilespmem:$0x1C800] =	vst v63  }
0x46: {  	_ =	swait.ge [sflag:s26], $0x4000  }
0x47: {  	[sflag:s26] =	ssyncset.done $0x0  }
0x48: {  	s29 =	rddreg [dreg:$0xf];
	[sflag:s26] =	ssyncadd.s32 $0xFFFFC000  }
0x49: {  	[spmem:s29] =	stream.linear.scatter [tilespmem:s25], [sflag:$0xB], $0x4000, $0x38;
	[tilespmem:$0x1C800] =	vst v63  }
0x4a: {  	_ =	swait.ge [sflag:s26], $0x4000  }
0x4b: {  	[sflag:s26] =	ssyncset.done $0x0  }
0x4c: {  	s15 =	rddreg [dreg:$0x10];
	[sflag:s26] =	ssyncadd.s32 $0xFFFFC000  }
0x4d: {  	[spmem:s15] =	stream.linear.scatter [tilespmem:s25], [sflag:$0xB], $0x4000, $0x38;
	[tilespmem:$0x1C800] =	vst v63  }
0x4e: {  	_ =	swait.ge [sflag:s26], $0x4000  }
0x4f: {  	[sflag:s26] =	ssyncset.done $0x0  }
0x50: {  	s17 =	rddreg [dreg:$0x11];
	[sflag:s26] =	ssyncadd.s32 $0xFFFFC000  }
0x51: {  	[spmem:s17] =	stream.linear.scatter [tilespmem:s25], [sflag:$0xB], $0x4000, $0x38;
	[tilespmem:$0x1C800] =	vst v63  }
0x52: {  	_ =	swait.ge [sflag:s26], $0x4000  }
0x53: {  	[sflag:s26] =	ssyncset.done $0x0  }
0x54: {  	[sflag:s26] =	ssyncadd.s32 $0xFFFFC000  }
0x55: {  	[bflag:$0x0] =	sbarrier.arrive $0xFFFF  }
0x56: {  	s15 =	simm.s32 $0x0;
	s19 =	rddreg [dreg:$0x4]  }
0x57: {  	[tilespmem:s15], [sflag:$0x1] =	stream.linear.gather [hbm4b:s19+s15], $0x100, $0x38;
	[tilespmem:$0x1C800] =	vst v63  }
0x58: {  	s17 =	simm.s32 $0x100;
	s29 =	rddreg [dreg:$0x5]  }
0x59: {  	[tilespmem:s17], [sflag:$0x2] =	stream.linear.gather [hbm4b:s29+s15], $0x100, $0x38;
	[tilespmem:$0x1C800] =	vst v63  }
0x5a: {  	s19 =	rddreg [dreg:$0x6];
	s29 =	simm.s32 $0x200  }
0x5b: {  	[tilespmem:s29], [sflag:$0x3] =	stream.linear.gather [hbm4b:s19+s15], $0x100, $0x38;
	[tilespmem:$0x1C800] =	vst v63  }
0x5c: {  	s19 =	rddreg [dreg:$0x7];
	s29 =	simm.s32 $0x300  }
0x5d: {  	[tilespmem:s29], [sflag:$0x4] =	stream.linear.gather [hbm4b:s19+s15], $0x100, $0x38;
	[tilespmem:$0x1C800] =	vst v63  }
0x5e: {  	s19 =	rddreg [dreg:$0x8];
	s29 =	simm.s32 $0x400  }
0x5f: {  	[tilespmem:s29], [sflag:$0x5] =	stream.linear.gather [hbm4b:s19+s15], $0x100, $0x38;
	[tilespmem:$0x1C800] =	vst v63  }
0x60: {  	s19 =	rddreg [dreg:$0x9];
	s29 =	simm.s32 $0x500  }
0x61: {  	[tilespmem:s29], [sflag:$0x6] =	stream.linear.gather [hbm4b:s19+s15], $0x100, $0x38;
	[tilespmem:$0x1C800] =	vst v63  }
0x62: {  	s19 =	rddreg [dreg:$0xa]  }
0x63: {  	[tilespmem:s2], [sflag:$0x7] =	stream.linear.gather [hbm4b:s19+s15], $0x100, $0x38;
	[tilespmem:$0x1C800] =	vst v63  }
0x64: {  	s29 =	rddreg [dreg:$0xb]  }
0x65: {  	[tilespmem:s7], [sflag:$0x8] =	stream.linear.gather [hbm4b:s29+s15], $0x100, $0x38;
	[tilespmem:$0x1C800] =	vst v63  }
0x66: {  	_ =	swait.ge [sflag:s8], $0x100  }
0x67: {  	[sflag:s8] =	ssyncset.done $0x0  }
0x68: {  	[sflag:s8] =	ssyncadd.s32 $0xFFFFFF00  }
0x69: {  	[tilespmem:s25], [sflag:$0x9] =	stream.indirect.gather [hbm4b:s4+s9], $0x80, s15, s9, $0xb8;
	[tilespmem:$0x1C800] =	vst v63  }
0x6a: {  	_ =	swait.ge [sflag:s10], $0x100  }
0x6b: {  	[sflag:s10] =	ssyncset.done $0x0  }
0x6c: {  	[sflag:s10] =	ssyncadd.s32 $0xFFFFFF00  }
0x6d: {  	[tilespmem:s11], [sflag:$0xA] =	stream.indirect.gather [hbm4b:s4+s9], $0x80, s17, s9, $0xb8;
	[tilespmem:$0x1C800] =	vst v63  }
.LBB2_4:
0x6e: {  	_ =	swait.ge [sflag:s12], $0x4000  }
0x6f: {  	[sflag:s12] =	ssyncset.done $0x0  }
0x70: {  	[sflag:s12] =	ssyncadd.s32 $0xFFFFC000  }
0x71: {  	[spmem:s1] =	stream.indirect.scatter.add.f32 [tilespmem:s25], [sflag:$0xB], $0x80, s9, s9, $0xb8;
	[tilespmem:$0x1C800] =	vst v63  }
0x72: {  	_ =	swait.ge [sflag:s26], $0x4000  }
0x73: {  	p0 =	seq.s32 s15, $0x900;
	[sflag:s26] =	ssyncset.done $0x0  }
0x74: {  	s19 =	sadd.s32 @!p0 s15, s24;
	s17 =	simm.s32 @!p0 $0x0;
	[sflag:s26] =	ssyncadd.s32 $0xFFFFC000  }
0x75: {  	[tilespmem:s17], [sflag:$0x1] =	stream.linear.gather @!p0 [hbm4b:s19+s17], $0x100, $0x38;
	[tilespmem:$0x1C800] =	vst v63  }
0x76: {  	_ =	swait.ge [sflag:s13], $0x100  }
0x77: {  	[sflag:s13] =	ssyncset.done $0x0  }
0x78: {  	s5 =	simm.s32 $0x200;
	[sflag:s13] =	ssyncadd.s32 $0xFFFFFF00  }
0x79: {  	[tilespmem:s25], [sflag:$0x9] =	stream.indirect.gather [hbm4b:s4+s9], $0x80, s5, s9, $0xb8;
	[tilespmem:$0x1C800] =	vst v63  }
0x7a: {  	_ =	swait.ge [sflag:s14], $0x4000  }
0x7b: {  	[sflag:s14] =	ssyncset.done $0x0  }
0x7c: {  	s19 =	simm.s32 $0x180;
	[sflag:s14] =	ssyncadd.s32 $0xFFFFC000  }
0x7d: {  	[spmem:s1] =	stream.indirect.scatter.add.f32 [tilespmem:s11], [sflag:$0xB], $0x80, s19, s9, $0xb8;
	[tilespmem:$0x1C800] =	vst v63  }
0x7e: {  	_ =	swait.ge [sflag:s26], $0x4000  }
0x7f: {  	s19 =	sadd.s32 @!p0 s15, s20;
	[sflag:s26] =	ssyncset.done $0x0  }
0x80: {  	s29 =	simm.s32 @!p0 $0x100;
	s5 =	sadd.s32 @!p0 $0x120, s19;
	[sflag:s26] =	ssyncadd.s32 $0xFFFFC000  }
0x81: {  	[tilespmem:s29], [sflag:$0x2] =	stream.linear.gather @!p0 [hbm4b:s5+s17], $0x100, $0x38;
	[tilespmem:$0x1C800] =	vst v63  }
0x82: {  	_ =	swait.ge [sflag:s16], $0x100  }
0x83: {  	[sflag:s16] =	ssyncset.done $0x0  }
0x84: {  	s29 =	simm.s32 $0x300;
	[sflag:s16] =	ssyncadd.s32 $0xFFFFFF00  }
0x85: {  	[tilespmem:s11], [sflag:$0xA] =	stream.indirect.gather [hbm4b:s4+s9], $0x80, s29, s9, $0xb8;
	[tilespmem:$0x1C800] =	vst v63  }
0x86: {  	_ =	swait.ge [sflag:s12], $0x4000  }
0x87: {  	[sflag:s12] =	ssyncset.done $0x0  }
0x88: {  	s29 =	simm.s32 $0x280;
	[sflag:s12] =	ssyncadd.s32 $0xFFFFC000  }
0x89: {  	[spmem:s1] =	stream.indirect.scatter.add.f32 [tilespmem:s25], [sflag:$0xB], $0x80, s29, s9, $0xb8;
	[tilespmem:$0x1C800] =	vst v63  }
0x8a: {  	_ =	swait.ge [sflag:s26], $0x4000  }
0x8b: {  	[sflag:s26] =	ssyncset.done $0x0  }
0x8c: {  	s5 =	sadd.s32 @!p0 s15, s23;
	s29 =	simm.s32 @!p0 $0x200;
	[sflag:s26] =	ssyncadd.s32 $0xFFFFC000  }
0x8d: {  	[tilespmem:s29], [sflag:$0x3] =	stream.linear.gather @!p0 [hbm4b:s5+s17], $0x100, $0x38;
	[tilespmem:$0x1C800] =	vst v63  }
0x8e: {  	_ =	swait.ge [sflag:s18], $0x100  }
0x8f: {  	[sflag:s18] =	ssyncset.done $0x0  }
0x90: {  	s29 =	simm.s32 $0x400;
	[sflag:s18] =	ssyncadd.s32 $0xFFFFFF00  }
0x91: {  	[tilespmem:s25], [sflag:$0x9] =	stream.indirect.gather [hbm4b:s4+s9], $0x80, s29, s9, $0xb8;
	[tilespmem:$0x1C800] =	vst v63  }
0x92: {  	_ =	swait.ge [sflag:s14], $0x4000  }
0x93: {  	[sflag:s14] =	ssyncset.done $0x0  }
0x94: {  	s29 =	simm.s32 $0x380;
	[sflag:s14] =	ssyncadd.s32 $0xFFFFC000  }
0x95: {  	[spmem:s1] =	stream.indirect.scatter.add.f32 [tilespmem:s11], [sflag:$0xB], $0x80, s29, s9, $0xb8;
	[tilespmem:$0x1C800] =	vst v63  }
0x96: {  	_ =	swait.ge [sflag:s26], $0x4000  }
0x97: {  	[sflag:s26] =	ssyncset.done $0x0  }
0x98: {  	s5 =	sadd.s32 @!p0 $0x160, s19;
	s29 =	simm.s32 @!p0 $0x300;
	[sflag:s26] =	ssyncadd.s32 $0xFFFFC000  }
0x99: {  	[tilespmem:s29], [sflag:$0x4] =	stream.linear.gather @!p0 [hbm4b:s5+s17], $0x100, $0x38;
	[tilespmem:$0x1C800] =	vst v63  }
0x9a: {  	_ =	swait.ge [sflag:s6], $0x100  }
0x9b: {  	[sflag:s6] =	ssyncset.done $0x0  }
0x9c: {  	s29 =	simm.s32 $0x500;
	[sflag:s6] =	ssyncadd.s32 $0xFFFFFF00  }
0x9d: {  	[tilespmem:s11], [sflag:$0xA] =	stream.indirect.gather [hbm4b:s4+s9], $0x80, s29, s9, $0xb8;
	[tilespmem:$0x1C800] =	vst v63  }
0x9e: {  	_ =	swait.ge [sflag:s12], $0x4000  }
0x9f: {  	[sflag:s12] =	ssyncset.done $0x0  }
0xa0: {  	s29 =	simm.s32 $0x480;
	[sflag:s12] =	ssyncadd.s32 $0xFFFFC000  }
0xa1: {  	[spmem:s1] =	stream.indirect.scatter.add.f32 [tilespmem:s25], [sflag:$0xB], $0x80, s29, s9, $0xb8;
	[tilespmem:$0x1C800] =	vst v63  }
0xa2: {  	_ =	swait.ge [sflag:s26], $0x4000  }
0xa3: {  	[sflag:s26] =	ssyncset.done $0x0  }
0xa4: {  	s5 =	sadd.s32 @!p0 s15, s22;
	s29 =	simm.s32 @!p0 $0x400;
	[sflag:s26] =	ssyncadd.s32 $0xFFFFC000  }
0xa5: {  	[tilespmem:s29], [sflag:$0x5] =	stream.linear.gather @!p0 [hbm4b:s5+s17], $0x100, $0x38;
	[tilespmem:$0x1C800] =	vst v63  }
0xa6: {  	_ =	swait.ge [sflag:s28], $0x100  }
0xa7: {  	[sflag:s28] =	ssyncset.done $0x0  }
0xa8: {  	[sflag:s28] =	ssyncadd.s32 $0xFFFFFF00  }
0xa9: {  	[tilespmem:s25], [sflag:$0x9] =	stream.indirect.gather [hbm4b:s4+s9], $0x80, s2, s9, $0xb8;
	[tilespmem:$0x1C800] =	vst v63  }
0xaa: {  	_ =	swait.ge [sflag:s14], $0x4000  }
0xab: {  	[sflag:s14] =	ssyncset.done $0x0  }
0xac: {  	s29 =	simm.s32 $0x580;
	[sflag:s14] =	ssyncadd.s32 $0xFFFFC000  }
0xad: {  	[spmem:s1] =	stream.indirect.scatter.add.f32 [tilespmem:s11], [sflag:$0xB], $0x80, s29, s9, $0xb8;
	[tilespmem:$0x1C800] =	vst v63  }
0xae: {  	_ =	swait.ge [sflag:s26], $0x4000  }
0xaf: {  	[sflag:s26] =	ssyncset.done $0x0  }
0xb0: {  	s5 =	sadd.s32 @!p0 $0x1A0, s19;
	s19 =	simm.s32 @!p0 $0x500;
	[sflag:s26] =	ssyncadd.s32 $0xFFFFC000  }
0xb1: {  	[tilespmem:s19], [sflag:$0x6] =	stream.linear.gather @!p0 [hbm4b:s5+s17], $0x100, $0x38;
	[tilespmem:$0x1C800] =	vst v63  }
0xb2: {  	_ =	swait.ge [sflag:s30], $0x100  }
0xb3: {  	[sflag:s30] =	ssyncset.done $0x0  }
0xb4: {  	[sflag:s30] =	ssyncadd.s32 $0xFFFFFF00  }
0xb5: {  	[tilespmem:s11], [sflag:$0xA] =	stream.indirect.gather [hbm4b:s4+s9], $0x80, s7, s9, $0xb8;
	[tilespmem:$0x1C800] =	vst v63  }
0xb6: {  	_ =	swait.ge [sflag:s12], $0x4000  }
0xb7: {  	[sflag:s12] =	ssyncset.done $0x0  }
.Ltmp3:
0xb8: {  	s29 =	simm.s32 $0x680;
	[sflag:s12] =	ssyncadd.s32 $0xFFFFC000;
	(pc) =	sbr.rel @p0 .LBB2_6-.Ltmp3, $4  }
0xb9: {  	[spmem:s1] =	stream.indirect.scatter.add.f32 [tilespmem:s25], [sflag:$0xB], $0x80, s29, s9, $0xb8;
	[tilespmem:$0x1C800] =	vst v63  }
0xba: {  	_ =	swait.ge [sflag:s26], $0x4000  }
0xbb: {  	[sflag:s26] =	ssyncset.done $0x0  }
0xbc: {  	[sflag:s26] =	ssyncadd.s32 $0xFFFFC000  }
0xbd: {  	s5 =	sadd.s32 s15, s21  }
0xbe: {  	[tilespmem:s2], [sflag:$0x7] =	stream.linear.gather [hbm4b:s5+s3], $0x100, $0x38;
	[tilespmem:$0x1C800] =	vst v63  }
0xbf: {  	_ =	swait.ge [sflag:s8], $0x100  }
0xc0: {  	[sflag:s8] =	ssyncset.done $0x0  }
0xc1: {  	[sflag:s8] =	ssyncadd.s32 $0xFFFFFF00  }
0xc2: {  	[tilespmem:s25], [sflag:$0x9] =	stream.indirect.gather [hbm4b:s4+s9], $0x80, s3, s9, $0xb8;
	[tilespmem:$0x1C800] =	vst v63  }
0xc3: {  	_ =	swait.ge [sflag:s14], $0x4000  }
0xc4: {  	[sflag:s14] =	ssyncset.done $0x0  }
0xc5: {  	[sflag:s14] =	ssyncadd.s32 $0xFFFFC000  }
0xc6: {  	[spmem:s1] =	stream.indirect.scatter.add.f32 [tilespmem:s11], [sflag:$0xB], $0x80, s0, s9, $0xb8;
	[tilespmem:$0x1C800] =	vst v63  }
0xc7: {  	_ =	swait.ge [sflag:s26], $0x4000  }
0xc8: {  	s29 =	sadd.s32 s15, s20;
	[sflag:s26] =	ssyncset.done $0x0  }
0xc9: {  	s5 =	sadd.s32 $0x1E0, s29;
	[sflag:s26] =	ssyncadd.s32 $0xFFFFC000  }
0xca: {  	[tilespmem:s7], [sflag:$0x8] =	stream.linear.gather [hbm4b:s5+s3], $0x100, $0x38;
	[tilespmem:$0x1C800] =	vst v63  }
.Ltmp4:
0xcb: {  	_ = 	snop;
	(pc) =	sbr.rel .LBB2_4-.Ltmp4, $4  }
0xcc: {  	_ =	swait.ge [sflag:s10], $0x100  }
0xcd: {  	[sflag:s10] =	ssyncset.done $0x0  }
0xce: {  	s15 =	sadd.s32 $0x100, s15;
	[sflag:s10] =	ssyncadd.s32 $0xFFFFFF00  }
0xcf: {  	[tilespmem:s11], [sflag:$0xA] =	stream.indirect.gather [hbm4b:s4+s9], $0x80, s31, s9, $0xb8;
	[tilespmem:$0x1C800] =	vst v63  }
.LBB2_7:
0xd0: {  	_ =	sfence.sel $0x180000  }
0xd1: {  	[bflag:$0x0] =	sbarrier.arrive $0xFFFF  }
0xd2: {  	_ =	strace $0x9000004D  }
0xd3: {  	s0 =	stileid.u32;
	[bflag:$0x2] =	sbarrier.arrive $0xFFFF  }
0xd4: {  	p0 =	sne.s32 s0, $0x0;
	s0 =	rddreg [dreg:$0x2]  }
0xd5: {  	s0 =	sadd.s32 @!p0 $0x100000, s0  }
0xd6: {  	[sflag:s0] =	ssyncadd.tile.s32 @!p0 $0x1;
	_ =	shalt  }
.Lfunc_end2:
_tile_overlayer_lowered:
.L_overlay_start_2:
0xd7: {  	(tag) =	ssettag $0x2  }
0xd8: {  	s0 =	rddreg [dreg:$0x0];
	s2 =	stileid.u32  }
0xd9: {  	s1 =	rddreg [dreg:$0x1];
	p0 =	sne.s32 s2, $0x0  }
0xda: {  	s3 =	rddreg [dreg:$0x2];
	[bflag:$0x3] =	sbarrier.arrive $0xFFFF;
	s2 =	simm.s32 @!p0 $0x1C0B  }
0xdb: {  	[timem:s3], [sflag:s2] =	dma.local @!p0 [hbm:s0], s1  }
0xdc: {  	s0 =	simm.s32 @!p0 $0xB  }
0xdd: {  	_ =	swait.ge @!p0 [sflag:s0], s1  }
0xde: {  	s1 =	ssub.s32 @!p0 $0x0, s1;
	[sflag:s0] =	ssyncset.done @!p0 $0x0  }
0xdf: {  	[sflag:s0] =	ssyncadd.s32 @!p0 s1  }
0xe0: {  	[bflag:$0x3] =	sbarrier.arrive $0xFFFF  }
0xe1: {  	_ =	shalt  }

// kernel: kernel.9.cloned.1.call-start
scs
__scs_entry_jumppad:
0x0: {  	(pc) =	sbr.rel $0x88, $3  }
0x1: {  	(tag) =	ssettag $0x0;
	lr =	simm.s32 $0x1  }
0x2: {  	[smem:$0x3F99] =	sst lr;
	_ =	strace $0xD0000000  }
0x3: {  	_ = 	snop  }
0x4: {  	_ = 	snop  }
0x5: {  	_ = 	snop  }
0x6: {  	_ = 	snop  }
0x7: {  	_ = 	snop  }
__scs_overlays_trampoline_lowered:
0x8: {  	[smem:$0x3FA8] =	sst s0  }
0x9: {  	[smem:$0x3FA9] =	sst s1  }
0xa: {  	[smem:$0x3FAA] =	sst s2  }
0xb: {  	[smem:$0x3FAB] =	sst s3  }
0xc: {  	[smem:$0x3FAC] =	sst s4  }
0xd: {  	[smem:$0x3FAD] =	sst s5  }
0xe: {  	[smem:$0x3FAE] =	sst s6  }
0xf: {  	[smem:$0x3FAF] =	sst s7  }
0x10: {  	[smem:$0x3FB0] =	sst s8  }
0x11: {  	[smem:$0x3FB1] =	sst s9;
	s0 =	simm.s32 @!p0 $0x0  }
0x12: {  	s1 =	sld [smem:$0x3F97];
	s0 =	simm.s32 @p0 $0x1  }
0x13: {  	[smem:$0x3FB2] =	sst s0;
	s0 =	simm.s32 @!p1 $0x0  }
0x14: {  	s2 =	sld [smem:$0x3F96];
	s0 =	simm.s32 @p1 $0x1  }
0x15: {  	[smem:$0x3FB3] =	sst s0;
	s0 =	simm.s32 @!p2 $0x0  }
0x16: {  	s3 =	sld [smem:$0x3FDB];
	s0 =	simm.s32 @p2 $0x1  }
0x17: {  	s4 =	simm.s32 $0x1BF5;
	[smem:$0x3FB5] =	sst s0  }
0x18: {  	s0 =	sld [smem:$0x3F98];
	_ =	swait.ge [sflag:s4], $0x0  }
0x19: {  	s7 =	sld [smem:$0x3F99]  }
0x1a: {  	s8 =	sadd.s32 $0xFFFFE003, lr  }
0x1b: {  	s9 =	sadd.s32 $0xFFFFFEF7, lr;
	s5 =	simm.s32 $0xFFFFFFFF;
	p2 =	slt.u32 s8, $0xFFFFF086  }
0x1c: {  	p1 =	slt.u32 s9, $0xF7A;
	s5 =	simm.s32 @!p2 $0x0  }
0x1d: {  	s5 =	simm.s32 @p1 $0x1;
	p0 =	seq.s32 s7, s2  }
0x1e: {  	s7 =	smul.u32 @!p0 $0xF7A, s2;
	p2 =	seq.s32 @!p0 s5, $0x0  }
0x1f: {  	s9 =	smul.u32 $0xF7A, s1;
	s8 =	simm.s32 @!p0 $0x1BF5;
	p2 =	por !p2, p0  }
0x20: {  	[sflag:s8] =	ssyncset.s32 @!p0 $0xFFFFF086;
	s6 =	sadd.s32 @!p0 s3, s7;
	s7 =	simm.s32 @!p0 $0x108  }
0x21: {  	s3 =	sadd.s32 s3, s9;
	s6 =	sadd.s32 @!p0 $0x88, s6;
	s7 =	simm.s32 @p2 $0x1082  }
0x22: {  	[simem:s7], [sflag:s8] =	dma.local @!p0 [hbm:s6], $0xF7A  }
0x23: {  	s9 =	sor.u32 $0xD0000000, s2;
	s6 =	simm.s32 $0x108;
	_ =	swait.ge @!p0 [sflag:s8], $0x0  }
0x24: {  	s3 =	sadd.s32 $0x88, s3;
	s6 =	simm.s32 @!p1 $0x1082;
	[sflag:s4] =	ssyncset.s32 $0xFFFFF086  }
0x25: {  	[simem:s6], [sflag:s4] =	dma.local [hbm:s3], $0xF7A  }
0x26: {  	[smem:$0x3F99] =	sst s1;
	(tag) =	ssettag s2;
	_ =	strace s9  }
0x27: {  	s1 =	sld [smem:$0x3FA9]  }
0x28: {  	s2 =	sld [smem:$0x3FAA]  }
0x29: {  	s4 =	sld [smem:$0x3FAC]  }
0x2a: {  	p0 =	seq.s32 s5, $0x0;
	s5 =	sld [smem:$0x3FAD]  }
0x2b: {  	s6 =	sld [smem:$0x3FAE]  }
0x2c: {  	s7 =	sld [smem:$0x3FAF]  }
0x2d: {  	s3 =	simm.s32 $0x108;
	s8 =	sld [smem:$0x3FB0]  }
0x2e: {  	s3 =	simm.s32 @!p0 $0x1082;
	s9 =	sld [smem:$0x3FB1]  }
0x2f: {  	lr =	sadd.s32 s0, s3;
	s0 =	sld [smem:$0x3FA8]  }
0x30: {  	s3 =	sld [smem:$0x3FAB]  }
0x31: {  	[smem:$0x3FB4] =	sst s10  }
0x32: {  	s10 =	sld [smem:$0x3FB2];
	_ =	sdelay $0x3  }
0x33: {  	p0 =	seq.s32 s10, $0x1;
	s10 =	sld [smem:$0x3FB4];
	_ =	sdelay $0x3  }
0x34: {  	[smem:$0x3FB4] =	sst s10  }
0x35: {  	s10 =	sld [smem:$0x3FB3];
	_ =	sdelay $0x3  }
0x36: {  	p1 =	seq.s32 s10, $0x1;
	s10 =	sld [smem:$0x3FB4];
	_ =	sdelay $0x3  }
0x37: {  	[smem:$0x3FB4] =	sst s10  }
0x38: {  	s10 =	sld [smem:$0x3FB5]  }
0x39: {  	_ = 	snop;
	(pc) =	sbr.ind lr, $3  }
0x3a: {  	_ = 	snop  }
0x3b: {  	_ = 	snop  }
0x3c: {  	p2 =	seq.s32 s10, $0x1;
	s10 =	sld [smem:$0x3FB4]  }
0x3d: {  	_ =	shalt  }
0x3e: {  	_ =	shalt  }
0x3f: {  	_ =	shalt  }
0x40: {  	_ =	shalt  }
0x41: {  	_ =	shalt  }
0x42: {  	_ =	shalt  }
0x43: {  	_ =	shalt  }
0x44: {  	_ =	shalt  }
0x45: {  	_ =	shalt  }
0x46: {  	_ =	shalt  }
0x47: {  	_ =	shalt  }
0x48: {  	_ =	shalt  }
0x49: {  	_ =	shalt  }
0x4a: {  	_ =	shalt  }
0x4b: {  	_ =	shalt  }
0x4c: {  	_ =	shalt  }
0x4d: {  	_ =	shalt  }
0x4e: {  	_ =	shalt  }
0x4f: {  	_ =	shalt  }
0x50: {  	_ =	shalt  }
0x51: {  	_ =	shalt  }
0x52: {  	_ =	shalt  }
0x53: {  	_ =	shalt  }
0x54: {  	_ =	shalt  }
0x55: {  	_ =	shalt  }
0x56: {  	_ =	shalt  }
0x57: {  	_ =	shalt  }
0x58: {  	_ =	shalt  }
0x59: {  	_ =	shalt  }
0x5a: {  	_ =	shalt  }
0x5b: {  	_ =	shalt  }
0x5c: {  	_ =	shalt  }
0x5d: {  	_ =	shalt  }
0x5e: {  	_ =	shalt  }
0x5f: {  	_ =	shalt  }
0x60: {  	_ =	shalt  }
0x61: {  	_ =	shalt  }
0x62: {  	_ =	shalt  }
0x63: {  	_ =	shalt  }
0x64: {  	_ =	shalt  }
0x65: {  	_ =	shalt  }
0x66: {  	_ =	shalt  }
0x67: {  	_ =	shalt  }
0x68: {  	_ =	shalt  }
0x69: {  	_ =	shalt  }
0x6a: {  	_ =	shalt  }
0x6b: {  	_ =	shalt  }
0x6c: {  	_ =	shalt  }
0x6d: {  	_ =	shalt  }
0x6e: {  	_ =	shalt  }
0x6f: {  	_ =	shalt  }
0x70: {  	_ =	shalt  }
0x71: {  	_ =	shalt  }
0x72: {  	_ =	shalt  }
0x73: {  	_ =	shalt  }
0x74: {  	_ =	shalt  }
0x75: {  	_ =	shalt  }
0x76: {  	_ =	shalt  }
0x77: {  	_ =	shalt  }
0x78: {  	_ =	shalt  }
0x79: {  	_ =	shalt  }
0x7a: {  	_ =	shalt  }
0x7b: {  	_ =	shalt  }
0x7c: {  	_ =	shalt  }
0x7d: {  	_ =	shalt  }
0x7e: {  	_ =	shalt  }
0x7f: {  	_ =	shalt  }
0x80: {  	_ =	shalt  }
0x81: {  	_ =	shalt  }
0x82: {  	_ =	shalt  }
0x83: {  	_ =	shalt  }
0x84: {  	_ =	shalt  }
0x85: {  	_ =	shalt  }
0x86: {  	_ =	shalt  }
0x87: {  	_ =	shalt  }
.Lfunc_end0:
.L_simem_size_0:
called_computation_lowered:
.L_overlay_start_0:
0x88: {  	s2 =	sld [smem:$0x3FD9]  }
0x89: {  	s3 =	sld [smem:$0x3FFE];
	_ =	sdelay $0x1  }
0x8a: {  	s1 =	srdreg.scid  }
0x8b: {  	s0 =	sand.u32 $0x1, s1  }
0x8c: {  	s17 =	sshll.u32 s0, $0xA;
	s2 =	sadd.s32 s3, s2  }
0x8d: {  	s2 =	sadd.s32 s2, s17  }
0x8e: {  	[smem:$0x3FC0] =	sst s2  }
0x8f: {  	_ = 	snop  }
0x90: {  	s2 =	sld [smem:$0x3FD0];
	(tm) =	ssettm $0x1  }
0x91: {  	s18 =	sld [smem:$0x3FFB];
	_ =	sdelay $0x3  }
0x92: {  	_ =	strace s18  }
0x93: {  	s3 =	sld [smem:$0x3FFC];
	_ =	sdelay $0x3  }
0x94: {  	_ =	strace s3  }
0x95: {  	s3 =	sld [smem:$0x3FFD];
	_ =	sdelay $0x3  }
0x96: {  	_ =	strace s3  }
0x97: {  	_ =	strace $0x8FFFFFFF  }
0x98: {  	s19 =	sld [smem:$0x3FDB];
	_ =	sdelay $0x1  }
0x99: {  	s4 =	simm.s32 $_scs_section_size  }
0x9a: {  	s5 =	simm.s32 $_size__tile_overlayer_lowered;
	s6 =	simm.s32 $_tile_overlayer_lowered  }
0x9b: {  	s22 =	simm.s32 $0x1BFF;
	s21 =	sshll.u32 s6, $0x1;
	s3 =	sadd.s32 s4, s19  }
0x9c: {  	s7 =	simm.s32 $0x0;
	s20 =	sshll.u32 s5, $0x1;
	s5 =	sadd.s32 s21, s3  }
0x9d: {  	[timem:s7], [sflag:s22] =	dma.local [hbm:s5], s20  }
0x9e: {  	_ =	swait.ge [sflag:s22], s20  }
0x9f: {  	s4 =	ssub.s32 $0x0, s20;
	[sflag:s22] =	ssyncset.done $0x0  }
0xa0: {  	[sflag:s22] =	ssyncadd.s32 s4;
	_ =	sdelay $0x1  }
0xa1: {  	s23 =	simm.s32 $0x1B8B  }
0xa2: {  	_ =	swait.ge [sflag:s23], $0x1  }
0xa3: {  	[sflag:s23] =	ssyncset.done $0x0  }
0xa4: {  	s25 =	simm.s32 $0x1B8E;
	s24 =	sld [smem:$0x3FFE];
	[sflag:s23] =	ssyncadd.s32 $0xFFFFFFFF  }
0xa5: {  	s26 =	simm.s32 $execute0_lowered;
	[smem:$0x3FD2] =	sst s25  }
0xa6: {  	s5 =	sshll.u32 s26, $0x1;
	_ =	strace $0x80000046;
	[dreg:$0x1] =	wrdreg $0xFFFFFFFF  }
0xa7: {  	s28 =	simm.s32 $_size_execute0_lowered;
	s3 =	sadd.s32 s3, s5;
	[dreg:$0x0] =	wrdreg $0x0  }
0xa8: {  	s5 =	sshll.u32 s28, $0x1;
	[dreg:$0x2] =	wrdreg s3  }
0xa9: {  	[dreg:$0x3] =	wrdreg s5  }
0xaa: {  	[dreg:$0x4] =	wrdreg $0xC0  }
0xab: {  	_ =	task [dreg:s7], $0x5FFFF  }
0xac: {  	[dreg:$0x1] =	wrdreg $0xFFFFFFFF  }
0xad: {  	[dreg:$0x0] =	wrdreg $0x60  }
0xae: {  	[dreg:$0x2] =	wrdreg s2  }
0xaf: {  	[dreg:$0x3] =	wrdreg s24  }
0xb0: {  	[dreg:$0x4] =	wrdreg $0x68000  }
0xb1: {  	[dreg:$0x5] =	wrdreg $0x9  }
0xb2: {  	_ =	task.clear_ibuf [dreg:s7], $0x6FFFF;
	_ =	strace $0x90000046  }
0xb3: {  	s29 =	simm.s32 $0x9;
	_ =	strace $0x80000048  }
0xb4: {  	_ =	swait.ge [sflag:s29], $0x1  }
0xb5: {  	[sflag:s29] =	ssyncadd.s32 $0xFFFFFFFF  }
0xb6: {  	_ =	strace $0x90000048  }
0xb7: {  	_ =	sfence  }
0xb8: {  	s30 =	sld [smem:$0x0];
	_ =	sdelay $0x2  }
0xb9: {  	s31 =	sshll.u32 s1, $0xD;
	s1 =	sshrl.u32 s1, $0x2  }
0xba: {  	s3 =	sand.u32 $0x4000, s31;
	s1 =	sadd.s32 s1, s30  }
0xbb: {  	s0 =	sor.u32 s3, s0;
	s1 =	sshll.u32 s1, $0x11  }
0xbc: {  	s0 =	sor.u32 s1, s0  }
0xbd: {  	s0 =	sadd.s32 $0x8F2B, s0  }
0xbe: {  	[sflag:s0] =	ssyncadd.remote.s32 $0x1  }
0xbf: {  	_ =	sfence.sel $0xFFFF  }
0xc0: {  	[dreg:$0x0] =	wrdreg $0xFFFFFFFF;
	(pc) =	sbr.abs _section_cstart, $3  }
0xc1: {  	[dreg:$0x1] =	wrdreg $0xFFFFFFFF  }
0xc2: {  	_ =	task.clear_ibuf [dreg:s7], $0x2FFFF;
	_ =	strace $0x9FFFFFFF  }
0xc3: {  	(tm) =	ssettm $0x7FFFFFFF  }
tec
execute0_lowered:
.L_overlay_start_1:
0x0: {  	(tag) =	ssettag $0x1  }
0x1: {  	s4 =	rddreg [dreg:$0x0]  }
0x2: {  	s5 =	rddreg [dreg:$0x1];
	s0 =	srdreg.scid  }
0x3: {  	s2 =	rddreg [dreg:$0x2];
	s1 =	stileid.u32  }
0x4: {  	s3 =	simm.s32 $0x0;
	s12 =	simm.s32 $0x1;
	s13 =	simm.s32 $0x2800  }
0x5: {  	s14 =	simm.s32 $0x80;
	s17 =	simm.s32 $0x0;
	s8 =	smul.u32 $0x14000, s1  }
0x6: {  	s6 =	sand.u32 $0x1, s0;
	s0 =	rddreg [dreg:$0x3];
	s9 =	smul.u32 $0x50000, s1  }
0x7: {  	[smem:$0x7FF] =	sst s3;
	s15 =	sshll.u32 s1, $0x6;
	s7 =	smul.u32 $0x140000, s6  }
0x8: {  	_ =	strace $0x80000047;
	s30 =	sshll.u32 s6, $0x4;
	s6 =	ssub.s32 $0x2, s6  }
0x9: {  	s15 =	sor.u32 $0x1C01, s15;
	s7 =	sadd.s32 s8, s7;
	s8 =	sor.u32 s1, s30  }
0xa: {  	s10 =	sshrl.u32 s6, $0x1;
	s7 =	sshrl.u32 s7, $0x3;
	s8 =	smul.u32 $0x500, s8  }
0xb: {  	s31 =	sshrl.u32 s9, $0x2;
	s10 =	ssub.s32 s6, s10;
	s7 =	sadd.s32 s7, s5  }
0xc: {  	s5 =	sadd.s32 s31, s2;
	s4 =	sadd.s32 s4, s8;
	s6 =	sadd.s32 $0x2C00, s7  }
0xd: {  	s7 =	smax.u32 s10, $0x1;
	s8 =	sadd.s32 $0x4000, s5;
	s9 =	sadd.s32 $0x8000, s5  }
0xe: {  	v0 =	vimm.f32 $0.0e+00;
	v1 =	vimm.f32 $1.000000000e+00;
	s10 =	sadd.s32 $0xC000, s5;
	s11 =	sadd.s32 $0x10000, s5;
	s16 =	sshrl.u32 s5, $0x3  }
.LBB2_1:
0xf: {  	[tilespmem:s3], [sflag:$0x1] =	stream.linear.gather [hbm4b:s4+s3], $0x2800, $0x38;
	[tilespmem:$0x1A800] =	vst v63  }
0x10: {  	_ =	swait.ge [sflag:s12], $0x2800  }
0x11: {  	[sflag:s12] =	ssyncset.done $0x0  }
0x12: {  	s18 =	simm.s32 $0x0;
	s19 =	simm.s32 $0x200;
	[sflag:s12] =	ssyncadd.s32 $0xFFFFD800  }
.LBB2_2:
0x13: {  	p0 =	sne.s32 s19, $0xFE00;
	[tilespmem:s18+$0x2870] =	vst v0  }
0x14: {  	[tilespmem:s18+$0x2800] =	vst v0  }
0x15: {  	[tilespmem:s18+$0x2810] =	vst v0  }
.Ltmp0:
0x16: {  	[tilespmem:s18+$0x2820] =	vst v0;
	(pc) =	sbr.rel @p0 .LBB2_2-.Ltmp0, $4  }
0x17: {  	[tilespmem:s18+$0x2830] =	vst v0  }
0x18: {  	[tilespmem:s18+$0x2840] =	vst v0  }
0x19: {  	[tilespmem:s18+$0x2850] =	vst v0  }
0x1a: {  	[tilespmem:s18+$0x2860] =	vst v0;
	s18 =	sshra.s32 s19, $0x2;
	s19 =	sadd.s32 $0x200, s19  }
0x1b: {  	[tilespmem:s18+$0x2870] =	vst v0  }
0x1c: {  	[tilespmem:s18+$0x2800] =	vst v0  }
0x1d: {  	[tilespmem:s18+$0x2810] =	vst v0  }
0x1e: {  	[tilespmem:s18+$0x2820] =	vst v0  }
0x1f: {  	[tilespmem:s18+$0x2830] =	vst v0  }
0x20: {  	[tilespmem:s18+$0x2840] =	vst v0  }
0x21: {  	[tilespmem:s18+$0x2850] =	vst v0  }
0x22: {  	[tilespmem:s18+$0x2860] =	vst v0  }
0x23: {  	[spmem:s5] =	stream.linear.scatter [tilespmem:s13], [sflag:$0x1], $0x4000, $0x38;
	[tilespmem:$0x1A800] =	vst v63  }
0x24: {  	_ =	swait.ge [sflag:s12], $0x4000  }
0x25: {  	[sflag:s12] =	ssyncset.done $0x0  }
0x26: {  	[sflag:s12] =	ssyncadd.s32 $0xFFFFC000  }
0x27: {  	[spmem:s8] =	stream.linear.scatter [tilespmem:s13], [sflag:$0x1], $0x4000, $0x38;
	[tilespmem:$0x1A800] =	vst v63  }
0x28: {  	_ =	swait.ge [sflag:s12], $0x4000  }
0x29: {  	[sflag:s12] =	ssyncset.done $0x0  }
0x2a: {  	[sflag:s12] =	ssyncadd.s32 $0xFFFFC000  }
0x2b: {  	[spmem:s9] =	stream.linear.scatter [tilespmem:s13], [sflag:$0x1], $0x4000, $0x38;
	[tilespmem:$0x1A800] =	vst v63  }
0x2c: {  	_ =	swait.ge [sflag:s12], $0x4000  }
0x2d: {  	[sflag:s12] =	ssyncset.done $0x0  }
0x2e: {  	[sflag:s12] =	ssyncadd.s32 $0xFFFFC000  }
0x2f: {  	[spmem:s10] =	stream.linear.scatter [tilespmem:s13], [sflag:$0x1], $0x4000, $0x38;
	[tilespmem:$0x1A800] =	vst v63  }
0x30: {  	_ =	swait.ge [sflag:s12], $0x4000  }
0x31: {  	[sflag:s12] =	ssyncset.done $0x0  }
0x32: {  	[sflag:s12] =	ssyncadd.s32 $0xFFFFC000  }
0x33: {  	[spmem:s11] =	stream.linear.scatter [tilespmem:s13], [sflag:$0x1], $0x4000, $0x38;
	[tilespmem:$0x1A800] =	vst v63  }
0x34: {  	_ =	swait.ge [sflag:s12], $0x4000  }
0x35: {  	[sflag:s12] =	ssyncset.done $0x0  }
0x36: {  	s18 =	simm.s32 $0x0;
	s19 =	simm.s32 $0x200;
	[sflag:s12] =	ssyncadd.s32 $0xFFFFC000  }
.LBB2_4:
0x37: {  	p0 =	sne.s32 s19, $0xFE00;
	[tilespmem:s18+$0x2870] =	vst v1  }
0x38: {  	[tilespmem:s18+$0x2800] =	vst v1  }
0x39: {  	[tilespmem:s18+$0x2810] =	vst v1  }
.Ltmp1:
0x3a: {  	[tilespmem:s18+$0x2820] =	vst v1;
	(pc) =	sbr.rel @p0 .LBB2_4-.Ltmp1, $4  }
0x3b: {  	[tilespmem:s18+$0x2830] =	vst v1  }
0x3c: {  	[tilespmem:s18+$0x2840] =	vst v1  }
0x3d: {  	[tilespmem:s18+$0x2850] =	vst v1  }
0x3e: {  	[tilespmem:s18+$0x2860] =	vst v1;
	s18 =	sshra.s32 s19, $0x2;
	s19 =	sadd.s32 $0x200, s19  }
0x3f: {  	[tilespmem:s18+$0x2870] =	vst v1  }
0x40: {  	[tilespmem:s18+$0x2800] =	vst v1  }
0x41: {  	[tilespmem:s18+$0x2810] =	vst v1  }
0x42: {  	[tilespmem:s18+$0x2820] =	vst v1  }
0x43: {  	[tilespmem:s18+$0x2830] =	vst v1  }
0x44: {  	[tilespmem:s18+$0x2840] =	vst v1  }
0x45: {  	[tilespmem:s18+$0x2850] =	vst v1  }
0x46: {  	[tilespmem:s18+$0x2860] =	vst v1  }
0x47: {  	s31 =	simm.s32 $0x0;
	[bflag:$0x0] =	sbarrier.arrive $0xFFFF  }
0x48: {  	[spmem:s2] =	stream.indirect.scatter.add.f32 [tilespmem:s13], [sflag:$0x1], $0x80, s31, s14, $0xb8;
	[tilespmem:$0x1A800] =	vst v63  }
0x49: {  	_ =	swait.ge [sflag:s12], $0x4000  }
0x4a: {  	s18 =	simm.s32 $0x200;
	[sflag:s12] =	ssyncset.done $0x0  }
.LBB2_6:
0x4b: {  	s19 =	sshra.s32 s18, $0x2;
	[sflag:s12] =	ssyncadd.s32 $0xFFFFC000;
	p0 =	sne.s32 s18, $0x9E00  }
0x4c: {  	[spmem:s2] =	stream.indirect.scatter.add.f32 [tilespmem:s13], [sflag:$0x1], $0x80, s19, s14, $0xb8;
	[tilespmem:$0x1A800] =	vst v63  }
.Ltmp2:
0x4d: {  	_ = 	snop;
	(pc) =	sbr.rel @p0 .LBB2_6-.Ltmp2, $4  }
0x4e: {  	_ = 	snop  }
0x4f: {  	s18 =	sadd.s32 $0x200, s18  }
0x50: {  	_ =	swait.ge [sflag:s12], $0x4000  }
0x51: {  	[sflag:s12] =	ssyncset.done $0x0  }
0x52: {  	s17 =	sadd.s32 $0x1, s17  }
0x53: {  	[sflag:s12] =	ssyncadd.s32 $0xFFFFC000;
	p0 =	sne.s32 s17, s7  }
.Ltmp3:
0x54: {  	[bflag:$0x0] =	sbarrier.arrive $0xFFFF;
	(pc) =	sbr.rel @p0 .LBB2_1-.Ltmp3, $4  }
0x55: {  	[hbm:s6], [sflag:s15] =	dma.local [spmem:s16], $0x2800  }
0x56: {  	_ =	swait.ge [sflag:s12], $0x2800  }
0x57: {  	[sflag:s12] =	ssyncset.done $0x0  }
0x58: {  	[sflag:s12] =	ssyncadd.s32 $0xFFFFD800  }
0x59: {  	_ =	sfence.sel $0x180000  }
0x5a: {  	[bflag:$0x0] =	sbarrier.arrive $0xFFFF  }
0x5b: {  	p0 =	sne.s32 s1, $0x0;
	_ =	strace $0x90000047  }
0x5c: {  	s0 =	sadd.s32 @!p0 $0x100000, s0;
	[bflag:$0x2] =	sbarrier.arrive $0xFFFF  }
0x5d: {  	[sflag:s0] =	ssyncadd.tile.s32 @!p0 $0x1;
	_ =	shalt  }
.Lfunc_end2:
_tile_overlayer_lowered:
.L_overlay_start_2:
0x5e: {  	(tag) =	ssettag $0x2  }
0x5f: {  	s0 =	rddreg [dreg:$0x0];
	s2 =	stileid.u32  }
0x60: {  	s1 =	rddreg [dreg:$0x1];
	p0 =	sne.s32 s2, $0x0  }
0x61: {  	s3 =	rddreg [dreg:$0x2];
	[bflag:$0x3] =	sbarrier.arrive $0xFFFF;
	s2 =	simm.s32 @!p0 $0x1C01  }
0x62: {  	[timem:s3], [sflag:s2] =	dma.local @!p0 [hbm:s0], s1  }
0x63: {  	s0 =	simm.s32 @!p0 $0x1  }
0x64: {  	_ =	swait.ge @!p0 [sflag:s0], s1  }
0x65: {  	s1 =	ssub.s32 @!p0 $0x0, s1;
	[sflag:s0] =	ssyncset.done @!p0 $0x0  }
0x66: {  	[sflag:s0] =	ssyncadd.s32 @!p0 s1  }
0x67: {  	[bflag:$0x3] =	sbarrier.arrive $0xFFFF  }
0x68: {  	_ =	shalt  }

</sc_bundles>
